<compile_context>
chip_gen: v7x
topology: tpu7x:2x2x1
jax: 0.10.2.dev20260603
libtpu: 0.0.44.dev20260713+nightly
codegen_flags: <defaults>
</compile_context>

<pallas_src>
import functools

import jax
import jax.numpy as jnp
from jax import lax
from jax.experimental import pallas as pl
from jax.experimental.pallas import tpu as pltpu
from jax.experimental.pallas import tpu_sc as plsc

_NC = 2
_NS = 16
_NW = _NC * _NS
_LANES = 16

_BATCH = 4
_SEQ = 8192
_HID = 2048
_CHUNK_ROWS = 8
_ROWS_PER_W = _SEQ // _NW
_NCHUNK = _ROWS_PER_W // _CHUNK_ROWS
_UNROLL = 8


def _sc_body(x_hbm, pos_hbm, out_hbm,
             xbuf0, xbuf1, xbuf2, xbuf3, pbuf0, pbuf1,
             insem0, insem1, insem2, insem3,
             osem0, osem1, osem2, osem3, psem0, psem1):
    c_ax = lax.axis_index("c")
    s_ax = lax.axis_index("s")
    wid = s_ax * _NC + c_ax
    seq0 = wid * _ROWS_PER_W

    xbufs = (xbuf0, xbuf1, xbuf2, xbuf3)
    pbufs = (pbuf0, pbuf1)
    insems = (insem0, insem1, insem2, insem3)
    osems = (osem0, osem1, osem2, osem3)
    psems = (psem0, psem1)

    def pos_row(c):
        return seq0 + c * _CHUNK_ROWS

    def x_row(c, b):
        return b * _SEQ + seq0 + c * _CHUNK_ROWS

    def start_in(c, b, p):
        pltpu.async_copy(x_hbm.at[pl.ds(x_row(c, b), _CHUNK_ROWS)], xbufs[p],
                         insems[p])

    def start_pos(c, p):
        pltpu.async_copy(pos_hbm.at[pl.ds(pos_row(c), _CHUNK_ROWS)], pbufs[p],
                         psems[p])

    def start_out(c, b, p):
        pltpu.async_copy(xbufs[p], out_hbm.at[pl.ds(x_row(c, b), _CHUNK_ROWS)],
                         osems[p])

    def wait_in(p):
        pltpu.make_async_copy(x_hbm.at[pl.ds(0, _CHUNK_ROWS)], xbufs[p],
                              insems[p]).wait()

    def wait_pos(p):
        pltpu.make_async_copy(pos_hbm.at[pl.ds(0, _CHUNK_ROWS)], pbufs[p],
                              psems[p]).wait()

    def wait_out(p):
        pltpu.make_async_copy(xbufs[p], out_hbm.at[pl.ds(0, _CHUNK_ROWS)],
                              osems[p]).wait()

    def compute(xp, pp):
        xb = xbufs[xp]
        pb = pbufs[pp]
        for r in range(_CHUNK_ROWS):

            @plsc.parallel_loop(0, _HID, step=_LANES, unroll=_UNROLL)
            def _(i):
                sl = pl.ds(i, _LANES)
                plsc.addupdate(xb.at[r, sl], pb[r, sl])

    start_pos(0, 0)
    start_in(0, 0, 0)
    start_in(0, 1, 1)
    start_in(0, 2, 2)

    def chunk_pair(half, carry):
        cc = half * 2
        for cu in range(2):
            c = cc + cu
            for b in range(4):
                nxt = (b + 3) % 4
                if b == 0:

                    @pl.when(c > 0)
                    def _():
                        wait_out(nxt)

                    start_in(c, 3, nxt)

                    @pl.when(c + 1 < _NCHUNK)
                    def _():
                        start_pos(c + 1, 1 - cu)

                    wait_pos(cu)
                else:
                    wait_out(nxt)

                    @pl.when(c + 1 < _NCHUNK)
                    def _():
                        start_in(c + 1, b - 1, nxt)

                wait_in(b)
                compute(b, cu)
                start_out(c, b, b)
        return carry

    lax.fori_loop(0, _NCHUNK // 2, chunk_pair, 0)
    wait_out(3)


def kernel(x, pos_embedding):
    batch, seq_len, hidden = x.shape
    pos = pos_embedding[:seq_len]
    x2 = x.reshape(batch * seq_len, hidden)

    mesh = plsc.VectorSubcoreMesh(core_axis_name="c", subcore_axis_name="s")
    call = functools.partial(
        pl.kernel,
        out_type=jax.ShapeDtypeStruct((batch * seq_len, hidden), x.dtype),
        mesh=mesh,
        scratch_types=(
            [pltpu.VMEM((_CHUNK_ROWS, _HID), jnp.float32)] * 6
            + [pltpu.SemaphoreType.DMA] * 10
        ),
    )(_sc_body)
    out2 = call(x2, pos)
    return out2.reshape(x.shape)

# --- scband reference (transcript-rebuilt; emitter-appended) ---
"""Pipeline reference for scband-learned-positional-encoding-75935021794095 (READ-ONLY COPY).

The authoritative reference and input builder live on the scoring server;
editing this copy changes nothing except your own understanding.
"""

import jax, jax.numpy as jnp
import numpy as np

MAX_SEQ_LEN = 8192
HIDDEN_DIM = 2048
BATCH = 4
SEQ_LEN = 8192

def setup_inputs(seed: int = 0) -> dict:
    key = jax.random.key(seed)
    k1, k2 = jax.random.split(key)
    x = jax.random.normal(k1, (BATCH, SEQ_LEN, HIDDEN_DIM), dtype=jnp.float32)
    # learned positional embedding table, init normal(stddev=0.02)
    pos_embedding = jax.random.normal(k2, (MAX_SEQ_LEN, HIDDEN_DIM), dtype=jnp.float32) * 0.02
    return {"x": x, "pos_embedding": pos_embedding}

def reference(x, pos_embedding):
    seq_len = x.shape[1]
    assert seq_len <= pos_embedding.shape[0]
    position_ids = jnp.arange(seq_len)
    pos_emb = jnp.take(pos_embedding, position_ids, axis=0)
    return x + pos_emb[None, :, :]

if __name__ == "__main__":
    import jax
    _d = setup_inputs()
    print(jax.jit(kernel)(*tuple(_d.values())))

</pallas_src>

<mosaic_0001>
#map = affine_map<(d0, d1) -> (0, 0)>
module attributes {stable_mosaic.version = 14 : i64} {
  func.func @_sc_body(%arg0: i32, %arg1: i32, %arg2: memref<32768x2048xf32, #tpu.memory_space<hbm>>, %arg3: memref<8192x2048xf32, #tpu.memory_space<hbm>>, %arg4: memref<32768x2048xf32, #tpu.memory_space<hbm>>, %arg5: memref<8x2048xf32, #tpu.memory_space<vmem>>, %arg6: memref<8x2048xf32, #tpu.memory_space<vmem>>, %arg7: memref<8x2048xf32, #tpu.memory_space<vmem>>, %arg8: memref<8x2048xf32, #tpu.memory_space<vmem>>, %arg9: memref<8x2048xf32, #tpu.memory_space<vmem>>, %arg10: memref<8x2048xf32, #tpu.memory_space<vmem>>, %arg11: memref<!tpu.dma_semaphore, #tpu.memory_space<semaphore_mem>>, %arg12: memref<!tpu.dma_semaphore, #tpu.memory_space<semaphore_mem>>, %arg13: memref<!tpu.dma_semaphore, #tpu.memory_space<semaphore_mem>>, %arg14: memref<!tpu.dma_semaphore, #tpu.memory_space<semaphore_mem>>, %arg15: memref<!tpu.dma_semaphore, #tpu.memory_space<semaphore_mem>>, %arg16: memref<!tpu.dma_semaphore, #tpu.memory_space<semaphore_mem>>, %arg17: memref<!tpu.dma_semaphore, #tpu.memory_space<semaphore_mem>>, %arg18: memref<!tpu.dma_semaphore, #tpu.memory_space<semaphore_mem>>, %arg19: memref<!tpu.dma_semaphore, #tpu.memory_space<semaphore_mem>>, %arg20: memref<!tpu.dma_semaphore, #tpu.memory_space<semaphore_mem>>) attributes {dimension_semantics = [#tpu.dimension_semantics<core_parallel>, #tpu.dimension_semantics<subcore_parallel>], iteration_bounds = array<i64: 2, 16>, scalar_prefetch = 0 : i64, scratch_operands = 16 : i64, tpu.core_type = #tpu.core_type<sc_vector_subcore>, window_params = [{transform_indices = #map}, {transform_indices = #map}, {transform_indices = #map}]} {
    %mul3A = arith.constant 2 : i32
    %mul3A_0 = arith.muli %arg1, %mul3A : i32
    %add3A = arith.addi %mul3A_0, %arg0 : i32
    %mul3A_1 = arith.constant 256 : i32
    %mul3A_2 = arith.muli %add3A, %mul3A_1 : i32
    %add3A_3 = arith.constant 0 : i32
    %add3A_4 = arith.addi %mul3A_2, %add3A_3 : i32
    %dma_start3A = arith.constant 0 : i32
    %dma_start3A_5 = tpu.memref_slice %arg3[%add3A_4, %dma_start3A] : memref<8192x2048xf32, #tpu.memory_space<hbm>> -> memref<8x2048xf32, #tpu.memory_space<hbm>>
    %dma_start3A_6 = arith.constant 0 : i32
    %dma_start3A_7 = tpu.memref_slice %arg3[%add3A_4, %dma_start3A_6] : memref<8192x2048xf32, #tpu.memory_space<hbm>> -> memref<8x2048xf32, #tpu.memory_space<hbm>>
    tpu.enqueue_dma source(%dma_start3A_7 : memref<8x2048xf32, #tpu.memory_space<hbm>>) target(%arg9 : memref<8x2048xf32, #tpu.memory_space<vmem>>) target_semaphore(%arg19 : memref<!tpu.dma_semaphore, #tpu.memory_space<semaphore_mem>>)
    %add3A_8 = arith.constant 0 : i32
    %add3A_9 = arith.addi %add3A_8, %mul3A_2 : i32
    %add3A_10 = arith.constant 0 : i32
    %add3A_11 = arith.addi %add3A_9, %add3A_10 : i32
    %dma_start3A_12 = arith.constant 0 : i32
    %dma_start3A_13 = tpu.memref_slice %arg2[%add3A_11, %dma_start3A_12] : memref<32768x2048xf32, #tpu.memory_space<hbm>> -> memref<8x2048xf32, #tpu.memory_space<hbm>>
    %dma_start3A_14 = arith.constant 0 : i32
    %dma_start3A_15 = tpu.memref_slice %arg2[%add3A_11, %dma_start3A_14] : memref<32768x2048xf32, #tpu.memory_space<hbm>> -> memref<8x2048xf32, #tpu.memory_space<hbm>>
    tpu.enqueue_dma source(%dma_start3A_15 : memref<8x2048xf32, #tpu.memory_space<hbm>>) target(%arg5 : memref<8x2048xf32, #tpu.memory_space<vmem>>) target_semaphore(%arg11 : memref<!tpu.dma_semaphore, #tpu.memory_space<semaphore_mem>>)
    %add3A_16 = arith.constant 8192 : i32
    %add3A_17 = arith.addi %add3A_16, %mul3A_2 : i32
    %add3A_18 = arith.constant 0 : i32
    %add3A_19 = arith.addi %add3A_17, %add3A_18 : i32
    %dma_start3A_20 = arith.constant 0 : i32
    %dma_start3A_21 = tpu.memref_slice %arg2[%add3A_19, %dma_start3A_20] : memref<32768x2048xf32, #tpu.memory_space<hbm>> -> memref<8x2048xf32, #tpu.memory_space<hbm>>
    %dma_start3A_22 = arith.constant 0 : i32
    %dma_start3A_23 = tpu.memref_slice %arg2[%add3A_19, %dma_start3A_22] : memref<32768x2048xf32, #tpu.memory_space<hbm>> -> memref<8x2048xf32, #tpu.memory_space<hbm>>
    tpu.enqueue_dma source(%dma_start3A_23 : memref<8x2048xf32, #tpu.memory_space<hbm>>) target(%arg6 : memref<8x2048xf32, #tpu.memory_space<vmem>>) target_semaphore(%arg12 : memref<!tpu.dma_semaphore, #tpu.memory_space<semaphore_mem>>)
    %add3A_24 = arith.constant 16384 : i32
    %add3A_25 = arith.addi %add3A_24, %mul3A_2 : i32
    %add3A_26 = arith.constant 0 : i32
    %add3A_27 = arith.addi %add3A_25, %add3A_26 : i32
    %dma_start3A_28 = arith.constant 0 : i32
    %dma_start3A_29 = tpu.memref_slice %arg2[%add3A_27, %dma_start3A_28] : memref<32768x2048xf32, #tpu.memory_space<hbm>> -> memref<8x2048xf32, #tpu.memory_space<hbm>>
    %dma_start3A_30 = arith.constant 0 : i32
    %dma_start3A_31 = tpu.memref_slice %arg2[%add3A_27, %dma_start3A_30] : memref<32768x2048xf32, #tpu.memory_space<hbm>> -> memref<8x2048xf32, #tpu.memory_space<hbm>>
    tpu.enqueue_dma source(%dma_start3A_31 : memref<8x2048xf32, #tpu.memory_space<hbm>>) target(%arg7 : memref<8x2048xf32, #tpu.memory_space<vmem>>) target_semaphore(%arg13 : memref<!tpu.dma_semaphore, #tpu.memory_space<semaphore_mem>>)
    %scan3A = arith.constant 0 : i32
    %scan3A_32 = arith.constant 0 : i32
    %scan3A_33 = arith.constant 16 : i32
    %scan3A_34 = arith.addi %scan3A_32, %scan3A_33 : i32
    %scan3A_35 = arith.constant 1 : i32
    scf.for %scan3A_42 = %scan3A_32 to %scan3A_34 step %scan3A_35  : i32 {
      %mul3A_43 = arith.constant 2 : i32
      %mul3A_44 = arith.muli %scan3A_42, %mul3A_43 : i32
      %add3A_45 = arith.constant 0 : i32
      %add3A_46 = arith.addi %mul3A_44, %add3A_45 : i32
      %gt3A = arith.constant 0 : i32
      %gt3A_47 = arith.cmpi sgt, %add3A_46, %gt3A : i32
      %convert_element_type3A = arith.extui %gt3A_47 : i1 to i32
      %cond3A = arith.constant 0 : i32
      %cond3A_48 = arith.cmpi ne, %convert_element_type3A, %cond3A : i32
      scf.if %cond3A_48 {
        %dma_wait3A_488 = arith.constant 0 : i32
        %dma_wait3A_489 = arith.constant 0 : i32
        %dma_wait3A_490 = tpu.memref_slice %arg4[%dma_wait3A_488, %dma_wait3A_489] : memref<32768x2048xf32, #tpu.memory_space<hbm>> -> memref<8x2048xf32, #tpu.memory_space<hbm>>
        %dma_wait3A_491 = arith.constant 0 : i32
        %dma_wait3A_492 = arith.constant 0 : i32
        %dma_wait3A_493 = tpu.memref_slice %arg4[%dma_wait3A_491, %dma_wait3A_492] : memref<32768x2048xf32, #tpu.memory_space<hbm>> -> memref<8x2048xf32, #tpu.memory_space<hbm>>
        tpu.wait_dma2 semaphore(%arg18 : memref<!tpu.dma_semaphore, #tpu.memory_space<semaphore_mem>>) src(%arg8 : memref<8x2048xf32, #tpu.memory_space<vmem>>) dst(%dma_wait3A_493 : memref<8x2048xf32, #tpu.memory_space<hbm>>)
      } else {
      }
      %add3A_49 = arith.constant 24576 : i32
      %add3A_50 = arith.addi %add3A_49, %mul3A_2 : i32
      %mul3A_51 = arith.constant 8 : i32
      %mul3A_52 = arith.muli %add3A_46, %mul3A_51 : i32
      %add3A_53 = arith.addi %add3A_50, %mul3A_52 : i32
      %dma_start3A_54 = arith.constant 0 : i32
      %dma_start3A_55 = tpu.memref_slice %arg2[%add3A_53, %dma_start3A_54] : memref<32768x2048xf32, #tpu.memory_space<hbm>> -> memref<8x2048xf32, #tpu.memory_space<hbm>>
      %dma_start3A_56 = arith.constant 0 : i32
      %dma_start3A_57 = tpu.memref_slice %arg2[%add3A_53, %dma_start3A_56] : memref<32768x2048xf32, #tpu.memory_space<hbm>> -> memref<8x2048xf32, #tpu.memory_space<hbm>>
      tpu.enqueue_dma source(%dma_start3A_57 : memref<8x2048xf32, #tpu.memory_space<hbm>>) target(%arg8 : memref<8x2048xf32, #tpu.memory_space<vmem>>) target_semaphore(%arg14 : memref<!tpu.dma_semaphore, #tpu.memory_space<semaphore_mem>>)
      %add3A_58 = arith.constant 1 : i32
      %add3A_59 = arith.addi %add3A_46, %add3A_58 : i32
      %lt3A = arith.constant 32 : i32
      %lt3A_60 = arith.cmpi slt, %add3A_59, %lt3A : i32
      %convert_element_type3A_61 = arith.extui %lt3A_60 : i1 to i32
      %cond3A_62 = arith.constant 0 : i32
      %cond3A_63 = arith.cmpi ne, %convert_element_type3A_61, %cond3A_62 : i32
      scf.if %cond3A_63 {
        %add3A_488 = arith.constant 1 : i32
        %add3A_489 = arith.addi %add3A_46, %add3A_488 : i32
        %mul3A_490 = arith.constant 8 : i32
        %mul3A_491 = arith.muli %add3A_489, %mul3A_490 : i32
        %add3A_492 = arith.addi %mul3A_2, %mul3A_491 : i32
        %dma_start3A_493 = arith.constant 0 : i32
        %dma_start3A_494 = tpu.memref_slice %arg3[%add3A_492, %dma_start3A_493] : memref<8192x2048xf32, #tpu.memory_space<hbm>> -> memref<8x2048xf32, #tpu.memory_space<hbm>>
        %dma_start3A_495 = arith.constant 0 : i32
        %dma_start3A_496 = tpu.memref_slice %arg3[%add3A_492, %dma_start3A_495] : memref<8192x2048xf32, #tpu.memory_space<hbm>> -> memref<8x2048xf32, #tpu.memory_space<hbm>>
        tpu.enqueue_dma source(%dma_start3A_496 : memref<8x2048xf32, #tpu.memory_space<hbm>>) target(%arg10 : memref<8x2048xf32, #tpu.memory_space<vmem>>) target_semaphore(%arg20 : memref<!tpu.dma_semaphore, #tpu.memory_space<semaphore_mem>>)
      } else {
      }
      %dma_wait3A_64 = arith.constant 0 : i32
      %dma_wait3A_65 = arith.constant 0 : i32
      %dma_wait3A_66 = tpu.memref_slice %arg3[%dma_wait3A_64, %dma_wait3A_65] : memref<8192x2048xf32, #tpu.memory_space<hbm>> -> memref<8x2048xf32, #tpu.memory_space<hbm>>
      %dma_wait3A_67 = arith.constant 0 : i32
      %dma_wait3A_68 = arith.constant 0 : i32
      %dma_wait3A_69 = tpu.memref_slice %arg3[%dma_wait3A_67, %dma_wait3A_68] : memref<8192x2048xf32, #tpu.memory_space<hbm>> -> memref<8x2048xf32, #tpu.memory_space<hbm>>
      tpu.wait_dma2 semaphore(%arg19 : memref<!tpu.dma_semaphore, #tpu.memory_space<semaphore_mem>>) src(%dma_wait3A_69 : memref<8x2048xf32, #tpu.memory_space<hbm>>) dst(%arg9 : memref<8x2048xf32, #tpu.memory_space<vmem>>)
      %dma_wait3A_70 = arith.constant 0 : i32
      %dma_wait3A_71 = arith.constant 0 : i32
      %dma_wait3A_72 = tpu.memref_slice %arg2[%dma_wait3A_70, %dma_wait3A_71] : memref<32768x2048xf32, #tpu.memory_space<hbm>> -> memref<8x2048xf32, #tpu.memory_space<hbm>>
      %dma_wait3A_73 = arith.constant 0 : i32
      %dma_wait3A_74 = arith.constant 0 : i32
      %dma_wait3A_75 = tpu.memref_slice %arg2[%dma_wait3A_73, %dma_wait3A_74] : memref<32768x2048xf32, #tpu.memory_space<hbm>> -> memref<8x2048xf32, #tpu.memory_space<hbm>>
      tpu.wait_dma2 semaphore(%arg11 : memref<!tpu.dma_semaphore, #tpu.memory_space<semaphore_mem>>) src(%dma_wait3A_75 : memref<8x2048xf32, #tpu.memory_space<hbm>>) dst(%arg5 : memref<8x2048xf32, #tpu.memory_space<vmem>>)
      %parallel_loop3A = arith.constant 0 : i32
      %parallel_loop3A_76 = arith.constant 2048 : i32
      %parallel_loop3A_77 = arith.constant 16 : i32
      scf.for %parallel_loop3A_488 = %parallel_loop3A to %parallel_loop3A_76 step %parallel_loop3A_77  : i32 {
        %parallel_loop3A_489 = arith.constant 0 : i32
        %parallel_loop3A_490 = arith.index_cast %parallel_loop3A_489 : i32 to index
        %parallel_loop3A_491 = arith.index_cast %parallel_loop3A_488 : i32 to index
        %parallel_loop3A_492 = tpu.vector_load %arg9[%parallel_loop3A_490, %parallel_loop3A_491] {strides = array<i32>} : memref<8x2048xf32, #tpu.memory_space<vmem>>, vector<1x16xf32>,
        %parallel_loop3A_493 = vector.shape_cast %parallel_loop3A_492 : vector<1x16xf32> to vector<16xf32>
        %parallel_loop3A_494 = arith.constant 0 : i32
        %parallel_loop3A_495 = arith.index_cast %parallel_loop3A_494 : i32 to index
        %parallel_loop3A_496 = arith.index_cast %parallel_loop3A_488 : i32 to index
        %parallel_loop3A_497 = tpu.vector_load %arg5[%parallel_loop3A_495, %parallel_loop3A_496] {strides = array<i32>} : memref<8x2048xf32, #tpu.memory_space<vmem>>, vector<1x16xf32>,
        %parallel_loop3A_498 = vector.shape_cast %parallel_loop3A_497 : vector<1x16xf32> to vector<16xf32>
        %parallel_loop3A_499 = vector.shape_cast %parallel_loop3A_493 : vector<16xf32> to vector<1x16xf32>
        tpu.vector_store %arg5[%parallel_loop3A_495, %parallel_loop3A_496], %parallel_loop3A_499 {add = true, strides = array<i32>} : memref<8x2048xf32, #tpu.memory_space<vmem>>, vector<1x16xf32>,
      } {sc.loop_unroll_factor = 8 : i64, sc.parallel_access}
      %parallel_loop3A_78 = arith.constant 0 : i32
      %parallel_loop3A_79 = arith.constant 2048 : i32
      %parallel_loop3A_80 = arith.constant 16 : i32
      scf.for %parallel_loop3A_488 = %parallel_loop3A_78 to %parallel_loop3A_79 step %parallel_loop3A_80  : i32 {
        %parallel_loop3A_489 = arith.constant 1 : i32
        %parallel_loop3A_490 = arith.index_cast %parallel_loop3A_489 : i32 to index
        %parallel_loop3A_491 = arith.index_cast %parallel_loop3A_488 : i32 to index
        %parallel_loop3A_492 = tpu.vector_load %arg9[%parallel_loop3A_490, %parallel_loop3A_491] {strides = array<i32>} : memref<8x2048xf32, #tpu.memory_space<vmem>>, vector<1x16xf32>,
        %parallel_loop3A_493 = vector.shape_cast %parallel_loop3A_492 : vector<1x16xf32> to vector<16xf32>
        %parallel_loop3A_494 = arith.constant 1 : i32
        %parallel_loop3A_495 = arith.index_cast %parallel_loop3A_494 : i32 to index
        %parallel_loop3A_496 = arith.index_cast %parallel_loop3A_488 : i32 to index
        %parallel_loop3A_497 = tpu.vector_load %arg5[%parallel_loop3A_495, %parallel_loop3A_496] {strides = array<i32>} : memref<8x2048xf32, #tpu.memory_space<vmem>>, vector<1x16xf32>,
        %parallel_loop3A_498 = vector.shape_cast %parallel_loop3A_497 : vector<1x16xf32> to vector<16xf32>
        %parallel_loop3A_499 = vector.shape_cast %parallel_loop3A_493 : vector<16xf32> to vector<1x16xf32>
        tpu.vector_store %arg5[%parallel_loop3A_495, %parallel_loop3A_496], %parallel_loop3A_499 {add = true, strides = array<i32>} : memref<8x2048xf32, #tpu.memory_space<vmem>>, vector<1x16xf32>,
      } {sc.loop_unroll_factor = 8 : i64, sc.parallel_access}
      %parallel_loop3A_81 = arith.constant 0 : i32
      %parallel_loop3A_82 = arith.constant 2048 : i32
      %parallel_loop3A_83 = arith.constant 16 : i32
      scf.for %parallel_loop3A_488 = %parallel_loop3A_81 to %parallel_loop3A_82 step %parallel_loop3A_83  : i32 {
        %parallel_loop3A_489 = arith.constant 2 : i32
        %parallel_loop3A_490 = arith.index_cast %parallel_loop3A_489 : i32 to index
        %parallel_loop3A_491 = arith.index_cast %parallel_loop3A_488 : i32 to index
        %parallel_loop3A_492 = tpu.vector_load %arg9[%parallel_loop3A_490, %parallel_loop3A_491] {strides = array<i32>} : memref<8x2048xf32, #tpu.memory_space<vmem>>, vector<1x16xf32>,
        %parallel_loop3A_493 = vector.shape_cast %parallel_loop3A_492 : vector<1x16xf32> to vector<16xf32>
        %parallel_loop3A_494 = arith.constant 2 : i32
        %parallel_loop3A_495 = arith.index_cast %parallel_loop3A_494 : i32 to index
        %parallel_loop3A_496 = arith.index_cast %parallel_loop3A_488 : i32 to index
        %parallel_loop3A_497 = tpu.vector_load %arg5[%parallel_loop3A_495, %parallel_loop3A_496] {strides = array<i32>} : memref<8x2048xf32, #tpu.memory_space<vmem>>, vector<1x16xf32>,
        %parallel_loop3A_498 = vector.shape_cast %parallel_loop3A_497 : vector<1x16xf32> to vector<16xf32>
        %parallel_loop3A_499 = vector.shape_cast %parallel_loop3A_493 : vector<16xf32> to vector<1x16xf32>
        tpu.vector_store %arg5[%parallel_loop3A_495, %parallel_loop3A_496], %parallel_loop3A_499 {add = true, strides = array<i32>} : memref<8x2048xf32, #tpu.memory_space<vmem>>, vector<1x16xf32>,
      } {sc.loop_unroll_factor = 8 : i64, sc.parallel_access}
      %parallel_loop3A_84 = arith.constant 0 : i32
      %parallel_loop3A_85 = arith.constant 2048 : i32
      %parallel_loop3A_86 = arith.constant 16 : i32
      scf.for %parallel_loop3A_488 = %parallel_loop3A_84 to %parallel_loop3A_85 step %parallel_loop3A_86  : i32 {
        %parallel_loop3A_489 = arith.constant 3 : i32
        %parallel_loop3A_490 = arith.index_cast %parallel_loop3A_489 : i32 to index
        %parallel_loop3A_491 = arith.index_cast %parallel_loop3A_488 : i32 to index
        %parallel_loop3A_492 = tpu.vector_load %arg9[%parallel_loop3A_490, %parallel_loop3A_491] {strides = array<i32>} : memref<8x2048xf32, #tpu.memory_space<vmem>>, vector<1x16xf32>,
        %parallel_loop3A_493 = vector.shape_cast %parallel_loop3A_492 : vector<1x16xf32> to vector<16xf32>
        %parallel_loop3A_494 = arith.constant 3 : i32
        %parallel_loop3A_495 = arith.index_cast %parallel_loop3A_494 : i32 to index
        %parallel_loop3A_496 = arith.index_cast %parallel_loop3A_488 : i32 to index
        %parallel_loop3A_497 = tpu.vector_load %arg5[%parallel_loop3A_495, %parallel_loop3A_496] {strides = array<i32>} : memref<8x2048xf32, #tpu.memory_space<vmem>>, vector<1x16xf32>,
        %parallel_loop3A_498 = vector.shape_cast %parallel_loop3A_497 : vector<1x16xf32> to vector<16xf32>
        %parallel_loop3A_499 = vector.shape_cast %parallel_loop3A_493 : vector<16xf32> to vector<1x16xf32>
        tpu.vector_store %arg5[%parallel_loop3A_495, %parallel_loop3A_496], %parallel_loop3A_499 {add = true, strides = array<i32>} : memref<8x2048xf32, #tpu.memory_space<vmem>>, vector<1x16xf32>,
      } {sc.loop_unroll_factor = 8 : i64, sc.parallel_access}
      %parallel_loop3A_87 = arith.constant 0 : i32
      %parallel_loop3A_88 = arith.constant 2048 : i32
      %parallel_loop3A_89 = arith.constant 16 : i32
      scf.for %parallel_loop3A_488 = %parallel_loop3A_87 to %parallel_loop3A_88 step %parallel_loop3A_89  : i32 {
        %parallel_loop3A_489 = arith.constant 4 : i32
        %parallel_loop3A_490 = arith.index_cast %parallel_loop3A_489 : i32 to index
        %parallel_loop3A_491 = arith.index_cast %parallel_loop3A_488 : i32 to index
        %parallel_loop3A_492 = tpu.vector_load %arg9[%parallel_loop3A_490, %parallel_loop3A_491] {strides = array<i32>} : memref<8x2048xf32, #tpu.memory_space<vmem>>, vector<1x16xf32>,
        %parallel_loop3A_493 = vector.shape_cast %parallel_loop3A_492 : vector<1x16xf32> to vector<16xf32>
        %parallel_loop3A_494 = arith.constant 4 : i32
        %parallel_loop3A_495 = arith.index_cast %parallel_loop3A_494 : i32 to index
        %parallel_loop3A_496 = arith.index_cast %parallel_loop3A_488 : i32 to index
        %parallel_loop3A_497 = tpu.vector_load %arg5[%parallel_loop3A_495, %parallel_loop3A_496] {strides = array<i32>} : memref<8x2048xf32, #tpu.memory_space<vmem>>, vector<1x16xf32>,
        %parallel_loop3A_498 = vector.shape_cast %parallel_loop3A_497 : vector<1x16xf32> to vector<16xf32>
        %parallel_loop3A_499 = vector.shape_cast %parallel_loop3A_493 : vector<16xf32> to vector<1x16xf32>
        tpu.vector_store %arg5[%parallel_loop3A_495, %parallel_loop3A_496], %parallel_loop3A_499 {add = true, strides = array<i32>} : memref<8x2048xf32, #tpu.memory_space<vmem>>, vector<1x16xf32>,
      } {sc.loop_unroll_factor = 8 : i64, sc.parallel_access}
      %parallel_loop3A_90 = arith.constant 0 : i32
      %parallel_loop3A_91 = arith.constant 2048 : i32
      %parallel_loop3A_92 = arith.constant 16 : i32
      scf.for %parallel_loop3A_488 = %parallel_loop3A_90 to %parallel_loop3A_91 step %parallel_loop3A_92  : i32 {
        %parallel_loop3A_489 = arith.constant 5 : i32
        %parallel_loop3A_490 = arith.index_cast %parallel_loop3A_489 : i32 to index
        %parallel_loop3A_491 = arith.index_cast %parallel_loop3A_488 : i32 to index
        %parallel_loop3A_492 = tpu.vector_load %arg9[%parallel_loop3A_490, %parallel_loop3A_491] {strides = array<i32>} : memref<8x2048xf32, #tpu.memory_space<vmem>>, vector<1x16xf32>,
        %parallel_loop3A_493 = vector.shape_cast %parallel_loop3A_492 : vector<1x16xf32> to vector<16xf32>
        %parallel_loop3A_494 = arith.constant 5 : i32
        %parallel_loop3A_495 = arith.index_cast %parallel_loop3A_494 : i32 to index
        %parallel_loop3A_496 = arith.index_cast %parallel_loop3A_488 : i32 to index
        %parallel_loop3A_497 = tpu.vector_load %arg5[%parallel_loop3A_495, %parallel_loop3A_496] {strides = array<i32>} : memref<8x2048xf32, #tpu.memory_space<vmem>>, vector<1x16xf32>,
        %parallel_loop3A_498 = vector.shape_cast %parallel_loop3A_497 : vector<1x16xf32> to vector<16xf32>
        %parallel_loop3A_499 = vector.shape_cast %parallel_loop3A_493 : vector<16xf32> to vector<1x16xf32>
        tpu.vector_store %arg5[%parallel_loop3A_495, %parallel_loop3A_496], %parallel_loop3A_499 {add = true, strides = array<i32>} : memref<8x2048xf32, #tpu.memory_space<vmem>>, vector<1x16xf32>,
      } {sc.loop_unroll_factor = 8 : i64, sc.parallel_access}
      %parallel_loop3A_93 = arith.constant 0 : i32
      %parallel_loop3A_94 = arith.constant 2048 : i32
      %parallel_loop3A_95 = arith.constant 16 : i32
      scf.for %parallel_loop3A_488 = %parallel_loop3A_93 to %parallel_loop3A_94 step %parallel_loop3A_95  : i32 {
        %parallel_loop3A_489 = arith.constant 6 : i32
        %parallel_loop3A_490 = arith.index_cast %parallel_loop3A_489 : i32 to index
        %parallel_loop3A_491 = arith.index_cast %parallel_loop3A_488 : i32 to index
        %parallel_loop3A_492 = tpu.vector_load %arg9[%parallel_loop3A_490, %parallel_loop3A_491] {strides = array<i32>} : memref<8x2048xf32, #tpu.memory_space<vmem>>, vector<1x16xf32>,
        %parallel_loop3A_493 = vector.shape_cast %parallel_loop3A_492 : vector<1x16xf32> to vector<16xf32>
        %parallel_loop3A_494 = arith.constant 6 : i32
        %parallel_loop3A_495 = arith.index_cast %parallel_loop3A_494 : i32 to index
        %parallel_loop3A_496 = arith.index_cast %parallel_loop3A_488 : i32 to index
        %parallel_loop3A_497 = tpu.vector_load %arg5[%parallel_loop3A_495, %parallel_loop3A_496] {strides = array<i32>} : memref<8x2048xf32, #tpu.memory_space<vmem>>, vector<1x16xf32>,
        %parallel_loop3A_498 = vector.shape_cast %parallel_loop3A_497 : vector<1x16xf32> to vector<16xf32>
        %parallel_loop3A_499 = vector.shape_cast %parallel_loop3A_493 : vector<16xf32> to vector<1x16xf32>
        tpu.vector_store %arg5[%parallel_loop3A_495, %parallel_loop3A_496], %parallel_loop3A_499 {add = true, strides = array<i32>} : memref<8x2048xf32, #tpu.memory_space<vmem>>, vector<1x16xf32>,
      } {sc.loop_unroll_factor = 8 : i64, sc.parallel_access}
      %parallel_loop3A_96 = arith.constant 0 : i32
      %parallel_loop3A_97 = arith.constant 2048 : i32
      %parallel_loop3A_98 = arith.constant 16 : i32
      scf.for %parallel_loop3A_488 = %parallel_loop3A_96 to %parallel_loop3A_97 step %parallel_loop3A_98  : i32 {
        %parallel_loop3A_489 = arith.constant 7 : i32
        %parallel_loop3A_490 = arith.index_cast %parallel_loop3A_489 : i32 to index
        %parallel_loop3A_491 = arith.index_cast %parallel_loop3A_488 : i32 to index
        %parallel_loop3A_492 = tpu.vector_load %arg9[%parallel_loop3A_490, %parallel_loop3A_491] {strides = array<i32>} : memref<8x2048xf32, #tpu.memory_space<vmem>>, vector<1x16xf32>,
        %parallel_loop3A_493 = vector.shape_cast %parallel_loop3A_492 : vector<1x16xf32> to vector<16xf32>
        %parallel_loop3A_494 = arith.constant 7 : i32
        %parallel_loop3A_495 = arith.index_cast %parallel_loop3A_494 : i32 to index
        %parallel_loop3A_496 = arith.index_cast %parallel_loop3A_488 : i32 to index
        %parallel_loop3A_497 = tpu.vector_load %arg5[%parallel_loop3A_495, %parallel_loop3A_496] {strides = array<i32>} : memref<8x2048xf32, #tpu.memory_space<vmem>>, vector<1x16xf32>,
        %parallel_loop3A_498 = vector.shape_cast %parallel_loop3A_497 : vector<1x16xf32> to vector<16xf32>
        %parallel_loop3A_499 = vector.shape_cast %parallel_loop3A_493 : vector<16xf32> to vector<1x16xf32>
        tpu.vector_store %arg5[%parallel_loop3A_495, %parallel_loop3A_496], %parallel_loop3A_499 {add = true, strides = array<i32>} : memref<8x2048xf32, #tpu.memory_space<vmem>>, vector<1x16xf32>,
      } {sc.loop_unroll_factor = 8 : i64, sc.parallel_access}
      %add3A_99 = arith.constant 0 : i32
      %add3A_100 = arith.addi %add3A_99, %mul3A_2 : i32
      %mul3A_101 = arith.constant 8 : i32
      %mul3A_102 = arith.muli %add3A_46, %mul3A_101 : i32
      %add3A_103 = arith.addi %add3A_100, %mul3A_102 : i32
      %dma_start3A_104 = arith.constant 0 : i32
      %dma_start3A_105 = tpu.memref_slice %arg4[%add3A_103, %dma_start3A_104] : memref<32768x2048xf32, #tpu.memory_space<hbm>> -> memref<8x2048xf32, #tpu.memory_space<hbm>>
      %dma_start3A_106 = arith.constant 0 : i32
      %dma_start3A_107 = tpu.memref_slice %arg4[%add3A_103, %dma_start3A_106] : memref<32768x2048xf32, #tpu.memory_space<hbm>> -> memref<8x2048xf32, #tpu.memory_space<hbm>>
      tpu.enqueue_dma source(%arg5 : memref<8x2048xf32, #tpu.memory_space<vmem>>) target(%dma_start3A_107 : memref<8x2048xf32, #tpu.memory_space<hbm>>) target_semaphore(%arg15 : memref<!tpu.dma_semaphore, #tpu.memory_space<semaphore_mem>>)
      %dma_wait3A_108 = arith.constant 0 : i32
      %dma_wait3A_109 = arith.constant 0 : i32
      %dma_wait3A_110 = tpu.memref_slice %arg4[%dma_wait3A_108, %dma_wait3A_109] : memref<32768x2048xf32, #tpu.memory_space<hbm>> -> memref<8x2048xf32, #tpu.memory_space<hbm>>
      %dma_wait3A_111 = arith.constant 0 : i32
      %dma_wait3A_112 = arith.constant 0 : i32
      %dma_wait3A_113 = tpu.memref_slice %arg4[%dma_wait3A_111, %dma_wait3A_112] : memref<32768x2048xf32, #tpu.memory_space<hbm>> -> memref<8x2048xf32, #tpu.memory_space<hbm>>
      tpu.wait_dma2 semaphore(%arg15 : memref<!tpu.dma_semaphore, #tpu.memory_space<semaphore_mem>>) src(%arg5 : memref<8x2048xf32, #tpu.memory_space<vmem>>) dst(%dma_wait3A_113 : memref<8x2048xf32, #tpu.memory_space<hbm>>)
      %add3A_114 = arith.constant 1 : i32
      %add3A_115 = arith.addi %add3A_46, %add3A_114 : i32
      %lt3A_116 = arith.constant 32 : i32
      %lt3A_117 = arith.cmpi slt, %add3A_115, %lt3A_116 : i32
      %convert_element_type3A_118 = arith.extui %lt3A_117 : i1 to i32
      %cond3A_119 = arith.constant 0 : i32
      %cond3A_120 = arith.cmpi ne, %convert_element_type3A_118, %cond3A_119 : i32
      scf.if %cond3A_120 {
        %add3A_488 = arith.constant 1 : i32
        %add3A_489 = arith.addi %add3A_46, %add3A_488 : i32
        %add3A_490 = arith.constant 0 : i32
        %add3A_491 = arith.addi %add3A_490, %mul3A_2 : i32
        %mul3A_492 = arith.constant 8 : i32
        %mul3A_493 = arith.muli %add3A_489, %mul3A_492 : i32
        %add3A_494 = arith.addi %add3A_491, %mul3A_493 : i32
        %dma_start3A_495 = arith.constant 0 : i32
        %dma_start3A_496 = tpu.memref_slice %arg2[%add3A_494, %dma_start3A_495] : memref<32768x2048xf32, #tpu.memory_space<hbm>> -> memref<8x2048xf32, #tpu.memory_space<hbm>>
        %dma_start3A_497 = arith.constant 0 : i32
        %dma_start3A_498 = tpu.memref_slice %arg2[%add3A_494, %dma_start3A_497] : memref<32768x2048xf32, #tpu.memory_space<hbm>> -> memref<8x2048xf32, #tpu.memory_space<hbm>>
        tpu.enqueue_dma source(%dma_start3A_498 : memref<8x2048xf32, #tpu.memory_space<hbm>>) target(%arg5 : memref<8x2048xf32, #tpu.memory_space<vmem>>) target_semaphore(%arg11 : memref<!tpu.dma_semaphore, #tpu.memory_space<semaphore_mem>>)
      } else {
      }
      %dma_wait3A_121 = arith.constant 0 : i32
      %dma_wait3A_122 = arith.constant 0 : i32
      %dma_wait3A_123 = tpu.memref_slice %arg2[%dma_wait3A_121, %dma_wait3A_122] : memref<32768x2048xf32, #tpu.memory_space<hbm>> -> memref<8x2048xf32, #tpu.memory_space<hbm>>
      %dma_wait3A_124 = arith.constant 0 : i32
      %dma_wait3A_125 = arith.constant 0 : i32
      %dma_wait3A_126 = tpu.memref_slice %arg2[%dma_wait3A_124, %dma_wait3A_125] : memref<32768x2048xf32, #tpu.memory_space<hbm>> -> memref<8x2048xf32, #tpu.memory_space<hbm>>
      tpu.wait_dma2 semaphore(%arg12 : memref<!tpu.dma_semaphore, #tpu.memory_space<semaphore_mem>>) src(%dma_wait3A_126 : memref<8x2048xf32, #tpu.memory_space<hbm>>) dst(%arg6 : memref<8x2048xf32, #tpu.memory_space<vmem>>)
      %parallel_loop3A_127 = arith.constant 0 : i32
      %parallel_loop3A_128 = arith.constant 2048 : i32
      %parallel_loop3A_129 = arith.constant 16 : i32
      scf.for %parallel_loop3A_488 = %parallel_loop3A_127 to %parallel_loop3A_128 step %parallel_loop3A_129  : i32 {
        %parallel_loop3A_489 = arith.constant 0 : i32
        %parallel_loop3A_490 = arith.index_cast %parallel_loop3A_489 : i32 to index
        %parallel_loop3A_491 = arith.index_cast %parallel_loop3A_488 : i32 to index
        %parallel_loop3A_492 = tpu.vector_load %arg9[%parallel_loop3A_490, %parallel_loop3A_491] {strides = array<i32>} : memref<8x2048xf32, #tpu.memory_space<vmem>>, vector<1x16xf32>,
        %parallel_loop3A_493 = vector.shape_cast %parallel_loop3A_492 : vector<1x16xf32> to vector<16xf32>
        %parallel_loop3A_494 = arith.constant 0 : i32
        %parallel_loop3A_495 = arith.index_cast %parallel_loop3A_494 : i32 to index
        %parallel_loop3A_496 = arith.index_cast %parallel_loop3A_488 : i32 to index
        %parallel_loop3A_497 = tpu.vector_load %arg6[%parallel_loop3A_495, %parallel_loop3A_496] {strides = array<i32>} : memref<8x2048xf32, #tpu.memory_space<vmem>>, vector<1x16xf32>,
        %parallel_loop3A_498 = vector.shape_cast %parallel_loop3A_497 : vector<1x16xf32> to vector<16xf32>
        %parallel_loop3A_499 = vector.shape_cast %parallel_loop3A_493 : vector<16xf32> to vector<1x16xf32>
        tpu.vector_store %arg6[%parallel_loop3A_495, %parallel_loop3A_496], %parallel_loop3A_499 {add = true, strides = array<i32>} : memref<8x2048xf32, #tpu.memory_space<vmem>>, vector<1x16xf32>,
      } {sc.loop_unroll_factor = 8 : i64, sc.parallel_access}
      %parallel_loop3A_130 = arith.constant 0 : i32
      %parallel_loop3A_131 = arith.constant 2048 : i32
      %parallel_loop3A_132 = arith.constant 16 : i32
      scf.for %parallel_loop3A_488 = %parallel_loop3A_130 to %parallel_loop3A_131 step %parallel_loop3A_132  : i32 {
        %parallel_loop3A_489 = arith.constant 1 : i32
        %parallel_loop3A_490 = arith.index_cast %parallel_loop3A_489 : i32 to index
        %parallel_loop3A_491 = arith.index_cast %parallel_loop3A_488 : i32 to index
        %parallel_loop3A_492 = tpu.vector_load %arg9[%parallel_loop3A_490, %parallel_loop3A_491] {strides = array<i32>} : memref<8x2048xf32, #tpu.memory_space<vmem>>, vector<1x16xf32>,
        %parallel_loop3A_493 = vector.shape_cast %parallel_loop3A_492 : vector<1x16xf32> to vector<16xf32>
        %parallel_loop3A_494 = arith.constant 1 : i32
        %parallel_loop3A_495 = arith.index_cast %parallel_loop3A_494 : i32 to index
        %parallel_loop3A_496 = arith.index_cast %parallel_loop3A_488 : i32 to index
        %parallel_loop3A_497 = tpu.vector_load %arg6[%parallel_loop3A_495, %parallel_loop3A_496] {strides = array<i32>} : memref<8x2048xf32, #tpu.memory_space<vmem>>, vector<1x16xf32>,
        %parallel_loop3A_498 = vector.shape_cast %parallel_loop3A_497 : vector<1x16xf32> to vector<16xf32>
        %parallel_loop3A_499 = vector.shape_cast %parallel_loop3A_493 : vector<16xf32> to vector<1x16xf32>
        tpu.vector_store %arg6[%parallel_loop3A_495, %parallel_loop3A_496], %parallel_loop3A_499 {add = true, strides = array<i32>} : memref<8x2048xf32, #tpu.memory_space<vmem>>, vector<1x16xf32>,
      } {sc.loop_unroll_factor = 8 : i64, sc.parallel_access}
      %parallel_loop3A_133 = arith.constant 0 : i32
      %parallel_loop3A_134 = arith.constant 2048 : i32
      %parallel_loop3A_135 = arith.constant 16 : i32
      scf.for %parallel_loop3A_488 = %parallel_loop3A_133 to %parallel_loop3A_134 step %parallel_loop3A_135  : i32 {
        %parallel_loop3A_489 = arith.constant 2 : i32
        %parallel_loop3A_490 = arith.index_cast %parallel_loop3A_489 : i32 to index
        %parallel_loop3A_491 = arith.index_cast %parallel_loop3A_488 : i32 to index
        %parallel_loop3A_492 = tpu.vector_load %arg9[%parallel_loop3A_490, %parallel_loop3A_491] {strides = array<i32>} : memref<8x2048xf32, #tpu.memory_space<vmem>>, vector<1x16xf32>,
        %parallel_loop3A_493 = vector.shape_cast %parallel_loop3A_492 : vector<1x16xf32> to vector<16xf32>
        %parallel_loop3A_494 = arith.constant 2 : i32
        %parallel_loop3A_495 = arith.index_cast %parallel_loop3A_494 : i32 to index
        %parallel_loop3A_496 = arith.index_cast %parallel_loop3A_488 : i32 to index
        %parallel_loop3A_497 = tpu.vector_load %arg6[%parallel_loop3A_495, %parallel_loop3A_496] {strides = array<i32>} : memref<8x2048xf32, #tpu.memory_space<vmem>>, vector<1x16xf32>,
        %parallel_loop3A_498 = vector.shape_cast %parallel_loop3A_497 : vector<1x16xf32> to vector<16xf32>
        %parallel_loop3A_499 = vector.shape_cast %parallel_loop3A_493 : vector<16xf32> to vector<1x16xf32>
        tpu.vector_store %arg6[%parallel_loop3A_495, %parallel_loop3A_496], %parallel_loop3A_499 {add = true, strides = array<i32>} : memref<8x2048xf32, #tpu.memory_space<vmem>>, vector<1x16xf32>,
      } {sc.loop_unroll_factor = 8 : i64, sc.parallel_access}
      %parallel_loop3A_136 = arith.constant 0 : i32
      %parallel_loop3A_137 = arith.constant 2048 : i32
      %parallel_loop3A_138 = arith.constant 16 : i32
      scf.for %parallel_loop3A_488 = %parallel_loop3A_136 to %parallel_loop3A_137 step %parallel_loop3A_138  : i32 {
        %parallel_loop3A_489 = arith.constant 3 : i32
        %parallel_loop3A_490 = arith.index_cast %parallel_loop3A_489 : i32 to index
        %parallel_loop3A_491 = arith.index_cast %parallel_loop3A_488 : i32 to index
        %parallel_loop3A_492 = tpu.vector_load %arg9[%parallel_loop3A_490, %parallel_loop3A_491] {strides = array<i32>} : memref<8x2048xf32, #tpu.memory_space<vmem>>, vector<1x16xf32>,
        %parallel_loop3A_493 = vector.shape_cast %parallel_loop3A_492 : vector<1x16xf32> to vector<16xf32>
        %parallel_loop3A_494 = arith.constant 3 : i32
        %parallel_loop3A_495 = arith.index_cast %parallel_loop3A_494 : i32 to index
        %parallel_loop3A_496 = arith.index_cast %parallel_loop3A_488 : i32 to index
        %parallel_loop3A_497 = tpu.vector_load %arg6[%parallel_loop3A_495, %parallel_loop3A_496] {strides = array<i32>} : memref<8x2048xf32, #tpu.memory_space<vmem>>, vector<1x16xf32>,
        %parallel_loop3A_498 = vector.shape_cast %parallel_loop3A_497 : vector<1x16xf32> to vector<16xf32>
        %parallel_loop3A_499 = vector.shape_cast %parallel_loop3A_493 : vector<16xf32> to vector<1x16xf32>
        tpu.vector_store %arg6[%parallel_loop3A_495, %parallel_loop3A_496], %parallel_loop3A_499 {add = true, strides = array<i32>} : memref<8x2048xf32, #tpu.memory_space<vmem>>, vector<1x16xf32>,
      } {sc.loop_unroll_factor = 8 : i64, sc.parallel_access}
      %parallel_loop3A_139 = arith.constant 0 : i32
      %parallel_loop3A_140 = arith.constant 2048 : i32
      %parallel_loop3A_141 = arith.constant 16 : i32
      scf.for %parallel_loop3A_488 = %parallel_loop3A_139 to %parallel_loop3A_140 step %parallel_loop3A_141  : i32 {
        %parallel_loop3A_489 = arith.constant 4 : i32
        %parallel_loop3A_490 = arith.index_cast %parallel_loop3A_489 : i32 to index
        %parallel_loop3A_491 = arith.index_cast %parallel_loop3A_488 : i32 to index
        %parallel_loop3A_492 = tpu.vector_load %arg9[%parallel_loop3A_490, %parallel_loop3A_491] {strides = array<i32>} : memref<8x2048xf32, #tpu.memory_space<vmem>>, vector<1x16xf32>,
        %parallel_loop3A_493 = vector.shape_cast %parallel_loop3A_492 : vector<1x16xf32> to vector<16xf32>
        %parallel_loop3A_494 = arith.constant 4 : i32
        %parallel_loop3A_495 = arith.index_cast %parallel_loop3A_494 : i32 to index
        %parallel_loop3A_496 = arith.index_cast %parallel_loop3A_488 : i32 to index
        %parallel_loop3A_497 = tpu.vector_load %arg6[%parallel_loop3A_495, %parallel_loop3A_496] {strides = array<i32>} : memref<8x2048xf32, #tpu.memory_space<vmem>>, vector<1x16xf32>,
        %parallel_loop3A_498 = vector.shape_cast %parallel_loop3A_497 : vector<1x16xf32> to vector<16xf32>
        %parallel_loop3A_499 = vector.shape_cast %parallel_loop3A_493 : vector<16xf32> to vector<1x16xf32>
        tpu.vector_store %arg6[%parallel_loop3A_495, %parallel_loop3A_496], %parallel_loop3A_499 {add = true, strides = array<i32>} : memref<8x2048xf32, #tpu.memory_space<vmem>>, vector<1x16xf32>,
      } {sc.loop_unroll_factor = 8 : i64, sc.parallel_access}
      %parallel_loop3A_142 = arith.constant 0 : i32
      %parallel_loop3A_143 = arith.constant 2048 : i32
      %parallel_loop3A_144 = arith.constant 16 : i32
      scf.for %parallel_loop3A_488 = %parallel_loop3A_142 to %parallel_loop3A_143 step %parallel_loop3A_144  : i32 {
        %parallel_loop3A_489 = arith.constant 5 : i32
        %parallel_loop3A_490 = arith.index_cast %parallel_loop3A_489 : i32 to index
        %parallel_loop3A_491 = arith.index_cast %parallel_loop3A_488 : i32 to index
        %parallel_loop3A_492 = tpu.vector_load %arg9[%parallel_loop3A_490, %parallel_loop3A_491] {strides = array<i32>} : memref<8x2048xf32, #tpu.memory_space<vmem>>, vector<1x16xf32>,
        %parallel_loop3A_493 = vector.shape_cast %parallel_loop3A_492 : vector<1x16xf32> to vector<16xf32>
        %parallel_loop3A_494 = arith.constant 5 : i32
        %parallel_loop3A_495 = arith.index_cast %parallel_loop3A_494 : i32 to index
        %parallel_loop3A_496 = arith.index_cast %parallel_loop3A_488 : i32 to index
        %parallel_loop3A_497 = tpu.vector_load %arg6[%parallel_loop3A_495, %parallel_loop3A_496] {strides = array<i32>} : memref<8x2048xf32, #tpu.memory_space<vmem>>, vector<1x16xf32>,
        %parallel_loop3A_498 = vector.shape_cast %parallel_loop3A_497 : vector<1x16xf32> to vector<16xf32>
        %parallel_loop3A_499 = vector.shape_cast %parallel_loop3A_493 : vector<16xf32> to vector<1x16xf32>
        tpu.vector_store %arg6[%parallel_loop3A_495, %parallel_loop3A_496], %parallel_loop3A_499 {add = true, strides = array<i32>} : memref<8x2048xf32, #tpu.memory_space<vmem>>, vector<1x16xf32>,
      } {sc.loop_unroll_factor = 8 : i64, sc.parallel_access}
      %parallel_loop3A_145 = arith.constant 0 : i32
      %parallel_loop3A_146 = arith.constant 2048 : i32
      %parallel_loop3A_147 = arith.constant 16 : i32
      scf.for %parallel_loop3A_488 = %parallel_loop3A_145 to %parallel_loop3A_146 step %parallel_loop3A_147  : i32 {
        %parallel_loop3A_489 = arith.constant 6 : i32
        %parallel_loop3A_490 = arith.index_cast %parallel_loop3A_489 : i32 to index
        %parallel_loop3A_491 = arith.index_cast %parallel_loop3A_488 : i32 to index
        %parallel_loop3A_492 = tpu.vector_load %arg9[%parallel_loop3A_490, %parallel_loop3A_491] {strides = array<i32>} : memref<8x2048xf32, #tpu.memory_space<vmem>>, vector<1x16xf32>,
        %parallel_loop3A_493 = vector.shape_cast %parallel_loop3A_492 : vector<1x16xf32> to vector<16xf32>
        %parallel_loop3A_494 = arith.constant 6 : i32
        %parallel_loop3A_495 = arith.index_cast %parallel_loop3A_494 : i32 to index
        %parallel_loop3A_496 = arith.index_cast %parallel_loop3A_488 : i32 to index
        %parallel_loop3A_497 = tpu.vector_load %arg6[%parallel_loop3A_495, %parallel_loop3A_496] {strides = array<i32>} : memref<8x2048xf32, #tpu.memory_space<vmem>>, vector<1x16xf32>,
        %parallel_loop3A_498 = vector.shape_cast %parallel_loop3A_497 : vector<1x16xf32> to vector<16xf32>
        %parallel_loop3A_499 = vector.shape_cast %parallel_loop3A_493 : vector<16xf32> to vector<1x16xf32>
        tpu.vector_store %arg6[%parallel_loop3A_495, %parallel_loop3A_496], %parallel_loop3A_499 {add = true, strides = array<i32>} : memref<8x2048xf32, #tpu.memory_space<vmem>>, vector<1x16xf32>,
      } {sc.loop_unroll_factor = 8 : i64, sc.parallel_access}
      %parallel_loop3A_148 = arith.constant 0 : i32
      %parallel_loop3A_149 = arith.constant 2048 : i32
      %parallel_loop3A_150 = arith.constant 16 : i32
      scf.for %parallel_loop3A_488 = %parallel_loop3A_148 to %parallel_loop3A_149 step %parallel_loop3A_150  : i32 {
        %parallel_loop3A_489 = arith.constant 7 : i32
        %parallel_loop3A_490 = arith.index_cast %parallel_loop3A_489 : i32 to index
        %parallel_loop3A_491 = arith.index_cast %parallel_loop3A_488 : i32 to index
        %parallel_loop3A_492 = tpu.vector_load %arg9[%parallel_loop3A_490, %parallel_loop3A_491] {strides = array<i32>} : memref<8x2048xf32, #tpu.memory_space<vmem>>, vector<1x16xf32>,
        %parallel_loop3A_493 = vector.shape_cast %parallel_loop3A_492 : vector<1x16xf32> to vector<16xf32>
        %parallel_loop3A_494 = arith.constant 7 : i32
        %parallel_loop3A_495 = arith.index_cast %parallel_loop3A_494 : i32 to index
        %parallel_loop3A_496 = arith.index_cast %parallel_loop3A_488 : i32 to index
        %parallel_loop3A_497 = tpu.vector_load %arg6[%parallel_loop3A_495, %parallel_loop3A_496] {strides = array<i32>} : memref<8x2048xf32, #tpu.memory_space<vmem>>, vector<1x16xf32>,
        %parallel_loop3A_498 = vector.shape_cast %parallel_loop3A_497 : vector<1x16xf32> to vector<16xf32>
        %parallel_loop3A_499 = vector.shape_cast %parallel_loop3A_493 : vector<16xf32> to vector<1x16xf32>
        tpu.vector_store %arg6[%parallel_loop3A_495, %parallel_loop3A_496], %parallel_loop3A_499 {add = true, strides = array<i32>} : memref<8x2048xf32, #tpu.memory_space<vmem>>, vector<1x16xf32>,
      } {sc.loop_unroll_factor = 8 : i64, sc.parallel_access}
      %add3A_151 = arith.constant 8192 : i32
      %add3A_152 = arith.addi %add3A_151, %mul3A_2 : i32
      %mul3A_153 = arith.constant 8 : i32
      %mul3A_154 = arith.muli %add3A_46, %mul3A_153 : i32
      %add3A_155 = arith.addi %add3A_152, %mul3A_154 : i32
      %dma_start3A_156 = arith.constant 0 : i32
      %dma_start3A_157 = tpu.memref_slice %arg4[%add3A_155, %dma_start3A_156] : memref<32768x2048xf32, #tpu.memory_space<hbm>> -> memref<8x2048xf32, #tpu.memory_space<hbm>>
      %dma_start3A_158 = arith.constant 0 : i32
      %dma_start3A_159 = tpu.memref_slice %arg4[%add3A_155, %dma_start3A_158] : memref<32768x2048xf32, #tpu.memory_space<hbm>> -> memref<8x2048xf32, #tpu.memory_space<hbm>>
      tpu.enqueue_dma source(%arg6 : memref<8x2048xf32, #tpu.memory_space<vmem>>) target(%dma_start3A_159 : memref<8x2048xf32, #tpu.memory_space<hbm>>) target_semaphore(%arg16 : memref<!tpu.dma_semaphore, #tpu.memory_space<semaphore_mem>>)
      %dma_wait3A_160 = arith.constant 0 : i32
      %dma_wait3A_161 = arith.constant 0 : i32
      %dma_wait3A_162 = tpu.memref_slice %arg4[%dma_wait3A_160, %dma_wait3A_161] : memref<32768x2048xf32, #tpu.memory_space<hbm>> -> memref<8x2048xf32, #tpu.memory_space<hbm>>
      %dma_wait3A_163 = arith.constant 0 : i32
      %dma_wait3A_164 = arith.constant 0 : i32
      %dma_wait3A_165 = tpu.memref_slice %arg4[%dma_wait3A_163, %dma_wait3A_164] : memref<32768x2048xf32, #tpu.memory_space<hbm>> -> memref<8x2048xf32, #tpu.memory_space<hbm>>
      tpu.wait_dma2 semaphore(%arg16 : memref<!tpu.dma_semaphore, #tpu.memory_space<semaphore_mem>>) src(%arg6 : memref<8x2048xf32, #tpu.memory_space<vmem>>) dst(%dma_wait3A_165 : memref<8x2048xf32, #tpu.memory_space<hbm>>)
      %add3A_166 = arith.constant 1 : i32
      %add3A_167 = arith.addi %add3A_46, %add3A_166 : i32
      %lt3A_168 = arith.constant 32 : i32
      %lt3A_169 = arith.cmpi slt, %add3A_167, %lt3A_168 : i32
      %convert_element_type3A_170 = arith.extui %lt3A_169 : i1 to i32
      %cond3A_171 = arith.constant 0 : i32
      %cond3A_172 = arith.cmpi ne, %convert_element_type3A_170, %cond3A_171 : i32
      scf.if %cond3A_172 {
        %add3A_488 = arith.constant 1 : i32
        %add3A_489 = arith.addi %add3A_46, %add3A_488 : i32
        %add3A_490 = arith.constant 8192 : i32
        %add3A_491 = arith.addi %add3A_490, %mul3A_2 : i32
        %mul3A_492 = arith.constant 8 : i32
        %mul3A_493 = arith.muli %add3A_489, %mul3A_492 : i32
        %add3A_494 = arith.addi %add3A_491, %mul3A_493 : i32
        %dma_start3A_495 = arith.constant 0 : i32
        %dma_start3A_496 = tpu.memref_slice %arg2[%add3A_494, %dma_start3A_495] : memref<32768x2048xf32, #tpu.memory_space<hbm>> -> memref<8x2048xf32, #tpu.memory_space<hbm>>
        %dma_start3A_497 = arith.constant 0 : i32
        %dma_start3A_498 = tpu.memref_slice %arg2[%add3A_494, %dma_start3A_497] : memref<32768x2048xf32, #tpu.memory_space<hbm>> -> memref<8x2048xf32, #tpu.memory_space<hbm>>
        tpu.enqueue_dma source(%dma_start3A_498 : memref<8x2048xf32, #tpu.memory_space<hbm>>) target(%arg6 : memref<8x2048xf32, #tpu.memory_space<vmem>>) target_semaphore(%arg12 : memref<!tpu.dma_semaphore, #tpu.memory_space<semaphore_mem>>)
      } else {
      }
      %dma_wait3A_173 = arith.constant 0 : i32
      %dma_wait3A_174 = arith.constant 0 : i32
      %dma_wait3A_175 = tpu.memref_slice %arg2[%dma_wait3A_173, %dma_wait3A_174] : memref<32768x2048xf32, #tpu.memory_space<hbm>> -> memref<8x2048xf32, #tpu.memory_space<hbm>>
      %dma_wait3A_176 = arith.constant 0 : i32
      %dma_wait3A_177 = arith.constant 0 : i32
      %dma_wait3A_178 = tpu.memref_slice %arg2[%dma_wait3A_176, %dma_wait3A_177] : memref<32768x2048xf32, #tpu.memory_space<hbm>> -> memref<8x2048xf32, #tpu.memory_space<hbm>>
      tpu.wait_dma2 semaphore(%arg13 : memref<!tpu.dma_semaphore, #tpu.memory_space<semaphore_mem>>) src(%dma_wait3A_178 : memref<8x2048xf32, #tpu.memory_space<hbm>>) dst(%arg7 : memref<8x2048xf32, #tpu.memory_space<vmem>>)
      %parallel_loop3A_179 = arith.constant 0 : i32
      %parallel_loop3A_180 = arith.constant 2048 : i32
      %parallel_loop3A_181 = arith.constant 16 : i32
      scf.for %parallel_loop3A_488 = %parallel_loop3A_179 to %parallel_loop3A_180 step %parallel_loop3A_181  : i32 {
        %parallel_loop3A_489 = arith.constant 0 : i32
        %parallel_loop3A_490 = arith.index_cast %parallel_loop3A_489 : i32 to index
        %parallel_loop3A_491 = arith.index_cast %parallel_loop3A_488 : i32 to index
        %parallel_loop3A_492 = tpu.vector_load %arg9[%parallel_loop3A_490, %parallel_loop3A_491] {strides = array<i32>} : memref<8x2048xf32, #tpu.memory_space<vmem>>, vector<1x16xf32>,
        %parallel_loop3A_493 = vector.shape_cast %parallel_loop3A_492 : vector<1x16xf32> to vector<16xf32>
        %parallel_loop3A_494 = arith.constant 0 : i32
        %parallel_loop3A_495 = arith.index_cast %parallel_loop3A_494 : i32 to index
        %parallel_loop3A_496 = arith.index_cast %parallel_loop3A_488 : i32 to index
        %parallel_loop3A_497 = tpu.vector_load %arg7[%parallel_loop3A_495, %parallel_loop3A_496] {strides = array<i32>} : memref<8x2048xf32, #tpu.memory_space<vmem>>, vector<1x16xf32>,
        %parallel_loop3A_498 = vector.shape_cast %parallel_loop3A_497 : vector<1x16xf32> to vector<16xf32>
        %parallel_loop3A_499 = vector.shape_cast %parallel_loop3A_493 : vector<16xf32> to vector<1x16xf32>
        tpu.vector_store %arg7[%parallel_loop3A_495, %parallel_loop3A_496], %parallel_loop3A_499 {add = true, strides = array<i32>} : memref<8x2048xf32, #tpu.memory_space<vmem>>, vector<1x16xf32>,
      } {sc.loop_unroll_factor = 8 : i64, sc.parallel_access}
      %parallel_loop3A_182 = arith.constant 0 : i32
      %parallel_loop3A_183 = arith.constant 2048 : i32
      %parallel_loop3A_184 = arith.constant 16 : i32
      scf.for %parallel_loop3A_488 = %parallel_loop3A_182 to %parallel_loop3A_183 step %parallel_loop3A_184  : i32 {
        %parallel_loop3A_489 = arith.constant 1 : i32
        %parallel_loop3A_490 = arith.index_cast %parallel_loop3A_489 : i32 to index
        %parallel_loop3A_491 = arith.index_cast %parallel_loop3A_488 : i32 to index
        %parallel_loop3A_492 = tpu.vector_load %arg9[%parallel_loop3A_490, %parallel_loop3A_491] {strides = array<i32>} : memref<8x2048xf32, #tpu.memory_space<vmem>>, vector<1x16xf32>,
        %parallel_loop3A_493 = vector.shape_cast %parallel_loop3A_492 : vector<1x16xf32> to vector<16xf32>
        %parallel_loop3A_494 = arith.constant 1 : i32
        %parallel_loop3A_495 = arith.index_cast %parallel_loop3A_494 : i32 to index
        %parallel_loop3A_496 = arith.index_cast %parallel_loop3A_488 : i32 to index
        %parallel_loop3A_497 = tpu.vector_load %arg7[%parallel_loop3A_495, %parallel_loop3A_496] {strides = array<i32>} : memref<8x2048xf32, #tpu.memory_space<vmem>>, vector<1x16xf32>,
        %parallel_loop3A_498 = vector.shape_cast %parallel_loop3A_497 : vector<1x16xf32> to vector<16xf32>
        %parallel_loop3A_499 = vector.shape_cast %parallel_loop3A_493 : vector<16xf32> to vector<1x16xf32>
        tpu.vector_store %arg7[%parallel_loop3A_495, %parallel_loop3A_496], %parallel_loop3A_499 {add = true, strides = array<i32>} : memref<8x2048xf32, #tpu.memory_space<vmem>>, vector<1x16xf32>,
      } {sc.loop_unroll_factor = 8 : i64, sc.parallel_access}
      %parallel_loop3A_185 = arith.constant 0 : i32
      %parallel_loop3A_186 = arith.constant 2048 : i32
      %parallel_loop3A_187 = arith.constant 16 : i32
      scf.for %parallel_loop3A_488 = %parallel_loop3A_185 to %parallel_loop3A_186 step %parallel_loop3A_187  : i32 {
        %parallel_loop3A_489 = arith.constant 2 : i32
        %parallel_loop3A_490 = arith.index_cast %parallel_loop3A_489 : i32 to index
        %parallel_loop3A_491 = arith.index_cast %parallel_loop3A_488 : i32 to index
        %parallel_loop3A_492 = tpu.vector_load %arg9[%parallel_loop3A_490, %parallel_loop3A_491] {strides = array<i32>} : memref<8x2048xf32, #tpu.memory_space<vmem>>, vector<1x16xf32>,
        %parallel_loop3A_493 = vector.shape_cast %parallel_loop3A_492 : vector<1x16xf32> to vector<16xf32>
        %parallel_loop3A_494 = arith.constant 2 : i32
        %parallel_loop3A_495 = arith.index_cast %parallel_loop3A_494 : i32 to index
        %parallel_loop3A_496 = arith.index_cast %parallel_loop3A_488 : i32 to index
        %parallel_loop3A_497 = tpu.vector_load %arg7[%parallel_loop3A_495, %parallel_loop3A_496] {strides = array<i32>} : memref<8x2048xf32, #tpu.memory_space<vmem>>, vector<1x16xf32>,
        %parallel_loop3A_498 = vector.shape_cast %parallel_loop3A_497 : vector<1x16xf32> to vector<16xf32>
        %parallel_loop3A_499 = vector.shape_cast %parallel_loop3A_493 : vector<16xf32> to vector<1x16xf32>
        tpu.vector_store %arg7[%parallel_loop3A_495, %parallel_loop3A_496], %parallel_loop3A_499 {add = true, strides = array<i32>} : memref<8x2048xf32, #tpu.memory_space<vmem>>, vector<1x16xf32>,
      } {sc.loop_unroll_factor = 8 : i64, sc.parallel_access}
      %parallel_loop3A_188 = arith.constant 0 : i32
      %parallel_loop3A_189 = arith.constant 2048 : i32
      %parallel_loop3A_190 = arith.constant 16 : i32
      scf.for %parallel_loop3A_488 = %parallel_loop3A_188 to %parallel_loop3A_189 step %parallel_loop3A_190  : i32 {
        %parallel_loop3A_489 = arith.constant 3 : i32
        %parallel_loop3A_490 = arith.index_cast %parallel_loop3A_489 : i32 to index
        %parallel_loop3A_491 = arith.index_cast %parallel_loop3A_488 : i32 to index
        %parallel_loop3A_492 = tpu.vector_load %arg9[%parallel_loop3A_490, %parallel_loop3A_491] {strides = array<i32>} : memref<8x2048xf32, #tpu.memory_space<vmem>>, vector<1x16xf32>,
        %parallel_loop3A_493 = vector.shape_cast %parallel_loop3A_492 : vector<1x16xf32> to vector<16xf32>
        %parallel_loop3A_494 = arith.constant 3 : i32
        %parallel_loop3A_495 = arith.index_cast %parallel_loop3A_494 : i32 to index
        %parallel_loop3A_496 = arith.index_cast %parallel_loop3A_488 : i32 to index
        %parallel_loop3A_497 = tpu.vector_load %arg7[%parallel_loop3A_495, %parallel_loop3A_496] {strides = array<i32>} : memref<8x2048xf32, #tpu.memory_space<vmem>>, vector<1x16xf32>,
        %parallel_loop3A_498 = vector.shape_cast %parallel_loop3A_497 : vector<1x16xf32> to vector<16xf32>
        %parallel_loop3A_499 = vector.shape_cast %parallel_loop3A_493 : vector<16xf32> to vector<1x16xf32>
        tpu.vector_store %arg7[%parallel_loop3A_495, %parallel_loop3A_496], %parallel_loop3A_499 {add = true, strides = array<i32>} : memref<8x2048xf32, #tpu.memory_space<vmem>>, vector<1x16xf32>,
      } {sc.loop_unroll_factor = 8 : i64, sc.parallel_access}
      %parallel_loop3A_191 = arith.constant 0 : i32
      %parallel_loop3A_192 = arith.constant 2048 : i32
      %parallel_loop3A_193 = arith.constant 16 : i32
      scf.for %parallel_loop3A_488 = %parallel_loop3A_191 to %parallel_loop3A_192 step %parallel_loop3A_193  : i32 {
        %parallel_loop3A_489 = arith.constant 4 : i32
        %parallel_loop3A_490 = arith.index_cast %parallel_loop3A_489 : i32 to index
        %parallel_loop3A_491 = arith.index_cast %parallel_loop3A_488 : i32 to index
        %parallel_loop3A_492 = tpu.vector_load %arg9[%parallel_loop3A_490, %parallel_loop3A_491] {strides = array<i32>} : memref<8x2048xf32, #tpu.memory_space<vmem>>, vector<1x16xf32>,
        %parallel_loop3A_493 = vector.shape_cast %parallel_loop3A_492 : vector<1x16xf32> to vector<16xf32>
        %parallel_loop3A_494 = arith.constant 4 : i32
        %parallel_loop3A_495 = arith.index_cast %parallel_loop3A_494 : i32 to index
        %parallel_loop3A_496 = arith.index_cast %parallel_loop3A_488 : i32 to index
        %parallel_loop3A_497 = tpu.vector_load %arg7[%parallel_loop3A_495, %parallel_loop3A_496] {strides = array<i32>} : memref<8x2048xf32, #tpu.memory_space<vmem>>, vector<1x16xf32>,
        %parallel_loop3A_498 = vector.shape_cast %parallel_loop3A_497 : vector<1x16xf32> to vector<16xf32>
        %parallel_loop3A_499 = vector.shape_cast %parallel_loop3A_493 : vector<16xf32> to vector<1x16xf32>
        tpu.vector_store %arg7[%parallel_loop3A_495, %parallel_loop3A_496], %parallel_loop3A_499 {add = true, strides = array<i32>} : memref<8x2048xf32, #tpu.memory_space<vmem>>, vector<1x16xf32>,
      } {sc.loop_unroll_factor = 8 : i64, sc.parallel_access}
      %parallel_loop3A_194 = arith.constant 0 : i32
      %parallel_loop3A_195 = arith.constant 2048 : i32
      %parallel_loop3A_196 = arith.constant 16 : i32
      scf.for %parallel_loop3A_488 = %parallel_loop3A_194 to %parallel_loop3A_195 step %parallel_loop3A_196  : i32 {
        %parallel_loop3A_489 = arith.constant 5 : i32
        %parallel_loop3A_490 = arith.index_cast %parallel_loop3A_489 : i32 to index
        %parallel_loop3A_491 = arith.index_cast %parallel_loop3A_488 : i32 to index
        %parallel_loop3A_492 = tpu.vector_load %arg9[%parallel_loop3A_490, %parallel_loop3A_491] {strides = array<i32>} : memref<8x2048xf32, #tpu.memory_space<vmem>>, vector<1x16xf32>,
        %parallel_loop3A_493 = vector.shape_cast %parallel_loop3A_492 : vector<1x16xf32> to vector<16xf32>
        %parallel_loop3A_494 = arith.constant 5 : i32
        %parallel_loop3A_495 = arith.index_cast %parallel_loop3A_494 : i32 to index
        %parallel_loop3A_496 = arith.index_cast %parallel_loop3A_488 : i32 to index
        %parallel_loop3A_497 = tpu.vector_load %arg7[%parallel_loop3A_495, %parallel_loop3A_496] {strides = array<i32>} : memref<8x2048xf32, #tpu.memory_space<vmem>>, vector<1x16xf32>,
        %parallel_loop3A_498 = vector.shape_cast %parallel_loop3A_497 : vector<1x16xf32> to vector<16xf32>
        %parallel_loop3A_499 = vector.shape_cast %parallel_loop3A_493 : vector<16xf32> to vector<1x16xf32>
        tpu.vector_store %arg7[%parallel_loop3A_495, %parallel_loop3A_496], %parallel_loop3A_499 {add = true, strides = array<i32>} : memref<8x2048xf32, #tpu.memory_space<vmem>>, vector<1x16xf32>,
      } {sc.loop_unroll_factor = 8 : i64, sc.parallel_access}
      %parallel_loop3A_197 = arith.constant 0 : i32
      %parallel_loop3A_198 = arith.constant 2048 : i32
      %parallel_loop3A_199 = arith.constant 16 : i32
      scf.for %parallel_loop3A_488 = %parallel_loop3A_197 to %parallel_loop3A_198 step %parallel_loop3A_199  : i32 {
        %parallel_loop3A_489 = arith.constant 6 : i32
        %parallel_loop3A_490 = arith.index_cast %parallel_loop3A_489 : i32 to index
        %parallel_loop3A_491 = arith.index_cast %parallel_loop3A_488 : i32 to index
        %parallel_loop3A_492 = tpu.vector_load %arg9[%parallel_loop3A_490, %parallel_loop3A_491] {strides = array<i32>} : memref<8x2048xf32, #tpu.memory_space<vmem>>, vector<1x16xf32>,
        %parallel_loop3A_493 = vector.shape_cast %parallel_loop3A_492 : vector<1x16xf32> to vector<16xf32>
        %parallel_loop3A_494 = arith.constant 6 : i32
        %parallel_loop3A_495 = arith.index_cast %parallel_loop3A_494 : i32 to index
        %parallel_loop3A_496 = arith.index_cast %parallel_loop3A_488 : i32 to index
        %parallel_loop3A_497 = tpu.vector_load %arg7[%parallel_loop3A_495, %parallel_loop3A_496] {strides = array<i32>} : memref<8x2048xf32, #tpu.memory_space<vmem>>, vector<1x16xf32>,
        %parallel_loop3A_498 = vector.shape_cast %parallel_loop3A_497 : vector<1x16xf32> to vector<16xf32>
        %parallel_loop3A_499 = vector.shape_cast %parallel_loop3A_493 : vector<16xf32> to vector<1x16xf32>
        tpu.vector_store %arg7[%parallel_loop3A_495, %parallel_loop3A_496], %parallel_loop3A_499 {add = true, strides = array<i32>} : memref<8x2048xf32, #tpu.memory_space<vmem>>, vector<1x16xf32>,
      } {sc.loop_unroll_factor = 8 : i64, sc.parallel_access}
      %parallel_loop3A_200 = arith.constant 0 : i32
      %parallel_loop3A_201 = arith.constant 2048 : i32
      %parallel_loop3A_202 = arith.constant 16 : i32
      scf.for %parallel_loop3A_488 = %parallel_loop3A_200 to %parallel_loop3A_201 step %parallel_loop3A_202  : i32 {
        %parallel_loop3A_489 = arith.constant 7 : i32
        %parallel_loop3A_490 = arith.index_cast %parallel_loop3A_489 : i32 to index
        %parallel_loop3A_491 = arith.index_cast %parallel_loop3A_488 : i32 to index
        %parallel_loop3A_492 = tpu.vector_load %arg9[%parallel_loop3A_490, %parallel_loop3A_491] {strides = array<i32>} : memref<8x2048xf32, #tpu.memory_space<vmem>>, vector<1x16xf32>,
        %parallel_loop3A_493 = vector.shape_cast %parallel_loop3A_492 : vector<1x16xf32> to vector<16xf32>
        %parallel_loop3A_494 = arith.constant 7 : i32
        %parallel_loop3A_495 = arith.index_cast %parallel_loop3A_494 : i32 to index
        %parallel_loop3A_496 = arith.index_cast %parallel_loop3A_488 : i32 to index
        %parallel_loop3A_497 = tpu.vector_load %arg7[%parallel_loop3A_495, %parallel_loop3A_496] {strides = array<i32>} : memref<8x2048xf32, #tpu.memory_space<vmem>>, vector<1x16xf32>,
        %parallel_loop3A_498 = vector.shape_cast %parallel_loop3A_497 : vector<1x16xf32> to vector<16xf32>
        %parallel_loop3A_499 = vector.shape_cast %parallel_loop3A_493 : vector<16xf32> to vector<1x16xf32>
        tpu.vector_store %arg7[%parallel_loop3A_495, %parallel_loop3A_496], %parallel_loop3A_499 {add = true, strides = array<i32>} : memref<8x2048xf32, #tpu.memory_space<vmem>>, vector<1x16xf32>,
      } {sc.loop_unroll_factor = 8 : i64, sc.parallel_access}
      %add3A_203 = arith.constant 16384 : i32
      %add3A_204 = arith.addi %add3A_203, %mul3A_2 : i32
      %mul3A_205 = arith.constant 8 : i32
      %mul3A_206 = arith.muli %add3A_46, %mul3A_205 : i32
      %add3A_207 = arith.addi %add3A_204, %mul3A_206 : i32
      %dma_start3A_208 = arith.constant 0 : i32
      %dma_start3A_209 = tpu.memref_slice %arg4[%add3A_207, %dma_start3A_208] : memref<32768x2048xf32, #tpu.memory_space<hbm>> -> memref<8x2048xf32, #tpu.memory_space<hbm>>
      %dma_start3A_210 = arith.constant 0 : i32
      %dma_start3A_211 = tpu.memref_slice %arg4[%add3A_207, %dma_start3A_210] : memref<32768x2048xf32, #tpu.memory_space<hbm>> -> memref<8x2048xf32, #tpu.memory_space<hbm>>
      tpu.enqueue_dma source(%arg7 : memref<8x2048xf32, #tpu.memory_space<vmem>>) target(%dma_start3A_211 : memref<8x2048xf32, #tpu.memory_space<hbm>>) target_semaphore(%arg17 : memref<!tpu.dma_semaphore, #tpu.memory_space<semaphore_mem>>)
      %dma_wait3A_212 = arith.constant 0 : i32
      %dma_wait3A_213 = arith.constant 0 : i32
      %dma_wait3A_214 = tpu.memref_slice %arg4[%dma_wait3A_212, %dma_wait3A_213] : memref<32768x2048xf32, #tpu.memory_space<hbm>> -> memref<8x2048xf32, #tpu.memory_space<hbm>>
      %dma_wait3A_215 = arith.constant 0 : i32
      %dma_wait3A_216 = arith.constant 0 : i32
      %dma_wait3A_217 = tpu.memref_slice %arg4[%dma_wait3A_215, %dma_wait3A_216] : memref<32768x2048xf32, #tpu.memory_space<hbm>> -> memref<8x2048xf32, #tpu.memory_space<hbm>>
      tpu.wait_dma2 semaphore(%arg17 : memref<!tpu.dma_semaphore, #tpu.memory_space<semaphore_mem>>) src(%arg7 : memref<8x2048xf32, #tpu.memory_space<vmem>>) dst(%dma_wait3A_217 : memref<8x2048xf32, #tpu.memory_space<hbm>>)
      %add3A_218 = arith.constant 1 : i32
      %add3A_219 = arith.addi %add3A_46, %add3A_218 : i32
      %lt3A_220 = arith.constant 32 : i32
      %lt3A_221 = arith.cmpi slt, %add3A_219, %lt3A_220 : i32
      %convert_element_type3A_222 = arith.extui %lt3A_221 : i1 to i32
      %cond3A_223 = arith.constant 0 : i32
      %cond3A_224 = arith.cmpi ne, %convert_element_type3A_222, %cond3A_223 : i32
      scf.if %cond3A_224 {
        %add3A_488 = arith.constant 1 : i32
        %add3A_489 = arith.addi %add3A_46, %add3A_488 : i32
        %add3A_490 = arith.constant 16384 : i32
        %add3A_491 = arith.addi %add3A_490, %mul3A_2 : i32
        %mul3A_492 = arith.constant 8 : i32
        %mul3A_493 = arith.muli %add3A_489, %mul3A_492 : i32
        %add3A_494 = arith.addi %add3A_491, %mul3A_493 : i32
        %dma_start3A_495 = arith.constant 0 : i32
        %dma_start3A_496 = tpu.memref_slice %arg2[%add3A_494, %dma_start3A_495] : memref<32768x2048xf32, #tpu.memory_space<hbm>> -> memref<8x2048xf32, #tpu.memory_space<hbm>>
        %dma_start3A_497 = arith.constant 0 : i32
        %dma_start3A_498 = tpu.memref_slice %arg2[%add3A_494, %dma_start3A_497] : memref<32768x2048xf32, #tpu.memory_space<hbm>> -> memref<8x2048xf32, #tpu.memory_space<hbm>>
        tpu.enqueue_dma source(%dma_start3A_498 : memref<8x2048xf32, #tpu.memory_space<hbm>>) target(%arg7 : memref<8x2048xf32, #tpu.memory_space<vmem>>) target_semaphore(%arg13 : memref<!tpu.dma_semaphore, #tpu.memory_space<semaphore_mem>>)
      } else {
      }
      %dma_wait3A_225 = arith.constant 0 : i32
      %dma_wait3A_226 = arith.constant 0 : i32
      %dma_wait3A_227 = tpu.memref_slice %arg2[%dma_wait3A_225, %dma_wait3A_226] : memref<32768x2048xf32, #tpu.memory_space<hbm>> -> memref<8x2048xf32, #tpu.memory_space<hbm>>
      %dma_wait3A_228 = arith.constant 0 : i32
      %dma_wait3A_229 = arith.constant 0 : i32
      %dma_wait3A_230 = tpu.memref_slice %arg2[%dma_wait3A_228, %dma_wait3A_229] : memref<32768x2048xf32, #tpu.memory_space<hbm>> -> memref<8x2048xf32, #tpu.memory_space<hbm>>
      tpu.wait_dma2 semaphore(%arg14 : memref<!tpu.dma_semaphore, #tpu.memory_space<semaphore_mem>>) src(%dma_wait3A_230 : memref<8x2048xf32, #tpu.memory_space<hbm>>) dst(%arg8 : memref<8x2048xf32, #tpu.memory_space<vmem>>)
      %parallel_loop3A_231 = arith.constant 0 : i32
      %parallel_loop3A_232 = arith.constant 2048 : i32
      %parallel_loop3A_233 = arith.constant 16 : i32
      scf.for %parallel_loop3A_488 = %parallel_loop3A_231 to %parallel_loop3A_232 step %parallel_loop3A_233  : i32 {
        %parallel_loop3A_489 = arith.constant 0 : i32
        %parallel_loop3A_490 = arith.index_cast %parallel_loop3A_489 : i32 to index
        %parallel_loop3A_491 = arith.index_cast %parallel_loop3A_488 : i32 to index
        %parallel_loop3A_492 = tpu.vector_load %arg9[%parallel_loop3A_490, %parallel_loop3A_491] {strides = array<i32>} : memref<8x2048xf32, #tpu.memory_space<vmem>>, vector<1x16xf32>,
        %parallel_loop3A_493 = vector.shape_cast %parallel_loop3A_492 : vector<1x16xf32> to vector<16xf32>
        %parallel_loop3A_494 = arith.constant 0 : i32
        %parallel_loop3A_495 = arith.index_cast %parallel_loop3A_494 : i32 to index
        %parallel_loop3A_496 = arith.index_cast %parallel_loop3A_488 : i32 to index
        %parallel_loop3A_497 = tpu.vector_load %arg8[%parallel_loop3A_495, %parallel_loop3A_496] {strides = array<i32>} : memref<8x2048xf32, #tpu.memory_space<vmem>>, vector<1x16xf32>,
        %parallel_loop3A_498 = vector.shape_cast %parallel_loop3A_497 : vector<1x16xf32> to vector<16xf32>
        %parallel_loop3A_499 = vector.shape_cast %parallel_loop3A_493 : vector<16xf32> to vector<1x16xf32>
        tpu.vector_store %arg8[%parallel_loop3A_495, %parallel_loop3A_496], %parallel_loop3A_499 {add = true, strides = array<i32>} : memref<8x2048xf32, #tpu.memory_space<vmem>>, vector<1x16xf32>,
      } {sc.loop_unroll_factor = 8 : i64, sc.parallel_access}
      %parallel_loop3A_234 = arith.constant 0 : i32
      %parallel_loop3A_235 = arith.constant 2048 : i32
      %parallel_loop3A_236 = arith.constant 16 : i32
      scf.for %parallel_loop3A_488 = %parallel_loop3A_234 to %parallel_loop3A_235 step %parallel_loop3A_236  : i32 {
        %parallel_loop3A_489 = arith.constant 1 : i32
        %parallel_loop3A_490 = arith.index_cast %parallel_loop3A_489 : i32 to index
        %parallel_loop3A_491 = arith.index_cast %parallel_loop3A_488 : i32 to index
        %parallel_loop3A_492 = tpu.vector_load %arg9[%parallel_loop3A_490, %parallel_loop3A_491] {strides = array<i32>} : memref<8x2048xf32, #tpu.memory_space<vmem>>, vector<1x16xf32>,
        %parallel_loop3A_493 = vector.shape_cast %parallel_loop3A_492 : vector<1x16xf32> to vector<16xf32>
        %parallel_loop3A_494 = arith.constant 1 : i32
        %parallel_loop3A_495 = arith.index_cast %parallel_loop3A_494 : i32 to index
        %parallel_loop3A_496 = arith.index_cast %parallel_loop3A_488 : i32 to index
        %parallel_loop3A_497 = tpu.vector_load %arg8[%parallel_loop3A_495, %parallel_loop3A_496] {strides = array<i32>} : memref<8x2048xf32, #tpu.memory_space<vmem>>, vector<1x16xf32>,
        %parallel_loop3A_498 = vector.shape_cast %parallel_loop3A_497 : vector<1x16xf32> to vector<16xf32>
        %parallel_loop3A_499 = vector.shape_cast %parallel_loop3A_493 : vector<16xf32> to vector<1x16xf32>
        tpu.vector_store %arg8[%parallel_loop3A_495, %parallel_loop3A_496], %parallel_loop3A_499 {add = true, strides = array<i32>} : memref<8x2048xf32, #tpu.memory_space<vmem>>, vector<1x16xf32>,
      } {sc.loop_unroll_factor = 8 : i64, sc.parallel_access}
      %parallel_loop3A_237 = arith.constant 0 : i32
      %parallel_loop3A_238 = arith.constant 2048 : i32
      %parallel_loop3A_239 = arith.constant 16 : i32
      scf.for %parallel_loop3A_488 = %parallel_loop3A_237 to %parallel_loop3A_238 step %parallel_loop3A_239  : i32 {
        %parallel_loop3A_489 = arith.constant 2 : i32
        %parallel_loop3A_490 = arith.index_cast %parallel_loop3A_489 : i32 to index
        %parallel_loop3A_491 = arith.index_cast %parallel_loop3A_488 : i32 to index
        %parallel_loop3A_492 = tpu.vector_load %arg9[%parallel_loop3A_490, %parallel_loop3A_491] {strides = array<i32>} : memref<8x2048xf32, #tpu.memory_space<vmem>>, vector<1x16xf32>,
        %parallel_loop3A_493 = vector.shape_cast %parallel_loop3A_492 : vector<1x16xf32> to vector<16xf32>
        %parallel_loop3A_494 = arith.constant 2 : i32
        %parallel_loop3A_495 = arith.index_cast %parallel_loop3A_494 : i32 to index
        %parallel_loop3A_496 = arith.index_cast %parallel_loop3A_488 : i32 to index
        %parallel_loop3A_497 = tpu.vector_load %arg8[%parallel_loop3A_495, %parallel_loop3A_496] {strides = array<i32>} : memref<8x2048xf32, #tpu.memory_space<vmem>>, vector<1x16xf32>,
        %parallel_loop3A_498 = vector.shape_cast %parallel_loop3A_497 : vector<1x16xf32> to vector<16xf32>
        %parallel_loop3A_499 = vector.shape_cast %parallel_loop3A_493 : vector<16xf32> to vector<1x16xf32>
        tpu.vector_store %arg8[%parallel_loop3A_495, %parallel_loop3A_496], %parallel_loop3A_499 {add = true, strides = array<i32>} : memref<8x2048xf32, #tpu.memory_space<vmem>>, vector<1x16xf32>,
      } {sc.loop_unroll_factor = 8 : i64, sc.parallel_access}
      %parallel_loop3A_240 = arith.constant 0 : i32
      %parallel_loop3A_241 = arith.constant 2048 : i32
      %parallel_loop3A_242 = arith.constant 16 : i32
      scf.for %parallel_loop3A_488 = %parallel_loop3A_240 to %parallel_loop3A_241 step %parallel_loop3A_242  : i32 {
        %parallel_loop3A_489 = arith.constant 3 : i32
        %parallel_loop3A_490 = arith.index_cast %parallel_loop3A_489 : i32 to index
        %parallel_loop3A_491 = arith.index_cast %parallel_loop3A_488 : i32 to index
        %parallel_loop3A_492 = tpu.vector_load %arg9[%parallel_loop3A_490, %parallel_loop3A_491] {strides = array<i32>} : memref<8x2048xf32, #tpu.memory_space<vmem>>, vector<1x16xf32>,
        %parallel_loop3A_493 = vector.shape_cast %parallel_loop3A_492 : vector<1x16xf32> to vector<16xf32>
        %parallel_loop3A_494 = arith.constant 3 : i32
        %parallel_loop3A_495 = arith.index_cast %parallel_loop3A_494 : i32 to index
        %parallel_loop3A_496 = arith.index_cast %parallel_loop3A_488 : i32 to index
        %parallel_loop3A_497 = tpu.vector_load %arg8[%parallel_loop3A_495, %parallel_loop3A_496] {strides = array<i32>} : memref<8x2048xf32, #tpu.memory_space<vmem>>, vector<1x16xf32>,
        %parallel_loop3A_498 = vector.shape_cast %parallel_loop3A_497 : vector<1x16xf32> to vector<16xf32>
        %parallel_loop3A_499 = vector.shape_cast %parallel_loop3A_493 : vector<16xf32> to vector<1x16xf32>
        tpu.vector_store %arg8[%parallel_loop3A_495, %parallel_loop3A_496], %parallel_loop3A_499 {add = true, strides = array<i32>} : memref<8x2048xf32, #tpu.memory_space<vmem>>, vector<1x16xf32>,
      } {sc.loop_unroll_factor = 8 : i64, sc.parallel_access}
      %parallel_loop3A_243 = arith.constant 0 : i32
      %parallel_loop3A_244 = arith.constant 2048 : i32
      %parallel_loop3A_245 = arith.constant 16 : i32
      scf.for %parallel_loop3A_488 = %parallel_loop3A_243 to %parallel_loop3A_244 step %parallel_loop3A_245  : i32 {
        %parallel_loop3A_489 = arith.constant 4 : i32
        %parallel_loop3A_490 = arith.index_cast %parallel_loop3A_489 : i32 to index
        %parallel_loop3A_491 = arith.index_cast %parallel_loop3A_488 : i32 to index
        %parallel_loop3A_492 = tpu.vector_load %arg9[%parallel_loop3A_490, %parallel_loop3A_491] {strides = array<i32>} : memref<8x2048xf32, #tpu.memory_space<vmem>>, vector<1x16xf32>,
        %parallel_loop3A_493 = vector.shape_cast %parallel_loop3A_492 : vector<1x16xf32> to vector<16xf32>
        %parallel_loop3A_494 = arith.constant 4 : i32
        %parallel_loop3A_495 = arith.index_cast %parallel_loop3A_494 : i32 to index
        %parallel_loop3A_496 = arith.index_cast %parallel_loop3A_488 : i32 to index
        %parallel_loop3A_497 = tpu.vector_load %arg8[%parallel_loop3A_495, %parallel_loop3A_496] {strides = array<i32>} : memref<8x2048xf32, #tpu.memory_space<vmem>>, vector<1x16xf32>,
        %parallel_loop3A_498 = vector.shape_cast %parallel_loop3A_497 : vector<1x16xf32> to vector<16xf32>
        %parallel_loop3A_499 = vector.shape_cast %parallel_loop3A_493 : vector<16xf32> to vector<1x16xf32>
        tpu.vector_store %arg8[%parallel_loop3A_495, %parallel_loop3A_496], %parallel_loop3A_499 {add = true, strides = array<i32>} : memref<8x2048xf32, #tpu.memory_space<vmem>>, vector<1x16xf32>,
      } {sc.loop_unroll_factor = 8 : i64, sc.parallel_access}
      %parallel_loop3A_246 = arith.constant 0 : i32
      %parallel_loop3A_247 = arith.constant 2048 : i32
      %parallel_loop3A_248 = arith.constant 16 : i32
      scf.for %parallel_loop3A_488 = %parallel_loop3A_246 to %parallel_loop3A_247 step %parallel_loop3A_248  : i32 {
        %parallel_loop3A_489 = arith.constant 5 : i32
        %parallel_loop3A_490 = arith.index_cast %parallel_loop3A_489 : i32 to index
        %parallel_loop3A_491 = arith.index_cast %parallel_loop3A_488 : i32 to index
        %parallel_loop3A_492 = tpu.vector_load %arg9[%parallel_loop3A_490, %parallel_loop3A_491] {strides = array<i32>} : memref<8x2048xf32, #tpu.memory_space<vmem>>, vector<1x16xf32>,
        %parallel_loop3A_493 = vector.shape_cast %parallel_loop3A_492 : vector<1x16xf32> to vector<16xf32>
        %parallel_loop3A_494 = arith.constant 5 : i32
        %parallel_loop3A_495 = arith.index_cast %parallel_loop3A_494 : i32 to index
        %parallel_loop3A_496 = arith.index_cast %parallel_loop3A_488 : i32 to index
        %parallel_loop3A_497 = tpu.vector_load %arg8[%parallel_loop3A_495, %parallel_loop3A_496] {strides = array<i32>} : memref<8x2048xf32, #tpu.memory_space<vmem>>, vector<1x16xf32>,
        %parallel_loop3A_498 = vector.shape_cast %parallel_loop3A_497 : vector<1x16xf32> to vector<16xf32>
        %parallel_loop3A_499 = vector.shape_cast %parallel_loop3A_493 : vector<16xf32> to vector<1x16xf32>
        tpu.vector_store %arg8[%parallel_loop3A_495, %parallel_loop3A_496], %parallel_loop3A_499 {add = true, strides = array<i32>} : memref<8x2048xf32, #tpu.memory_space<vmem>>, vector<1x16xf32>,
      } {sc.loop_unroll_factor = 8 : i64, sc.parallel_access}
      %parallel_loop3A_249 = arith.constant 0 : i32
      %parallel_loop3A_250 = arith.constant 2048 : i32
      %parallel_loop3A_251 = arith.constant 16 : i32
      scf.for %parallel_loop3A_488 = %parallel_loop3A_249 to %parallel_loop3A_250 step %parallel_loop3A_251  : i32 {
        %parallel_loop3A_489 = arith.constant 6 : i32
        %parallel_loop3A_490 = arith.index_cast %parallel_loop3A_489 : i32 to index
        %parallel_loop3A_491 = arith.index_cast %parallel_loop3A_488 : i32 to index
        %parallel_loop3A_492 = tpu.vector_load %arg9[%parallel_loop3A_490, %parallel_loop3A_491] {strides = array<i32>} : memref<8x2048xf32, #tpu.memory_space<vmem>>, vector<1x16xf32>,
        %parallel_loop3A_493 = vector.shape_cast %parallel_loop3A_492 : vector<1x16xf32> to vector<16xf32>
        %parallel_loop3A_494 = arith.constant 6 : i32
        %parallel_loop3A_495 = arith.index_cast %parallel_loop3A_494 : i32 to index
        %parallel_loop3A_496 = arith.index_cast %parallel_loop3A_488 : i32 to index
        %parallel_loop3A_497 = tpu.vector_load %arg8[%parallel_loop3A_495, %parallel_loop3A_496] {strides = array<i32>} : memref<8x2048xf32, #tpu.memory_space<vmem>>, vector<1x16xf32>,
        %parallel_loop3A_498 = vector.shape_cast %parallel_loop3A_497 : vector<1x16xf32> to vector<16xf32>
        %parallel_loop3A_499 = vector.shape_cast %parallel_loop3A_493 : vector<16xf32> to vector<1x16xf32>
        tpu.vector_store %arg8[%parallel_loop3A_495, %parallel_loop3A_496], %parallel_loop3A_499 {add = true, strides = array<i32>} : memref<8x2048xf32, #tpu.memory_space<vmem>>, vector<1x16xf32>,
      } {sc.loop_unroll_factor = 8 : i64, sc.parallel_access}
      %parallel_loop3A_252 = arith.constant 0 : i32
      %parallel_loop3A_253 = arith.constant 2048 : i32
      %parallel_loop3A_254 = arith.constant 16 : i32
      scf.for %parallel_loop3A_488 = %parallel_loop3A_252 to %parallel_loop3A_253 step %parallel_loop3A_254  : i32 {
        %parallel_loop3A_489 = arith.constant 7 : i32
        %parallel_loop3A_490 = arith.index_cast %parallel_loop3A_489 : i32 to index
        %parallel_loop3A_491 = arith.index_cast %parallel_loop3A_488 : i32 to index
        %parallel_loop3A_492 = tpu.vector_load %arg9[%parallel_loop3A_490, %parallel_loop3A_491] {strides = array<i32>} : memref<8x2048xf32, #tpu.memory_space<vmem>>, vector<1x16xf32>,
        %parallel_loop3A_493 = vector.shape_cast %parallel_loop3A_492 : vector<1x16xf32> to vector<16xf32>
        %parallel_loop3A_494 = arith.constant 7 : i32
        %parallel_loop3A_495 = arith.index_cast %parallel_loop3A_494 : i32 to index
        %parallel_loop3A_496 = arith.index_cast %parallel_loop3A_488 : i32 to index
        %parallel_loop3A_497 = tpu.vector_load %arg8[%parallel_loop3A_495, %parallel_loop3A_496] {strides = array<i32>} : memref<8x2048xf32, #tpu.memory_space<vmem>>, vector<1x16xf32>,
        %parallel_loop3A_498 = vector.shape_cast %parallel_loop3A_497 : vector<1x16xf32> to vector<16xf32>
        %parallel_loop3A_499 = vector.shape_cast %parallel_loop3A_493 : vector<16xf32> to vector<1x16xf32>
        tpu.vector_store %arg8[%parallel_loop3A_495, %parallel_loop3A_496], %parallel_loop3A_499 {add = true, strides = array<i32>} : memref<8x2048xf32, #tpu.memory_space<vmem>>, vector<1x16xf32>,
      } {sc.loop_unroll_factor = 8 : i64, sc.parallel_access}
      %add3A_255 = arith.constant 24576 : i32
      %add3A_256 = arith.addi %add3A_255, %mul3A_2 : i32
      %mul3A_257 = arith.constant 8 : i32
      %mul3A_258 = arith.muli %add3A_46, %mul3A_257 : i32
      %add3A_259 = arith.addi %add3A_256, %mul3A_258 : i32
      %dma_start3A_260 = arith.constant 0 : i32
      %dma_start3A_261 = tpu.memref_slice %arg4[%add3A_259, %dma_start3A_260] : memref<32768x2048xf32, #tpu.memory_space<hbm>> -> memref<8x2048xf32, #tpu.memory_space<hbm>>
      %dma_start3A_262 = arith.constant 0 : i32
      %dma_start3A_263 = tpu.memref_slice %arg4[%add3A_259, %dma_start3A_262] : memref<32768x2048xf32, #tpu.memory_space<hbm>> -> memref<8x2048xf32, #tpu.memory_space<hbm>>
      tpu.enqueue_dma source(%arg8 : memref<8x2048xf32, #tpu.memory_space<vmem>>) target(%dma_start3A_263 : memref<8x2048xf32, #tpu.memory_space<hbm>>) target_semaphore(%arg18 : memref<!tpu.dma_semaphore, #tpu.memory_space<semaphore_mem>>)
      %add3A_264 = arith.constant 1 : i32
      %add3A_265 = arith.addi %mul3A_44, %add3A_264 : i32
      %gt3A_266 = arith.constant 0 : i32
      %gt3A_267 = arith.cmpi sgt, %add3A_265, %gt3A_266 : i32
      %convert_element_type3A_268 = arith.extui %gt3A_267 : i1 to i32
      %cond3A_269 = arith.constant 0 : i32
      %cond3A_270 = arith.cmpi ne, %convert_element_type3A_268, %cond3A_269 : i32
      scf.if %cond3A_270 {
        %dma_wait3A_488 = arith.constant 0 : i32
        %dma_wait3A_489 = arith.constant 0 : i32
        %dma_wait3A_490 = tpu.memref_slice %arg4[%dma_wait3A_488, %dma_wait3A_489] : memref<32768x2048xf32, #tpu.memory_space<hbm>> -> memref<8x2048xf32, #tpu.memory_space<hbm>>
        %dma_wait3A_491 = arith.constant 0 : i32
        %dma_wait3A_492 = arith.constant 0 : i32
        %dma_wait3A_493 = tpu.memref_slice %arg4[%dma_wait3A_491, %dma_wait3A_492] : memref<32768x2048xf32, #tpu.memory_space<hbm>> -> memref<8x2048xf32, #tpu.memory_space<hbm>>
        tpu.wait_dma2 semaphore(%arg18 : memref<!tpu.dma_semaphore, #tpu.memory_space<semaphore_mem>>) src(%arg8 : memref<8x2048xf32, #tpu.memory_space<vmem>>) dst(%dma_wait3A_493 : memref<8x2048xf32, #tpu.memory_space<hbm>>)
      } else {
      }
      %add3A_271 = arith.constant 24576 : i32
      %add3A_272 = arith.addi %add3A_271, %mul3A_2 : i32
      %mul3A_273 = arith.constant 8 : i32
      %mul3A_274 = arith.muli %add3A_265, %mul3A_273 : i32
      %add3A_275 = arith.addi %add3A_272, %mul3A_274 : i32
      %dma_start3A_276 = arith.constant 0 : i32
      %dma_start3A_277 = tpu.memref_slice %arg2[%add3A_275, %dma_start3A_276] : memref<32768x2048xf32, #tpu.memory_space<hbm>> -> memref<8x2048xf32, #tpu.memory_space<hbm>>
      %dma_start3A_278 = arith.constant 0 : i32
      %dma_start3A_279 = tpu.memref_slice %arg2[%add3A_275, %dma_start3A_278] : memref<32768x2048xf32, #tpu.memory_space<hbm>> -> memref<8x2048xf32, #tpu.memory_space<hbm>>
      tpu.enqueue_dma source(%dma_start3A_279 : memref<8x2048xf32, #tpu.memory_space<hbm>>) target(%arg8 : memref<8x2048xf32, #tpu.memory_space<vmem>>) target_semaphore(%arg14 : memref<!tpu.dma_semaphore, #tpu.memory_space<semaphore_mem>>)
      %add3A_280 = arith.constant 1 : i32
      %add3A_281 = arith.addi %add3A_265, %add3A_280 : i32
      %lt3A_282 = arith.constant 32 : i32
      %lt3A_283 = arith.cmpi slt, %add3A_281, %lt3A_282 : i32
      %convert_element_type3A_284 = arith.extui %lt3A_283 : i1 to i32
      %cond3A_285 = arith.constant 0 : i32
      %cond3A_286 = arith.cmpi ne, %convert_element_type3A_284, %cond3A_285 : i32
      scf.if %cond3A_286 {
        %add3A_488 = arith.constant 1 : i32
        %add3A_489 = arith.addi %add3A_265, %add3A_488 : i32
        %mul3A_490 = arith.constant 8 : i32
        %mul3A_491 = arith.muli %add3A_489, %mul3A_490 : i32
        %add3A_492 = arith.addi %mul3A_2, %mul3A_491 : i32
        %dma_start3A_493 = arith.constant 0 : i32
        %dma_start3A_494 = tpu.memref_slice %arg3[%add3A_492, %dma_start3A_493] : memref<8192x2048xf32, #tpu.memory_space<hbm>> -> memref<8x2048xf32, #tpu.memory_space<hbm>>
        %dma_start3A_495 = arith.constant 0 : i32
        %dma_start3A_496 = tpu.memref_slice %arg3[%add3A_492, %dma_start3A_495] : memref<8192x2048xf32, #tpu.memory_space<hbm>> -> memref<8x2048xf32, #tpu.memory_space<hbm>>
        tpu.enqueue_dma source(%dma_start3A_496 : memref<8x2048xf32, #tpu.memory_space<hbm>>) target(%arg9 : memref<8x2048xf32, #tpu.memory_space<vmem>>) target_semaphore(%arg19 : memref<!tpu.dma_semaphore, #tpu.memory_space<semaphore_mem>>)
      } else {
      }
      %dma_wait3A_287 = arith.constant 0 : i32
      %dma_wait3A_288 = arith.constant 0 : i32
      %dma_wait3A_289 = tpu.memref_slice %arg3[%dma_wait3A_287, %dma_wait3A_288] : memref<8192x2048xf32, #tpu.memory_space<hbm>> -> memref<8x2048xf32, #tpu.memory_space<hbm>>
      %dma_wait3A_290 = arith.constant 0 : i32
      %dma_wait3A_291 = arith.constant 0 : i32
      %dma_wait3A_292 = tpu.memref_slice %arg3[%dma_wait3A_290, %dma_wait3A_291] : memref<8192x2048xf32, #tpu.memory_space<hbm>> -> memref<8x2048xf32, #tpu.memory_space<hbm>>
      tpu.wait_dma2 semaphore(%arg20 : memref<!tpu.dma_semaphore, #tpu.memory_space<semaphore_mem>>) src(%dma_wait3A_292 : memref<8x2048xf32, #tpu.memory_space<hbm>>) dst(%arg10 : memref<8x2048xf32, #tpu.memory_space<vmem>>)
      %dma_wait3A_293 = arith.constant 0 : i32
      %dma_wait3A_294 = arith.constant 0 : i32
      %dma_wait3A_295 = tpu.memref_slice %arg2[%dma_wait3A_293, %dma_wait3A_294] : memref<32768x2048xf32, #tpu.memory_space<hbm>> -> memref<8x2048xf32, #tpu.memory_space<hbm>>
      %dma_wait3A_296 = arith.constant 0 : i32
      %dma_wait3A_297 = arith.constant 0 : i32
      %dma_wait3A_298 = tpu.memref_slice %arg2[%dma_wait3A_296, %dma_wait3A_297] : memref<32768x2048xf32, #tpu.memory_space<hbm>> -> memref<8x2048xf32, #tpu.memory_space<hbm>>
      tpu.wait_dma2 semaphore(%arg11 : memref<!tpu.dma_semaphore, #tpu.memory_space<semaphore_mem>>) src(%dma_wait3A_298 : memref<8x2048xf32, #tpu.memory_space<hbm>>) dst(%arg5 : memref<8x2048xf32, #tpu.memory_space<vmem>>)
      %parallel_loop3A_299 = arith.constant 0 : i32
      %parallel_loop3A_300 = arith.constant 2048 : i32
      %parallel_loop3A_301 = arith.constant 16 : i32
      scf.for %parallel_loop3A_488 = %parallel_loop3A_299 to %parallel_loop3A_300 step %parallel_loop3A_301  : i32 {
        %parallel_loop3A_489 = arith.constant 0 : i32
        %parallel_loop3A_490 = arith.index_cast %parallel_loop3A_489 : i32 to index
        %parallel_loop3A_491 = arith.index_cast %parallel_loop3A_488 : i32 to index
        %parallel_loop3A_492 = tpu.vector_load %arg10[%parallel_loop3A_490, %parallel_loop3A_491] {strides = array<i32>} : memref<8x2048xf32, #tpu.memory_space<vmem>>, vector<1x16xf32>,
        %parallel_loop3A_493 = vector.shape_cast %parallel_loop3A_492 : vector<1x16xf32> to vector<16xf32>
        %parallel_loop3A_494 = arith.constant 0 : i32
        %parallel_loop3A_495 = arith.index_cast %parallel_loop3A_494 : i32 to index
        %parallel_loop3A_496 = arith.index_cast %parallel_loop3A_488 : i32 to index
        %parallel_loop3A_497 = tpu.vector_load %arg5[%parallel_loop3A_495, %parallel_loop3A_496] {strides = array<i32>} : memref<8x2048xf32, #tpu.memory_space<vmem>>, vector<1x16xf32>,
        %parallel_loop3A_498 = vector.shape_cast %parallel_loop3A_497 : vector<1x16xf32> to vector<16xf32>
        %parallel_loop3A_499 = vector.shape_cast %parallel_loop3A_493 : vector<16xf32> to vector<1x16xf32>
        tpu.vector_store %arg5[%parallel_loop3A_495, %parallel_loop3A_496], %parallel_loop3A_499 {add = true, strides = array<i32>} : memref<8x2048xf32, #tpu.memory_space<vmem>>, vector<1x16xf32>,
      } {sc.loop_unroll_factor = 8 : i64, sc.parallel_access}
      %parallel_loop3A_302 = arith.constant 0 : i32
      %parallel_loop3A_303 = arith.constant 2048 : i32
      %parallel_loop3A_304 = arith.constant 16 : i32
      scf.for %parallel_loop3A_488 = %parallel_loop3A_302 to %parallel_loop3A_303 step %parallel_loop3A_304  : i32 {
        %parallel_loop3A_489 = arith.constant 1 : i32
        %parallel_loop3A_490 = arith.index_cast %parallel_loop3A_489 : i32 to index
        %parallel_loop3A_491 = arith.index_cast %parallel_loop3A_488 : i32 to index
        %parallel_loop3A_492 = tpu.vector_load %arg10[%parallel_loop3A_490, %parallel_loop3A_491] {strides = array<i32>} : memref<8x2048xf32, #tpu.memory_space<vmem>>, vector<1x16xf32>,
        %parallel_loop3A_493 = vector.shape_cast %parallel_loop3A_492 : vector<1x16xf32> to vector<16xf32>
        %parallel_loop3A_494 = arith.constant 1 : i32
        %parallel_loop3A_495 = arith.index_cast %parallel_loop3A_494 : i32 to index
        %parallel_loop3A_496 = arith.index_cast %parallel_loop3A_488 : i32 to index
        %parallel_loop3A_497 = tpu.vector_load %arg5[%parallel_loop3A_495, %parallel_loop3A_496] {strides = array<i32>} : memref<8x2048xf32, #tpu.memory_space<vmem>>, vector<1x16xf32>,
        %parallel_loop3A_498 = vector.shape_cast %parallel_loop3A_497 : vector<1x16xf32> to vector<16xf32>
        %parallel_loop3A_499 = vector.shape_cast %parallel_loop3A_493 : vector<16xf32> to vector<1x16xf32>
        tpu.vector_store %arg5[%parallel_loop3A_495, %parallel_loop3A_496], %parallel_loop3A_499 {add = true, strides = array<i32>} : memref<8x2048xf32, #tpu.memory_space<vmem>>, vector<1x16xf32>,
      } {sc.loop_unroll_factor = 8 : i64, sc.parallel_access}
      %parallel_loop3A_305 = arith.constant 0 : i32
      %parallel_loop3A_306 = arith.constant 2048 : i32
      %parallel_loop3A_307 = arith.constant 16 : i32
      scf.for %parallel_loop3A_488 = %parallel_loop3A_305 to %parallel_loop3A_306 step %parallel_loop3A_307  : i32 {
        %parallel_loop3A_489 = arith.constant 2 : i32
        %parallel_loop3A_490 = arith.index_cast %parallel_loop3A_489 : i32 to index
        %parallel_loop3A_491 = arith.index_cast %parallel_loop3A_488 : i32 to index
        %parallel_loop3A_492 = tpu.vector_load %arg10[%parallel_loop3A_490, %parallel_loop3A_491] {strides = array<i32>} : memref<8x2048xf32, #tpu.memory_space<vmem>>, vector<1x16xf32>,
        %parallel_loop3A_493 = vector.shape_cast %parallel_loop3A_492 : vector<1x16xf32> to vector<16xf32>
        %parallel_loop3A_494 = arith.constant 2 : i32
        %parallel_loop3A_495 = arith.index_cast %parallel_loop3A_494 : i32 to index
        %parallel_loop3A_496 = arith.index_cast %parallel_loop3A_488 : i32 to index
        %parallel_loop3A_497 = tpu.vector_load %arg5[%parallel_loop3A_495, %parallel_loop3A_496] {strides = array<i32>} : memref<8x2048xf32, #tpu.memory_space<vmem>>, vector<1x16xf32>,
        %parallel_loop3A_498 = vector.shape_cast %parallel_loop3A_497 : vector<1x16xf32> to vector<16xf32>
        %parallel_loop3A_499 = vector.shape_cast %parallel_loop3A_493 : vector<16xf32> to vector<1x16xf32>
        tpu.vector_store %arg5[%parallel_loop3A_495, %parallel_loop3A_496], %parallel_loop3A_499 {add = true, strides = array<i32>} : memref<8x2048xf32, #tpu.memory_space<vmem>>, vector<1x16xf32>,
      } {sc.loop_unroll_factor = 8 : i64, sc.parallel_access}
      %parallel_loop3A_308 = arith.constant 0 : i32
      %parallel_loop3A_309 = arith.constant 2048 : i32
      %parallel_loop3A_310 = arith.constant 16 : i32
      scf.for %parallel_loop3A_488 = %parallel_loop3A_308 to %parallel_loop3A_309 step %parallel_loop3A_310  : i32 {
        %parallel_loop3A_489 = arith.constant 3 : i32
        %parallel_loop3A_490 = arith.index_cast %parallel_loop3A_489 : i32 to index
        %parallel_loop3A_491 = arith.index_cast %parallel_loop3A_488 : i32 to index
        %parallel_loop3A_492 = tpu.vector_load %arg10[%parallel_loop3A_490, %parallel_loop3A_491] {strides = array<i32>} : memref<8x2048xf32, #tpu.memory_space<vmem>>, vector<1x16xf32>,
        %parallel_loop3A_493 = vector.shape_cast %parallel_loop3A_492 : vector<1x16xf32> to vector<16xf32>
        %parallel_loop3A_494 = arith.constant 3 : i32
        %parallel_loop3A_495 = arith.index_cast %parallel_loop3A_494 : i32 to index
        %parallel_loop3A_496 = arith.index_cast %parallel_loop3A_488 : i32 to index
        %parallel_loop3A_497 = tpu.vector_load %arg5[%parallel_loop3A_495, %parallel_loop3A_496] {strides = array<i32>} : memref<8x2048xf32, #tpu.memory_space<vmem>>, vector<1x16xf32>,
        %parallel_loop3A_498 = vector.shape_cast %parallel_loop3A_497 : vector<1x16xf32> to vector<16xf32>
        %parallel_loop3A_499 = vector.shape_cast %parallel_loop3A_493 : vector<16xf32> to vector<1x16xf32>
        tpu.vector_store %arg5[%parallel_loop3A_495, %parallel_loop3A_496], %parallel_loop3A_499 {add = true, strides = array<i32>} : memref<8x2048xf32, #tpu.memory_space<vmem>>, vector<1x16xf32>,
      } {sc.loop_unroll_factor = 8 : i64, sc.parallel_access}
      %parallel_loop3A_311 = arith.constant 0 : i32
      %parallel_loop3A_312 = arith.constant 2048 : i32
      %parallel_loop3A_313 = arith.constant 16 : i32
      scf.for %parallel_loop3A_488 = %parallel_loop3A_311 to %parallel_loop3A_312 step %parallel_loop3A_313  : i32 {
        %parallel_loop3A_489 = arith.constant 4 : i32
        %parallel_loop3A_490 = arith.index_cast %parallel_loop3A_489 : i32 to index
        %parallel_loop3A_491 = arith.index_cast %parallel_loop3A_488 : i32 to index
        %parallel_loop3A_492 = tpu.vector_load %arg10[%parallel_loop3A_490, %parallel_loop3A_491] {strides = array<i32>} : memref<8x2048xf32, #tpu.memory_space<vmem>>, vector<1x16xf32>,
        %parallel_loop3A_493 = vector.shape_cast %parallel_loop3A_492 : vector<1x16xf32> to vector<16xf32>
        %parallel_loop3A_494 = arith.constant 4 : i32
        %parallel_loop3A_495 = arith.index_cast %parallel_loop3A_494 : i32 to index
        %parallel_loop3A_496 = arith.index_cast %parallel_loop3A_488 : i32 to index
        %parallel_loop3A_497 = tpu.vector_load %arg5[%parallel_loop3A_495, %parallel_loop3A_496] {strides = array<i32>} : memref<8x2048xf32, #tpu.memory_space<vmem>>, vector<1x16xf32>,
        %parallel_loop3A_498 = vector.shape_cast %parallel_loop3A_497 : vector<1x16xf32> to vector<16xf32>
        %parallel_loop3A_499 = vector.shape_cast %parallel_loop3A_493 : vector<16xf32> to vector<1x16xf32>
        tpu.vector_store %arg5[%parallel_loop3A_495, %parallel_loop3A_496], %parallel_loop3A_499 {add = true, strides = array<i32>} : memref<8x2048xf32, #tpu.memory_space<vmem>>, vector<1x16xf32>,
      } {sc.loop_unroll_factor = 8 : i64, sc.parallel_access}
      %parallel_loop3A_314 = arith.constant 0 : i32
      %parallel_loop3A_315 = arith.constant 2048 : i32
      %parallel_loop3A_316 = arith.constant 16 : i32
      scf.for %parallel_loop3A_488 = %parallel_loop3A_314 to %parallel_loop3A_315 step %parallel_loop3A_316  : i32 {
        %parallel_loop3A_489 = arith.constant 5 : i32
        %parallel_loop3A_490 = arith.index_cast %parallel_loop3A_489 : i32 to index
        %parallel_loop3A_491 = arith.index_cast %parallel_loop3A_488 : i32 to index
        %parallel_loop3A_492 = tpu.vector_load %arg10[%parallel_loop3A_490, %parallel_loop3A_491] {strides = array<i32>} : memref<8x2048xf32, #tpu.memory_space<vmem>>, vector<1x16xf32>,
        %parallel_loop3A_493 = vector.shape_cast %parallel_loop3A_492 : vector<1x16xf32> to vector<16xf32>
        %parallel_loop3A_494 = arith.constant 5 : i32
        %parallel_loop3A_495 = arith.index_cast %parallel_loop3A_494 : i32 to index
        %parallel_loop3A_496 = arith.index_cast %parallel_loop3A_488 : i32 to index
        %parallel_loop3A_497 = tpu.vector_load %arg5[%parallel_loop3A_495, %parallel_loop3A_496] {strides = array<i32>} : memref<8x2048xf32, #tpu.memory_space<vmem>>, vector<1x16xf32>,
        %parallel_loop3A_498 = vector.shape_cast %parallel_loop3A_497 : vector<1x16xf32> to vector<16xf32>
        %parallel_loop3A_499 = vector.shape_cast %parallel_loop3A_493 : vector<16xf32> to vector<1x16xf32>
        tpu.vector_store %arg5[%parallel_loop3A_495, %parallel_loop3A_496], %parallel_loop3A_499 {add = true, strides = array<i32>} : memref<8x2048xf32, #tpu.memory_space<vmem>>, vector<1x16xf32>,
      } {sc.loop_unroll_factor = 8 : i64, sc.parallel_access}
      %parallel_loop3A_317 = arith.constant 0 : i32
      %parallel_loop3A_318 = arith.constant 2048 : i32
      %parallel_loop3A_319 = arith.constant 16 : i32
      scf.for %parallel_loop3A_488 = %parallel_loop3A_317 to %parallel_loop3A_318 step %parallel_loop3A_319  : i32 {
        %parallel_loop3A_489 = arith.constant 6 : i32
        %parallel_loop3A_490 = arith.index_cast %parallel_loop3A_489 : i32 to index
        %parallel_loop3A_491 = arith.index_cast %parallel_loop3A_488 : i32 to index
        %parallel_loop3A_492 = tpu.vector_load %arg10[%parallel_loop3A_490, %parallel_loop3A_491] {strides = array<i32>} : memref<8x2048xf32, #tpu.memory_space<vmem>>, vector<1x16xf32>,
        %parallel_loop3A_493 = vector.shape_cast %parallel_loop3A_492 : vector<1x16xf32> to vector<16xf32>
        %parallel_loop3A_494 = arith.constant 6 : i32
        %parallel_loop3A_495 = arith.index_cast %parallel_loop3A_494 : i32 to index
        %parallel_loop3A_496 = arith.index_cast %parallel_loop3A_488 : i32 to index
        %parallel_loop3A_497 = tpu.vector_load %arg5[%parallel_loop3A_495, %parallel_loop3A_496] {strides = array<i32>} : memref<8x2048xf32, #tpu.memory_space<vmem>>, vector<1x16xf32>,
        %parallel_loop3A_498 = vector.shape_cast %parallel_loop3A_497 : vector<1x16xf32> to vector<16xf32>
        %parallel_loop3A_499 = vector.shape_cast %parallel_loop3A_493 : vector<16xf32> to vector<1x16xf32>
        tpu.vector_store %arg5[%parallel_loop3A_495, %parallel_loop3A_496], %parallel_loop3A_499 {add = true, strides = array<i32>} : memref<8x2048xf32, #tpu.memory_space<vmem>>, vector<1x16xf32>,
      } {sc.loop_unroll_factor = 8 : i64, sc.parallel_access}
      %parallel_loop3A_320 = arith.constant 0 : i32
      %parallel_loop3A_321 = arith.constant 2048 : i32
      %parallel_loop3A_322 = arith.constant 16 : i32
      scf.for %parallel_loop3A_488 = %parallel_loop3A_320 to %parallel_loop3A_321 step %parallel_loop3A_322  : i32 {
        %parallel_loop3A_489 = arith.constant 7 : i32
        %parallel_loop3A_490 = arith.index_cast %parallel_loop3A_489 : i32 to index
        %parallel_loop3A_491 = arith.index_cast %parallel_loop3A_488 : i32 to index
        %parallel_loop3A_492 = tpu.vector_load %arg10[%parallel_loop3A_490, %parallel_loop3A_491] {strides = array<i32>} : memref<8x2048xf32, #tpu.memory_space<vmem>>, vector<1x16xf32>,
        %parallel_loop3A_493 = vector.shape_cast %parallel_loop3A_492 : vector<1x16xf32> to vector<16xf32>
        %parallel_loop3A_494 = arith.constant 7 : i32
        %parallel_loop3A_495 = arith.index_cast %parallel_loop3A_494 : i32 to index
        %parallel_loop3A_496 = arith.index_cast %parallel_loop3A_488 : i32 to index
        %parallel_loop3A_497 = tpu.vector_load %arg5[%parallel_loop3A_495, %parallel_loop3A_496] {strides = array<i32>} : memref<8x2048xf32, #tpu.memory_space<vmem>>, vector<1x16xf32>,
        %parallel_loop3A_498 = vector.shape_cast %parallel_loop3A_497 : vector<1x16xf32> to vector<16xf32>
        %parallel_loop3A_499 = vector.shape_cast %parallel_loop3A_493 : vector<16xf32> to vector<1x16xf32>
        tpu.vector_store %arg5[%parallel_loop3A_495, %parallel_loop3A_496], %parallel_loop3A_499 {add = true, strides = array<i32>} : memref<8x2048xf32, #tpu.memory_space<vmem>>, vector<1x16xf32>,
      } {sc.loop_unroll_factor = 8 : i64, sc.parallel_access}
      %add3A_323 = arith.constant 0 : i32
      %add3A_324 = arith.addi %add3A_323, %mul3A_2 : i32
      %mul3A_325 = arith.constant 8 : i32
      %mul3A_326 = arith.muli %add3A_265, %mul3A_325 : i32
      %add3A_327 = arith.addi %add3A_324, %mul3A_326 : i32
      %dma_start3A_328 = arith.constant 0 : i32
      %dma_start3A_329 = tpu.memref_slice %arg4[%add3A_327, %dma_start3A_328] : memref<32768x2048xf32, #tpu.memory_space<hbm>> -> memref<8x2048xf32, #tpu.memory_space<hbm>>
      %dma_start3A_330 = arith.constant 0 : i32
      %dma_start3A_331 = tpu.memref_slice %arg4[%add3A_327, %dma_start3A_330] : memref<32768x2048xf32, #tpu.memory_space<hbm>> -> memref<8x2048xf32, #tpu.memory_space<hbm>>
      tpu.enqueue_dma source(%arg5 : memref<8x2048xf32, #tpu.memory_space<vmem>>) target(%dma_start3A_331 : memref<8x2048xf32, #tpu.memory_space<hbm>>) target_semaphore(%arg15 : memref<!tpu.dma_semaphore, #tpu.memory_space<semaphore_mem>>)
      %dma_wait3A_332 = arith.constant 0 : i32
      %dma_wait3A_333 = arith.constant 0 : i32
      %dma_wait3A_334 = tpu.memref_slice %arg4[%dma_wait3A_332, %dma_wait3A_333] : memref<32768x2048xf32, #tpu.memory_space<hbm>> -> memref<8x2048xf32, #tpu.memory_space<hbm>>
      %dma_wait3A_335 = arith.constant 0 : i32
      %dma_wait3A_336 = arith.constant 0 : i32
      %dma_wait3A_337 = tpu.memref_slice %arg4[%dma_wait3A_335, %dma_wait3A_336] : memref<32768x2048xf32, #tpu.memory_space<hbm>> -> memref<8x2048xf32, #tpu.memory_space<hbm>>
      tpu.wait_dma2 semaphore(%arg15 : memref<!tpu.dma_semaphore, #tpu.memory_space<semaphore_mem>>) src(%arg5 : memref<8x2048xf32, #tpu.memory_space<vmem>>) dst(%dma_wait3A_337 : memref<8x2048xf32, #tpu.memory_space<hbm>>)
      %add3A_338 = arith.constant 1 : i32
      %add3A_339 = arith.addi %add3A_265, %add3A_338 : i32
      %lt3A_340 = arith.constant 32 : i32
      %lt3A_341 = arith.cmpi slt, %add3A_339, %lt3A_340 : i32
      %convert_element_type3A_342 = arith.extui %lt3A_341 : i1 to i32
      %cond3A_343 = arith.constant 0 : i32
      %cond3A_344 = arith.cmpi ne, %convert_element_type3A_342, %cond3A_343 : i32
      scf.if %cond3A_344 {
        %add3A_488 = arith.constant 1 : i32
        %add3A_489 = arith.addi %add3A_265, %add3A_488 : i32
        %add3A_490 = arith.constant 0 : i32
        %add3A_491 = arith.addi %add3A_490, %mul3A_2 : i32
        %mul3A_492 = arith.constant 8 : i32
        %mul3A_493 = arith.muli %add3A_489, %mul3A_492 : i32
        %add3A_494 = arith.addi %add3A_491, %mul3A_493 : i32
        %dma_start3A_495 = arith.constant 0 : i32
        %dma_start3A_496 = tpu.memref_slice %arg2[%add3A_494, %dma_start3A_495] : memref<32768x2048xf32, #tpu.memory_space<hbm>> -> memref<8x2048xf32, #tpu.memory_space<hbm>>
        %dma_start3A_497 = arith.constant 0 : i32
        %dma_start3A_498 = tpu.memref_slice %arg2[%add3A_494, %dma_start3A_497] : memref<32768x2048xf32, #tpu.memory_space<hbm>> -> memref<8x2048xf32, #tpu.memory_space<hbm>>
        tpu.enqueue_dma source(%dma_start3A_498 : memref<8x2048xf32, #tpu.memory_space<hbm>>) target(%arg5 : memref<8x2048xf32, #tpu.memory_space<vmem>>) target_semaphore(%arg11 : memref<!tpu.dma_semaphore, #tpu.memory_space<semaphore_mem>>)
      } else {
      }
      %dma_wait3A_345 = arith.constant 0 : i32
      %dma_wait3A_346 = arith.constant 0 : i32
      %dma_wait3A_347 = tpu.memref_slice %arg2[%dma_wait3A_345, %dma_wait3A_346] : memref<32768x2048xf32, #tpu.memory_space<hbm>> -> memref<8x2048xf32, #tpu.memory_space<hbm>>
      %dma_wait3A_348 = arith.constant 0 : i32
      %dma_wait3A_349 = arith.constant 0 : i32
      %dma_wait3A_350 = tpu.memref_slice %arg2[%dma_wait3A_348, %dma_wait3A_349] : memref<32768x2048xf32, #tpu.memory_space<hbm>> -> memref<8x2048xf32, #tpu.memory_space<hbm>>
      tpu.wait_dma2 semaphore(%arg12 : memref<!tpu.dma_semaphore, #tpu.memory_space<semaphore_mem>>) src(%dma_wait3A_350 : memref<8x2048xf32, #tpu.memory_space<hbm>>) dst(%arg6 : memref<8x2048xf32, #tpu.memory_space<vmem>>)
      %parallel_loop3A_351 = arith.constant 0 : i32
      %parallel_loop3A_352 = arith.constant 2048 : i32
      %parallel_loop3A_353 = arith.constant 16 : i32
      scf.for %parallel_loop3A_488 = %parallel_loop3A_351 to %parallel_loop3A_352 step %parallel_loop3A_353  : i32 {
        %parallel_loop3A_489 = arith.constant 0 : i32
        %parallel_loop3A_490 = arith.index_cast %parallel_loop3A_489 : i32 to index
        %parallel_loop3A_491 = arith.index_cast %parallel_loop3A_488 : i32 to index
        %parallel_loop3A_492 = tpu.vector_load %arg10[%parallel_loop3A_490, %parallel_loop3A_491] {strides = array<i32>} : memref<8x2048xf32, #tpu.memory_space<vmem>>, vector<1x16xf32>,
        %parallel_loop3A_493 = vector.shape_cast %parallel_loop3A_492 : vector<1x16xf32> to vector<16xf32>
        %parallel_loop3A_494 = arith.constant 0 : i32
        %parallel_loop3A_495 = arith.index_cast %parallel_loop3A_494 : i32 to index
        %parallel_loop3A_496 = arith.index_cast %parallel_loop3A_488 : i32 to index
        %parallel_loop3A_497 = tpu.vector_load %arg6[%parallel_loop3A_495, %parallel_loop3A_496] {strides = array<i32>} : memref<8x2048xf32, #tpu.memory_space<vmem>>, vector<1x16xf32>,
        %parallel_loop3A_498 = vector.shape_cast %parallel_loop3A_497 : vector<1x16xf32> to vector<16xf32>
        %parallel_loop3A_499 = vector.shape_cast %parallel_loop3A_493 : vector<16xf32> to vector<1x16xf32>
        tpu.vector_store %arg6[%parallel_loop3A_495, %parallel_loop3A_496], %parallel_loop3A_499 {add = true, strides = array<i32>} : memref<8x2048xf32, #tpu.memory_space<vmem>>, vector<1x16xf32>,
      } {sc.loop_unroll_factor = 8 : i64, sc.parallel_access}
      %parallel_loop3A_354 = arith.constant 0 : i32
      %parallel_loop3A_355 = arith.constant 2048 : i32
      %parallel_loop3A_356 = arith.constant 16 : i32
      scf.for %parallel_loop3A_488 = %parallel_loop3A_354 to %parallel_loop3A_355 step %parallel_loop3A_356  : i32 {
        %parallel_loop3A_489 = arith.constant 1 : i32
        %parallel_loop3A_490 = arith.index_cast %parallel_loop3A_489 : i32 to index
        %parallel_loop3A_491 = arith.index_cast %parallel_loop3A_488 : i32 to index
        %parallel_loop3A_492 = tpu.vector_load %arg10[%parallel_loop3A_490, %parallel_loop3A_491] {strides = array<i32>} : memref<8x2048xf32, #tpu.memory_space<vmem>>, vector<1x16xf32>,
        %parallel_loop3A_493 = vector.shape_cast %parallel_loop3A_492 : vector<1x16xf32> to vector<16xf32>
        %parallel_loop3A_494 = arith.constant 1 : i32
        %parallel_loop3A_495 = arith.index_cast %parallel_loop3A_494 : i32 to index
        %parallel_loop3A_496 = arith.index_cast %parallel_loop3A_488 : i32 to index
        %parallel_loop3A_497 = tpu.vector_load %arg6[%parallel_loop3A_495, %parallel_loop3A_496] {strides = array<i32>} : memref<8x2048xf32, #tpu.memory_space<vmem>>, vector<1x16xf32>,
        %parallel_loop3A_498 = vector.shape_cast %parallel_loop3A_497 : vector<1x16xf32> to vector<16xf32>
        %parallel_loop3A_499 = vector.shape_cast %parallel_loop3A_493 : vector<16xf32> to vector<1x16xf32>
        tpu.vector_store %arg6[%parallel_loop3A_495, %parallel_loop3A_496], %parallel_loop3A_499 {add = true, strides = array<i32>} : memref<8x2048xf32, #tpu.memory_space<vmem>>, vector<1x16xf32>,
      } {sc.loop_unroll_factor = 8 : i64, sc.parallel_access}
      %parallel_loop3A_357 = arith.constant 0 : i32
      %parallel_loop3A_358 = arith.constant 2048 : i32
      %parallel_loop3A_359 = arith.constant 16 : i32
      scf.for %parallel_loop3A_488 = %parallel_loop3A_357 to %parallel_loop3A_358 step %parallel_loop3A_359  : i32 {
        %parallel_loop3A_489 = arith.constant 2 : i32
        %parallel_loop3A_490 = arith.index_cast %parallel_loop3A_489 : i32 to index
        %parallel_loop3A_491 = arith.index_cast %parallel_loop3A_488 : i32 to index
        %parallel_loop3A_492 = tpu.vector_load %arg10[%parallel_loop3A_490, %parallel_loop3A_491] {strides = array<i32>} : memref<8x2048xf32, #tpu.memory_space<vmem>>, vector<1x16xf32>,
        %parallel_loop3A_493 = vector.shape_cast %parallel_loop3A_492 : vector<1x16xf32> to vector<16xf32>
        %parallel_loop3A_494 = arith.constant 2 : i32
        %parallel_loop3A_495 = arith.index_cast %parallel_loop3A_494 : i32 to index
        %parallel_loop3A_496 = arith.index_cast %parallel_loop3A_488 : i32 to index
        %parallel_loop3A_497 = tpu.vector_load %arg6[%parallel_loop3A_495, %parallel_loop3A_496] {strides = array<i32>} : memref<8x2048xf32, #tpu.memory_space<vmem>>, vector<1x16xf32>,
        %parallel_loop3A_498 = vector.shape_cast %parallel_loop3A_497 : vector<1x16xf32> to vector<16xf32>
        %parallel_loop3A_499 = vector.shape_cast %parallel_loop3A_493 : vector<16xf32> to vector<1x16xf32>
        tpu.vector_store %arg6[%parallel_loop3A_495, %parallel_loop3A_496], %parallel_loop3A_499 {add = true, strides = array<i32>} : memref<8x2048xf32, #tpu.memory_space<vmem>>, vector<1x16xf32>,
      } {sc.loop_unroll_factor = 8 : i64, sc.parallel_access}
      %parallel_loop3A_360 = arith.constant 0 : i32
      %parallel_loop3A_361 = arith.constant 2048 : i32
      %parallel_loop3A_362 = arith.constant 16 : i32
      scf.for %parallel_loop3A_488 = %parallel_loop3A_360 to %parallel_loop3A_361 step %parallel_loop3A_362  : i32 {
        %parallel_loop3A_489 = arith.constant 3 : i32
        %parallel_loop3A_490 = arith.index_cast %parallel_loop3A_489 : i32 to index
        %parallel_loop3A_491 = arith.index_cast %parallel_loop3A_488 : i32 to index
        %parallel_loop3A_492 = tpu.vector_load %arg10[%parallel_loop3A_490, %parallel_loop3A_491] {strides = array<i32>} : memref<8x2048xf32, #tpu.memory_space<vmem>>, vector<1x16xf32>,
        %parallel_loop3A_493 = vector.shape_cast %parallel_loop3A_492 : vector<1x16xf32> to vector<16xf32>
        %parallel_loop3A_494 = arith.constant 3 : i32
        %parallel_loop3A_495 = arith.index_cast %parallel_loop3A_494 : i32 to index
        %parallel_loop3A_496 = arith.index_cast %parallel_loop3A_488 : i32 to index
        %parallel_loop3A_497 = tpu.vector_load %arg6[%parallel_loop3A_495, %parallel_loop3A_496] {strides = array<i32>} : memref<8x2048xf32, #tpu.memory_space<vmem>>, vector<1x16xf32>,
        %parallel_loop3A_498 = vector.shape_cast %parallel_loop3A_497 : vector<1x16xf32> to vector<16xf32>
        %parallel_loop3A_499 = vector.shape_cast %parallel_loop3A_493 : vector<16xf32> to vector<1x16xf32>
        tpu.vector_store %arg6[%parallel_loop3A_495, %parallel_loop3A_496], %parallel_loop3A_499 {add = true, strides = array<i32>} : memref<8x2048xf32, #tpu.memory_space<vmem>>, vector<1x16xf32>,
      } {sc.loop_unroll_factor = 8 : i64, sc.parallel_access}
      %parallel_loop3A_363 = arith.constant 0 : i32
      %parallel_loop3A_364 = arith.constant 2048 : i32
      %parallel_loop3A_365 = arith.constant 16 : i32
      scf.for %parallel_loop3A_488 = %parallel_loop3A_363 to %parallel_loop3A_364 step %parallel_loop3A_365  : i32 {
        %parallel_loop3A_489 = arith.constant 4 : i32
        %parallel_loop3A_490 = arith.index_cast %parallel_loop3A_489 : i32 to index
        %parallel_loop3A_491 = arith.index_cast %parallel_loop3A_488 : i32 to index
        %parallel_loop3A_492 = tpu.vector_load %arg10[%parallel_loop3A_490, %parallel_loop3A_491] {strides = array<i32>} : memref<8x2048xf32, #tpu.memory_space<vmem>>, vector<1x16xf32>,
        %parallel_loop3A_493 = vector.shape_cast %parallel_loop3A_492 : vector<1x16xf32> to vector<16xf32>
        %parallel_loop3A_494 = arith.constant 4 : i32
        %parallel_loop3A_495 = arith.index_cast %parallel_loop3A_494 : i32 to index
        %parallel_loop3A_496 = arith.index_cast %parallel_loop3A_488 : i32 to index
        %parallel_loop3A_497 = tpu.vector_load %arg6[%parallel_loop3A_495, %parallel_loop3A_496] {strides = array<i32>} : memref<8x2048xf32, #tpu.memory_space<vmem>>, vector<1x16xf32>,
        %parallel_loop3A_498 = vector.shape_cast %parallel_loop3A_497 : vector<1x16xf32> to vector<16xf32>
        %parallel_loop3A_499 = vector.shape_cast %parallel_loop3A_493 : vector<16xf32> to vector<1x16xf32>
        tpu.vector_store %arg6[%parallel_loop3A_495, %parallel_loop3A_496], %parallel_loop3A_499 {add = true, strides = array<i32>} : memref<8x2048xf32, #tpu.memory_space<vmem>>, vector<1x16xf32>,
      } {sc.loop_unroll_factor = 8 : i64, sc.parallel_access}
      %parallel_loop3A_366 = arith.constant 0 : i32
      %parallel_loop3A_367 = arith.constant 2048 : i32
      %parallel_loop3A_368 = arith.constant 16 : i32
      scf.for %parallel_loop3A_488 = %parallel_loop3A_366 to %parallel_loop3A_367 step %parallel_loop3A_368  : i32 {
        %parallel_loop3A_489 = arith.constant 5 : i32
        %parallel_loop3A_490 = arith.index_cast %parallel_loop3A_489 : i32 to index
        %parallel_loop3A_491 = arith.index_cast %parallel_loop3A_488 : i32 to index
        %parallel_loop3A_492 = tpu.vector_load %arg10[%parallel_loop3A_490, %parallel_loop3A_491] {strides = array<i32>} : memref<8x2048xf32, #tpu.memory_space<vmem>>, vector<1x16xf32>,
        %parallel_loop3A_493 = vector.shape_cast %parallel_loop3A_492 : vector<1x16xf32> to vector<16xf32>
        %parallel_loop3A_494 = arith.constant 5 : i32
        %parallel_loop3A_495 = arith.index_cast %parallel_loop3A_494 : i32 to index
        %parallel_loop3A_496 = arith.index_cast %parallel_loop3A_488 : i32 to index
        %parallel_loop3A_497 = tpu.vector_load %arg6[%parallel_loop3A_495, %parallel_loop3A_496] {strides = array<i32>} : memref<8x2048xf32, #tpu.memory_space<vmem>>, vector<1x16xf32>,
        %parallel_loop3A_498 = vector.shape_cast %parallel_loop3A_497 : vector<1x16xf32> to vector<16xf32>
        %parallel_loop3A_499 = vector.shape_cast %parallel_loop3A_493 : vector<16xf32> to vector<1x16xf32>
        tpu.vector_store %arg6[%parallel_loop3A_495, %parallel_loop3A_496], %parallel_loop3A_499 {add = true, strides = array<i32>} : memref<8x2048xf32, #tpu.memory_space<vmem>>, vector<1x16xf32>,
      } {sc.loop_unroll_factor = 8 : i64, sc.parallel_access}
      %parallel_loop3A_369 = arith.constant 0 : i32
      %parallel_loop3A_370 = arith.constant 2048 : i32
      %parallel_loop3A_371 = arith.constant 16 : i32
      scf.for %parallel_loop3A_488 = %parallel_loop3A_369 to %parallel_loop3A_370 step %parallel_loop3A_371  : i32 {
        %parallel_loop3A_489 = arith.constant 6 : i32
        %parallel_loop3A_490 = arith.index_cast %parallel_loop3A_489 : i32 to index
        %parallel_loop3A_491 = arith.index_cast %parallel_loop3A_488 : i32 to index
        %parallel_loop3A_492 = tpu.vector_load %arg10[%parallel_loop3A_490, %parallel_loop3A_491] {strides = array<i32>} : memref<8x2048xf32, #tpu.memory_space<vmem>>, vector<1x16xf32>,
        %parallel_loop3A_493 = vector.shape_cast %parallel_loop3A_492 : vector<1x16xf32> to vector<16xf32>
        %parallel_loop3A_494 = arith.constant 6 : i32
        %parallel_loop3A_495 = arith.index_cast %parallel_loop3A_494 : i32 to index
        %parallel_loop3A_496 = arith.index_cast %parallel_loop3A_488 : i32 to index
        %parallel_loop3A_497 = tpu.vector_load %arg6[%parallel_loop3A_495, %parallel_loop3A_496] {strides = array<i32>} : memref<8x2048xf32, #tpu.memory_space<vmem>>, vector<1x16xf32>,
        %parallel_loop3A_498 = vector.shape_cast %parallel_loop3A_497 : vector<1x16xf32> to vector<16xf32>
        %parallel_loop3A_499 = vector.shape_cast %parallel_loop3A_493 : vector<16xf32> to vector<1x16xf32>
        tpu.vector_store %arg6[%parallel_loop3A_495, %parallel_loop3A_496], %parallel_loop3A_499 {add = true, strides = array<i32>} : memref<8x2048xf32, #tpu.memory_space<vmem>>, vector<1x16xf32>,
      } {sc.loop_unroll_factor = 8 : i64, sc.parallel_access}
      %parallel_loop3A_372 = arith.constant 0 : i32
      %parallel_loop3A_373 = arith.constant 2048 : i32
      %parallel_loop3A_374 = arith.constant 16 : i32
      scf.for %parallel_loop3A_488 = %parallel_loop3A_372 to %parallel_loop3A_373 step %parallel_loop3A_374  : i32 {
        %parallel_loop3A_489 = arith.constant 7 : i32
        %parallel_loop3A_490 = arith.index_cast %parallel_loop3A_489 : i32 to index
        %parallel_loop3A_491 = arith.index_cast %parallel_loop3A_488 : i32 to index
        %parallel_loop3A_492 = tpu.vector_load %arg10[%parallel_loop3A_490, %parallel_loop3A_491] {strides = array<i32>} : memref<8x2048xf32, #tpu.memory_space<vmem>>, vector<1x16xf32>,
        %parallel_loop3A_493 = vector.shape_cast %parallel_loop3A_492 : vector<1x16xf32> to vector<16xf32>
        %parallel_loop3A_494 = arith.constant 7 : i32
        %parallel_loop3A_495 = arith.index_cast %parallel_loop3A_494 : i32 to index
        %parallel_loop3A_496 = arith.index_cast %parallel_loop3A_488 : i32 to index
        %parallel_loop3A_497 = tpu.vector_load %arg6[%parallel_loop3A_495, %parallel_loop3A_496] {strides = array<i32>} : memref<8x2048xf32, #tpu.memory_space<vmem>>, vector<1x16xf32>,
        %parallel_loop3A_498 = vector.shape_cast %parallel_loop3A_497 : vector<1x16xf32> to vector<16xf32>
        %parallel_loop3A_499 = vector.shape_cast %parallel_loop3A_493 : vector<16xf32> to vector<1x16xf32>
        tpu.vector_store %arg6[%parallel_loop3A_495, %parallel_loop3A_496], %parallel_loop3A_499 {add = true, strides = array<i32>} : memref<8x2048xf32, #tpu.memory_space<vmem>>, vector<1x16xf32>,
      } {sc.loop_unroll_factor = 8 : i64, sc.parallel_access}
      %add3A_375 = arith.constant 8192 : i32
      %add3A_376 = arith.addi %add3A_375, %mul3A_2 : i32
      %mul3A_377 = arith.constant 8 : i32
      %mul3A_378 = arith.muli %add3A_265, %mul3A_377 : i32
      %add3A_379 = arith.addi %add3A_376, %mul3A_378 : i32
      %dma_start3A_380 = arith.constant 0 : i32
      %dma_start3A_381 = tpu.memref_slice %arg4[%add3A_379, %dma_start3A_380] : memref<32768x2048xf32, #tpu.memory_space<hbm>> -> memref<8x2048xf32, #tpu.memory_space<hbm>>
      %dma_start3A_382 = arith.constant 0 : i32
      %dma_start3A_383 = tpu.memref_slice %arg4[%add3A_379, %dma_start3A_382] : memref<32768x2048xf32, #tpu.memory_space<hbm>> -> memref<8x2048xf32, #tpu.memory_space<hbm>>
      tpu.enqueue_dma source(%arg6 : memref<8x2048xf32, #tpu.memory_space<vmem>>) target(%dma_start3A_383 : memref<8x2048xf32, #tpu.memory_space<hbm>>) target_semaphore(%arg16 : memref<!tpu.dma_semaphore, #tpu.memory_space<semaphore_mem>>)
      %dma_wait3A_384 = arith.constant 0 : i32
      %dma_wait3A_385 = arith.constant 0 : i32
      %dma_wait3A_386 = tpu.memref_slice %arg4[%dma_wait3A_384, %dma_wait3A_385] : memref<32768x2048xf32, #tpu.memory_space<hbm>> -> memref<8x2048xf32, #tpu.memory_space<hbm>>
      %dma_wait3A_387 = arith.constant 0 : i32
      %dma_wait3A_388 = arith.constant 0 : i32
      %dma_wait3A_389 = tpu.memref_slice %arg4[%dma_wait3A_387, %dma_wait3A_388] : memref<32768x2048xf32, #tpu.memory_space<hbm>> -> memref<8x2048xf32, #tpu.memory_space<hbm>>
      tpu.wait_dma2 semaphore(%arg16 : memref<!tpu.dma_semaphore, #tpu.memory_space<semaphore_mem>>) src(%arg6 : memref<8x2048xf32, #tpu.memory_space<vmem>>) dst(%dma_wait3A_389 : memref<8x2048xf32, #tpu.memory_space<hbm>>)
      %add3A_390 = arith.constant 1 : i32
      %add3A_391 = arith.addi %add3A_265, %add3A_390 : i32
      %lt3A_392 = arith.constant 32 : i32
      %lt3A_393 = arith.cmpi slt, %add3A_391, %lt3A_392 : i32
      %convert_element_type3A_394 = arith.extui %lt3A_393 : i1 to i32
      %cond3A_395 = arith.constant 0 : i32
      %cond3A_396 = arith.cmpi ne, %convert_element_type3A_394, %cond3A_395 : i32
      scf.if %cond3A_396 {
        %add3A_488 = arith.constant 1 : i32
        %add3A_489 = arith.addi %add3A_265, %add3A_488 : i32
        %add3A_490 = arith.constant 8192 : i32
        %add3A_491 = arith.addi %add3A_490, %mul3A_2 : i32
        %mul3A_492 = arith.constant 8 : i32
        %mul3A_493 = arith.muli %add3A_489, %mul3A_492 : i32
        %add3A_494 = arith.addi %add3A_491, %mul3A_493 : i32
        %dma_start3A_495 = arith.constant 0 : i32
        %dma_start3A_496 = tpu.memref_slice %arg2[%add3A_494, %dma_start3A_495] : memref<32768x2048xf32, #tpu.memory_space<hbm>> -> memref<8x2048xf32, #tpu.memory_space<hbm>>
        %dma_start3A_497 = arith.constant 0 : i32
        %dma_start3A_498 = tpu.memref_slice %arg2[%add3A_494, %dma_start3A_497] : memref<32768x2048xf32, #tpu.memory_space<hbm>> -> memref<8x2048xf32, #tpu.memory_space<hbm>>
        tpu.enqueue_dma source(%dma_start3A_498 : memref<8x2048xf32, #tpu.memory_space<hbm>>) target(%arg6 : memref<8x2048xf32, #tpu.memory_space<vmem>>) target_semaphore(%arg12 : memref<!tpu.dma_semaphore, #tpu.memory_space<semaphore_mem>>)
      } else {
      }
      %dma_wait3A_397 = arith.constant 0 : i32
      %dma_wait3A_398 = arith.constant 0 : i32
      %dma_wait3A_399 = tpu.memref_slice %arg2[%dma_wait3A_397, %dma_wait3A_398] : memref<32768x2048xf32, #tpu.memory_space<hbm>> -> memref<8x2048xf32, #tpu.memory_space<hbm>>
      %dma_wait3A_400 = arith.constant 0 : i32
      %dma_wait3A_401 = arith.constant 0 : i32
      %dma_wait3A_402 = tpu.memref_slice %arg2[%dma_wait3A_400, %dma_wait3A_401] : memref<32768x2048xf32, #tpu.memory_space<hbm>> -> memref<8x2048xf32, #tpu.memory_space<hbm>>
      tpu.wait_dma2 semaphore(%arg13 : memref<!tpu.dma_semaphore, #tpu.memory_space<semaphore_mem>>) src(%dma_wait3A_402 : memref<8x2048xf32, #tpu.memory_space<hbm>>) dst(%arg7 : memref<8x2048xf32, #tpu.memory_space<vmem>>)
      %parallel_loop3A_403 = arith.constant 0 : i32
      %parallel_loop3A_404 = arith.constant 2048 : i32
      %parallel_loop3A_405 = arith.constant 16 : i32
      scf.for %parallel_loop3A_488 = %parallel_loop3A_403 to %parallel_loop3A_404 step %parallel_loop3A_405  : i32 {
        %parallel_loop3A_489 = arith.constant 0 : i32
        %parallel_loop3A_490 = arith.index_cast %parallel_loop3A_489 : i32 to index
        %parallel_loop3A_491 = arith.index_cast %parallel_loop3A_488 : i32 to index
        %parallel_loop3A_492 = tpu.vector_load %arg10[%parallel_loop3A_490, %parallel_loop3A_491] {strides = array<i32>} : memref<8x2048xf32, #tpu.memory_space<vmem>>, vector<1x16xf32>,
        %parallel_loop3A_493 = vector.shape_cast %parallel_loop3A_492 : vector<1x16xf32> to vector<16xf32>
        %parallel_loop3A_494 = arith.constant 0 : i32
        %parallel_loop3A_495 = arith.index_cast %parallel_loop3A_494 : i32 to index
        %parallel_loop3A_496 = arith.index_cast %parallel_loop3A_488 : i32 to index
        %parallel_loop3A_497 = tpu.vector_load %arg7[%parallel_loop3A_495, %parallel_loop3A_496] {strides = array<i32>} : memref<8x2048xf32, #tpu.memory_space<vmem>>, vector<1x16xf32>,
        %parallel_loop3A_498 = vector.shape_cast %parallel_loop3A_497 : vector<1x16xf32> to vector<16xf32>
        %parallel_loop3A_499 = vector.shape_cast %parallel_loop3A_493 : vector<16xf32> to vector<1x16xf32>
        tpu.vector_store %arg7[%parallel_loop3A_495, %parallel_loop3A_496], %parallel_loop3A_499 {add = true, strides = array<i32>} : memref<8x2048xf32, #tpu.memory_space<vmem>>, vector<1x16xf32>,
      } {sc.loop_unroll_factor = 8 : i64, sc.parallel_access}
      %parallel_loop3A_406 = arith.constant 0 : i32
      %parallel_loop3A_407 = arith.constant 2048 : i32
      %parallel_loop3A_408 = arith.constant 16 : i32
      scf.for %parallel_loop3A_488 = %parallel_loop3A_406 to %parallel_loop3A_407 step %parallel_loop3A_408  : i32 {
        %parallel_loop3A_489 = arith.constant 1 : i32
        %parallel_loop3A_490 = arith.index_cast %parallel_loop3A_489 : i32 to index
        %parallel_loop3A_491 = arith.index_cast %parallel_loop3A_488 : i32 to index
        %parallel_loop3A_492 = tpu.vector_load %arg10[%parallel_loop3A_490, %parallel_loop3A_491] {strides = array<i32>} : memref<8x2048xf32, #tpu.memory_space<vmem>>, vector<1x16xf32>,
        %parallel_loop3A_493 = vector.shape_cast %parallel_loop3A_492 : vector<1x16xf32> to vector<16xf32>
        %parallel_loop3A_494 = arith.constant 1 : i32
        %parallel_loop3A_495 = arith.index_cast %parallel_loop3A_494 : i32 to index
        %parallel_loop3A_496 = arith.index_cast %parallel_loop3A_488 : i32 to index
        %parallel_loop3A_497 = tpu.vector_load %arg7[%parallel_loop3A_495, %parallel_loop3A_496] {strides = array<i32>} : memref<8x2048xf32, #tpu.memory_space<vmem>>, vector<1x16xf32>,
        %parallel_loop3A_498 = vector.shape_cast %parallel_loop3A_497 : vector<1x16xf32> to vector<16xf32>
        %parallel_loop3A_499 = vector.shape_cast %parallel_loop3A_493 : vector<16xf32> to vector<1x16xf32>
        tpu.vector_store %arg7[%parallel_loop3A_495, %parallel_loop3A_496], %parallel_loop3A_499 {add = true, strides = array<i32>} : memref<8x2048xf32, #tpu.memory_space<vmem>>, vector<1x16xf32>,
      } {sc.loop_unroll_factor = 8 : i64, sc.parallel_access}
      %parallel_loop3A_409 = arith.constant 0 : i32
      %parallel_loop3A_410 = arith.constant 2048 : i32
      %parallel_loop3A_411 = arith.constant 16 : i32
      scf.for %parallel_loop3A_488 = %parallel_loop3A_409 to %parallel_loop3A_410 step %parallel_loop3A_411  : i32 {
        %parallel_loop3A_489 = arith.constant 2 : i32
        %parallel_loop3A_490 = arith.index_cast %parallel_loop3A_489 : i32 to index
        %parallel_loop3A_491 = arith.index_cast %parallel_loop3A_488 : i32 to index
        %parallel_loop3A_492 = tpu.vector_load %arg10[%parallel_loop3A_490, %parallel_loop3A_491] {strides = array<i32>} : memref<8x2048xf32, #tpu.memory_space<vmem>>, vector<1x16xf32>,
        %parallel_loop3A_493 = vector.shape_cast %parallel_loop3A_492 : vector<1x16xf32> to vector<16xf32>
        %parallel_loop3A_494 = arith.constant 2 : i32
        %parallel_loop3A_495 = arith.index_cast %parallel_loop3A_494 : i32 to index
        %parallel_loop3A_496 = arith.index_cast %parallel_loop3A_488 : i32 to index
        %parallel_loop3A_497 = tpu.vector_load %arg7[%parallel_loop3A_495, %parallel_loop3A_496] {strides = array<i32>} : memref<8x2048xf32, #tpu.memory_space<vmem>>, vector<1x16xf32>,
        %parallel_loop3A_498 = vector.shape_cast %parallel_loop3A_497 : vector<1x16xf32> to vector<16xf32>
        %parallel_loop3A_499 = vector.shape_cast %parallel_loop3A_493 : vector<16xf32> to vector<1x16xf32>
        tpu.vector_store %arg7[%parallel_loop3A_495, %parallel_loop3A_496], %parallel_loop3A_499 {add = true, strides = array<i32>} : memref<8x2048xf32, #tpu.memory_space<vmem>>, vector<1x16xf32>,
      } {sc.loop_unroll_factor = 8 : i64, sc.parallel_access}
      %parallel_loop3A_412 = arith.constant 0 : i32
      %parallel_loop3A_413 = arith.constant 2048 : i32
      %parallel_loop3A_414 = arith.constant 16 : i32
      scf.for %parallel_loop3A_488 = %parallel_loop3A_412 to %parallel_loop3A_413 step %parallel_loop3A_414  : i32 {
        %parallel_loop3A_489 = arith.constant 3 : i32
        %parallel_loop3A_490 = arith.index_cast %parallel_loop3A_489 : i32 to index
        %parallel_loop3A_491 = arith.index_cast %parallel_loop3A_488 : i32 to index
        %parallel_loop3A_492 = tpu.vector_load %arg10[%parallel_loop3A_490, %parallel_loop3A_491] {strides = array<i32>} : memref<8x2048xf32, #tpu.memory_space<vmem>>, vector<1x16xf32>,
        %parallel_loop3A_493 = vector.shape_cast %parallel_loop3A_492 : vector<1x16xf32> to vector<16xf32>
        %parallel_loop3A_494 = arith.constant 3 : i32
        %parallel_loop3A_495 = arith.index_cast %parallel_loop3A_494 : i32 to index
        %parallel_loop3A_496 = arith.index_cast %parallel_loop3A_488 : i32 to index
        %parallel_loop3A_497 = tpu.vector_load %arg7[%parallel_loop3A_495, %parallel_loop3A_496] {strides = array<i32>} : memref<8x2048xf32, #tpu.memory_space<vmem>>, vector<1x16xf32>,
        %parallel_loop3A_498 = vector.shape_cast %parallel_loop3A_497 : vector<1x16xf32> to vector<16xf32>
        %parallel_loop3A_499 = vector.shape_cast %parallel_loop3A_493 : vector<16xf32> to vector<1x16xf32>
        tpu.vector_store %arg7[%parallel_loop3A_495, %parallel_loop3A_496], %parallel_loop3A_499 {add = true, strides = array<i32>} : memref<8x2048xf32, #tpu.memory_space<vmem>>, vector<1x16xf32>,
      } {sc.loop_unroll_factor = 8 : i64, sc.parallel_access}
      %parallel_loop3A_415 = arith.constant 0 : i32
      %parallel_loop3A_416 = arith.constant 2048 : i32
      %parallel_loop3A_417 = arith.constant 16 : i32
      scf.for %parallel_loop3A_488 = %parallel_loop3A_415 to %parallel_loop3A_416 step %parallel_loop3A_417  : i32 {
        %parallel_loop3A_489 = arith.constant 4 : i32
        %parallel_loop3A_490 = arith.index_cast %parallel_loop3A_489 : i32 to index
        %parallel_loop3A_491 = arith.index_cast %parallel_loop3A_488 : i32 to index
        %parallel_loop3A_492 = tpu.vector_load %arg10[%parallel_loop3A_490, %parallel_loop3A_491] {strides = array<i32>} : memref<8x2048xf32, #tpu.memory_space<vmem>>, vector<1x16xf32>,
        %parallel_loop3A_493 = vector.shape_cast %parallel_loop3A_492 : vector<1x16xf32> to vector<16xf32>
        %parallel_loop3A_494 = arith.constant 4 : i32
        %parallel_loop3A_495 = arith.index_cast %parallel_loop3A_494 : i32 to index
        %parallel_loop3A_496 = arith.index_cast %parallel_loop3A_488 : i32 to index
        %parallel_loop3A_497 = tpu.vector_load %arg7[%parallel_loop3A_495, %parallel_loop3A_496] {strides = array<i32>} : memref<8x2048xf32, #tpu.memory_space<vmem>>, vector<1x16xf32>,
        %parallel_loop3A_498 = vector.shape_cast %parallel_loop3A_497 : vector<1x16xf32> to vector<16xf32>
        %parallel_loop3A_499 = vector.shape_cast %parallel_loop3A_493 : vector<16xf32> to vector<1x16xf32>
        tpu.vector_store %arg7[%parallel_loop3A_495, %parallel_loop3A_496], %parallel_loop3A_499 {add = true, strides = array<i32>} : memref<8x2048xf32, #tpu.memory_space<vmem>>, vector<1x16xf32>,
      } {sc.loop_unroll_factor = 8 : i64, sc.parallel_access}
      %parallel_loop3A_418 = arith.constant 0 : i32
      %parallel_loop3A_419 = arith.constant 2048 : i32
      %parallel_loop3A_420 = arith.constant 16 : i32
      scf.for %parallel_loop3A_488 = %parallel_loop3A_418 to %parallel_loop3A_419 step %parallel_loop3A_420  : i32 {
        %parallel_loop3A_489 = arith.constant 5 : i32
        %parallel_loop3A_490 = arith.index_cast %parallel_loop3A_489 : i32 to index
        %parallel_loop3A_491 = arith.index_cast %parallel_loop3A_488 : i32 to index
        %parallel_loop3A_492 = tpu.vector_load %arg10[%parallel_loop3A_490, %parallel_loop3A_491] {strides = array<i32>} : memref<8x2048xf32, #tpu.memory_space<vmem>>, vector<1x16xf32>,
        %parallel_loop3A_493 = vector.shape_cast %parallel_loop3A_492 : vector<1x16xf32> to vector<16xf32>
        %parallel_loop3A_494 = arith.constant 5 : i32
        %parallel_loop3A_495 = arith.index_cast %parallel_loop3A_494 : i32 to index
        %parallel_loop3A_496 = arith.index_cast %parallel_loop3A_488 : i32 to index
        %parallel_loop3A_497 = tpu.vector_load %arg7[%parallel_loop3A_495, %parallel_loop3A_496] {strides = array<i32>} : memref<8x2048xf32, #tpu.memory_space<vmem>>, vector<1x16xf32>,
        %parallel_loop3A_498 = vector.shape_cast %parallel_loop3A_497 : vector<1x16xf32> to vector<16xf32>
        %parallel_loop3A_499 = vector.shape_cast %parallel_loop3A_493 : vector<16xf32> to vector<1x16xf32>
        tpu.vector_store %arg7[%parallel_loop3A_495, %parallel_loop3A_496], %parallel_loop3A_499 {add = true, strides = array<i32>} : memref<8x2048xf32, #tpu.memory_space<vmem>>, vector<1x16xf32>,
      } {sc.loop_unroll_factor = 8 : i64, sc.parallel_access}
      %parallel_loop3A_421 = arith.constant 0 : i32
      %parallel_loop3A_422 = arith.constant 2048 : i32
      %parallel_loop3A_423 = arith.constant 16 : i32
      scf.for %parallel_loop3A_488 = %parallel_loop3A_421 to %parallel_loop3A_422 step %parallel_loop3A_423  : i32 {
        %parallel_loop3A_489 = arith.constant 6 : i32
        %parallel_loop3A_490 = arith.index_cast %parallel_loop3A_489 : i32 to index
        %parallel_loop3A_491 = arith.index_cast %parallel_loop3A_488 : i32 to index
        %parallel_loop3A_492 = tpu.vector_load %arg10[%parallel_loop3A_490, %parallel_loop3A_491] {strides = array<i32>} : memref<8x2048xf32, #tpu.memory_space<vmem>>, vector<1x16xf32>,
        %parallel_loop3A_493 = vector.shape_cast %parallel_loop3A_492 : vector<1x16xf32> to vector<16xf32>
        %parallel_loop3A_494 = arith.constant 6 : i32
        %parallel_loop3A_495 = arith.index_cast %parallel_loop3A_494 : i32 to index
        %parallel_loop3A_496 = arith.index_cast %parallel_loop3A_488 : i32 to index
        %parallel_loop3A_497 = tpu.vector_load %arg7[%parallel_loop3A_495, %parallel_loop3A_496] {strides = array<i32>} : memref<8x2048xf32, #tpu.memory_space<vmem>>, vector<1x16xf32>,
        %parallel_loop3A_498 = vector.shape_cast %parallel_loop3A_497 : vector<1x16xf32> to vector<16xf32>
        %parallel_loop3A_499 = vector.shape_cast %parallel_loop3A_493 : vector<16xf32> to vector<1x16xf32>
        tpu.vector_store %arg7[%parallel_loop3A_495, %parallel_loop3A_496], %parallel_loop3A_499 {add = true, strides = array<i32>} : memref<8x2048xf32, #tpu.memory_space<vmem>>, vector<1x16xf32>,
      } {sc.loop_unroll_factor = 8 : i64, sc.parallel_access}
      %parallel_loop3A_424 = arith.constant 0 : i32
      %parallel_loop3A_425 = arith.constant 2048 : i32
      %parallel_loop3A_426 = arith.constant 16 : i32
      scf.for %parallel_loop3A_488 = %parallel_loop3A_424 to %parallel_loop3A_425 step %parallel_loop3A_426  : i32 {
        %parallel_loop3A_489 = arith.constant 7 : i32
        %parallel_loop3A_490 = arith.index_cast %parallel_loop3A_489 : i32 to index
        %parallel_loop3A_491 = arith.index_cast %parallel_loop3A_488 : i32 to index
        %parallel_loop3A_492 = tpu.vector_load %arg10[%parallel_loop3A_490, %parallel_loop3A_491] {strides = array<i32>} : memref<8x2048xf32, #tpu.memory_space<vmem>>, vector<1x16xf32>,
        %parallel_loop3A_493 = vector.shape_cast %parallel_loop3A_492 : vector<1x16xf32> to vector<16xf32>
        %parallel_loop3A_494 = arith.constant 7 : i32
        %parallel_loop3A_495 = arith.index_cast %parallel_loop3A_494 : i32 to index
        %parallel_loop3A_496 = arith.index_cast %parallel_loop3A_488 : i32 to index
        %parallel_loop3A_497 = tpu.vector_load %arg7[%parallel_loop3A_495, %parallel_loop3A_496] {strides = array<i32>} : memref<8x2048xf32, #tpu.memory_space<vmem>>, vector<1x16xf32>,
        %parallel_loop3A_498 = vector.shape_cast %parallel_loop3A_497 : vector<1x16xf32> to vector<16xf32>
        %parallel_loop3A_499 = vector.shape_cast %parallel_loop3A_493 : vector<16xf32> to vector<1x16xf32>
        tpu.vector_store %arg7[%parallel_loop3A_495, %parallel_loop3A_496], %parallel_loop3A_499 {add = true, strides = array<i32>} : memref<8x2048xf32, #tpu.memory_space<vmem>>, vector<1x16xf32>,
      } {sc.loop_unroll_factor = 8 : i64, sc.parallel_access}
      %add3A_427 = arith.constant 16384 : i32
      %add3A_428 = arith.addi %add3A_427, %mul3A_2 : i32
      %mul3A_429 = arith.constant 8 : i32
      %mul3A_430 = arith.muli %add3A_265, %mul3A_429 : i32
      %add3A_431 = arith.addi %add3A_428, %mul3A_430 : i32
      %dma_start3A_432 = arith.constant 0 : i32
      %dma_start3A_433 = tpu.memref_slice %arg4[%add3A_431, %dma_start3A_432] : memref<32768x2048xf32, #tpu.memory_space<hbm>> -> memref<8x2048xf32, #tpu.memory_space<hbm>>
      %dma_start3A_434 = arith.constant 0 : i32
      %dma_start3A_435 = tpu.memref_slice %arg4[%add3A_431, %dma_start3A_434] : memref<32768x2048xf32, #tpu.memory_space<hbm>> -> memref<8x2048xf32, #tpu.memory_space<hbm>>
      tpu.enqueue_dma source(%arg7 : memref<8x2048xf32, #tpu.memory_space<vmem>>) target(%dma_start3A_435 : memref<8x2048xf32, #tpu.memory_space<hbm>>) target_semaphore(%arg17 : memref<!tpu.dma_semaphore, #tpu.memory_space<semaphore_mem>>)
      %dma_wait3A_436 = arith.constant 0 : i32
      %dma_wait3A_437 = arith.constant 0 : i32
      %dma_wait3A_438 = tpu.memref_slice %arg4[%dma_wait3A_436, %dma_wait3A_437] : memref<32768x2048xf32, #tpu.memory_space<hbm>> -> memref<8x2048xf32, #tpu.memory_space<hbm>>
      %dma_wait3A_439 = arith.constant 0 : i32
      %dma_wait3A_440 = arith.constant 0 : i32
      %dma_wait3A_441 = tpu.memref_slice %arg4[%dma_wait3A_439, %dma_wait3A_440] : memref<32768x2048xf32, #tpu.memory_space<hbm>> -> memref<8x2048xf32, #tpu.memory_space<hbm>>
      tpu.wait_dma2 semaphore(%arg17 : memref<!tpu.dma_semaphore, #tpu.memory_space<semaphore_mem>>) src(%arg7 : memref<8x2048xf32, #tpu.memory_space<vmem>>) dst(%dma_wait3A_441 : memref<8x2048xf32, #tpu.memory_space<hbm>>)
      %add3A_442 = arith.constant 1 : i32
      %add3A_443 = arith.addi %add3A_265, %add3A_442 : i32
      %lt3A_444 = arith.constant 32 : i32
      %lt3A_445 = arith.cmpi slt, %add3A_443, %lt3A_444 : i32
      %convert_element_type3A_446 = arith.extui %lt3A_445 : i1 to i32
      %cond3A_447 = arith.constant 0 : i32
      %cond3A_448 = arith.cmpi ne, %convert_element_type3A_446, %cond3A_447 : i32
      scf.if %cond3A_448 {
        %add3A_488 = arith.constant 1 : i32
        %add3A_489 = arith.addi %add3A_265, %add3A_488 : i32
        %add3A_490 = arith.constant 16384 : i32
        %add3A_491 = arith.addi %add3A_490, %mul3A_2 : i32
        %mul3A_492 = arith.constant 8 : i32
        %mul3A_493 = arith.muli %add3A_489, %mul3A_492 : i32
        %add3A_494 = arith.addi %add3A_491, %mul3A_493 : i32
        %dma_start3A_495 = arith.constant 0 : i32
        %dma_start3A_496 = tpu.memref_slice %arg2[%add3A_494, %dma_start3A_495] : memref<32768x2048xf32, #tpu.memory_space<hbm>> -> memref<8x2048xf32, #tpu.memory_space<hbm>>
        %dma_start3A_497 = arith.constant 0 : i32
        %dma_start3A_498 = tpu.memref_slice %arg2[%add3A_494, %dma_start3A_497] : memref<32768x2048xf32, #tpu.memory_space<hbm>> -> memref<8x2048xf32, #tpu.memory_space<hbm>>
        tpu.enqueue_dma source(%dma_start3A_498 : memref<8x2048xf32, #tpu.memory_space<hbm>>) target(%arg7 : memref<8x2048xf32, #tpu.memory_space<vmem>>) target_semaphore(%arg13 : memref<!tpu.dma_semaphore, #tpu.memory_space<semaphore_mem>>)
      } else {
      }
      %dma_wait3A_449 = arith.constant 0 : i32
      %dma_wait3A_450 = arith.constant 0 : i32
      %dma_wait3A_451 = tpu.memref_slice %arg2[%dma_wait3A_449, %dma_wait3A_450] : memref<32768x2048xf32, #tpu.memory_space<hbm>> -> memref<8x2048xf32, #tpu.memory_space<hbm>>
      %dma_wait3A_452 = arith.constant 0 : i32
      %dma_wait3A_453 = arith.constant 0 : i32
      %dma_wait3A_454 = tpu.memref_slice %arg2[%dma_wait3A_452, %dma_wait3A_453] : memref<32768x2048xf32, #tpu.memory_space<hbm>> -> memref<8x2048xf32, #tpu.memory_space<hbm>>
      tpu.wait_dma2 semaphore(%arg14 : memref<!tpu.dma_semaphore, #tpu.memory_space<semaphore_mem>>) src(%dma_wait3A_454 : memref<8x2048xf32, #tpu.memory_space<hbm>>) dst(%arg8 : memref<8x2048xf32, #tpu.memory_space<vmem>>)
      %parallel_loop3A_455 = arith.constant 0 : i32
      %parallel_loop3A_456 = arith.constant 2048 : i32
      %parallel_loop3A_457 = arith.constant 16 : i32
      scf.for %parallel_loop3A_488 = %parallel_loop3A_455 to %parallel_loop3A_456 step %parallel_loop3A_457  : i32 {
        %parallel_loop3A_489 = arith.constant 0 : i32
        %parallel_loop3A_490 = arith.index_cast %parallel_loop3A_489 : i32 to index
        %parallel_loop3A_491 = arith.index_cast %parallel_loop3A_488 : i32 to index
        %parallel_loop3A_492 = tpu.vector_load %arg10[%parallel_loop3A_490, %parallel_loop3A_491] {strides = array<i32>} : memref<8x2048xf32, #tpu.memory_space<vmem>>, vector<1x16xf32>,
        %parallel_loop3A_493 = vector.shape_cast %parallel_loop3A_492 : vector<1x16xf32> to vector<16xf32>
        %parallel_loop3A_494 = arith.constant 0 : i32
        %parallel_loop3A_495 = arith.index_cast %parallel_loop3A_494 : i32 to index
        %parallel_loop3A_496 = arith.index_cast %parallel_loop3A_488 : i32 to index
        %parallel_loop3A_497 = tpu.vector_load %arg8[%parallel_loop3A_495, %parallel_loop3A_496] {strides = array<i32>} : memref<8x2048xf32, #tpu.memory_space<vmem>>, vector<1x16xf32>,
        %parallel_loop3A_498 = vector.shape_cast %parallel_loop3A_497 : vector<1x16xf32> to vector<16xf32>
        %parallel_loop3A_499 = vector.shape_cast %parallel_loop3A_493 : vector<16xf32> to vector<1x16xf32>
        tpu.vector_store %arg8[%parallel_loop3A_495, %parallel_loop3A_496], %parallel_loop3A_499 {add = true, strides = array<i32>} : memref<8x2048xf32, #tpu.memory_space<vmem>>, vector<1x16xf32>,
      } {sc.loop_unroll_factor = 8 : i64, sc.parallel_access}
      %parallel_loop3A_458 = arith.constant 0 : i32
      %parallel_loop3A_459 = arith.constant 2048 : i32
      %parallel_loop3A_460 = arith.constant 16 : i32
      scf.for %parallel_loop3A_488 = %parallel_loop3A_458 to %parallel_loop3A_459 step %parallel_loop3A_460  : i32 {
        %parallel_loop3A_489 = arith.constant 1 : i32
        %parallel_loop3A_490 = arith.index_cast %parallel_loop3A_489 : i32 to index
        %parallel_loop3A_491 = arith.index_cast %parallel_loop3A_488 : i32 to index
        %parallel_loop3A_492 = tpu.vector_load %arg10[%parallel_loop3A_490, %parallel_loop3A_491] {strides = array<i32>} : memref<8x2048xf32, #tpu.memory_space<vmem>>, vector<1x16xf32>,
        %parallel_loop3A_493 = vector.shape_cast %parallel_loop3A_492 : vector<1x16xf32> to vector<16xf32>
        %parallel_loop3A_494 = arith.constant 1 : i32
        %parallel_loop3A_495 = arith.index_cast %parallel_loop3A_494 : i32 to index
        %parallel_loop3A_496 = arith.index_cast %parallel_loop3A_488 : i32 to index
        %parallel_loop3A_497 = tpu.vector_load %arg8[%parallel_loop3A_495, %parallel_loop3A_496] {strides = array<i32>} : memref<8x2048xf32, #tpu.memory_space<vmem>>, vector<1x16xf32>,
        %parallel_loop3A_498 = vector.shape_cast %parallel_loop3A_497 : vector<1x16xf32> to vector<16xf32>
        %parallel_loop3A_499 = vector.shape_cast %parallel_loop3A_493 : vector<16xf32> to vector<1x16xf32>
        tpu.vector_store %arg8[%parallel_loop3A_495, %parallel_loop3A_496], %parallel_loop3A_499 {add = true, strides = array<i32>} : memref<8x2048xf32, #tpu.memory_space<vmem>>, vector<1x16xf32>,
      } {sc.loop_unroll_factor = 8 : i64, sc.parallel_access}
      %parallel_loop3A_461 = arith.constant 0 : i32
      %parallel_loop3A_462 = arith.constant 2048 : i32
      %parallel_loop3A_463 = arith.constant 16 : i32
      scf.for %parallel_loop3A_488 = %parallel_loop3A_461 to %parallel_loop3A_462 step %parallel_loop3A_463  : i32 {
        %parallel_loop3A_489 = arith.constant 2 : i32
        %parallel_loop3A_490 = arith.index_cast %parallel_loop3A_489 : i32 to index
        %parallel_loop3A_491 = arith.index_cast %parallel_loop3A_488 : i32 to index
        %parallel_loop3A_492 = tpu.vector_load %arg10[%parallel_loop3A_490, %parallel_loop3A_491] {strides = array<i32>} : memref<8x2048xf32, #tpu.memory_space<vmem>>, vector<1x16xf32>,
        %parallel_loop3A_493 = vector.shape_cast %parallel_loop3A_492 : vector<1x16xf32> to vector<16xf32>
        %parallel_loop3A_494 = arith.constant 2 : i32
        %parallel_loop3A_495 = arith.index_cast %parallel_loop3A_494 : i32 to index
        %parallel_loop3A_496 = arith.index_cast %parallel_loop3A_488 : i32 to index
        %parallel_loop3A_497 = tpu.vector_load %arg8[%parallel_loop3A_495, %parallel_loop3A_496] {strides = array<i32>} : memref<8x2048xf32, #tpu.memory_space<vmem>>, vector<1x16xf32>,
        %parallel_loop3A_498 = vector.shape_cast %parallel_loop3A_497 : vector<1x16xf32> to vector<16xf32>
        %parallel_loop3A_499 = vector.shape_cast %parallel_loop3A_493 : vector<16xf32> to vector<1x16xf32>
        tpu.vector_store %arg8[%parallel_loop3A_495, %parallel_loop3A_496], %parallel_loop3A_499 {add = true, strides = array<i32>} : memref<8x2048xf32, #tpu.memory_space<vmem>>, vector<1x16xf32>,
      } {sc.loop_unroll_factor = 8 : i64, sc.parallel_access}
      %parallel_loop3A_464 = arith.constant 0 : i32
      %parallel_loop3A_465 = arith.constant 2048 : i32
      %parallel_loop3A_466 = arith.constant 16 : i32
      scf.for %parallel_loop3A_488 = %parallel_loop3A_464 to %parallel_loop3A_465 step %parallel_loop3A_466  : i32 {
        %parallel_loop3A_489 = arith.constant 3 : i32
        %parallel_loop3A_490 = arith.index_cast %parallel_loop3A_489 : i32 to index
        %parallel_loop3A_491 = arith.index_cast %parallel_loop3A_488 : i32 to index
        %parallel_loop3A_492 = tpu.vector_load %arg10[%parallel_loop3A_490, %parallel_loop3A_491] {strides = array<i32>} : memref<8x2048xf32, #tpu.memory_space<vmem>>, vector<1x16xf32>,
        %parallel_loop3A_493 = vector.shape_cast %parallel_loop3A_492 : vector<1x16xf32> to vector<16xf32>
        %parallel_loop3A_494 = arith.constant 3 : i32
        %parallel_loop3A_495 = arith.index_cast %parallel_loop3A_494 : i32 to index
        %parallel_loop3A_496 = arith.index_cast %parallel_loop3A_488 : i32 to index
        %parallel_loop3A_497 = tpu.vector_load %arg8[%parallel_loop3A_495, %parallel_loop3A_496] {strides = array<i32>} : memref<8x2048xf32, #tpu.memory_space<vmem>>, vector<1x16xf32>,
        %parallel_loop3A_498 = vector.shape_cast %parallel_loop3A_497 : vector<1x16xf32> to vector<16xf32>
        %parallel_loop3A_499 = vector.shape_cast %parallel_loop3A_493 : vector<16xf32> to vector<1x16xf32>
        tpu.vector_store %arg8[%parallel_loop3A_495, %parallel_loop3A_496], %parallel_loop3A_499 {add = true, strides = array<i32>} : memref<8x2048xf32, #tpu.memory_space<vmem>>, vector<1x16xf32>,
      } {sc.loop_unroll_factor = 8 : i64, sc.parallel_access}
      %parallel_loop3A_467 = arith.constant 0 : i32
      %parallel_loop3A_468 = arith.constant 2048 : i32
      %parallel_loop3A_469 = arith.constant 16 : i32
      scf.for %parallel_loop3A_488 = %parallel_loop3A_467 to %parallel_loop3A_468 step %parallel_loop3A_469  : i32 {
        %parallel_loop3A_489 = arith.constant 4 : i32
        %parallel_loop3A_490 = arith.index_cast %parallel_loop3A_489 : i32 to index
        %parallel_loop3A_491 = arith.index_cast %parallel_loop3A_488 : i32 to index
        %parallel_loop3A_492 = tpu.vector_load %arg10[%parallel_loop3A_490, %parallel_loop3A_491] {strides = array<i32>} : memref<8x2048xf32, #tpu.memory_space<vmem>>, vector<1x16xf32>,
        %parallel_loop3A_493 = vector.shape_cast %parallel_loop3A_492 : vector<1x16xf32> to vector<16xf32>
        %parallel_loop3A_494 = arith.constant 4 : i32
        %parallel_loop3A_495 = arith.index_cast %parallel_loop3A_494 : i32 to index
        %parallel_loop3A_496 = arith.index_cast %parallel_loop3A_488 : i32 to index
        %parallel_loop3A_497 = tpu.vector_load %arg8[%parallel_loop3A_495, %parallel_loop3A_496] {strides = array<i32>} : memref<8x2048xf32, #tpu.memory_space<vmem>>, vector<1x16xf32>,
        %parallel_loop3A_498 = vector.shape_cast %parallel_loop3A_497 : vector<1x16xf32> to vector<16xf32>
        %parallel_loop3A_499 = vector.shape_cast %parallel_loop3A_493 : vector<16xf32> to vector<1x16xf32>
        tpu.vector_store %arg8[%parallel_loop3A_495, %parallel_loop3A_496], %parallel_loop3A_499 {add = true, strides = array<i32>} : memref<8x2048xf32, #tpu.memory_space<vmem>>, vector<1x16xf32>,
      } {sc.loop_unroll_factor = 8 : i64, sc.parallel_access}
      %parallel_loop3A_470 = arith.constant 0 : i32
      %parallel_loop3A_471 = arith.constant 2048 : i32
      %parallel_loop3A_472 = arith.constant 16 : i32
      scf.for %parallel_loop3A_488 = %parallel_loop3A_470 to %parallel_loop3A_471 step %parallel_loop3A_472  : i32 {
        %parallel_loop3A_489 = arith.constant 5 : i32
        %parallel_loop3A_490 = arith.index_cast %parallel_loop3A_489 : i32 to index
        %parallel_loop3A_491 = arith.index_cast %parallel_loop3A_488 : i32 to index
        %parallel_loop3A_492 = tpu.vector_load %arg10[%parallel_loop3A_490, %parallel_loop3A_491] {strides = array<i32>} : memref<8x2048xf32, #tpu.memory_space<vmem>>, vector<1x16xf32>,
        %parallel_loop3A_493 = vector.shape_cast %parallel_loop3A_492 : vector<1x16xf32> to vector<16xf32>
        %parallel_loop3A_494 = arith.constant 5 : i32
        %parallel_loop3A_495 = arith.index_cast %parallel_loop3A_494 : i32 to index
        %parallel_loop3A_496 = arith.index_cast %parallel_loop3A_488 : i32 to index
        %parallel_loop3A_497 = tpu.vector_load %arg8[%parallel_loop3A_495, %parallel_loop3A_496] {strides = array<i32>} : memref<8x2048xf32, #tpu.memory_space<vmem>>, vector<1x16xf32>,
        %parallel_loop3A_498 = vector.shape_cast %parallel_loop3A_497 : vector<1x16xf32> to vector<16xf32>
        %parallel_loop3A_499 = vector.shape_cast %parallel_loop3A_493 : vector<16xf32> to vector<1x16xf32>
        tpu.vector_store %arg8[%parallel_loop3A_495, %parallel_loop3A_496], %parallel_loop3A_499 {add = true, strides = array<i32>} : memref<8x2048xf32, #tpu.memory_space<vmem>>, vector<1x16xf32>,
      } {sc.loop_unroll_factor = 8 : i64, sc.parallel_access}
      %parallel_loop3A_473 = arith.constant 0 : i32
      %parallel_loop3A_474 = arith.constant 2048 : i32
      %parallel_loop3A_475 = arith.constant 16 : i32
      scf.for %parallel_loop3A_488 = %parallel_loop3A_473 to %parallel_loop3A_474 step %parallel_loop3A_475  : i32 {
        %parallel_loop3A_489 = arith.constant 6 : i32
        %parallel_loop3A_490 = arith.index_cast %parallel_loop3A_489 : i32 to index
        %parallel_loop3A_491 = arith.index_cast %parallel_loop3A_488 : i32 to index
        %parallel_loop3A_492 = tpu.vector_load %arg10[%parallel_loop3A_490, %parallel_loop3A_491] {strides = array<i32>} : memref<8x2048xf32, #tpu.memory_space<vmem>>, vector<1x16xf32>,
        %parallel_loop3A_493 = vector.shape_cast %parallel_loop3A_492 : vector<1x16xf32> to vector<16xf32>
        %parallel_loop3A_494 = arith.constant 6 : i32
        %parallel_loop3A_495 = arith.index_cast %parallel_loop3A_494 : i32 to index
        %parallel_loop3A_496 = arith.index_cast %parallel_loop3A_488 : i32 to index
        %parallel_loop3A_497 = tpu.vector_load %arg8[%parallel_loop3A_495, %parallel_loop3A_496] {strides = array<i32>} : memref<8x2048xf32, #tpu.memory_space<vmem>>, vector<1x16xf32>,
        %parallel_loop3A_498 = vector.shape_cast %parallel_loop3A_497 : vector<1x16xf32> to vector<16xf32>
        %parallel_loop3A_499 = vector.shape_cast %parallel_loop3A_493 : vector<16xf32> to vector<1x16xf32>
        tpu.vector_store %arg8[%parallel_loop3A_495, %parallel_loop3A_496], %parallel_loop3A_499 {add = true, strides = array<i32>} : memref<8x2048xf32, #tpu.memory_space<vmem>>, vector<1x16xf32>,
      } {sc.loop_unroll_factor = 8 : i64, sc.parallel_access}
      %parallel_loop3A_476 = arith.constant 0 : i32
      %parallel_loop3A_477 = arith.constant 2048 : i32
      %parallel_loop3A_478 = arith.constant 16 : i32
      scf.for %parallel_loop3A_488 = %parallel_loop3A_476 to %parallel_loop3A_477 step %parallel_loop3A_478  : i32 {
        %parallel_loop3A_489 = arith.constant 7 : i32
        %parallel_loop3A_490 = arith.index_cast %parallel_loop3A_489 : i32 to index
        %parallel_loop3A_491 = arith.index_cast %parallel_loop3A_488 : i32 to index
        %parallel_loop3A_492 = tpu.vector_load %arg10[%parallel_loop3A_490, %parallel_loop3A_491] {strides = array<i32>} : memref<8x2048xf32, #tpu.memory_space<vmem>>, vector<1x16xf32>,
        %parallel_loop3A_493 = vector.shape_cast %parallel_loop3A_492 : vector<1x16xf32> to vector<16xf32>
        %parallel_loop3A_494 = arith.constant 7 : i32
        %parallel_loop3A_495 = arith.index_cast %parallel_loop3A_494 : i32 to index
        %parallel_loop3A_496 = arith.index_cast %parallel_loop3A_488 : i32 to index
        %parallel_loop3A_497 = tpu.vector_load %arg8[%parallel_loop3A_495, %parallel_loop3A_496] {strides = array<i32>} : memref<8x2048xf32, #tpu.memory_space<vmem>>, vector<1x16xf32>,
        %parallel_loop3A_498 = vector.shape_cast %parallel_loop3A_497 : vector<1x16xf32> to vector<16xf32>
        %parallel_loop3A_499 = vector.shape_cast %parallel_loop3A_493 : vector<16xf32> to vector<1x16xf32>
        tpu.vector_store %arg8[%parallel_loop3A_495, %parallel_loop3A_496], %parallel_loop3A_499 {add = true, strides = array<i32>} : memref<8x2048xf32, #tpu.memory_space<vmem>>, vector<1x16xf32>,
      } {sc.loop_unroll_factor = 8 : i64, sc.parallel_access}
      %add3A_479 = arith.constant 24576 : i32
      %add3A_480 = arith.addi %add3A_479, %mul3A_2 : i32
      %mul3A_481 = arith.constant 8 : i32
      %mul3A_482 = arith.muli %add3A_265, %mul3A_481 : i32
      %add3A_483 = arith.addi %add3A_480, %mul3A_482 : i32
      %dma_start3A_484 = arith.constant 0 : i32
      %dma_start3A_485 = tpu.memref_slice %arg4[%add3A_483, %dma_start3A_484] : memref<32768x2048xf32, #tpu.memory_space<hbm>> -> memref<8x2048xf32, #tpu.memory_space<hbm>>
      %dma_start3A_486 = arith.constant 0 : i32
      %dma_start3A_487 = tpu.memref_slice %arg4[%add3A_483, %dma_start3A_486] : memref<32768x2048xf32, #tpu.memory_space<hbm>> -> memref<8x2048xf32, #tpu.memory_space<hbm>>
      tpu.enqueue_dma source(%arg8 : memref<8x2048xf32, #tpu.memory_space<vmem>>) target(%dma_start3A_487 : memref<8x2048xf32, #tpu.memory_space<hbm>>) target_semaphore(%arg18 : memref<!tpu.dma_semaphore, #tpu.memory_space<semaphore_mem>>)
    }
    %scan3A_36 = arith.constant 16 : i32
    %dma_wait3A = arith.constant 0 : i32
    %dma_wait3A_37 = arith.constant 0 : i32
    %dma_wait3A_38 = tpu.memref_slice %arg4[%dma_wait3A, %dma_wait3A_37] : memref<32768x2048xf32, #tpu.memory_space<hbm>> -> memref<8x2048xf32, #tpu.memory_space<hbm>>
    %dma_wait3A_39 = arith.constant 0 : i32
    %dma_wait3A_40 = arith.constant 0 : i32
    %dma_wait3A_41 = tpu.memref_slice %arg4[%dma_wait3A_39, %dma_wait3A_40] : memref<32768x2048xf32, #tpu.memory_space<hbm>> -> memref<8x2048xf32, #tpu.memory_space<hbm>>
    tpu.wait_dma2 semaphore(%arg18 : memref<!tpu.dma_semaphore, #tpu.memory_space<semaphore_mem>>) src(%arg8 : memref<8x2048xf32, #tpu.memory_space<vmem>>) dst(%dma_wait3A_41 : memref<8x2048xf32, #tpu.memory_space<hbm>>)
    return
  }
}

</mosaic_0001>

<sc_bundles>
// kernel: kernel.3.cloned.1.call-start
scs
__scs_entry_jumppad:
0x0: {  	(pc) =	sbr.rel $0x88, $3  }
0x1: {  	(tag) =	ssettag $0x0;
	lr =	simm.s32 $0x1  }
0x2: {  	[smem:$0x3F9F] =	sst lr;
	_ =	strace $0xD0000000  }
0x3: {  	_ = 	snop  }
0x4: {  	_ = 	snop  }
0x5: {  	_ = 	snop  }
0x6: {  	_ = 	snop  }
0x7: {  	_ = 	snop  }
__scs_overlays_trampoline_lowered:
0x8: {  	[smem:$0x3FAE] =	sst s0  }
0x9: {  	[smem:$0x3FAF] =	sst s1  }
0xa: {  	[smem:$0x3FB0] =	sst s2  }
0xb: {  	[smem:$0x3FB1] =	sst s3  }
0xc: {  	[smem:$0x3FB2] =	sst s4  }
0xd: {  	[smem:$0x3FB3] =	sst s5  }
0xe: {  	[smem:$0x3FB4] =	sst s6  }
0xf: {  	[smem:$0x3FB5] =	sst s7  }
0x10: {  	[smem:$0x3FB6] =	sst s8  }
0x11: {  	[smem:$0x3FB7] =	sst s9;
	s0 =	simm.s32 @!p0 $0x0  }
0x12: {  	s1 =	sld [smem:$0x3F9D];
	s0 =	simm.s32 @p0 $0x1  }
0x13: {  	[smem:$0x3FB8] =	sst s0;
	s0 =	simm.s32 @!p1 $0x0  }
0x14: {  	s2 =	sld [smem:$0x3F9C];
	s0 =	simm.s32 @p1 $0x1  }
0x15: {  	[smem:$0x3FB9] =	sst s0;
	s0 =	simm.s32 @!p2 $0x0  }
0x16: {  	s3 =	sld [smem:$0x3FDB];
	s0 =	simm.s32 @p2 $0x1  }
0x17: {  	s4 =	simm.s32 $0x1BF5;
	[smem:$0x3FBB] =	sst s0  }
0x18: {  	s0 =	sld [smem:$0x3F9E];
	_ =	swait.ge [sflag:s4], $0x0  }
0x19: {  	s7 =	sld [smem:$0x3F9F]  }
0x1a: {  	s8 =	sadd.s32 $0xFFFFE003, lr  }
0x1b: {  	s9 =	sadd.s32 $0xFFFFFEF7, lr;
	s5 =	simm.s32 $0xFFFFFFFF;
	p2 =	slt.u32 s8, $0xFFFFF086  }
0x1c: {  	p1 =	slt.u32 s9, $0xF7A;
	s5 =	simm.s32 @!p2 $0x0  }
0x1d: {  	s5 =	simm.s32 @p1 $0x1;
	p0 =	seq.s32 s7, s2  }
0x1e: {  	s7 =	smul.u32 @!p0 $0xF7A, s2;
	p2 =	seq.s32 @!p0 s5, $0x0  }
0x1f: {  	s9 =	smul.u32 $0xF7A, s1;
	s8 =	simm.s32 @!p0 $0x1BF5;
	p2 =	por !p2, p0  }
0x20: {  	[sflag:s8] =	ssyncset.s32 @!p0 $0xFFFFF086;
	s6 =	sadd.s32 @!p0 s3, s7;
	s7 =	simm.s32 @!p0 $0x108  }
0x21: {  	s3 =	sadd.s32 s3, s9;
	s6 =	sadd.s32 @!p0 $0x88, s6;
	s7 =	simm.s32 @p2 $0x1082  }
0x22: {  	[simem:s7], [sflag:s8] =	dma.local @!p0 [hbm:s6], $0xF7A  }
0x23: {  	s9 =	sor.u32 $0xD0000000, s2;
	s6 =	simm.s32 $0x108;
	_ =	swait.ge @!p0 [sflag:s8], $0x0  }
0x24: {  	s3 =	sadd.s32 $0x88, s3;
	s6 =	simm.s32 @!p1 $0x1082;
	[sflag:s4] =	ssyncset.s32 $0xFFFFF086  }
0x25: {  	[simem:s6], [sflag:s4] =	dma.local [hbm:s3], $0xF7A  }
0x26: {  	[smem:$0x3F9F] =	sst s1;
	(tag) =	ssettag s2;
	_ =	strace s9  }
0x27: {  	s1 =	sld [smem:$0x3FAF]  }
0x28: {  	s2 =	sld [smem:$0x3FB0]  }
0x29: {  	s4 =	sld [smem:$0x3FB2]  }
0x2a: {  	p0 =	seq.s32 s5, $0x0;
	s5 =	sld [smem:$0x3FB3]  }
0x2b: {  	s6 =	sld [smem:$0x3FB4]  }
0x2c: {  	s7 =	sld [smem:$0x3FB5]  }
0x2d: {  	s3 =	simm.s32 $0x108;
	s8 =	sld [smem:$0x3FB6]  }
0x2e: {  	s3 =	simm.s32 @!p0 $0x1082;
	s9 =	sld [smem:$0x3FB7]  }
0x2f: {  	lr =	sadd.s32 s0, s3;
	s0 =	sld [smem:$0x3FAE]  }
0x30: {  	s3 =	sld [smem:$0x3FB1]  }
0x31: {  	[smem:$0x3FBA] =	sst s10  }
0x32: {  	s10 =	sld [smem:$0x3FB8];
	_ =	sdelay $0x3  }
0x33: {  	p0 =	seq.s32 s10, $0x1;
	s10 =	sld [smem:$0x3FBA];
	_ =	sdelay $0x3  }
0x34: {  	[smem:$0x3FBA] =	sst s10  }
0x35: {  	s10 =	sld [smem:$0x3FB9];
	_ =	sdelay $0x3  }
0x36: {  	p1 =	seq.s32 s10, $0x1;
	s10 =	sld [smem:$0x3FBA];
	_ =	sdelay $0x3  }
0x37: {  	[smem:$0x3FBA] =	sst s10  }
0x38: {  	s10 =	sld [smem:$0x3FBB]  }
0x39: {  	_ = 	snop;
	(pc) =	sbr.ind lr, $3  }
0x3a: {  	_ = 	snop  }
0x3b: {  	_ = 	snop  }
0x3c: {  	p2 =	seq.s32 s10, $0x1;
	s10 =	sld [smem:$0x3FBA]  }
0x3d: {  	_ =	shalt  }
0x3e: {  	_ =	shalt  }
0x3f: {  	_ =	shalt  }
0x40: {  	_ =	shalt  }
0x41: {  	_ =	shalt  }
0x42: {  	_ =	shalt  }
0x43: {  	_ =	shalt  }
0x44: {  	_ =	shalt  }
0x45: {  	_ =	shalt  }
0x46: {  	_ =	shalt  }
0x47: {  	_ =	shalt  }
0x48: {  	_ =	shalt  }
0x49: {  	_ =	shalt  }
0x4a: {  	_ =	shalt  }
0x4b: {  	_ =	shalt  }
0x4c: {  	_ =	shalt  }
0x4d: {  	_ =	shalt  }
0x4e: {  	_ =	shalt  }
0x4f: {  	_ =	shalt  }
0x50: {  	_ =	shalt  }
0x51: {  	_ =	shalt  }
0x52: {  	_ =	shalt  }
0x53: {  	_ =	shalt  }
0x54: {  	_ =	shalt  }
0x55: {  	_ =	shalt  }
0x56: {  	_ =	shalt  }
0x57: {  	_ =	shalt  }
0x58: {  	_ =	shalt  }
0x59: {  	_ =	shalt  }
0x5a: {  	_ =	shalt  }
0x5b: {  	_ =	shalt  }
0x5c: {  	_ =	shalt  }
0x5d: {  	_ =	shalt  }
0x5e: {  	_ =	shalt  }
0x5f: {  	_ =	shalt  }
0x60: {  	_ =	shalt  }
0x61: {  	_ =	shalt  }
0x62: {  	_ =	shalt  }
0x63: {  	_ =	shalt  }
0x64: {  	_ =	shalt  }
0x65: {  	_ =	shalt  }
0x66: {  	_ =	shalt  }
0x67: {  	_ =	shalt  }
0x68: {  	_ =	shalt  }
0x69: {  	_ =	shalt  }
0x6a: {  	_ =	shalt  }
0x6b: {  	_ =	shalt  }
0x6c: {  	_ =	shalt  }
0x6d: {  	_ =	shalt  }
0x6e: {  	_ =	shalt  }
0x6f: {  	_ =	shalt  }
0x70: {  	_ =	shalt  }
0x71: {  	_ =	shalt  }
0x72: {  	_ =	shalt  }
0x73: {  	_ =	shalt  }
0x74: {  	_ =	shalt  }
0x75: {  	_ =	shalt  }
0x76: {  	_ =	shalt  }
0x77: {  	_ =	shalt  }
0x78: {  	_ =	shalt  }
0x79: {  	_ =	shalt  }
0x7a: {  	_ =	shalt  }
0x7b: {  	_ =	shalt  }
0x7c: {  	_ =	shalt  }
0x7d: {  	_ =	shalt  }
0x7e: {  	_ =	shalt  }
0x7f: {  	_ =	shalt  }
0x80: {  	_ =	shalt  }
0x81: {  	_ =	shalt  }
0x82: {  	_ =	shalt  }
0x83: {  	_ =	shalt  }
0x84: {  	_ =	shalt  }
0x85: {  	_ =	shalt  }
0x86: {  	_ =	shalt  }
0x87: {  	_ =	shalt  }
.Lfunc_end0:
.L_simem_size_0:
called_computation_lowered:
.L_overlay_start_0:
0x88: {  	s2 =	sld [smem:$0x3FD9]  }
0x89: {  	s3 =	sld [smem:$0x3FFE];
	_ =	sdelay $0x1  }
0x8a: {  	s1 =	srdreg.scid  }
0x8b: {  	s0 =	sand.u32 $0x1, s1  }
0x8c: {  	s18 =	sshll.u32 s0, $0xA;
	s2 =	sadd.s32 s3, s2  }
0x8d: {  	s2 =	sadd.s32 s2, s18  }
0x8e: {  	[smem:$0x3FC6] =	sst s2  }
0x8f: {  	_ = 	snop  }
0x90: {  	s2 =	sld [smem:$0x3FC9]  }
0x91: {  	s19 =	sld [smem:$0x3FC8]  }
0x92: {  	s4 =	sld [smem:$0x3FD0];
	(tm) =	ssettm $0x1  }
0x93: {  	s5 =	sld [smem:$0x3FFB];
	_ =	sdelay $0x3  }
0x94: {  	_ =	strace s5  }
0x95: {  	s5 =	sld [smem:$0x3FFC];
	_ =	sdelay $0x3  }
0x96: {  	_ =	strace s5  }
0x97: {  	s5 =	sld [smem:$0x3FFD];
	_ =	sdelay $0x3  }
0x98: {  	_ =	strace s5  }
0x99: {  	_ =	strace $0x8FFFFFFF  }
0x9a: {  	s20 =	sld [smem:$0x3FDB];
	_ =	sdelay $0x1  }
0x9b: {  	s6 =	simm.s32 $_scs_section_size  }
0x9c: {  	s7 =	simm.s32 $_size__tile_overlayer_lowered;
	s8 =	simm.s32 $_tile_overlayer_lowered  }
0x9d: {  	s23 =	simm.s32 $0x1BFF;
	s22 =	sshll.u32 s8, $0x1;
	s5 =	sadd.s32 s6, s20  }
0x9e: {  	s9 =	simm.s32 $0x0;
	s21 =	sshll.u32 s7, $0x1;
	s7 =	sadd.s32 s22, s5  }
0x9f: {  	[timem:s9], [sflag:s23] =	dma.local [hbm:s7], s21  }
0xa0: {  	_ =	swait.ge [sflag:s23], s21  }
0xa1: {  	s6 =	ssub.s32 $0x0, s21;
	[sflag:s23] =	ssyncset.done $0x0  }
0xa2: {  	[sflag:s23] =	ssyncadd.s32 s6;
	_ =	sdelay $0x1  }
0xa3: {  	s24 =	simm.s32 $0x1B8B  }
0xa4: {  	_ =	swait.ge [sflag:s24], $0x1  }
0xa5: {  	[sflag:s24] =	ssyncset.done $0x0  }
0xa6: {  	s25 =	simm.s32 $0x1B8E;
	[sflag:s24] =	ssyncadd.s32 $0xFFFFFFFF  }
0xa7: {  	s26 =	simm.s32 $execute0_lowered;
	[smem:$0x3FD2] =	sst s25  }
0xa8: {  	s6 =	sshll.u32 s26, $0x1;
	_ =	strace $0x80000046;
	[dreg:$0x1] =	wrdreg $0xFFFFFFFF  }
0xa9: {  	s28 =	simm.s32 $_size_execute0_lowered;
	s5 =	sadd.s32 s5, s6;
	[dreg:$0x0] =	wrdreg $0x0  }
0xaa: {  	s6 =	sshll.u32 s28, $0x1;
	[dreg:$0x2] =	wrdreg s5  }
0xab: {  	[dreg:$0x3] =	wrdreg s6  }
0xac: {  	[dreg:$0x4] =	wrdreg $0xC0  }
0xad: {  	_ =	task [dreg:s9], $0x5FFFF  }
0xae: {  	[dreg:$0x1] =	wrdreg $0xFFFFFFFF  }
0xaf: {  	[dreg:$0x0] =	wrdreg $0x60  }
0xb0: {  	[dreg:$0x2] =	wrdreg s2  }
0xb1: {  	[dreg:$0x3] =	wrdreg s19  }
0xb2: {  	[dreg:$0x4] =	wrdreg s4  }
0xb3: {  	[dreg:$0x5] =	wrdreg $0x9  }
0xb4: {  	_ =	task.clear_ibuf [dreg:s9], $0x6FFFF;
	_ =	strace $0x90000046  }
0xb5: {  	s29 =	simm.s32 $0x9;
	_ =	strace $0x80000048  }
0xb6: {  	_ =	swait.ge [sflag:s29], $0x1  }
0xb7: {  	[sflag:s29] =	ssyncadd.s32 $0xFFFFFFFF  }
0xb8: {  	_ =	strace $0x90000048  }
0xb9: {  	_ =	sfence  }
0xba: {  	s30 =	sld [smem:$0x0];
	_ =	sdelay $0x2  }
0xbb: {  	s31 =	sshll.u32 s1, $0xD;
	s1 =	sshrl.u32 s1, $0x2  }
0xbc: {  	s3 =	sand.u32 $0x4000, s31;
	s1 =	sadd.s32 s1, s30  }
0xbd: {  	s0 =	sor.u32 s3, s0;
	s1 =	sshll.u32 s1, $0x11  }
0xbe: {  	s0 =	sor.u32 s1, s0  }
0xbf: {  	s0 =	sadd.s32 $0x8F2B, s0  }
0xc0: {  	[sflag:s0] =	ssyncadd.remote.s32 $0x1  }
0xc1: {  	_ =	sfence.sel $0xFFFF  }
0xc2: {  	[dreg:$0x0] =	wrdreg $0xFFFFFFFF;
	(pc) =	sbr.abs _section_cstart, $3  }
0xc3: {  	[dreg:$0x1] =	wrdreg $0xFFFFFFFF  }
0xc4: {  	_ =	task.clear_ibuf [dreg:s9], $0x2FFFF;
	_ =	strace $0x9FFFFFFF  }
0xc5: {  	(tm) =	ssettm $0x7FFFFFFF  }
tec
execute0_lowered:
.L_overlay_start_1:
0x0: {  	(tag) =	ssettag $0x1  }
0x1: {  	s1 =	rddreg [dreg:$0x0]  }
0x2: {  	s23 =	rddreg [dreg:$0x1]  }
0x3: {  	s3 =	rddreg [dreg:$0x2];
	s0 =	srdreg.scid  }
0x4: {  	s5 =	simm.s32 $0x0;
	s6 =	stileid.u32;
	s19 =	simm.s32 $0x4000  }
0x5: {  	s20 =	simm.s32 $0x8000;
	s28 =	simm.s32 $0x6;
	s29 =	simm.s32 $0x3  }
0x6: {  	s30 =	simm.s32 $0x7;
	s31 =	simm.s32 $0x4;
	s0 =	sand.u32 $0x1, s0  }
0x7: {  	s6 =	sshll.u32 s6, $0x9;
	s2 =	ssub.s32 $0x2, s0;
	s0 =	sshll.u32 s0, $0x8  }
0x8: {  	[smem:$0x7FF] =	sst s5;
	s4 =	sshrl.u32 s2, $0x1;
	s6 =	sor.u32 s0, s6  }
0x9: {  	_ =	strace $0x80000047;
	s2 =	ssub.s32 s2, s4;
	s0 =	sshll.u32 s6, $0x8  }
0xa: {  	s7 =	sor.u32 $0x2000, s6;
	s8 =	sor.u32 $0x4000, s6;
	s13 =	sor.u32 $0x6000, s6  }
0xb: {  	s14 =	sshrl.u32 s6, $0x3;
	s4 =	simm.s32 $0x0;
	s21 =	sadd.s32 s23, s0  }
0xc: {  	s22 =	sshll.u32 s7, $0x8;
	s9 =	sshll.u32 s8, $0x8;
	s0 =	sadd.s32 s1, s0  }
0xd: {  	s15 =	sshrl.u32 s7, $0x3;
	s16 =	sshrl.u32 s8, $0x3;
	[dreg:$0x4] =	wrdreg s21  }
0xe: {  	s26 =	smax.u32 s2, $0x1;
	[dreg:$0x5] =	wrdreg s0;
	s24 =	sadd.s32 s1, s22  }
0xf: {  	s25 =	sadd.s32 s1, s9;
	[dreg:$0x8] =	wrdreg s26;
	s21 =	simm.s32 $0xC000  }
0x10: {  	s26 =	simm.s32 $0x2;
	s0 =	simm.s32 $0x8;
	[dreg:$0x6] =	wrdreg s24  }
0x11: {  	[dreg:$0x7] =	wrdreg s25;
	s24 =	simm.s32 $0x1;
	s25 =	simm.s32 $0x5  }
.LBB2_1:
0x12: {  	[dreg:$0x9] =	wrdreg s4  }
0x13: {  	s2 =	rddreg [dreg:$0x4];
	s12 =	simm.s32 $0x10000  }
0x14: {  	[tilespmem:s12], [sflag:$0x9] =	stream.linear.gather [hbm4b:s2+s5], $0x4000, $0x38;
	[tilespmem:$0x18000] =	vst v63  }
0x15: {  	s17 =	rddreg [dreg:$0x5]  }
0x16: {  	[tilespmem:s5], [sflag:$0x1] =	stream.linear.gather [hbm4b:s17+s5], $0x4000, $0x38;
	[tilespmem:$0x18000] =	vst v63  }
0x17: {  	s18 =	rddreg [dreg:$0x6]  }
0x18: {  	[tilespmem:s19], [sflag:$0x2] =	stream.linear.gather [hbm4b:s18+s5], $0x4000, $0x38;
	[tilespmem:$0x18000] =	vst v63  }
0x19: {  	s22 =	rddreg [dreg:$0x7];
	s9 =	simm.s32 $0x0  }
0x1a: {  	[tilespmem:s20], [sflag:$0x3] =	stream.linear.gather [hbm4b:s22+s5], $0x4000, $0x38;
	[tilespmem:$0x18000] =	vst v63  }
.LBB2_2:
0x1b: {  	p0 =	seq.s32 s9, $0x0  }
0x1c: {  	s17 =	sshll.u32 s9, $0x4;
	s2 =	simm.s32 @!p0 $0x8  }
0x1d: {  	s11 =	sor.u32 s13, s17;
	_ =	swait.ge @!p0 [sflag:s2], $0x4000  }
0x1e: {  	s10 =	sshll.u32 s9, $0x1;
	s11 =	sshll.u32 s11, $0x8;
	[sflag:s2] =	ssyncset.done @!p0 $0x0  }
0x1f: {  	s22 =	simm.s32 $0x0;
	s12 =	sadd.s32 s1, s11;
	[sflag:s2] =	ssyncadd.s32 @!p0 $0xFFFFC000  }
0x20: {  	[tilespmem:s21], [sflag:$0x4] =	stream.linear.gather [hbm4b:s12+s22], $0x4000, $0x38;
	[tilespmem:$0x18000] =	vst v63  }
0x21: {  	s12 =	sor.u32 $0x1, s10  }
0x22: {  	s18 =	sadd.s32 s14, s12  }
0x23: {  	s18 =	sshll.u32 s18, $0xB  }
0x24: {  	s4 =	smov.u32 s23;
	s2 =	sadd.s32 s23, s18;
	s23 =	simm.s32 $0x14000  }
0x25: {  	[tilespmem:s23], [sflag:$0xA] =	stream.linear.gather [hbm4b:s2+s22], $0x4000, $0x38;
	[tilespmem:$0x18000] =	vst v63  }
0x26: {  	s23 =	simm.s32 $0x9  }
0x27: {  	_ =	swait.ge [sflag:s23], $0x4000  }
0x28: {  	[sflag:s23] =	ssyncset.done $0x0  }
0x29: {  	[sflag:s23] =	ssyncadd.s32 $0xFFFFC000  }
0x2a: {  	_ =	swait.ge [sflag:s24], $0x4000  }
0x2b: {  	[sflag:s24] =	ssyncset.done $0x0  }
0x2c: {  	s22 =	simm.s32 $0x0;
	[sflag:s24] =	ssyncadd.s32 $0xFFFFC000  }
0x2d: {  	v0 =	vld [tilespmem:s22+$0x10070]  }
0x2e: {  	v1 =	vld [tilespmem:s22+$0x10000]  }
0x2f: {  	v2 =	vld [tilespmem:s22+$0x10010]  }
0x30: {  	v3 =	vld [tilespmem:s22+$0x10020]  }
0x31: {  	v4 =	vld [tilespmem:s22+$0x10030]  }
0x32: {  	v5 =	vld [tilespmem:s22+$0x10040]  }
0x33: {  	v6 =	vld [tilespmem:s22+$0x10050]  }
0x34: {  	[tilespmem:s22+$0x70] =	vst.add.f32.msk $0xffff, v0  }
0x35: {  	v0 =	vld [tilespmem:s22+$0x10060]  }
0x36: {  	[tilespmem:s22+$0x0] =	vst.add.f32.msk $0xffff, v1  }
0x37: {  	[tilespmem:s22+$0x10] =	vst.add.f32.msk $0xffff, v2  }
0x38: {  	[tilespmem:s22+$0x20] =	vst.add.f32.msk $0xffff, v3  }
0x39: {  	[tilespmem:s22+$0x30] =	vst.add.f32.msk $0xffff, v4  }
0x3a: {  	[tilespmem:s22+$0x40] =	vst.add.f32.msk $0xffff, v5  }
0x3b: {  	s2 =	simm.s32 $0x0;
	s23 =	simm.s32 $0x1000;
	[tilespmem:s22+$0x50] =	vst.add.f32.msk $0xffff, v6  }
.LBB2_3:
0x3c: {  	s2 =	sadd.s32 $0x80, s2;
	[tilespmem:s22+$0x60] =	vst.add.f32.msk $0xffff, v0;
	s22 =	sshra.s32 s23, $0x2  }
0x3d: {  	v0 =	vld [tilespmem:s22+$0x10070];
	p0 =	slt.u32 s2, $0x780  }
0x3e: {  	v1 =	vld [tilespmem:s22+$0x10000]  }
0x3f: {  	v2 =	vld [tilespmem:s22+$0x10010]  }
0x40: {  	v3 =	vld [tilespmem:s22+$0x10020]  }
0x41: {  	v4 =	vld [tilespmem:s22+$0x10030]  }
0x42: {  	[tilespmem:s22+$0x70] =	vst.add.f32.msk $0xffff, v0  }
0x43: {  	v5 =	vld [tilespmem:s22+$0x10040]  }
0x44: {  	v6 =	vld [tilespmem:s22+$0x10050]  }
0x45: {  	v0 =	vld [tilespmem:s22+$0x10060]  }
0x46: {  	[tilespmem:s22+$0x0] =	vst.add.f32.msk $0xffff, v1  }
.Ltmp0:
0x47: {  	[tilespmem:s22+$0x10] =	vst.add.f32.msk $0xffff, v2;
	(pc) =	sbr.rel @p0 .LBB2_3-.Ltmp0, $4  }
0x48: {  	[tilespmem:s22+$0x20] =	vst.add.f32.msk $0xffff, v3  }
0x49: {  	[tilespmem:s22+$0x30] =	vst.add.f32.msk $0xffff, v4  }
0x4a: {  	[tilespmem:s22+$0x40] =	vst.add.f32.msk $0xffff, v5  }
0x4b: {  	s23 =	sadd.s32 $0x1000, s23;
	[tilespmem:s22+$0x50] =	vst.add.f32.msk $0xffff, v6  }
0x4c: {  	[tilespmem:s22+$0x60] =	vst.add.f32.msk $0xffff, v0;
	s22 =	simm.s32 $0x0  }
0x4d: {  	v0 =	vld [tilespmem:s22+$0x100F0]  }
0x4e: {  	v1 =	vld [tilespmem:s22+$0x10080]  }
0x4f: {  	v2 =	vld [tilespmem:s22+$0x10090]  }
0x50: {  	v3 =	vld [tilespmem:s22+$0x100A0]  }
0x51: {  	v4 =	vld [tilespmem:s22+$0x100B0]  }
0x52: {  	v5 =	vld [tilespmem:s22+$0x100C0]  }
0x53: {  	v6 =	vld [tilespmem:s22+$0x100D0]  }
0x54: {  	[tilespmem:s22+$0xF0] =	vst.add.f32.msk $0xffff, v0  }
0x55: {  	v0 =	vld [tilespmem:s22+$0x100E0]  }
0x56: {  	[tilespmem:s22+$0x80] =	vst.add.f32.msk $0xffff, v1  }
0x57: {  	[tilespmem:s22+$0x90] =	vst.add.f32.msk $0xffff, v2  }
0x58: {  	[tilespmem:s22+$0xA0] =	vst.add.f32.msk $0xffff, v3  }
0x59: {  	[tilespmem:s22+$0xB0] =	vst.add.f32.msk $0xffff, v4  }
0x5a: {  	[tilespmem:s22+$0xC0] =	vst.add.f32.msk $0xffff, v5  }
0x5b: {  	s2 =	simm.s32 $0x0;
	s23 =	simm.s32 $0x1000;
	[tilespmem:s22+$0xD0] =	vst.add.f32.msk $0xffff, v6  }
.LBB2_5:
0x5c: {  	s2 =	sadd.s32 $0x80, s2;
	[tilespmem:s22+$0xE0] =	vst.add.f32.msk $0xffff, v0;
	s22 =	sshra.s32 s23, $0x2  }
0x5d: {  	v0 =	vld [tilespmem:s22+$0x100F0];
	p0 =	slt.u32 s2, $0x780  }
0x5e: {  	v1 =	vld [tilespmem:s22+$0x10080]  }
0x5f: {  	v2 =	vld [tilespmem:s22+$0x10090]  }
0x60: {  	v3 =	vld [tilespmem:s22+$0x100A0]  }
0x61: {  	v4 =	vld [tilespmem:s22+$0x100B0]  }
0x62: {  	[tilespmem:s22+$0xF0] =	vst.add.f32.msk $0xffff, v0  }
0x63: {  	v5 =	vld [tilespmem:s22+$0x100C0]  }
0x64: {  	v6 =	vld [tilespmem:s22+$0x100D0]  }
0x65: {  	v0 =	vld [tilespmem:s22+$0x100E0]  }
0x66: {  	[tilespmem:s22+$0x80] =	vst.add.f32.msk $0xffff, v1  }
.Ltmp1:
0x67: {  	[tilespmem:s22+$0x90] =	vst.add.f32.msk $0xffff, v2;
	(pc) =	sbr.rel @p0 .LBB2_5-.Ltmp1, $4  }
0x68: {  	[tilespmem:s22+$0xA0] =	vst.add.f32.msk $0xffff, v3  }
0x69: {  	[tilespmem:s22+$0xB0] =	vst.add.f32.msk $0xffff, v4  }
0x6a: {  	[tilespmem:s22+$0xC0] =	vst.add.f32.msk $0xffff, v5  }
0x6b: {  	s23 =	sadd.s32 $0x1000, s23;
	[tilespmem:s22+$0xD0] =	vst.add.f32.msk $0xffff, v6  }
0x6c: {  	[tilespmem:s22+$0xE0] =	vst.add.f32.msk $0xffff, v0;
	s22 =	simm.s32 $0x0  }
0x6d: {  	v0 =	vld [tilespmem:s22+$0x10170]  }
0x6e: {  	v1 =	vld [tilespmem:s22+$0x10100]  }
0x6f: {  	v2 =	vld [tilespmem:s22+$0x10110]  }
0x70: {  	v3 =	vld [tilespmem:s22+$0x10120]  }
0x71: {  	v4 =	vld [tilespmem:s22+$0x10130]  }
0x72: {  	v5 =	vld [tilespmem:s22+$0x10140]  }
0x73: {  	v6 =	vld [tilespmem:s22+$0x10150]  }
0x74: {  	[tilespmem:s22+$0x170] =	vst.add.f32.msk $0xffff, v0  }
0x75: {  	v0 =	vld [tilespmem:s22+$0x10160]  }
0x76: {  	[tilespmem:s22+$0x100] =	vst.add.f32.msk $0xffff, v1  }
0x77: {  	[tilespmem:s22+$0x110] =	vst.add.f32.msk $0xffff, v2  }
0x78: {  	[tilespmem:s22+$0x120] =	vst.add.f32.msk $0xffff, v3  }
0x79: {  	[tilespmem:s22+$0x130] =	vst.add.f32.msk $0xffff, v4  }
0x7a: {  	[tilespmem:s22+$0x140] =	vst.add.f32.msk $0xffff, v5  }
0x7b: {  	s2 =	simm.s32 $0x0;
	s23 =	simm.s32 $0x1000;
	[tilespmem:s22+$0x150] =	vst.add.f32.msk $0xffff, v6  }
.LBB2_7:
0x7c: {  	s2 =	sadd.s32 $0x80, s2;
	[tilespmem:s22+$0x160] =	vst.add.f32.msk $0xffff, v0;
	s22 =	sshra.s32 s23, $0x2  }
0x7d: {  	v0 =	vld [tilespmem:s22+$0x10170];
	p0 =	slt.u32 s2, $0x780  }
0x7e: {  	v1 =	vld [tilespmem:s22+$0x10100]  }
0x7f: {  	v2 =	vld [tilespmem:s22+$0x10110]  }
0x80: {  	v3 =	vld [tilespmem:s22+$0x10120]  }
0x81: {  	v4 =	vld [tilespmem:s22+$0x10130]  }
0x82: {  	[tilespmem:s22+$0x170] =	vst.add.f32.msk $0xffff, v0  }
0x83: {  	v5 =	vld [tilespmem:s22+$0x10140]  }
0x84: {  	v6 =	vld [tilespmem:s22+$0x10150]  }
0x85: {  	v0 =	vld [tilespmem:s22+$0x10160]  }
0x86: {  	[tilespmem:s22+$0x100] =	vst.add.f32.msk $0xffff, v1  }
.Ltmp2:
0x87: {  	[tilespmem:s22+$0x110] =	vst.add.f32.msk $0xffff, v2;
	(pc) =	sbr.rel @p0 .LBB2_7-.Ltmp2, $4  }
0x88: {  	[tilespmem:s22+$0x120] =	vst.add.f32.msk $0xffff, v3  }
0x89: {  	[tilespmem:s22+$0x130] =	vst.add.f32.msk $0xffff, v4  }
0x8a: {  	[tilespmem:s22+$0x140] =	vst.add.f32.msk $0xffff, v5  }
0x8b: {  	s23 =	sadd.s32 $0x1000, s23;
	[tilespmem:s22+$0x150] =	vst.add.f32.msk $0xffff, v6  }
0x8c: {  	[tilespmem:s22+$0x160] =	vst.add.f32.msk $0xffff, v0;
	s22 =	simm.s32 $0x0  }
0x8d: {  	v0 =	vld [tilespmem:s22+$0x101F0]  }
0x8e: {  	v1 =	vld [tilespmem:s22+$0x10180]  }
0x8f: {  	v2 =	vld [tilespmem:s22+$0x10190]  }
0x90: {  	v3 =	vld [tilespmem:s22+$0x101A0]  }
0x91: {  	v4 =	vld [tilespmem:s22+$0x101B0]  }
0x92: {  	v5 =	vld [tilespmem:s22+$0x101C0]  }
0x93: {  	v6 =	vld [tilespmem:s22+$0x101D0]  }
0x94: {  	[tilespmem:s22+$0x1F0] =	vst.add.f32.msk $0xffff, v0  }
0x95: {  	v0 =	vld [tilespmem:s22+$0x101E0]  }
0x96: {  	[tilespmem:s22+$0x180] =	vst.add.f32.msk $0xffff, v1  }
0x97: {  	[tilespmem:s22+$0x190] =	vst.add.f32.msk $0xffff, v2  }
0x98: {  	[tilespmem:s22+$0x1A0] =	vst.add.f32.msk $0xffff, v3  }
0x99: {  	[tilespmem:s22+$0x1B0] =	vst.add.f32.msk $0xffff, v4  }
0x9a: {  	[tilespmem:s22+$0x1C0] =	vst.add.f32.msk $0xffff, v5  }
0x9b: {  	s2 =	simm.s32 $0x0;
	s23 =	simm.s32 $0x1000;
	[tilespmem:s22+$0x1D0] =	vst.add.f32.msk $0xffff, v6  }
.LBB2_9:
0x9c: {  	s2 =	sadd.s32 $0x80, s2;
	[tilespmem:s22+$0x1E0] =	vst.add.f32.msk $0xffff, v0;
	s22 =	sshra.s32 s23, $0x2  }
0x9d: {  	v0 =	vld [tilespmem:s22+$0x101F0];
	p0 =	slt.u32 s2, $0x780  }
0x9e: {  	v1 =	vld [tilespmem:s22+$0x10180]  }
0x9f: {  	v2 =	vld [tilespmem:s22+$0x10190]  }
0xa0: {  	v3 =	vld [tilespmem:s22+$0x101A0]  }
0xa1: {  	v4 =	vld [tilespmem:s22+$0x101B0]  }
0xa2: {  	[tilespmem:s22+$0x1F0] =	vst.add.f32.msk $0xffff, v0  }
0xa3: {  	v5 =	vld [tilespmem:s22+$0x101C0]  }
0xa4: {  	v6 =	vld [tilespmem:s22+$0x101D0]  }
0xa5: {  	v0 =	vld [tilespmem:s22+$0x101E0]  }
0xa6: {  	[tilespmem:s22+$0x180] =	vst.add.f32.msk $0xffff, v1  }
.Ltmp3:
0xa7: {  	[tilespmem:s22+$0x190] =	vst.add.f32.msk $0xffff, v2;
	(pc) =	sbr.rel @p0 .LBB2_9-.Ltmp3, $4  }
0xa8: {  	[tilespmem:s22+$0x1A0] =	vst.add.f32.msk $0xffff, v3  }
0xa9: {  	[tilespmem:s22+$0x1B0] =	vst.add.f32.msk $0xffff, v4  }
0xaa: {  	[tilespmem:s22+$0x1C0] =	vst.add.f32.msk $0xffff, v5  }
0xab: {  	s23 =	sadd.s32 $0x1000, s23;
	[tilespmem:s22+$0x1D0] =	vst.add.f32.msk $0xffff, v6  }
0xac: {  	[tilespmem:s22+$0x1E0] =	vst.add.f32.msk $0xffff, v0;
	s22 =	simm.s32 $0x0  }
0xad: {  	v0 =	vld [tilespmem:s22+$0x10270]  }
0xae: {  	v1 =	vld [tilespmem:s22+$0x10200]  }
0xaf: {  	v2 =	vld [tilespmem:s22+$0x10210]  }
0xb0: {  	v3 =	vld [tilespmem:s22+$0x10220]  }
0xb1: {  	v4 =	vld [tilespmem:s22+$0x10230]  }
0xb2: {  	v5 =	vld [tilespmem:s22+$0x10240]  }
0xb3: {  	v6 =	vld [tilespmem:s22+$0x10250]  }
0xb4: {  	[tilespmem:s22+$0x270] =	vst.add.f32.msk $0xffff, v0  }
0xb5: {  	v0 =	vld [tilespmem:s22+$0x10260]  }
0xb6: {  	[tilespmem:s22+$0x200] =	vst.add.f32.msk $0xffff, v1  }
0xb7: {  	[tilespmem:s22+$0x210] =	vst.add.f32.msk $0xffff, v2  }
0xb8: {  	[tilespmem:s22+$0x220] =	vst.add.f32.msk $0xffff, v3  }
0xb9: {  	[tilespmem:s22+$0x230] =	vst.add.f32.msk $0xffff, v4  }
0xba: {  	[tilespmem:s22+$0x240] =	vst.add.f32.msk $0xffff, v5  }
0xbb: {  	s2 =	simm.s32 $0x0;
	s23 =	simm.s32 $0x1000;
	[tilespmem:s22+$0x250] =	vst.add.f32.msk $0xffff, v6  }
.LBB2_11:
0xbc: {  	s2 =	sadd.s32 $0x80, s2;
	[tilespmem:s22+$0x260] =	vst.add.f32.msk $0xffff, v0;
	s22 =	sshra.s32 s23, $0x2  }
0xbd: {  	v0 =	vld [tilespmem:s22+$0x10270];
	p0 =	slt.u32 s2, $0x780  }
0xbe: {  	v1 =	vld [tilespmem:s22+$0x10200]  }
0xbf: {  	v2 =	vld [tilespmem:s22+$0x10210]  }
0xc0: {  	v3 =	vld [tilespmem:s22+$0x10220]  }
0xc1: {  	v4 =	vld [tilespmem:s22+$0x10230]  }
0xc2: {  	[tilespmem:s22+$0x270] =	vst.add.f32.msk $0xffff, v0  }
0xc3: {  	v5 =	vld [tilespmem:s22+$0x10240]  }
0xc4: {  	v6 =	vld [tilespmem:s22+$0x10250]  }
0xc5: {  	v0 =	vld [tilespmem:s22+$0x10260]  }
0xc6: {  	[tilespmem:s22+$0x200] =	vst.add.f32.msk $0xffff, v1  }
.Ltmp4:
0xc7: {  	[tilespmem:s22+$0x210] =	vst.add.f32.msk $0xffff, v2;
	(pc) =	sbr.rel @p0 .LBB2_11-.Ltmp4, $4  }
0xc8: {  	[tilespmem:s22+$0x220] =	vst.add.f32.msk $0xffff, v3  }
0xc9: {  	[tilespmem:s22+$0x230] =	vst.add.f32.msk $0xffff, v4  }
0xca: {  	[tilespmem:s22+$0x240] =	vst.add.f32.msk $0xffff, v5  }
0xcb: {  	s23 =	sadd.s32 $0x1000, s23;
	[tilespmem:s22+$0x250] =	vst.add.f32.msk $0xffff, v6  }
0xcc: {  	[tilespmem:s22+$0x260] =	vst.add.f32.msk $0xffff, v0;
	s22 =	simm.s32 $0x0  }
0xcd: {  	v0 =	vld [tilespmem:s22+$0x102F0]  }
0xce: {  	v1 =	vld [tilespmem:s22+$0x10280]  }
0xcf: {  	v2 =	vld [tilespmem:s22+$0x10290]  }
0xd0: {  	v3 =	vld [tilespmem:s22+$0x102A0]  }
0xd1: {  	v4 =	vld [tilespmem:s22+$0x102B0]  }
0xd2: {  	v5 =	vld [tilespmem:s22+$0x102C0]  }
0xd3: {  	v6 =	vld [tilespmem:s22+$0x102D0]  }
0xd4: {  	[tilespmem:s22+$0x2F0] =	vst.add.f32.msk $0xffff, v0  }
0xd5: {  	v0 =	vld [tilespmem:s22+$0x102E0]  }
0xd6: {  	[tilespmem:s22+$0x280] =	vst.add.f32.msk $0xffff, v1  }
0xd7: {  	[tilespmem:s22+$0x290] =	vst.add.f32.msk $0xffff, v2  }
0xd8: {  	[tilespmem:s22+$0x2A0] =	vst.add.f32.msk $0xffff, v3  }
0xd9: {  	[tilespmem:s22+$0x2B0] =	vst.add.f32.msk $0xffff, v4  }
0xda: {  	[tilespmem:s22+$0x2C0] =	vst.add.f32.msk $0xffff, v5  }
0xdb: {  	s2 =	simm.s32 $0x0;
	s23 =	simm.s32 $0x1000;
	[tilespmem:s22+$0x2D0] =	vst.add.f32.msk $0xffff, v6  }
.LBB2_13:
0xdc: {  	s2 =	sadd.s32 $0x80, s2;
	[tilespmem:s22+$0x2E0] =	vst.add.f32.msk $0xffff, v0;
	s22 =	sshra.s32 s23, $0x2  }
0xdd: {  	v0 =	vld [tilespmem:s22+$0x102F0];
	p0 =	slt.u32 s2, $0x780  }
0xde: {  	v1 =	vld [tilespmem:s22+$0x10280]  }
0xdf: {  	v2 =	vld [tilespmem:s22+$0x10290]  }
0xe0: {  	v3 =	vld [tilespmem:s22+$0x102A0]  }
0xe1: {  	v4 =	vld [tilespmem:s22+$0x102B0]  }
0xe2: {  	[tilespmem:s22+$0x2F0] =	vst.add.f32.msk $0xffff, v0  }
0xe3: {  	v5 =	vld [tilespmem:s22+$0x102C0]  }
0xe4: {  	v6 =	vld [tilespmem:s22+$0x102D0]  }
0xe5: {  	v0 =	vld [tilespmem:s22+$0x102E0]  }
0xe6: {  	[tilespmem:s22+$0x280] =	vst.add.f32.msk $0xffff, v1  }
.Ltmp5:
0xe7: {  	[tilespmem:s22+$0x290] =	vst.add.f32.msk $0xffff, v2;
	(pc) =	sbr.rel @p0 .LBB2_13-.Ltmp5, $4  }
0xe8: {  	[tilespmem:s22+$0x2A0] =	vst.add.f32.msk $0xffff, v3  }
0xe9: {  	[tilespmem:s22+$0x2B0] =	vst.add.f32.msk $0xffff, v4  }
0xea: {  	[tilespmem:s22+$0x2C0] =	vst.add.f32.msk $0xffff, v5  }
0xeb: {  	s23 =	sadd.s32 $0x1000, s23;
	[tilespmem:s22+$0x2D0] =	vst.add.f32.msk $0xffff, v6  }
0xec: {  	[tilespmem:s22+$0x2E0] =	vst.add.f32.msk $0xffff, v0;
	s22 =	simm.s32 $0x0  }
0xed: {  	v0 =	vld [tilespmem:s22+$0x10370]  }
0xee: {  	v1 =	vld [tilespmem:s22+$0x10300]  }
0xef: {  	v2 =	vld [tilespmem:s22+$0x10310]  }
0xf0: {  	v3 =	vld [tilespmem:s22+$0x10320]  }
0xf1: {  	v4 =	vld [tilespmem:s22+$0x10330]  }
0xf2: {  	v5 =	vld [tilespmem:s22+$0x10340]  }
0xf3: {  	v6 =	vld [tilespmem:s22+$0x10350]  }
0xf4: {  	[tilespmem:s22+$0x370] =	vst.add.f32.msk $0xffff, v0  }
0xf5: {  	v0 =	vld [tilespmem:s22+$0x10360]  }
0xf6: {  	[tilespmem:s22+$0x300] =	vst.add.f32.msk $0xffff, v1  }
0xf7: {  	[tilespmem:s22+$0x310] =	vst.add.f32.msk $0xffff, v2  }
0xf8: {  	[tilespmem:s22+$0x320] =	vst.add.f32.msk $0xffff, v3  }
0xf9: {  	[tilespmem:s22+$0x330] =	vst.add.f32.msk $0xffff, v4  }
0xfa: {  	[tilespmem:s22+$0x340] =	vst.add.f32.msk $0xffff, v5  }
0xfb: {  	s2 =	simm.s32 $0x0;
	s23 =	simm.s32 $0x1000;
	[tilespmem:s22+$0x350] =	vst.add.f32.msk $0xffff, v6  }
.LBB2_15:
0xfc: {  	s2 =	sadd.s32 $0x80, s2;
	[tilespmem:s22+$0x360] =	vst.add.f32.msk $0xffff, v0;
	s22 =	sshra.s32 s23, $0x2  }
0xfd: {  	v0 =	vld [tilespmem:s22+$0x10370];
	p0 =	slt.u32 s2, $0x780  }
0xfe: {  	v1 =	vld [tilespmem:s22+$0x10300]  }
0xff: {  	v2 =	vld [tilespmem:s22+$0x10310]  }
0x100: {  	v3 =	vld [tilespmem:s22+$0x10320]  }
0x101: {  	v4 =	vld [tilespmem:s22+$0x10330]  }
0x102: {  	[tilespmem:s22+$0x370] =	vst.add.f32.msk $0xffff, v0  }
0x103: {  	v5 =	vld [tilespmem:s22+$0x10340]  }
0x104: {  	v6 =	vld [tilespmem:s22+$0x10350]  }
0x105: {  	v0 =	vld [tilespmem:s22+$0x10360]  }
0x106: {  	[tilespmem:s22+$0x300] =	vst.add.f32.msk $0xffff, v1  }
.Ltmp6:
0x107: {  	[tilespmem:s22+$0x310] =	vst.add.f32.msk $0xffff, v2;
	(pc) =	sbr.rel @p0 .LBB2_15-.Ltmp6, $4  }
0x108: {  	[tilespmem:s22+$0x320] =	vst.add.f32.msk $0xffff, v3  }
0x109: {  	[tilespmem:s22+$0x330] =	vst.add.f32.msk $0xffff, v4  }
0x10a: {  	[tilespmem:s22+$0x340] =	vst.add.f32.msk $0xffff, v5  }
0x10b: {  	s23 =	sadd.s32 $0x1000, s23;
	[tilespmem:s22+$0x350] =	vst.add.f32.msk $0xffff, v6  }
0x10c: {  	[tilespmem:s22+$0x360] =	vst.add.f32.msk $0xffff, v0;
	s22 =	simm.s32 $0x0  }
0x10d: {  	v0 =	vld [tilespmem:s22+$0x103F0]  }
0x10e: {  	v1 =	vld [tilespmem:s22+$0x10380]  }
0x10f: {  	v2 =	vld [tilespmem:s22+$0x10390]  }
0x110: {  	v3 =	vld [tilespmem:s22+$0x103A0]  }
0x111: {  	v4 =	vld [tilespmem:s22+$0x103B0]  }
0x112: {  	v5 =	vld [tilespmem:s22+$0x103C0]  }
0x113: {  	v6 =	vld [tilespmem:s22+$0x103D0]  }
0x114: {  	[tilespmem:s22+$0x3F0] =	vst.add.f32.msk $0xffff, v0  }
0x115: {  	v0 =	vld [tilespmem:s22+$0x103E0]  }
0x116: {  	[tilespmem:s22+$0x380] =	vst.add.f32.msk $0xffff, v1  }
0x117: {  	[tilespmem:s22+$0x390] =	vst.add.f32.msk $0xffff, v2  }
0x118: {  	[tilespmem:s22+$0x3A0] =	vst.add.f32.msk $0xffff, v3  }
0x119: {  	[tilespmem:s22+$0x3B0] =	vst.add.f32.msk $0xffff, v4  }
0x11a: {  	[tilespmem:s22+$0x3C0] =	vst.add.f32.msk $0xffff, v5  }
0x11b: {  	s2 =	simm.s32 $0x0;
	s23 =	simm.s32 $0x1000;
	[tilespmem:s22+$0x3D0] =	vst.add.f32.msk $0xffff, v6  }
.LBB2_17:
0x11c: {  	s2 =	sadd.s32 $0x80, s2;
	[tilespmem:s22+$0x3E0] =	vst.add.f32.msk $0xffff, v0;
	s22 =	sshra.s32 s23, $0x2  }
0x11d: {  	v0 =	vld [tilespmem:s22+$0x103F0];
	p0 =	slt.u32 s2, $0x780  }
0x11e: {  	v1 =	vld [tilespmem:s22+$0x10380]  }
0x11f: {  	v2 =	vld [tilespmem:s22+$0x10390]  }
0x120: {  	v3 =	vld [tilespmem:s22+$0x103A0]  }
0x121: {  	v4 =	vld [tilespmem:s22+$0x103B0]  }
0x122: {  	[tilespmem:s22+$0x3F0] =	vst.add.f32.msk $0xffff, v0  }
0x123: {  	v5 =	vld [tilespmem:s22+$0x103C0]  }
0x124: {  	v6 =	vld [tilespmem:s22+$0x103D0]  }
0x125: {  	v0 =	vld [tilespmem:s22+$0x103E0]  }
0x126: {  	[tilespmem:s22+$0x380] =	vst.add.f32.msk $0xffff, v1  }
.Ltmp7:
0x127: {  	[tilespmem:s22+$0x390] =	vst.add.f32.msk $0xffff, v2;
	(pc) =	sbr.rel @p0 .LBB2_17-.Ltmp7, $4  }
0x128: {  	[tilespmem:s22+$0x3A0] =	vst.add.f32.msk $0xffff, v3  }
0x129: {  	[tilespmem:s22+$0x3B0] =	vst.add.f32.msk $0xffff, v4  }
0x12a: {  	[tilespmem:s22+$0x3C0] =	vst.add.f32.msk $0xffff, v5  }
0x12b: {  	s23 =	sadd.s32 $0x1000, s23;
	[tilespmem:s22+$0x3D0] =	vst.add.f32.msk $0xffff, v6  }
0x12c: {  	s2 =	sadd.s32 s6, s17  }
0x12d: {  	s2 =	sshll.u32 s2, $0x8  }
0x12e: {  	[tilespmem:s22+$0x3E0] =	vst.add.f32.msk $0xffff, v0;
	s22 =	simm.s32 $0x0;
	s2 =	sadd.s32 s3, s2  }
0x12f: {  	[hbm4b:s2+s22] =	stream.linear.scatter [tilespmem:s22], [sflag:$0x5], $0x4000, $0x38;
	[tilespmem:$0x18000] =	vst v63  }
0x130: {  	_ =	swait.ge [sflag:s25], $0x4000  }
0x131: {  	[sflag:s25] =	ssyncset.done $0x0  }
0x132: {  	s23 =	sadd.s32 s1, s18;
	[sflag:s25] =	ssyncadd.s32 $0xFFFFC000  }
0x133: {  	[tilespmem:s22], [sflag:$0x1] =	stream.linear.gather [hbm4b:s23+s22], $0x4000, $0x38;
	[tilespmem:$0x18000] =	vst v63  }
0x134: {  	_ =	swait.ge [sflag:s26], $0x4000  }
0x135: {  	[sflag:s26] =	ssyncset.done $0x0  }
0x136: {  	s18 =	simm.s32 $0x0;
	[sflag:s26] =	ssyncadd.s32 $0xFFFFC000  }
0x137: {  	v0 =	vld [tilespmem:s18+$0x10070]  }
0x138: {  	v1 =	vld [tilespmem:s18+$0x10000]  }
0x139: {  	v2 =	vld [tilespmem:s18+$0x10010]  }
0x13a: {  	v3 =	vld [tilespmem:s18+$0x10020]  }
0x13b: {  	v4 =	vld [tilespmem:s18+$0x10030]  }
0x13c: {  	v5 =	vld [tilespmem:s18+$0x10040]  }
0x13d: {  	v6 =	vld [tilespmem:s18+$0x10050]  }
0x13e: {  	[tilespmem:s18+$0x4070] =	vst.add.f32.msk $0xffff, v0  }
0x13f: {  	v0 =	vld [tilespmem:s18+$0x10060]  }
0x140: {  	[tilespmem:s18+$0x4000] =	vst.add.f32.msk $0xffff, v1  }
0x141: {  	[tilespmem:s18+$0x4010] =	vst.add.f32.msk $0xffff, v2  }
0x142: {  	[tilespmem:s18+$0x4020] =	vst.add.f32.msk $0xffff, v3  }
0x143: {  	[tilespmem:s18+$0x4030] =	vst.add.f32.msk $0xffff, v4  }
0x144: {  	[tilespmem:s18+$0x4040] =	vst.add.f32.msk $0xffff, v5  }
0x145: {  	s2 =	simm.s32 $0x0;
	s22 =	simm.s32 $0x1000;
	[tilespmem:s18+$0x4050] =	vst.add.f32.msk $0xffff, v6  }
.LBB2_19:
0x146: {  	s2 =	sadd.s32 $0x80, s2;
	[tilespmem:s18+$0x4060] =	vst.add.f32.msk $0xffff, v0;
	s18 =	sshra.s32 s22, $0x2  }
0x147: {  	v0 =	vld [tilespmem:s18+$0x10070];
	p0 =	slt.u32 s2, $0x780  }
0x148: {  	v1 =	vld [tilespmem:s18+$0x10000]  }
0x149: {  	v2 =	vld [tilespmem:s18+$0x10010]  }
0x14a: {  	v3 =	vld [tilespmem:s18+$0x10020]  }
0x14b: {  	v4 =	vld [tilespmem:s18+$0x10030]  }
0x14c: {  	[tilespmem:s18+$0x4070] =	vst.add.f32.msk $0xffff, v0  }
0x14d: {  	v5 =	vld [tilespmem:s18+$0x10040]  }
0x14e: {  	v6 =	vld [tilespmem:s18+$0x10050]  }
0x14f: {  	v0 =	vld [tilespmem:s18+$0x10060]  }
0x150: {  	[tilespmem:s18+$0x4000] =	vst.add.f32.msk $0xffff, v1  }
.Ltmp8:
0x151: {  	[tilespmem:s18+$0x4010] =	vst.add.f32.msk $0xffff, v2;
	(pc) =	sbr.rel @p0 .LBB2_19-.Ltmp8, $4  }
0x152: {  	[tilespmem:s18+$0x4020] =	vst.add.f32.msk $0xffff, v3  }
0x153: {  	[tilespmem:s18+$0x4030] =	vst.add.f32.msk $0xffff, v4  }
0x154: {  	[tilespmem:s18+$0x4040] =	vst.add.f32.msk $0xffff, v5  }
0x155: {  	s22 =	sadd.s32 $0x1000, s22;
	[tilespmem:s18+$0x4050] =	vst.add.f32.msk $0xffff, v6  }
0x156: {  	[tilespmem:s18+$0x4060] =	vst.add.f32.msk $0xffff, v0;
	s18 =	simm.s32 $0x0  }
0x157: {  	v0 =	vld [tilespmem:s18+$0x100F0]  }
0x158: {  	v1 =	vld [tilespmem:s18+$0x10080]  }
0x159: {  	v2 =	vld [tilespmem:s18+$0x10090]  }
0x15a: {  	v3 =	vld [tilespmem:s18+$0x100A0]  }
0x15b: {  	v4 =	vld [tilespmem:s18+$0x100B0]  }
0x15c: {  	v5 =	vld [tilespmem:s18+$0x100C0]  }
0x15d: {  	v6 =	vld [tilespmem:s18+$0x100D0]  }
0x15e: {  	[tilespmem:s18+$0x40F0] =	vst.add.f32.msk $0xffff, v0  }
0x15f: {  	v0 =	vld [tilespmem:s18+$0x100E0]  }
0x160: {  	[tilespmem:s18+$0x4080] =	vst.add.f32.msk $0xffff, v1  }
0x161: {  	[tilespmem:s18+$0x4090] =	vst.add.f32.msk $0xffff, v2  }
0x162: {  	[tilespmem:s18+$0x40A0] =	vst.add.f32.msk $0xffff, v3  }
0x163: {  	[tilespmem:s18+$0x40B0] =	vst.add.f32.msk $0xffff, v4  }
0x164: {  	[tilespmem:s18+$0x40C0] =	vst.add.f32.msk $0xffff, v5  }
0x165: {  	s2 =	simm.s32 $0x0;
	s22 =	simm.s32 $0x1000;
	s23 =	smov.u32 s4;
	[tilespmem:s18+$0x40D0] =	vst.add.f32.msk $0xffff, v6  }
.LBB2_21:
0x166: {  	s2 =	sadd.s32 $0x80, s2;
	[tilespmem:s18+$0x40E0] =	vst.add.f32.msk $0xffff, v0;
	s18 =	sshra.s32 s22, $0x2  }
0x167: {  	v0 =	vld [tilespmem:s18+$0x100F0];
	p0 =	slt.u32 s2, $0x780  }
0x168: {  	v1 =	vld [tilespmem:s18+$0x10080]  }
0x169: {  	v2 =	vld [tilespmem:s18+$0x10090]  }
0x16a: {  	v3 =	vld [tilespmem:s18+$0x100A0]  }
0x16b: {  	v4 =	vld [tilespmem:s18+$0x100B0]  }
0x16c: {  	[tilespmem:s18+$0x40F0] =	vst.add.f32.msk $0xffff, v0  }
0x16d: {  	v5 =	vld [tilespmem:s18+$0x100C0]  }
0x16e: {  	v6 =	vld [tilespmem:s18+$0x100D0]  }
0x16f: {  	v0 =	vld [tilespmem:s18+$0x100E0]  }
0x170: {  	[tilespmem:s18+$0x4080] =	vst.add.f32.msk $0xffff, v1  }
.Ltmp9:
0x171: {  	[tilespmem:s18+$0x4090] =	vst.add.f32.msk $0xffff, v2;
	(pc) =	sbr.rel @p0 .LBB2_21-.Ltmp9, $4  }
0x172: {  	[tilespmem:s18+$0x40A0] =	vst.add.f32.msk $0xffff, v3  }
0x173: {  	[tilespmem:s18+$0x40B0] =	vst.add.f32.msk $0xffff, v4  }
0x174: {  	[tilespmem:s18+$0x40C0] =	vst.add.f32.msk $0xffff, v5  }
0x175: {  	s22 =	sadd.s32 $0x1000, s22;
	[tilespmem:s18+$0x40D0] =	vst.add.f32.msk $0xffff, v6  }
0x176: {  	[tilespmem:s18+$0x40E0] =	vst.add.f32.msk $0xffff, v0;
	s18 =	simm.s32 $0x0  }
0x177: {  	v0 =	vld [tilespmem:s18+$0x10170]  }
0x178: {  	v1 =	vld [tilespmem:s18+$0x10100]  }
0x179: {  	v2 =	vld [tilespmem:s18+$0x10110]  }
0x17a: {  	v3 =	vld [tilespmem:s18+$0x10120]  }
0x17b: {  	v4 =	vld [tilespmem:s18+$0x10130]  }
0x17c: {  	v5 =	vld [tilespmem:s18+$0x10140]  }
0x17d: {  	v6 =	vld [tilespmem:s18+$0x10150]  }
0x17e: {  	[tilespmem:s18+$0x4170] =	vst.add.f32.msk $0xffff, v0  }
0x17f: {  	v0 =	vld [tilespmem:s18+$0x10160]  }
0x180: {  	[tilespmem:s18+$0x4100] =	vst.add.f32.msk $0xffff, v1  }
0x181: {  	[tilespmem:s18+$0x4110] =	vst.add.f32.msk $0xffff, v2  }
0x182: {  	[tilespmem:s18+$0x4120] =	vst.add.f32.msk $0xffff, v3  }
0x183: {  	[tilespmem:s18+$0x4130] =	vst.add.f32.msk $0xffff, v4  }
0x184: {  	[tilespmem:s18+$0x4140] =	vst.add.f32.msk $0xffff, v5  }
0x185: {  	s2 =	simm.s32 $0x0;
	s22 =	simm.s32 $0x1000;
	[tilespmem:s18+$0x4150] =	vst.add.f32.msk $0xffff, v6  }
.LBB2_23:
0x186: {  	s2 =	sadd.s32 $0x80, s2;
	[tilespmem:s18+$0x4160] =	vst.add.f32.msk $0xffff, v0;
	s18 =	sshra.s32 s22, $0x2  }
0x187: {  	v0 =	vld [tilespmem:s18+$0x10170];
	p0 =	slt.u32 s2, $0x780  }
0x188: {  	v1 =	vld [tilespmem:s18+$0x10100]  }
0x189: {  	v2 =	vld [tilespmem:s18+$0x10110]  }
0x18a: {  	v3 =	vld [tilespmem:s18+$0x10120]  }
0x18b: {  	v4 =	vld [tilespmem:s18+$0x10130]  }
0x18c: {  	[tilespmem:s18+$0x4170] =	vst.add.f32.msk $0xffff, v0  }
0x18d: {  	v5 =	vld [tilespmem:s18+$0x10140]  }
0x18e: {  	v6 =	vld [tilespmem:s18+$0x10150]  }
0x18f: {  	v0 =	vld [tilespmem:s18+$0x10160]  }
0x190: {  	[tilespmem:s18+$0x4100] =	vst.add.f32.msk $0xffff, v1  }
.Ltmp10:
0x191: {  	[tilespmem:s18+$0x4110] =	vst.add.f32.msk $0xffff, v2;
	(pc) =	sbr.rel @p0 .LBB2_23-.Ltmp10, $4  }
0x192: {  	[tilespmem:s18+$0x4120] =	vst.add.f32.msk $0xffff, v3  }
0x193: {  	[tilespmem:s18+$0x4130] =	vst.add.f32.msk $0xffff, v4  }
0x194: {  	[tilespmem:s18+$0x4140] =	vst.add.f32.msk $0xffff, v5  }
0x195: {  	s22 =	sadd.s32 $0x1000, s22;
	[tilespmem:s18+$0x4150] =	vst.add.f32.msk $0xffff, v6  }
0x196: {  	[tilespmem:s18+$0x4160] =	vst.add.f32.msk $0xffff, v0;
	s18 =	simm.s32 $0x0  }
0x197: {  	v0 =	vld [tilespmem:s18+$0x101F0]  }
0x198: {  	v1 =	vld [tilespmem:s18+$0x10180]  }
0x199: {  	v2 =	vld [tilespmem:s18+$0x10190]  }
0x19a: {  	v3 =	vld [tilespmem:s18+$0x101A0]  }
0x19b: {  	v4 =	vld [tilespmem:s18+$0x101B0]  }
0x19c: {  	v5 =	vld [tilespmem:s18+$0x101C0]  }
0x19d: {  	v6 =	vld [tilespmem:s18+$0x101D0]  }
0x19e: {  	[tilespmem:s18+$0x41F0] =	vst.add.f32.msk $0xffff, v0  }
0x19f: {  	v0 =	vld [tilespmem:s18+$0x101E0]  }
0x1a0: {  	[tilespmem:s18+$0x4180] =	vst.add.f32.msk $0xffff, v1  }
0x1a1: {  	[tilespmem:s18+$0x4190] =	vst.add.f32.msk $0xffff, v2  }
0x1a2: {  	[tilespmem:s18+$0x41A0] =	vst.add.f32.msk $0xffff, v3  }
0x1a3: {  	[tilespmem:s18+$0x41B0] =	vst.add.f32.msk $0xffff, v4  }
0x1a4: {  	[tilespmem:s18+$0x41C0] =	vst.add.f32.msk $0xffff, v5  }
0x1a5: {  	s2 =	simm.s32 $0x0;
	s22 =	simm.s32 $0x1000;
	[tilespmem:s18+$0x41D0] =	vst.add.f32.msk $0xffff, v6  }
.LBB2_25:
0x1a6: {  	s2 =	sadd.s32 $0x80, s2;
	[tilespmem:s18+$0x41E0] =	vst.add.f32.msk $0xffff, v0;
	s18 =	sshra.s32 s22, $0x2  }
0x1a7: {  	v0 =	vld [tilespmem:s18+$0x101F0];
	p0 =	slt.u32 s2, $0x780  }
0x1a8: {  	v1 =	vld [tilespmem:s18+$0x10180]  }
0x1a9: {  	v2 =	vld [tilespmem:s18+$0x10190]  }
0x1aa: {  	v3 =	vld [tilespmem:s18+$0x101A0]  }
0x1ab: {  	v4 =	vld [tilespmem:s18+$0x101B0]  }
0x1ac: {  	[tilespmem:s18+$0x41F0] =	vst.add.f32.msk $0xffff, v0  }
0x1ad: {  	v5 =	vld [tilespmem:s18+$0x101C0]  }
0x1ae: {  	v6 =	vld [tilespmem:s18+$0x101D0]  }
0x1af: {  	v0 =	vld [tilespmem:s18+$0x101E0]  }
0x1b0: {  	[tilespmem:s18+$0x4180] =	vst.add.f32.msk $0xffff, v1  }
.Ltmp11:
0x1b1: {  	[tilespmem:s18+$0x4190] =	vst.add.f32.msk $0xffff, v2;
	(pc) =	sbr.rel @p0 .LBB2_25-.Ltmp11, $4  }
0x1b2: {  	[tilespmem:s18+$0x41A0] =	vst.add.f32.msk $0xffff, v3  }
0x1b3: {  	[tilespmem:s18+$0x41B0] =	vst.add.f32.msk $0xffff, v4  }
0x1b4: {  	[tilespmem:s18+$0x41C0] =	vst.add.f32.msk $0xffff, v5  }
0x1b5: {  	s22 =	sadd.s32 $0x1000, s22;
	[tilespmem:s18+$0x41D0] =	vst.add.f32.msk $0xffff, v6  }
0x1b6: {  	[tilespmem:s18+$0x41E0] =	vst.add.f32.msk $0xffff, v0;
	s18 =	simm.s32 $0x0  }
0x1b7: {  	v0 =	vld [tilespmem:s18+$0x10270]  }
0x1b8: {  	v1 =	vld [tilespmem:s18+$0x10200]  }
0x1b9: {  	v2 =	vld [tilespmem:s18+$0x10210]  }
0x1ba: {  	v3 =	vld [tilespmem:s18+$0x10220]  }
0x1bb: {  	v4 =	vld [tilespmem:s18+$0x10230]  }
0x1bc: {  	v5 =	vld [tilespmem:s18+$0x10240]  }
0x1bd: {  	v6 =	vld [tilespmem:s18+$0x10250]  }
0x1be: {  	[tilespmem:s18+$0x4270] =	vst.add.f32.msk $0xffff, v0  }
0x1bf: {  	v0 =	vld [tilespmem:s18+$0x10260]  }
0x1c0: {  	[tilespmem:s18+$0x4200] =	vst.add.f32.msk $0xffff, v1  }
0x1c1: {  	[tilespmem:s18+$0x4210] =	vst.add.f32.msk $0xffff, v2  }
0x1c2: {  	[tilespmem:s18+$0x4220] =	vst.add.f32.msk $0xffff, v3  }
0x1c3: {  	[tilespmem:s18+$0x4230] =	vst.add.f32.msk $0xffff, v4  }
0x1c4: {  	[tilespmem:s18+$0x4240] =	vst.add.f32.msk $0xffff, v5  }
0x1c5: {  	s2 =	simm.s32 $0x0;
	s22 =	simm.s32 $0x1000;
	[tilespmem:s18+$0x4250] =	vst.add.f32.msk $0xffff, v6  }
.LBB2_27:
0x1c6: {  	s2 =	sadd.s32 $0x80, s2;
	[tilespmem:s18+$0x4260] =	vst.add.f32.msk $0xffff, v0;
	s18 =	sshra.s32 s22, $0x2  }
0x1c7: {  	v0 =	vld [tilespmem:s18+$0x10270];
	p0 =	slt.u32 s2, $0x780  }
0x1c8: {  	v1 =	vld [tilespmem:s18+$0x10200]  }
0x1c9: {  	v2 =	vld [tilespmem:s18+$0x10210]  }
0x1ca: {  	v3 =	vld [tilespmem:s18+$0x10220]  }
0x1cb: {  	v4 =	vld [tilespmem:s18+$0x10230]  }
0x1cc: {  	[tilespmem:s18+$0x4270] =	vst.add.f32.msk $0xffff, v0  }
0x1cd: {  	v5 =	vld [tilespmem:s18+$0x10240]  }
0x1ce: {  	v6 =	vld [tilespmem:s18+$0x10250]  }
0x1cf: {  	v0 =	vld [tilespmem:s18+$0x10260]  }
0x1d0: {  	[tilespmem:s18+$0x4200] =	vst.add.f32.msk $0xffff, v1  }
.Ltmp12:
0x1d1: {  	[tilespmem:s18+$0x4210] =	vst.add.f32.msk $0xffff, v2;
	(pc) =	sbr.rel @p0 .LBB2_27-.Ltmp12, $4  }
0x1d2: {  	[tilespmem:s18+$0x4220] =	vst.add.f32.msk $0xffff, v3  }
0x1d3: {  	[tilespmem:s18+$0x4230] =	vst.add.f32.msk $0xffff, v4  }
0x1d4: {  	[tilespmem:s18+$0x4240] =	vst.add.f32.msk $0xffff, v5  }
0x1d5: {  	s22 =	sadd.s32 $0x1000, s22;
	[tilespmem:s18+$0x4250] =	vst.add.f32.msk $0xffff, v6  }
0x1d6: {  	[tilespmem:s18+$0x4260] =	vst.add.f32.msk $0xffff, v0;
	s18 =	simm.s32 $0x0  }
0x1d7: {  	v0 =	vld [tilespmem:s18+$0x102F0]  }
0x1d8: {  	v1 =	vld [tilespmem:s18+$0x10280]  }
0x1d9: {  	v2 =	vld [tilespmem:s18+$0x10290]  }
0x1da: {  	v3 =	vld [tilespmem:s18+$0x102A0]  }
0x1db: {  	v4 =	vld [tilespmem:s18+$0x102B0]  }
0x1dc: {  	v5 =	vld [tilespmem:s18+$0x102C0]  }
0x1dd: {  	v6 =	vld [tilespmem:s18+$0x102D0]  }
0x1de: {  	[tilespmem:s18+$0x42F0] =	vst.add.f32.msk $0xffff, v0  }
0x1df: {  	v0 =	vld [tilespmem:s18+$0x102E0]  }
0x1e0: {  	[tilespmem:s18+$0x4280] =	vst.add.f32.msk $0xffff, v1  }
0x1e1: {  	[tilespmem:s18+$0x4290] =	vst.add.f32.msk $0xffff, v2  }
0x1e2: {  	[tilespmem:s18+$0x42A0] =	vst.add.f32.msk $0xffff, v3  }
0x1e3: {  	[tilespmem:s18+$0x42B0] =	vst.add.f32.msk $0xffff, v4  }
0x1e4: {  	[tilespmem:s18+$0x42C0] =	vst.add.f32.msk $0xffff, v5  }
0x1e5: {  	s2 =	simm.s32 $0x0;
	s22 =	simm.s32 $0x1000;
	[tilespmem:s18+$0x42D0] =	vst.add.f32.msk $0xffff, v6  }
.LBB2_29:
0x1e6: {  	s2 =	sadd.s32 $0x80, s2;
	[tilespmem:s18+$0x42E0] =	vst.add.f32.msk $0xffff, v0;
	s18 =	sshra.s32 s22, $0x2  }
0x1e7: {  	v0 =	vld [tilespmem:s18+$0x102F0];
	p0 =	slt.u32 s2, $0x780  }
0x1e8: {  	v1 =	vld [tilespmem:s18+$0x10280]  }
0x1e9: {  	v2 =	vld [tilespmem:s18+$0x10290]  }
0x1ea: {  	v3 =	vld [tilespmem:s18+$0x102A0]  }
0x1eb: {  	v4 =	vld [tilespmem:s18+$0x102B0]  }
0x1ec: {  	[tilespmem:s18+$0x42F0] =	vst.add.f32.msk $0xffff, v0  }
0x1ed: {  	v5 =	vld [tilespmem:s18+$0x102C0]  }
0x1ee: {  	v6 =	vld [tilespmem:s18+$0x102D0]  }
0x1ef: {  	v0 =	vld [tilespmem:s18+$0x102E0]  }
0x1f0: {  	[tilespmem:s18+$0x4280] =	vst.add.f32.msk $0xffff, v1  }
.Ltmp13:
0x1f1: {  	[tilespmem:s18+$0x4290] =	vst.add.f32.msk $0xffff, v2;
	(pc) =	sbr.rel @p0 .LBB2_29-.Ltmp13, $4  }
0x1f2: {  	[tilespmem:s18+$0x42A0] =	vst.add.f32.msk $0xffff, v3  }
0x1f3: {  	[tilespmem:s18+$0x42B0] =	vst.add.f32.msk $0xffff, v4  }
0x1f4: {  	[tilespmem:s18+$0x42C0] =	vst.add.f32.msk $0xffff, v5  }
0x1f5: {  	s22 =	sadd.s32 $0x1000, s22;
	[tilespmem:s18+$0x42D0] =	vst.add.f32.msk $0xffff, v6  }
0x1f6: {  	[tilespmem:s18+$0x42E0] =	vst.add.f32.msk $0xffff, v0;
	s18 =	simm.s32 $0x0  }
0x1f7: {  	v0 =	vld [tilespmem:s18+$0x10370]  }
0x1f8: {  	v1 =	vld [tilespmem:s18+$0x10300]  }
0x1f9: {  	v2 =	vld [tilespmem:s18+$0x10310]  }
0x1fa: {  	v3 =	vld [tilespmem:s18+$0x10320]  }
0x1fb: {  	v4 =	vld [tilespmem:s18+$0x10330]  }
0x1fc: {  	v5 =	vld [tilespmem:s18+$0x10340]  }
0x1fd: {  	v6 =	vld [tilespmem:s18+$0x10350]  }
0x1fe: {  	[tilespmem:s18+$0x4370] =	vst.add.f32.msk $0xffff, v0  }
0x1ff: {  	v0 =	vld [tilespmem:s18+$0x10360]  }
0x200: {  	[tilespmem:s18+$0x4300] =	vst.add.f32.msk $0xffff, v1  }
0x201: {  	[tilespmem:s18+$0x4310] =	vst.add.f32.msk $0xffff, v2  }
0x202: {  	[tilespmem:s18+$0x4320] =	vst.add.f32.msk $0xffff, v3  }
0x203: {  	[tilespmem:s18+$0x4330] =	vst.add.f32.msk $0xffff, v4  }
0x204: {  	[tilespmem:s18+$0x4340] =	vst.add.f32.msk $0xffff, v5  }
0x205: {  	s2 =	simm.s32 $0x0;
	s22 =	simm.s32 $0x1000;
	[tilespmem:s18+$0x4350] =	vst.add.f32.msk $0xffff, v6  }
.LBB2_31:
0x206: {  	s2 =	sadd.s32 $0x80, s2;
	[tilespmem:s18+$0x4360] =	vst.add.f32.msk $0xffff, v0;
	s18 =	sshra.s32 s22, $0x2  }
0x207: {  	v0 =	vld [tilespmem:s18+$0x10370];
	p0 =	slt.u32 s2, $0x780  }
0x208: {  	v1 =	vld [tilespmem:s18+$0x10300]  }
0x209: {  	v2 =	vld [tilespmem:s18+$0x10310]  }
0x20a: {  	v3 =	vld [tilespmem:s18+$0x10320]  }
0x20b: {  	v4 =	vld [tilespmem:s18+$0x10330]  }
0x20c: {  	[tilespmem:s18+$0x4370] =	vst.add.f32.msk $0xffff, v0  }
0x20d: {  	v5 =	vld [tilespmem:s18+$0x10340]  }
0x20e: {  	v6 =	vld [tilespmem:s18+$0x10350]  }
0x20f: {  	v0 =	vld [tilespmem:s18+$0x10360]  }
0x210: {  	[tilespmem:s18+$0x4300] =	vst.add.f32.msk $0xffff, v1  }
.Ltmp14:
0x211: {  	[tilespmem:s18+$0x4310] =	vst.add.f32.msk $0xffff, v2;
	(pc) =	sbr.rel @p0 .LBB2_31-.Ltmp14, $4  }
0x212: {  	[tilespmem:s18+$0x4320] =	vst.add.f32.msk $0xffff, v3  }
0x213: {  	[tilespmem:s18+$0x4330] =	vst.add.f32.msk $0xffff, v4  }
0x214: {  	[tilespmem:s18+$0x4340] =	vst.add.f32.msk $0xffff, v5  }
0x215: {  	s22 =	sadd.s32 $0x1000, s22;
	[tilespmem:s18+$0x4350] =	vst.add.f32.msk $0xffff, v6  }
0x216: {  	[tilespmem:s18+$0x4360] =	vst.add.f32.msk $0xffff, v0;
	s18 =	simm.s32 $0x0  }
0x217: {  	v0 =	vld [tilespmem:s18+$0x103F0]  }
0x218: {  	v1 =	vld [tilespmem:s18+$0x10380]  }
0x219: {  	v2 =	vld [tilespmem:s18+$0x10390]  }
0x21a: {  	v3 =	vld [tilespmem:s18+$0x103A0]  }
0x21b: {  	v4 =	vld [tilespmem:s18+$0x103B0]  }
0x21c: {  	v5 =	vld [tilespmem:s18+$0x103C0]  }
0x21d: {  	v6 =	vld [tilespmem:s18+$0x103D0]  }
0x21e: {  	[tilespmem:s18+$0x43F0] =	vst.add.f32.msk $0xffff, v0  }
0x21f: {  	v0 =	vld [tilespmem:s18+$0x103E0]  }
0x220: {  	[tilespmem:s18+$0x4380] =	vst.add.f32.msk $0xffff, v1  }
0x221: {  	[tilespmem:s18+$0x4390] =	vst.add.f32.msk $0xffff, v2  }
0x222: {  	[tilespmem:s18+$0x43A0] =	vst.add.f32.msk $0xffff, v3  }
0x223: {  	[tilespmem:s18+$0x43B0] =	vst.add.f32.msk $0xffff, v4  }
0x224: {  	[tilespmem:s18+$0x43C0] =	vst.add.f32.msk $0xffff, v5  }
0x225: {  	s2 =	simm.s32 $0x0;
	s22 =	simm.s32 $0x1000;
	[tilespmem:s18+$0x43D0] =	vst.add.f32.msk $0xffff, v6  }
.LBB2_33:
0x226: {  	s2 =	sadd.s32 $0x80, s2;
	[tilespmem:s18+$0x43E0] =	vst.add.f32.msk $0xffff, v0;
	s18 =	sshra.s32 s22, $0x2  }
0x227: {  	v0 =	vld [tilespmem:s18+$0x103F0];
	p0 =	slt.u32 s2, $0x780  }
0x228: {  	v1 =	vld [tilespmem:s18+$0x10380]  }
0x229: {  	v2 =	vld [tilespmem:s18+$0x10390]  }
0x22a: {  	v3 =	vld [tilespmem:s18+$0x103A0]  }
0x22b: {  	v4 =	vld [tilespmem:s18+$0x103B0]  }
0x22c: {  	[tilespmem:s18+$0x43F0] =	vst.add.f32.msk $0xffff, v0  }
0x22d: {  	v5 =	vld [tilespmem:s18+$0x103C0]  }
0x22e: {  	v6 =	vld [tilespmem:s18+$0x103D0]  }
0x22f: {  	v0 =	vld [tilespmem:s18+$0x103E0]  }
0x230: {  	[tilespmem:s18+$0x4380] =	vst.add.f32.msk $0xffff, v1  }
.Ltmp15:
0x231: {  	[tilespmem:s18+$0x4390] =	vst.add.f32.msk $0xffff, v2;
	(pc) =	sbr.rel @p0 .LBB2_33-.Ltmp15, $4  }
0x232: {  	[tilespmem:s18+$0x43A0] =	vst.add.f32.msk $0xffff, v3  }
0x233: {  	[tilespmem:s18+$0x43B0] =	vst.add.f32.msk $0xffff, v4  }
0x234: {  	[tilespmem:s18+$0x43C0] =	vst.add.f32.msk $0xffff, v5  }
0x235: {  	s22 =	sadd.s32 $0x1000, s22;
	[tilespmem:s18+$0x43D0] =	vst.add.f32.msk $0xffff, v6  }
0x236: {  	s2 =	sadd.s32 s7, s17  }
0x237: {  	s2 =	sshll.u32 s2, $0x8  }
0x238: {  	[tilespmem:s18+$0x43E0] =	vst.add.f32.msk $0xffff, v0;
	s4 =	simm.s32 $0x0;
	s2 =	sadd.s32 s3, s2  }
0x239: {  	[hbm4b:s2+s4] =	stream.linear.scatter [tilespmem:s19], [sflag:$0x6], $0x4000, $0x38;
	[tilespmem:$0x18000] =	vst v63  }
0x23a: {  	s22 =	sadd.s32 s15, s12;
	_ =	swait.ge [sflag:s28], $0x4000  }
0x23b: {  	s2 =	sshll.u32 s22, $0xB;
	[sflag:s28] =	ssyncset.done $0x0  }
0x23c: {  	s2 =	sadd.s32 s1, s2;
	[sflag:s28] =	ssyncadd.s32 $0xFFFFC000  }
0x23d: {  	[tilespmem:s19], [sflag:$0x2] =	stream.linear.gather [hbm4b:s2+s4], $0x4000, $0x38;
	[tilespmem:$0x18000] =	vst v63  }
0x23e: {  	_ =	swait.ge [sflag:s29], $0x4000  }
0x23f: {  	[sflag:s29] =	ssyncset.done $0x0  }
0x240: {  	s18 =	simm.s32 $0x0;
	[sflag:s29] =	ssyncadd.s32 $0xFFFFC000  }
0x241: {  	v0 =	vld [tilespmem:s18+$0x10070]  }
0x242: {  	v1 =	vld [tilespmem:s18+$0x10000]  }
0x243: {  	v2 =	vld [tilespmem:s18+$0x10010]  }
0x244: {  	v3 =	vld [tilespmem:s18+$0x10020]  }
0x245: {  	v4 =	vld [tilespmem:s18+$0x10030]  }
0x246: {  	v5 =	vld [tilespmem:s18+$0x10040]  }
0x247: {  	v6 =	vld [tilespmem:s18+$0x10050]  }
0x248: {  	[tilespmem:s18+$0x8070] =	vst.add.f32.msk $0xffff, v0  }
0x249: {  	v0 =	vld [tilespmem:s18+$0x10060]  }
0x24a: {  	[tilespmem:s18+$0x8000] =	vst.add.f32.msk $0xffff, v1  }
0x24b: {  	[tilespmem:s18+$0x8010] =	vst.add.f32.msk $0xffff, v2  }
0x24c: {  	[tilespmem:s18+$0x8020] =	vst.add.f32.msk $0xffff, v3  }
0x24d: {  	[tilespmem:s18+$0x8030] =	vst.add.f32.msk $0xffff, v4  }
0x24e: {  	[tilespmem:s18+$0x8040] =	vst.add.f32.msk $0xffff, v5  }
0x24f: {  	s22 =	simm.s32 $0x1000;
	s2 =	simm.s32 $0x0;
	[tilespmem:s18+$0x8050] =	vst.add.f32.msk $0xffff, v6  }
.LBB2_35:
0x250: {  	s2 =	sadd.s32 $0x80, s2;
	[tilespmem:s18+$0x8060] =	vst.add.f32.msk $0xffff, v0;
	s18 =	sshra.s32 s22, $0x2  }
0x251: {  	v0 =	vld [tilespmem:s18+$0x10070];
	p0 =	slt.u32 s2, $0x780  }
0x252: {  	v1 =	vld [tilespmem:s18+$0x10000]  }
0x253: {  	v2 =	vld [tilespmem:s18+$0x10010]  }
0x254: {  	v3 =	vld [tilespmem:s18+$0x10020]  }
0x255: {  	v4 =	vld [tilespmem:s18+$0x10030]  }
0x256: {  	[tilespmem:s18+$0x8070] =	vst.add.f32.msk $0xffff, v0  }
0x257: {  	v5 =	vld [tilespmem:s18+$0x10040]  }
0x258: {  	v6 =	vld [tilespmem:s18+$0x10050]  }
0x259: {  	v0 =	vld [tilespmem:s18+$0x10060]  }
0x25a: {  	[tilespmem:s18+$0x8000] =	vst.add.f32.msk $0xffff, v1  }
.Ltmp16:
0x25b: {  	[tilespmem:s18+$0x8010] =	vst.add.f32.msk $0xffff, v2;
	(pc) =	sbr.rel @p0 .LBB2_35-.Ltmp16, $4  }
0x25c: {  	[tilespmem:s18+$0x8020] =	vst.add.f32.msk $0xffff, v3  }
0x25d: {  	[tilespmem:s18+$0x8030] =	vst.add.f32.msk $0xffff, v4  }
0x25e: {  	[tilespmem:s18+$0x8040] =	vst.add.f32.msk $0xffff, v5  }
0x25f: {  	s22 =	sadd.s32 $0x1000, s22;
	[tilespmem:s18+$0x8050] =	vst.add.f32.msk $0xffff, v6  }
0x260: {  	[tilespmem:s18+$0x8060] =	vst.add.f32.msk $0xffff, v0;
	s18 =	simm.s32 $0x0  }
0x261: {  	v0 =	vld [tilespmem:s18+$0x100F0]  }
0x262: {  	v1 =	vld [tilespmem:s18+$0x10080]  }
0x263: {  	v2 =	vld [tilespmem:s18+$0x10090]  }
0x264: {  	v3 =	vld [tilespmem:s18+$0x100A0]  }
0x265: {  	v4 =	vld [tilespmem:s18+$0x100B0]  }
0x266: {  	v5 =	vld [tilespmem:s18+$0x100C0]  }
0x267: {  	v6 =	vld [tilespmem:s18+$0x100D0]  }
0x268: {  	[tilespmem:s18+$0x80F0] =	vst.add.f32.msk $0xffff, v0  }
0x269: {  	v0 =	vld [tilespmem:s18+$0x100E0]  }
0x26a: {  	[tilespmem:s18+$0x8080] =	vst.add.f32.msk $0xffff, v1  }
0x26b: {  	[tilespmem:s18+$0x8090] =	vst.add.f32.msk $0xffff, v2  }
0x26c: {  	[tilespmem:s18+$0x80A0] =	vst.add.f32.msk $0xffff, v3  }
0x26d: {  	[tilespmem:s18+$0x80B0] =	vst.add.f32.msk $0xffff, v4  }
0x26e: {  	[tilespmem:s18+$0x80C0] =	vst.add.f32.msk $0xffff, v5  }
0x26f: {  	s2 =	simm.s32 $0x0;
	s22 =	simm.s32 $0x1000;
	[tilespmem:s18+$0x80D0] =	vst.add.f32.msk $0xffff, v6  }
.LBB2_37:
0x270: {  	s2 =	sadd.s32 $0x80, s2;
	[tilespmem:s18+$0x80E0] =	vst.add.f32.msk $0xffff, v0;
	s18 =	sshra.s32 s22, $0x2  }
0x271: {  	v0 =	vld [tilespmem:s18+$0x100F0];
	p0 =	slt.u32 s2, $0x780  }
0x272: {  	v1 =	vld [tilespmem:s18+$0x10080]  }
0x273: {  	v2 =	vld [tilespmem:s18+$0x10090]  }
0x274: {  	v3 =	vld [tilespmem:s18+$0x100A0]  }
0x275: {  	v4 =	vld [tilespmem:s18+$0x100B0]  }
0x276: {  	[tilespmem:s18+$0x80F0] =	vst.add.f32.msk $0xffff, v0  }
0x277: {  	v5 =	vld [tilespmem:s18+$0x100C0]  }
0x278: {  	v6 =	vld [tilespmem:s18+$0x100D0]  }
0x279: {  	v0 =	vld [tilespmem:s18+$0x100E0]  }
0x27a: {  	[tilespmem:s18+$0x8080] =	vst.add.f32.msk $0xffff, v1  }
.Ltmp17:
0x27b: {  	[tilespmem:s18+$0x8090] =	vst.add.f32.msk $0xffff, v2;
	(pc) =	sbr.rel @p0 .LBB2_37-.Ltmp17, $4  }
0x27c: {  	[tilespmem:s18+$0x80A0] =	vst.add.f32.msk $0xffff, v3  }
0x27d: {  	[tilespmem:s18+$0x80B0] =	vst.add.f32.msk $0xffff, v4  }
0x27e: {  	[tilespmem:s18+$0x80C0] =	vst.add.f32.msk $0xffff, v5  }
0x27f: {  	s22 =	sadd.s32 $0x1000, s22;
	[tilespmem:s18+$0x80D0] =	vst.add.f32.msk $0xffff, v6  }
0x280: {  	[tilespmem:s18+$0x80E0] =	vst.add.f32.msk $0xffff, v0;
	s18 =	simm.s32 $0x0  }
0x281: {  	v0 =	vld [tilespmem:s18+$0x10170]  }
0x282: {  	v1 =	vld [tilespmem:s18+$0x10100]  }
0x283: {  	v2 =	vld [tilespmem:s18+$0x10110]  }
0x284: {  	v3 =	vld [tilespmem:s18+$0x10120]  }
0x285: {  	v4 =	vld [tilespmem:s18+$0x10130]  }
0x286: {  	v5 =	vld [tilespmem:s18+$0x10140]  }
0x287: {  	v6 =	vld [tilespmem:s18+$0x10150]  }
0x288: {  	[tilespmem:s18+$0x8170] =	vst.add.f32.msk $0xffff, v0  }
0x289: {  	v0 =	vld [tilespmem:s18+$0x10160]  }
0x28a: {  	[tilespmem:s18+$0x8100] =	vst.add.f32.msk $0xffff, v1  }
0x28b: {  	[tilespmem:s18+$0x8110] =	vst.add.f32.msk $0xffff, v2  }
0x28c: {  	[tilespmem:s18+$0x8120] =	vst.add.f32.msk $0xffff, v3  }
0x28d: {  	[tilespmem:s18+$0x8130] =	vst.add.f32.msk $0xffff, v4  }
0x28e: {  	[tilespmem:s18+$0x8140] =	vst.add.f32.msk $0xffff, v5  }
0x28f: {  	s2 =	simm.s32 $0x0;
	s22 =	simm.s32 $0x1000;
	[tilespmem:s18+$0x8150] =	vst.add.f32.msk $0xffff, v6  }
.LBB2_39:
0x290: {  	s2 =	sadd.s32 $0x80, s2;
	[tilespmem:s18+$0x8160] =	vst.add.f32.msk $0xffff, v0;
	s18 =	sshra.s32 s22, $0x2  }
0x291: {  	v0 =	vld [tilespmem:s18+$0x10170];
	p0 =	slt.u32 s2, $0x780  }
0x292: {  	v1 =	vld [tilespmem:s18+$0x10100]  }
0x293: {  	v2 =	vld [tilespmem:s18+$0x10110]  }
0x294: {  	v3 =	vld [tilespmem:s18+$0x10120]  }
0x295: {  	v4 =	vld [tilespmem:s18+$0x10130]  }
0x296: {  	[tilespmem:s18+$0x8170] =	vst.add.f32.msk $0xffff, v0  }
0x297: {  	v5 =	vld [tilespmem:s18+$0x10140]  }
0x298: {  	v6 =	vld [tilespmem:s18+$0x10150]  }
0x299: {  	v0 =	vld [tilespmem:s18+$0x10160]  }
0x29a: {  	[tilespmem:s18+$0x8100] =	vst.add.f32.msk $0xffff, v1  }
.Ltmp18:
0x29b: {  	[tilespmem:s18+$0x8110] =	vst.add.f32.msk $0xffff, v2;
	(pc) =	sbr.rel @p0 .LBB2_39-.Ltmp18, $4  }
0x29c: {  	[tilespmem:s18+$0x8120] =	vst.add.f32.msk $0xffff, v3  }
0x29d: {  	[tilespmem:s18+$0x8130] =	vst.add.f32.msk $0xffff, v4  }
0x29e: {  	[tilespmem:s18+$0x8140] =	vst.add.f32.msk $0xffff, v5  }
0x29f: {  	s22 =	sadd.s32 $0x1000, s22;
	[tilespmem:s18+$0x8150] =	vst.add.f32.msk $0xffff, v6  }
0x2a0: {  	[tilespmem:s18+$0x8160] =	vst.add.f32.msk $0xffff, v0;
	s18 =	simm.s32 $0x0  }
0x2a1: {  	v0 =	vld [tilespmem:s18+$0x101F0]  }
0x2a2: {  	v1 =	vld [tilespmem:s18+$0x10180]  }
0x2a3: {  	v2 =	vld [tilespmem:s18+$0x10190]  }
0x2a4: {  	v3 =	vld [tilespmem:s18+$0x101A0]  }
0x2a5: {  	v4 =	vld [tilespmem:s18+$0x101B0]  }
0x2a6: {  	v5 =	vld [tilespmem:s18+$0x101C0]  }
0x2a7: {  	v6 =	vld [tilespmem:s18+$0x101D0]  }
0x2a8: {  	[tilespmem:s18+$0x81F0] =	vst.add.f32.msk $0xffff, v0  }
0x2a9: {  	v0 =	vld [tilespmem:s18+$0x101E0]  }
0x2aa: {  	[tilespmem:s18+$0x8180] =	vst.add.f32.msk $0xffff, v1  }
0x2ab: {  	[tilespmem:s18+$0x8190] =	vst.add.f32.msk $0xffff, v2  }
0x2ac: {  	[tilespmem:s18+$0x81A0] =	vst.add.f32.msk $0xffff, v3  }
0x2ad: {  	[tilespmem:s18+$0x81B0] =	vst.add.f32.msk $0xffff, v4  }
0x2ae: {  	[tilespmem:s18+$0x81C0] =	vst.add.f32.msk $0xffff, v5  }
0x2af: {  	s2 =	simm.s32 $0x0;
	s22 =	simm.s32 $0x1000;
	[tilespmem:s18+$0x81D0] =	vst.add.f32.msk $0xffff, v6  }
.LBB2_41:
0x2b0: {  	s2 =	sadd.s32 $0x80, s2;
	[tilespmem:s18+$0x81E0] =	vst.add.f32.msk $0xffff, v0;
	s18 =	sshra.s32 s22, $0x2  }
0x2b1: {  	v0 =	vld [tilespmem:s18+$0x101F0];
	p0 =	slt.u32 s2, $0x780  }
0x2b2: {  	v1 =	vld [tilespmem:s18+$0x10180]  }
0x2b3: {  	v2 =	vld [tilespmem:s18+$0x10190]  }
0x2b4: {  	v3 =	vld [tilespmem:s18+$0x101A0]  }
0x2b5: {  	v4 =	vld [tilespmem:s18+$0x101B0]  }
0x2b6: {  	[tilespmem:s18+$0x81F0] =	vst.add.f32.msk $0xffff, v0  }
0x2b7: {  	v5 =	vld [tilespmem:s18+$0x101C0]  }
0x2b8: {  	v6 =	vld [tilespmem:s18+$0x101D0]  }
0x2b9: {  	v0 =	vld [tilespmem:s18+$0x101E0]  }
0x2ba: {  	[tilespmem:s18+$0x8180] =	vst.add.f32.msk $0xffff, v1  }
.Ltmp19:
0x2bb: {  	[tilespmem:s18+$0x8190] =	vst.add.f32.msk $0xffff, v2;
	(pc) =	sbr.rel @p0 .LBB2_41-.Ltmp19, $4  }
0x2bc: {  	[tilespmem:s18+$0x81A0] =	vst.add.f32.msk $0xffff, v3  }
0x2bd: {  	[tilespmem:s18+$0x81B0] =	vst.add.f32.msk $0xffff, v4  }
0x2be: {  	[tilespmem:s18+$0x81C0] =	vst.add.f32.msk $0xffff, v5  }
0x2bf: {  	s22 =	sadd.s32 $0x1000, s22;
	[tilespmem:s18+$0x81D0] =	vst.add.f32.msk $0xffff, v6  }
0x2c0: {  	[tilespmem:s18+$0x81E0] =	vst.add.f32.msk $0xffff, v0;
	s18 =	simm.s32 $0x0  }
0x2c1: {  	v0 =	vld [tilespmem:s18+$0x10270]  }
0x2c2: {  	v1 =	vld [tilespmem:s18+$0x10200]  }
0x2c3: {  	v2 =	vld [tilespmem:s18+$0x10210]  }
0x2c4: {  	v3 =	vld [tilespmem:s18+$0x10220]  }
0x2c5: {  	v4 =	vld [tilespmem:s18+$0x10230]  }
0x2c6: {  	v5 =	vld [tilespmem:s18+$0x10240]  }
0x2c7: {  	v6 =	vld [tilespmem:s18+$0x10250]  }
0x2c8: {  	[tilespmem:s18+$0x8270] =	vst.add.f32.msk $0xffff, v0  }
0x2c9: {  	v0 =	vld [tilespmem:s18+$0x10260]  }
0x2ca: {  	[tilespmem:s18+$0x8200] =	vst.add.f32.msk $0xffff, v1  }
0x2cb: {  	[tilespmem:s18+$0x8210] =	vst.add.f32.msk $0xffff, v2  }
0x2cc: {  	[tilespmem:s18+$0x8220] =	vst.add.f32.msk $0xffff, v3  }
0x2cd: {  	[tilespmem:s18+$0x8230] =	vst.add.f32.msk $0xffff, v4  }
0x2ce: {  	[tilespmem:s18+$0x8240] =	vst.add.f32.msk $0xffff, v5  }
0x2cf: {  	s2 =	simm.s32 $0x0;
	s22 =	simm.s32 $0x1000;
	[tilespmem:s18+$0x8250] =	vst.add.f32.msk $0xffff, v6  }
.LBB2_43:
0x2d0: {  	s2 =	sadd.s32 $0x80, s2;
	[tilespmem:s18+$0x8260] =	vst.add.f32.msk $0xffff, v0;
	s18 =	sshra.s32 s22, $0x2  }
0x2d1: {  	v0 =	vld [tilespmem:s18+$0x10270];
	p0 =	slt.u32 s2, $0x780  }
0x2d2: {  	v1 =	vld [tilespmem:s18+$0x10200]  }
0x2d3: {  	v2 =	vld [tilespmem:s18+$0x10210]  }
0x2d4: {  	v3 =	vld [tilespmem:s18+$0x10220]  }
0x2d5: {  	v4 =	vld [tilespmem:s18+$0x10230]  }
0x2d6: {  	[tilespmem:s18+$0x8270] =	vst.add.f32.msk $0xffff, v0  }
0x2d7: {  	v5 =	vld [tilespmem:s18+$0x10240]  }
0x2d8: {  	v6 =	vld [tilespmem:s18+$0x10250]  }
0x2d9: {  	v0 =	vld [tilespmem:s18+$0x10260]  }
0x2da: {  	[tilespmem:s18+$0x8200] =	vst.add.f32.msk $0xffff, v1  }
.Ltmp20:
0x2db: {  	[tilespmem:s18+$0x8210] =	vst.add.f32.msk $0xffff, v2;
	(pc) =	sbr.rel @p0 .LBB2_43-.Ltmp20, $4  }
0x2dc: {  	[tilespmem:s18+$0x8220] =	vst.add.f32.msk $0xffff, v3  }
0x2dd: {  	[tilespmem:s18+$0x8230] =	vst.add.f32.msk $0xffff, v4  }
0x2de: {  	[tilespmem:s18+$0x8240] =	vst.add.f32.msk $0xffff, v5  }
0x2df: {  	s22 =	sadd.s32 $0x1000, s22;
	[tilespmem:s18+$0x8250] =	vst.add.f32.msk $0xffff, v6  }
0x2e0: {  	[tilespmem:s18+$0x8260] =	vst.add.f32.msk $0xffff, v0;
	s18 =	simm.s32 $0x0  }
0x2e1: {  	v0 =	vld [tilespmem:s18+$0x102F0]  }
0x2e2: {  	v1 =	vld [tilespmem:s18+$0x10280]  }
0x2e3: {  	v2 =	vld [tilespmem:s18+$0x10290]  }
0x2e4: {  	v3 =	vld [tilespmem:s18+$0x102A0]  }
0x2e5: {  	v4 =	vld [tilespmem:s18+$0x102B0]  }
0x2e6: {  	v5 =	vld [tilespmem:s18+$0x102C0]  }
0x2e7: {  	v6 =	vld [tilespmem:s18+$0x102D0]  }
0x2e8: {  	[tilespmem:s18+$0x82F0] =	vst.add.f32.msk $0xffff, v0  }
0x2e9: {  	v0 =	vld [tilespmem:s18+$0x102E0]  }
0x2ea: {  	[tilespmem:s18+$0x8280] =	vst.add.f32.msk $0xffff, v1  }
0x2eb: {  	[tilespmem:s18+$0x8290] =	vst.add.f32.msk $0xffff, v2  }
0x2ec: {  	[tilespmem:s18+$0x82A0] =	vst.add.f32.msk $0xffff, v3  }
0x2ed: {  	[tilespmem:s18+$0x82B0] =	vst.add.f32.msk $0xffff, v4  }
0x2ee: {  	[tilespmem:s18+$0x82C0] =	vst.add.f32.msk $0xffff, v5  }
0x2ef: {  	s2 =	simm.s32 $0x0;
	s22 =	simm.s32 $0x1000;
	[tilespmem:s18+$0x82D0] =	vst.add.f32.msk $0xffff, v6  }
.LBB2_45:
0x2f0: {  	s2 =	sadd.s32 $0x80, s2;
	[tilespmem:s18+$0x82E0] =	vst.add.f32.msk $0xffff, v0;
	s18 =	sshra.s32 s22, $0x2  }
0x2f1: {  	v0 =	vld [tilespmem:s18+$0x102F0];
	p0 =	slt.u32 s2, $0x780  }
0x2f2: {  	v1 =	vld [tilespmem:s18+$0x10280]  }
0x2f3: {  	v2 =	vld [tilespmem:s18+$0x10290]  }
0x2f4: {  	v3 =	vld [tilespmem:s18+$0x102A0]  }
0x2f5: {  	v4 =	vld [tilespmem:s18+$0x102B0]  }
0x2f6: {  	[tilespmem:s18+$0x82F0] =	vst.add.f32.msk $0xffff, v0  }
0x2f7: {  	v5 =	vld [tilespmem:s18+$0x102C0]  }
0x2f8: {  	v6 =	vld [tilespmem:s18+$0x102D0]  }
0x2f9: {  	v0 =	vld [tilespmem:s18+$0x102E0]  }
0x2fa: {  	[tilespmem:s18+$0x8280] =	vst.add.f32.msk $0xffff, v1  }
.Ltmp21:
0x2fb: {  	[tilespmem:s18+$0x8290] =	vst.add.f32.msk $0xffff, v2;
	(pc) =	sbr.rel @p0 .LBB2_45-.Ltmp21, $4  }
0x2fc: {  	[tilespmem:s18+$0x82A0] =	vst.add.f32.msk $0xffff, v3  }
0x2fd: {  	[tilespmem:s18+$0x82B0] =	vst.add.f32.msk $0xffff, v4  }
0x2fe: {  	[tilespmem:s18+$0x82C0] =	vst.add.f32.msk $0xffff, v5  }
0x2ff: {  	s22 =	sadd.s32 $0x1000, s22;
	[tilespmem:s18+$0x82D0] =	vst.add.f32.msk $0xffff, v6  }
0x300: {  	[tilespmem:s18+$0x82E0] =	vst.add.f32.msk $0xffff, v0;
	s18 =	simm.s32 $0x0  }
0x301: {  	v0 =	vld [tilespmem:s18+$0x10370]  }
0x302: {  	v1 =	vld [tilespmem:s18+$0x10300]  }
0x303: {  	v2 =	vld [tilespmem:s18+$0x10310]  }
0x304: {  	v3 =	vld [tilespmem:s18+$0x10320]  }
0x305: {  	v4 =	vld [tilespmem:s18+$0x10330]  }
0x306: {  	v5 =	vld [tilespmem:s18+$0x10340]  }
0x307: {  	v6 =	vld [tilespmem:s18+$0x10350]  }
0x308: {  	[tilespmem:s18+$0x8370] =	vst.add.f32.msk $0xffff, v0  }
0x309: {  	v0 =	vld [tilespmem:s18+$0x10360]  }
0x30a: {  	[tilespmem:s18+$0x8300] =	vst.add.f32.msk $0xffff, v1  }
0x30b: {  	[tilespmem:s18+$0x8310] =	vst.add.f32.msk $0xffff, v2  }
0x30c: {  	[tilespmem:s18+$0x8320] =	vst.add.f32.msk $0xffff, v3  }
0x30d: {  	[tilespmem:s18+$0x8330] =	vst.add.f32.msk $0xffff, v4  }
0x30e: {  	[tilespmem:s18+$0x8340] =	vst.add.f32.msk $0xffff, v5  }
0x30f: {  	s2 =	simm.s32 $0x0;
	s22 =	simm.s32 $0x1000;
	[tilespmem:s18+$0x8350] =	vst.add.f32.msk $0xffff, v6  }
.LBB2_47:
0x310: {  	s2 =	sadd.s32 $0x80, s2;
	[tilespmem:s18+$0x8360] =	vst.add.f32.msk $0xffff, v0;
	s18 =	sshra.s32 s22, $0x2  }
0x311: {  	v0 =	vld [tilespmem:s18+$0x10370];
	p0 =	slt.u32 s2, $0x780  }
0x312: {  	v1 =	vld [tilespmem:s18+$0x10300]  }
0x313: {  	v2 =	vld [tilespmem:s18+$0x10310]  }
0x314: {  	v3 =	vld [tilespmem:s18+$0x10320]  }
0x315: {  	v4 =	vld [tilespmem:s18+$0x10330]  }
0x316: {  	[tilespmem:s18+$0x8370] =	vst.add.f32.msk $0xffff, v0  }
0x317: {  	v5 =	vld [tilespmem:s18+$0x10340]  }
0x318: {  	v6 =	vld [tilespmem:s18+$0x10350]  }
0x319: {  	v0 =	vld [tilespmem:s18+$0x10360]  }
0x31a: {  	[tilespmem:s18+$0x8300] =	vst.add.f32.msk $0xffff, v1  }
.Ltmp22:
0x31b: {  	[tilespmem:s18+$0x8310] =	vst.add.f32.msk $0xffff, v2;
	(pc) =	sbr.rel @p0 .LBB2_47-.Ltmp22, $4  }
0x31c: {  	[tilespmem:s18+$0x8320] =	vst.add.f32.msk $0xffff, v3  }
0x31d: {  	[tilespmem:s18+$0x8330] =	vst.add.f32.msk $0xffff, v4  }
0x31e: {  	[tilespmem:s18+$0x8340] =	vst.add.f32.msk $0xffff, v5  }
0x31f: {  	s22 =	sadd.s32 $0x1000, s22;
	[tilespmem:s18+$0x8350] =	vst.add.f32.msk $0xffff, v6  }
0x320: {  	[tilespmem:s18+$0x8360] =	vst.add.f32.msk $0xffff, v0;
	s18 =	simm.s32 $0x0  }
0x321: {  	v0 =	vld [tilespmem:s18+$0x103F0]  }
0x322: {  	v1 =	vld [tilespmem:s18+$0x10380]  }
0x323: {  	v2 =	vld [tilespmem:s18+$0x10390]  }
0x324: {  	v3 =	vld [tilespmem:s18+$0x103A0]  }
0x325: {  	v4 =	vld [tilespmem:s18+$0x103B0]  }
0x326: {  	v5 =	vld [tilespmem:s18+$0x103C0]  }
0x327: {  	v6 =	vld [tilespmem:s18+$0x103D0]  }
0x328: {  	[tilespmem:s18+$0x83F0] =	vst.add.f32.msk $0xffff, v0  }
0x329: {  	v0 =	vld [tilespmem:s18+$0x103E0]  }
0x32a: {  	[tilespmem:s18+$0x8380] =	vst.add.f32.msk $0xffff, v1  }
0x32b: {  	[tilespmem:s18+$0x8390] =	vst.add.f32.msk $0xffff, v2  }
0x32c: {  	[tilespmem:s18+$0x83A0] =	vst.add.f32.msk $0xffff, v3  }
0x32d: {  	[tilespmem:s18+$0x83B0] =	vst.add.f32.msk $0xffff, v4  }
0x32e: {  	[tilespmem:s18+$0x83C0] =	vst.add.f32.msk $0xffff, v5  }
0x32f: {  	s2 =	simm.s32 $0x0;
	s22 =	simm.s32 $0x1000;
	[tilespmem:s18+$0x83D0] =	vst.add.f32.msk $0xffff, v6  }
.LBB2_49:
0x330: {  	s2 =	sadd.s32 $0x80, s2;
	[tilespmem:s18+$0x83E0] =	vst.add.f32.msk $0xffff, v0;
	s18 =	sshra.s32 s22, $0x2  }
0x331: {  	v0 =	vld [tilespmem:s18+$0x103F0];
	p0 =	slt.u32 s2, $0x780  }
0x332: {  	v1 =	vld [tilespmem:s18+$0x10380]  }
0x333: {  	v2 =	vld [tilespmem:s18+$0x10390]  }
0x334: {  	v3 =	vld [tilespmem:s18+$0x103A0]  }
0x335: {  	v4 =	vld [tilespmem:s18+$0x103B0]  }
0x336: {  	[tilespmem:s18+$0x83F0] =	vst.add.f32.msk $0xffff, v0  }
0x337: {  	v5 =	vld [tilespmem:s18+$0x103C0]  }
0x338: {  	v6 =	vld [tilespmem:s18+$0x103D0]  }
0x339: {  	v0 =	vld [tilespmem:s18+$0x103E0]  }
0x33a: {  	[tilespmem:s18+$0x8380] =	vst.add.f32.msk $0xffff, v1  }
.Ltmp23:
0x33b: {  	[tilespmem:s18+$0x8390] =	vst.add.f32.msk $0xffff, v2;
	(pc) =	sbr.rel @p0 .LBB2_49-.Ltmp23, $4  }
0x33c: {  	[tilespmem:s18+$0x83A0] =	vst.add.f32.msk $0xffff, v3  }
0x33d: {  	[tilespmem:s18+$0x83B0] =	vst.add.f32.msk $0xffff, v4  }
0x33e: {  	[tilespmem:s18+$0x83C0] =	vst.add.f32.msk $0xffff, v5  }
0x33f: {  	s22 =	sadd.s32 $0x1000, s22;
	[tilespmem:s18+$0x83D0] =	vst.add.f32.msk $0xffff, v6  }
0x340: {  	s2 =	sadd.s32 s8, s17  }
0x341: {  	s2 =	sshll.u32 s2, $0x8  }
0x342: {  	[tilespmem:s18+$0x83E0] =	vst.add.f32.msk $0xffff, v0;
	s18 =	simm.s32 $0x0;
	s2 =	sadd.s32 s3, s2  }
0x343: {  	[hbm4b:s2+s18] =	stream.linear.scatter [tilespmem:s20], [sflag:$0x7], $0x4000, $0x38;
	[tilespmem:$0x18000] =	vst v63  }
0x344: {  	s22 =	sadd.s32 s16, s12;
	_ =	swait.ge [sflag:s30], $0x4000  }
0x345: {  	s2 =	sshll.u32 s22, $0xB;
	[sflag:s30] =	ssyncset.done $0x0  }
0x346: {  	s2 =	sadd.s32 s1, s2;
	[sflag:s30] =	ssyncadd.s32 $0xFFFFC000  }
0x347: {  	[tilespmem:s20], [sflag:$0x3] =	stream.linear.gather [hbm4b:s2+s18], $0x4000, $0x38;
	[tilespmem:$0x18000] =	vst v63  }
0x348: {  	_ =	swait.ge [sflag:s31], $0x4000  }
0x349: {  	[sflag:s31] =	ssyncset.done $0x0  }
0x34a: {  	s17 =	simm.s32 $0x0;
	[sflag:s31] =	ssyncadd.s32 $0xFFFFC000  }
0x34b: {  	v0 =	vld [tilespmem:s17+$0x10070]  }
0x34c: {  	v1 =	vld [tilespmem:s17+$0x10000]  }
0x34d: {  	v2 =	vld [tilespmem:s17+$0x10010]  }
0x34e: {  	v3 =	vld [tilespmem:s17+$0x10020]  }
0x34f: {  	v4 =	vld [tilespmem:s17+$0x10030]  }
0x350: {  	v5 =	vld [tilespmem:s17+$0x10040]  }
0x351: {  	v6 =	vld [tilespmem:s17+$0x10050]  }
0x352: {  	[tilespmem:s17+$0xC070] =	vst.add.f32.msk $0xffff, v0  }
0x353: {  	v0 =	vld [tilespmem:s17+$0x10060]  }
0x354: {  	[tilespmem:s17+$0xC000] =	vst.add.f32.msk $0xffff, v1  }
0x355: {  	[tilespmem:s17+$0xC010] =	vst.add.f32.msk $0xffff, v2  }
0x356: {  	[tilespmem:s17+$0xC020] =	vst.add.f32.msk $0xffff, v3  }
0x357: {  	[tilespmem:s17+$0xC030] =	vst.add.f32.msk $0xffff, v4  }
0x358: {  	[tilespmem:s17+$0xC040] =	vst.add.f32.msk $0xffff, v5  }
0x359: {  	s2 =	simm.s32 $0x0;
	s18 =	simm.s32 $0x1000;
	[tilespmem:s17+$0xC050] =	vst.add.f32.msk $0xffff, v6  }
.LBB2_51:
0x35a: {  	s2 =	sadd.s32 $0x80, s2;
	[tilespmem:s17+$0xC060] =	vst.add.f32.msk $0xffff, v0;
	s17 =	sshra.s32 s18, $0x2  }
0x35b: {  	v0 =	vld [tilespmem:s17+$0x10070];
	p0 =	slt.u32 s2, $0x780  }
0x35c: {  	v1 =	vld [tilespmem:s17+$0x10000]  }
0x35d: {  	v2 =	vld [tilespmem:s17+$0x10010]  }
0x35e: {  	v3 =	vld [tilespmem:s17+$0x10020]  }
0x35f: {  	v4 =	vld [tilespmem:s17+$0x10030]  }
0x360: {  	[tilespmem:s17+$0xC070] =	vst.add.f32.msk $0xffff, v0  }
0x361: {  	v5 =	vld [tilespmem:s17+$0x10040]  }
0x362: {  	v6 =	vld [tilespmem:s17+$0x10050]  }
0x363: {  	v0 =	vld [tilespmem:s17+$0x10060]  }
0x364: {  	[tilespmem:s17+$0xC000] =	vst.add.f32.msk $0xffff, v1  }
.Ltmp24:
0x365: {  	[tilespmem:s17+$0xC010] =	vst.add.f32.msk $0xffff, v2;
	(pc) =	sbr.rel @p0 .LBB2_51-.Ltmp24, $4  }
0x366: {  	[tilespmem:s17+$0xC020] =	vst.add.f32.msk $0xffff, v3  }
0x367: {  	[tilespmem:s17+$0xC030] =	vst.add.f32.msk $0xffff, v4  }
0x368: {  	[tilespmem:s17+$0xC040] =	vst.add.f32.msk $0xffff, v5  }
0x369: {  	s18 =	sadd.s32 $0x1000, s18;
	[tilespmem:s17+$0xC050] =	vst.add.f32.msk $0xffff, v6  }
0x36a: {  	[tilespmem:s17+$0xC060] =	vst.add.f32.msk $0xffff, v0;
	s17 =	simm.s32 $0x0  }
0x36b: {  	v0 =	vld [tilespmem:s17+$0x100F0]  }
0x36c: {  	v1 =	vld [tilespmem:s17+$0x10080]  }
0x36d: {  	v2 =	vld [tilespmem:s17+$0x10090]  }
0x36e: {  	v3 =	vld [tilespmem:s17+$0x100A0]  }
0x36f: {  	v4 =	vld [tilespmem:s17+$0x100B0]  }
0x370: {  	v5 =	vld [tilespmem:s17+$0x100C0]  }
0x371: {  	v6 =	vld [tilespmem:s17+$0x100D0]  }
0x372: {  	[tilespmem:s17+$0xC0F0] =	vst.add.f32.msk $0xffff, v0  }
0x373: {  	v0 =	vld [tilespmem:s17+$0x100E0]  }
0x374: {  	[tilespmem:s17+$0xC080] =	vst.add.f32.msk $0xffff, v1  }
0x375: {  	[tilespmem:s17+$0xC090] =	vst.add.f32.msk $0xffff, v2  }
0x376: {  	[tilespmem:s17+$0xC0A0] =	vst.add.f32.msk $0xffff, v3  }
0x377: {  	[tilespmem:s17+$0xC0B0] =	vst.add.f32.msk $0xffff, v4  }
0x378: {  	[tilespmem:s17+$0xC0C0] =	vst.add.f32.msk $0xffff, v5  }
0x379: {  	s2 =	simm.s32 $0x0;
	s18 =	simm.s32 $0x1000;
	[tilespmem:s17+$0xC0D0] =	vst.add.f32.msk $0xffff, v6  }
.LBB2_53:
0x37a: {  	s2 =	sadd.s32 $0x80, s2;
	[tilespmem:s17+$0xC0E0] =	vst.add.f32.msk $0xffff, v0;
	s17 =	sshra.s32 s18, $0x2  }
0x37b: {  	v0 =	vld [tilespmem:s17+$0x100F0];
	p0 =	slt.u32 s2, $0x780  }
0x37c: {  	v1 =	vld [tilespmem:s17+$0x10080]  }
0x37d: {  	v2 =	vld [tilespmem:s17+$0x10090]  }
0x37e: {  	v3 =	vld [tilespmem:s17+$0x100A0]  }
0x37f: {  	v4 =	vld [tilespmem:s17+$0x100B0]  }
0x380: {  	[tilespmem:s17+$0xC0F0] =	vst.add.f32.msk $0xffff, v0  }
0x381: {  	v5 =	vld [tilespmem:s17+$0x100C0]  }
0x382: {  	v6 =	vld [tilespmem:s17+$0x100D0]  }
0x383: {  	v0 =	vld [tilespmem:s17+$0x100E0]  }
0x384: {  	[tilespmem:s17+$0xC080] =	vst.add.f32.msk $0xffff, v1  }
.Ltmp25:
0x385: {  	[tilespmem:s17+$0xC090] =	vst.add.f32.msk $0xffff, v2;
	(pc) =	sbr.rel @p0 .LBB2_53-.Ltmp25, $4  }
0x386: {  	[tilespmem:s17+$0xC0A0] =	vst.add.f32.msk $0xffff, v3  }
0x387: {  	[tilespmem:s17+$0xC0B0] =	vst.add.f32.msk $0xffff, v4  }
0x388: {  	[tilespmem:s17+$0xC0C0] =	vst.add.f32.msk $0xffff, v5  }
0x389: {  	s18 =	sadd.s32 $0x1000, s18;
	[tilespmem:s17+$0xC0D0] =	vst.add.f32.msk $0xffff, v6  }
0x38a: {  	[tilespmem:s17+$0xC0E0] =	vst.add.f32.msk $0xffff, v0;
	s17 =	simm.s32 $0x0  }
0x38b: {  	v0 =	vld [tilespmem:s17+$0x10170]  }
0x38c: {  	v1 =	vld [tilespmem:s17+$0x10100]  }
0x38d: {  	v2 =	vld [tilespmem:s17+$0x10110]  }
0x38e: {  	v3 =	vld [tilespmem:s17+$0x10120]  }
0x38f: {  	v4 =	vld [tilespmem:s17+$0x10130]  }
0x390: {  	v5 =	vld [tilespmem:s17+$0x10140]  }
0x391: {  	v6 =	vld [tilespmem:s17+$0x10150]  }
0x392: {  	[tilespmem:s17+$0xC170] =	vst.add.f32.msk $0xffff, v0  }
0x393: {  	v0 =	vld [tilespmem:s17+$0x10160]  }
0x394: {  	[tilespmem:s17+$0xC100] =	vst.add.f32.msk $0xffff, v1  }
0x395: {  	[tilespmem:s17+$0xC110] =	vst.add.f32.msk $0xffff, v2  }
0x396: {  	[tilespmem:s17+$0xC120] =	vst.add.f32.msk $0xffff, v3  }
0x397: {  	[tilespmem:s17+$0xC130] =	vst.add.f32.msk $0xffff, v4  }
0x398: {  	[tilespmem:s17+$0xC140] =	vst.add.f32.msk $0xffff, v5  }
0x399: {  	s2 =	simm.s32 $0x0;
	s18 =	simm.s32 $0x1000;
	[tilespmem:s17+$0xC150] =	vst.add.f32.msk $0xffff, v6  }
.LBB2_55:
0x39a: {  	s2 =	sadd.s32 $0x80, s2;
	[tilespmem:s17+$0xC160] =	vst.add.f32.msk $0xffff, v0;
	s17 =	sshra.s32 s18, $0x2  }
0x39b: {  	v0 =	vld [tilespmem:s17+$0x10170];
	p0 =	slt.u32 s2, $0x780  }
0x39c: {  	v1 =	vld [tilespmem:s17+$0x10100]  }
0x39d: {  	v2 =	vld [tilespmem:s17+$0x10110]  }
0x39e: {  	v3 =	vld [tilespmem:s17+$0x10120]  }
0x39f: {  	v4 =	vld [tilespmem:s17+$0x10130]  }
0x3a0: {  	[tilespmem:s17+$0xC170] =	vst.add.f32.msk $0xffff, v0  }
0x3a1: {  	v5 =	vld [tilespmem:s17+$0x10140]  }
0x3a2: {  	v6 =	vld [tilespmem:s17+$0x10150]  }
0x3a3: {  	v0 =	vld [tilespmem:s17+$0x10160]  }
0x3a4: {  	[tilespmem:s17+$0xC100] =	vst.add.f32.msk $0xffff, v1  }
.Ltmp26:
0x3a5: {  	[tilespmem:s17+$0xC110] =	vst.add.f32.msk $0xffff, v2;
	(pc) =	sbr.rel @p0 .LBB2_55-.Ltmp26, $4  }
0x3a6: {  	[tilespmem:s17+$0xC120] =	vst.add.f32.msk $0xffff, v3  }
0x3a7: {  	[tilespmem:s17+$0xC130] =	vst.add.f32.msk $0xffff, v4  }
0x3a8: {  	[tilespmem:s17+$0xC140] =	vst.add.f32.msk $0xffff, v5  }
0x3a9: {  	s18 =	sadd.s32 $0x1000, s18;
	[tilespmem:s17+$0xC150] =	vst.add.f32.msk $0xffff, v6  }
0x3aa: {  	[tilespmem:s17+$0xC160] =	vst.add.f32.msk $0xffff, v0;
	s17 =	simm.s32 $0x0  }
0x3ab: {  	v0 =	vld [tilespmem:s17+$0x101F0]  }
0x3ac: {  	v1 =	vld [tilespmem:s17+$0x10180]  }
0x3ad: {  	v2 =	vld [tilespmem:s17+$0x10190]  }
0x3ae: {  	v3 =	vld [tilespmem:s17+$0x101A0]  }
0x3af: {  	v4 =	vld [tilespmem:s17+$0x101B0]  }
0x3b0: {  	v5 =	vld [tilespmem:s17+$0x101C0]  }
0x3b1: {  	v6 =	vld [tilespmem:s17+$0x101D0]  }
0x3b2: {  	[tilespmem:s17+$0xC1F0] =	vst.add.f32.msk $0xffff, v0  }
0x3b3: {  	v0 =	vld [tilespmem:s17+$0x101E0]  }
0x3b4: {  	[tilespmem:s17+$0xC180] =	vst.add.f32.msk $0xffff, v1  }
0x3b5: {  	[tilespmem:s17+$0xC190] =	vst.add.f32.msk $0xffff, v2  }
0x3b6: {  	[tilespmem:s17+$0xC1A0] =	vst.add.f32.msk $0xffff, v3  }
0x3b7: {  	[tilespmem:s17+$0xC1B0] =	vst.add.f32.msk $0xffff, v4  }
0x3b8: {  	[tilespmem:s17+$0xC1C0] =	vst.add.f32.msk $0xffff, v5  }
0x3b9: {  	s2 =	simm.s32 $0x0;
	s18 =	simm.s32 $0x1000;
	[tilespmem:s17+$0xC1D0] =	vst.add.f32.msk $0xffff, v6  }
.LBB2_57:
0x3ba: {  	s2 =	sadd.s32 $0x80, s2;
	[tilespmem:s17+$0xC1E0] =	vst.add.f32.msk $0xffff, v0;
	s17 =	sshra.s32 s18, $0x2  }
0x3bb: {  	v0 =	vld [tilespmem:s17+$0x101F0];
	p0 =	slt.u32 s2, $0x780  }
0x3bc: {  	v1 =	vld [tilespmem:s17+$0x10180]  }
0x3bd: {  	v2 =	vld [tilespmem:s17+$0x10190]  }
0x3be: {  	v3 =	vld [tilespmem:s17+$0x101A0]  }
0x3bf: {  	v4 =	vld [tilespmem:s17+$0x101B0]  }
0x3c0: {  	[tilespmem:s17+$0xC1F0] =	vst.add.f32.msk $0xffff, v0  }
0x3c1: {  	v5 =	vld [tilespmem:s17+$0x101C0]  }
0x3c2: {  	v6 =	vld [tilespmem:s17+$0x101D0]  }
0x3c3: {  	v0 =	vld [tilespmem:s17+$0x101E0]  }
0x3c4: {  	[tilespmem:s17+$0xC180] =	vst.add.f32.msk $0xffff, v1  }
.Ltmp27:
0x3c5: {  	[tilespmem:s17+$0xC190] =	vst.add.f32.msk $0xffff, v2;
	(pc) =	sbr.rel @p0 .LBB2_57-.Ltmp27, $4  }
0x3c6: {  	[tilespmem:s17+$0xC1A0] =	vst.add.f32.msk $0xffff, v3  }
0x3c7: {  	[tilespmem:s17+$0xC1B0] =	vst.add.f32.msk $0xffff, v4  }
0x3c8: {  	[tilespmem:s17+$0xC1C0] =	vst.add.f32.msk $0xffff, v5  }
0x3c9: {  	s18 =	sadd.s32 $0x1000, s18;
	[tilespmem:s17+$0xC1D0] =	vst.add.f32.msk $0xffff, v6  }
0x3ca: {  	[tilespmem:s17+$0xC1E0] =	vst.add.f32.msk $0xffff, v0;
	s17 =	simm.s32 $0x0  }
0x3cb: {  	v0 =	vld [tilespmem:s17+$0x10270]  }
0x3cc: {  	v1 =	vld [tilespmem:s17+$0x10200]  }
0x3cd: {  	v2 =	vld [tilespmem:s17+$0x10210]  }
0x3ce: {  	v3 =	vld [tilespmem:s17+$0x10220]  }
0x3cf: {  	v4 =	vld [tilespmem:s17+$0x10230]  }
0x3d0: {  	v5 =	vld [tilespmem:s17+$0x10240]  }
0x3d1: {  	v6 =	vld [tilespmem:s17+$0x10250]  }
0x3d2: {  	[tilespmem:s17+$0xC270] =	vst.add.f32.msk $0xffff, v0  }
0x3d3: {  	v0 =	vld [tilespmem:s17+$0x10260]  }
0x3d4: {  	[tilespmem:s17+$0xC200] =	vst.add.f32.msk $0xffff, v1  }
0x3d5: {  	[tilespmem:s17+$0xC210] =	vst.add.f32.msk $0xffff, v2  }
0x3d6: {  	[tilespmem:s17+$0xC220] =	vst.add.f32.msk $0xffff, v3  }
0x3d7: {  	[tilespmem:s17+$0xC230] =	vst.add.f32.msk $0xffff, v4  }
0x3d8: {  	[tilespmem:s17+$0xC240] =	vst.add.f32.msk $0xffff, v5  }
0x3d9: {  	s2 =	simm.s32 $0x0;
	s18 =	simm.s32 $0x1000;
	[tilespmem:s17+$0xC250] =	vst.add.f32.msk $0xffff, v6  }
.LBB2_59:
0x3da: {  	s2 =	sadd.s32 $0x80, s2;
	[tilespmem:s17+$0xC260] =	vst.add.f32.msk $0xffff, v0;
	s17 =	sshra.s32 s18, $0x2  }
0x3db: {  	v0 =	vld [tilespmem:s17+$0x10270];
	p0 =	slt.u32 s2, $0x780  }
0x3dc: {  	v1 =	vld [tilespmem:s17+$0x10200]  }
0x3dd: {  	v2 =	vld [tilespmem:s17+$0x10210]  }
0x3de: {  	v3 =	vld [tilespmem:s17+$0x10220]  }
0x3df: {  	v4 =	vld [tilespmem:s17+$0x10230]  }
0x3e0: {  	[tilespmem:s17+$0xC270] =	vst.add.f32.msk $0xffff, v0  }
0x3e1: {  	v5 =	vld [tilespmem:s17+$0x10240]  }
0x3e2: {  	v6 =	vld [tilespmem:s17+$0x10250]  }
0x3e3: {  	v0 =	vld [tilespmem:s17+$0x10260]  }
0x3e4: {  	[tilespmem:s17+$0xC200] =	vst.add.f32.msk $0xffff, v1  }
.Ltmp28:
0x3e5: {  	[tilespmem:s17+$0xC210] =	vst.add.f32.msk $0xffff, v2;
	(pc) =	sbr.rel @p0 .LBB2_59-.Ltmp28, $4  }
0x3e6: {  	[tilespmem:s17+$0xC220] =	vst.add.f32.msk $0xffff, v3  }
0x3e7: {  	[tilespmem:s17+$0xC230] =	vst.add.f32.msk $0xffff, v4  }
0x3e8: {  	[tilespmem:s17+$0xC240] =	vst.add.f32.msk $0xffff, v5  }
0x3e9: {  	s18 =	sadd.s32 $0x1000, s18;
	[tilespmem:s17+$0xC250] =	vst.add.f32.msk $0xffff, v6  }
0x3ea: {  	[tilespmem:s17+$0xC260] =	vst.add.f32.msk $0xffff, v0;
	s17 =	simm.s32 $0x0  }
0x3eb: {  	v0 =	vld [tilespmem:s17+$0x102F0]  }
0x3ec: {  	v1 =	vld [tilespmem:s17+$0x10280]  }
0x3ed: {  	v2 =	vld [tilespmem:s17+$0x10290]  }
0x3ee: {  	v3 =	vld [tilespmem:s17+$0x102A0]  }
0x3ef: {  	v4 =	vld [tilespmem:s17+$0x102B0]  }
0x3f0: {  	v5 =	vld [tilespmem:s17+$0x102C0]  }
0x3f1: {  	v6 =	vld [tilespmem:s17+$0x102D0]  }
0x3f2: {  	[tilespmem:s17+$0xC2F0] =	vst.add.f32.msk $0xffff, v0  }
0x3f3: {  	v0 =	vld [tilespmem:s17+$0x102E0]  }
0x3f4: {  	[tilespmem:s17+$0xC280] =	vst.add.f32.msk $0xffff, v1  }
0x3f5: {  	[tilespmem:s17+$0xC290] =	vst.add.f32.msk $0xffff, v2  }
0x3f6: {  	[tilespmem:s17+$0xC2A0] =	vst.add.f32.msk $0xffff, v3  }
0x3f7: {  	[tilespmem:s17+$0xC2B0] =	vst.add.f32.msk $0xffff, v4  }
0x3f8: {  	[tilespmem:s17+$0xC2C0] =	vst.add.f32.msk $0xffff, v5  }
0x3f9: {  	s2 =	simm.s32 $0x0;
	s18 =	simm.s32 $0x1000;
	[tilespmem:s17+$0xC2D0] =	vst.add.f32.msk $0xffff, v6  }
.LBB2_61:
0x3fa: {  	s2 =	sadd.s32 $0x80, s2;
	[tilespmem:s17+$0xC2E0] =	vst.add.f32.msk $0xffff, v0;
	s17 =	sshra.s32 s18, $0x2  }
0x3fb: {  	v0 =	vld [tilespmem:s17+$0x102F0];
	p0 =	slt.u32 s2, $0x780  }
0x3fc: {  	v1 =	vld [tilespmem:s17+$0x10280]  }
0x3fd: {  	v2 =	vld [tilespmem:s17+$0x10290]  }
0x3fe: {  	v3 =	vld [tilespmem:s17+$0x102A0]  }
0x3ff: {  	v4 =	vld [tilespmem:s17+$0x102B0]  }
0x400: {  	[tilespmem:s17+$0xC2F0] =	vst.add.f32.msk $0xffff, v0  }
0x401: {  	v5 =	vld [tilespmem:s17+$0x102C0]  }
0x402: {  	v6 =	vld [tilespmem:s17+$0x102D0]  }
0x403: {  	v0 =	vld [tilespmem:s17+$0x102E0]  }
0x404: {  	[tilespmem:s17+$0xC280] =	vst.add.f32.msk $0xffff, v1  }
.Ltmp29:
0x405: {  	[tilespmem:s17+$0xC290] =	vst.add.f32.msk $0xffff, v2;
	(pc) =	sbr.rel @p0 .LBB2_61-.Ltmp29, $4  }
0x406: {  	[tilespmem:s17+$0xC2A0] =	vst.add.f32.msk $0xffff, v3  }
0x407: {  	[tilespmem:s17+$0xC2B0] =	vst.add.f32.msk $0xffff, v4  }
0x408: {  	[tilespmem:s17+$0xC2C0] =	vst.add.f32.msk $0xffff, v5  }
0x409: {  	s18 =	sadd.s32 $0x1000, s18;
	[tilespmem:s17+$0xC2D0] =	vst.add.f32.msk $0xffff, v6  }
0x40a: {  	[tilespmem:s17+$0xC2E0] =	vst.add.f32.msk $0xffff, v0;
	s17 =	simm.s32 $0x0  }
0x40b: {  	v0 =	vld [tilespmem:s17+$0x10370]  }
0x40c: {  	v1 =	vld [tilespmem:s17+$0x10300]  }
0x40d: {  	v2 =	vld [tilespmem:s17+$0x10310]  }
0x40e: {  	v3 =	vld [tilespmem:s17+$0x10320]  }
0x40f: {  	v4 =	vld [tilespmem:s17+$0x10330]  }
0x410: {  	v5 =	vld [tilespmem:s17+$0x10340]  }
0x411: {  	v6 =	vld [tilespmem:s17+$0x10350]  }
0x412: {  	[tilespmem:s17+$0xC370] =	vst.add.f32.msk $0xffff, v0  }
0x413: {  	v0 =	vld [tilespmem:s17+$0x10360]  }
0x414: {  	[tilespmem:s17+$0xC300] =	vst.add.f32.msk $0xffff, v1  }
0x415: {  	[tilespmem:s17+$0xC310] =	vst.add.f32.msk $0xffff, v2  }
0x416: {  	[tilespmem:s17+$0xC320] =	vst.add.f32.msk $0xffff, v3  }
0x417: {  	[tilespmem:s17+$0xC330] =	vst.add.f32.msk $0xffff, v4  }
0x418: {  	[tilespmem:s17+$0xC340] =	vst.add.f32.msk $0xffff, v5  }
0x419: {  	s2 =	simm.s32 $0x0;
	s18 =	simm.s32 $0x1000;
	[tilespmem:s17+$0xC350] =	vst.add.f32.msk $0xffff, v6  }
.LBB2_63:
0x41a: {  	s2 =	sadd.s32 $0x80, s2;
	[tilespmem:s17+$0xC360] =	vst.add.f32.msk $0xffff, v0;
	s17 =	sshra.s32 s18, $0x2  }
0x41b: {  	v0 =	vld [tilespmem:s17+$0x10370];
	p0 =	slt.u32 s2, $0x780  }
0x41c: {  	v1 =	vld [tilespmem:s17+$0x10300]  }
0x41d: {  	v2 =	vld [tilespmem:s17+$0x10310]  }
0x41e: {  	v3 =	vld [tilespmem:s17+$0x10320]  }
0x41f: {  	v4 =	vld [tilespmem:s17+$0x10330]  }
0x420: {  	[tilespmem:s17+$0xC370] =	vst.add.f32.msk $0xffff, v0  }
0x421: {  	v5 =	vld [tilespmem:s17+$0x10340]  }
0x422: {  	v6 =	vld [tilespmem:s17+$0x10350]  }
0x423: {  	v0 =	vld [tilespmem:s17+$0x10360]  }
0x424: {  	[tilespmem:s17+$0xC300] =	vst.add.f32.msk $0xffff, v1  }
.Ltmp30:
0x425: {  	[tilespmem:s17+$0xC310] =	vst.add.f32.msk $0xffff, v2;
	(pc) =	sbr.rel @p0 .LBB2_63-.Ltmp30, $4  }
0x426: {  	[tilespmem:s17+$0xC320] =	vst.add.f32.msk $0xffff, v3  }
0x427: {  	[tilespmem:s17+$0xC330] =	vst.add.f32.msk $0xffff, v4  }
0x428: {  	[tilespmem:s17+$0xC340] =	vst.add.f32.msk $0xffff, v5  }
0x429: {  	s18 =	sadd.s32 $0x1000, s18;
	[tilespmem:s17+$0xC350] =	vst.add.f32.msk $0xffff, v6  }
0x42a: {  	[tilespmem:s17+$0xC360] =	vst.add.f32.msk $0xffff, v0;
	s17 =	simm.s32 $0x0  }
0x42b: {  	v0 =	vld [tilespmem:s17+$0x103F0]  }
0x42c: {  	v1 =	vld [tilespmem:s17+$0x10380]  }
0x42d: {  	v2 =	vld [tilespmem:s17+$0x10390]  }
0x42e: {  	v3 =	vld [tilespmem:s17+$0x103A0]  }
0x42f: {  	v4 =	vld [tilespmem:s17+$0x103B0]  }
0x430: {  	v5 =	vld [tilespmem:s17+$0x103C0]  }
0x431: {  	v6 =	vld [tilespmem:s17+$0x103D0]  }
0x432: {  	[tilespmem:s17+$0xC3F0] =	vst.add.f32.msk $0xffff, v0  }
0x433: {  	v0 =	vld [tilespmem:s17+$0x103E0]  }
0x434: {  	[tilespmem:s17+$0xC380] =	vst.add.f32.msk $0xffff, v1  }
0x435: {  	[tilespmem:s17+$0xC390] =	vst.add.f32.msk $0xffff, v2  }
0x436: {  	[tilespmem:s17+$0xC3A0] =	vst.add.f32.msk $0xffff, v3  }
0x437: {  	[tilespmem:s17+$0xC3B0] =	vst.add.f32.msk $0xffff, v4  }
0x438: {  	[tilespmem:s17+$0xC3C0] =	vst.add.f32.msk $0xffff, v5  }
0x439: {  	s2 =	simm.s32 $0x0;
	s18 =	simm.s32 $0x1000;
	[tilespmem:s17+$0xC3D0] =	vst.add.f32.msk $0xffff, v6  }
.LBB2_65:
0x43a: {  	s2 =	sadd.s32 $0x80, s2;
	[tilespmem:s17+$0xC3E0] =	vst.add.f32.msk $0xffff, v0;
	s17 =	sshra.s32 s18, $0x2  }
0x43b: {  	v0 =	vld [tilespmem:s17+$0x103F0];
	p0 =	slt.u32 s2, $0x780  }
0x43c: {  	v1 =	vld [tilespmem:s17+$0x10380]  }
0x43d: {  	v2 =	vld [tilespmem:s17+$0x10390]  }
0x43e: {  	v3 =	vld [tilespmem:s17+$0x103A0]  }
0x43f: {  	v4 =	vld [tilespmem:s17+$0x103B0]  }
0x440: {  	[tilespmem:s17+$0xC3F0] =	vst.add.f32.msk $0xffff, v0  }
0x441: {  	v5 =	vld [tilespmem:s17+$0x103C0]  }
0x442: {  	v6 =	vld [tilespmem:s17+$0x103D0]  }
0x443: {  	v0 =	vld [tilespmem:s17+$0x103E0]  }
0x444: {  	[tilespmem:s17+$0xC380] =	vst.add.f32.msk $0xffff, v1  }
.Ltmp31:
0x445: {  	[tilespmem:s17+$0xC390] =	vst.add.f32.msk $0xffff, v2;
	(pc) =	sbr.rel @p0 .LBB2_65-.Ltmp31, $4  }
0x446: {  	[tilespmem:s17+$0xC3A0] =	vst.add.f32.msk $0xffff, v3  }
0x447: {  	[tilespmem:s17+$0xC3B0] =	vst.add.f32.msk $0xffff, v4  }
0x448: {  	[tilespmem:s17+$0xC3C0] =	vst.add.f32.msk $0xffff, v5  }
0x449: {  	s18 =	sadd.s32 $0x1000, s18;
	[tilespmem:s17+$0xC3D0] =	vst.add.f32.msk $0xffff, v6  }
0x44a: {  	[tilespmem:s17+$0xC3E0] =	vst.add.f32.msk $0xffff, v0;
	s2 =	sadd.s32 s3, s11;
	s12 =	sshll.u32 s12, $0x3  }
0x44b: {  	[hbm4b:s2+s5] =	stream.linear.scatter [tilespmem:s21], [sflag:$0x8], $0x4000, $0x38;
	[tilespmem:$0x18000] =	vst v63  }
0x44c: {  	s18 =	sor.u32 s13, s12;
	_ =	swait.ge [sflag:s0], $0x4000  }
0x44d: {  	s10 =	sadd.s32 $0x2, s10;
	s11 =	sshll.u32 s18, $0x8;
	[sflag:s0] =	ssyncset.done $0x0  }
0x44e: {  	p0 =	seq.s32 s9, $0xF;
	s2 =	sadd.s32 s1, s11;
	[sflag:s0] =	ssyncadd.s32 $0xFFFFC000  }
0x44f: {  	[tilespmem:s21], [sflag:$0x4] =	stream.linear.gather [hbm4b:s2+s5], $0x4000, $0x38;
	[tilespmem:$0x18000] =	vst v63  }
0x450: {  	s2 =	sadd.s32 @!p0 s14, s10  }
0x451: {  	s2 =	sshll.u32 @!p0 s2, $0xB  }
0x452: {  	s17 =	sand.u32 @!p0 $0x1FFFF000, s2  }
0x453: {  	s22 =	simm.s32 @!p0 $0x10000;
	s18 =	simm.s32 @!p0 $0x0;
	s2 =	sadd.s32 @!p0 s23, s17  }
0x454: {  	[tilespmem:s22], [sflag:$0x9] =	stream.linear.gather @!p0 [hbm4b:s2+s18], $0x4000, $0x38;
	[tilespmem:$0x18000] =	vst v63  }
0x455: {  	s22 =	simm.s32 $0xA  }
0x456: {  	_ =	swait.ge [sflag:s22], $0x4000  }
0x457: {  	[sflag:s22] =	ssyncset.done $0x0  }
0x458: {  	[sflag:s22] =	ssyncadd.s32 $0xFFFFC000  }
0x459: {  	_ =	swait.ge [sflag:s24], $0x4000  }
0x45a: {  	[sflag:s24] =	ssyncset.done $0x0  }
0x45b: {  	s18 =	simm.s32 $0x0;
	[sflag:s24] =	ssyncadd.s32 $0xFFFFC000  }
0x45c: {  	v0 =	vld [tilespmem:s18+$0x14070]  }
0x45d: {  	v1 =	vld [tilespmem:s18+$0x14000]  }
0x45e: {  	v2 =	vld [tilespmem:s18+$0x14010]  }
0x45f: {  	v3 =	vld [tilespmem:s18+$0x14020]  }
0x460: {  	v4 =	vld [tilespmem:s18+$0x14030]  }
0x461: {  	v5 =	vld [tilespmem:s18+$0x14040]  }
0x462: {  	v6 =	vld [tilespmem:s18+$0x14050]  }
0x463: {  	[tilespmem:s18+$0x70] =	vst.add.f32.msk $0xffff, v0  }
0x464: {  	v0 =	vld [tilespmem:s18+$0x14060]  }
0x465: {  	[tilespmem:s18+$0x0] =	vst.add.f32.msk $0xffff, v1  }
0x466: {  	[tilespmem:s18+$0x10] =	vst.add.f32.msk $0xffff, v2  }
0x467: {  	[tilespmem:s18+$0x20] =	vst.add.f32.msk $0xffff, v3  }
0x468: {  	[tilespmem:s18+$0x30] =	vst.add.f32.msk $0xffff, v4  }
0x469: {  	[tilespmem:s18+$0x40] =	vst.add.f32.msk $0xffff, v5  }
0x46a: {  	s2 =	simm.s32 $0x0;
	s22 =	simm.s32 $0x1000;
	[tilespmem:s18+$0x50] =	vst.add.f32.msk $0xffff, v6  }
.LBB2_67:
0x46b: {  	s2 =	sadd.s32 $0x80, s2;
	[tilespmem:s18+$0x60] =	vst.add.f32.msk $0xffff, v0;
	s18 =	sshra.s32 s22, $0x2  }
0x46c: {  	v0 =	vld [tilespmem:s18+$0x14070];
	p1 =	slt.u32 s2, $0x780  }
0x46d: {  	v1 =	vld [tilespmem:s18+$0x14000]  }
0x46e: {  	v2 =	vld [tilespmem:s18+$0x14010]  }
0x46f: {  	v3 =	vld [tilespmem:s18+$0x14020]  }
0x470: {  	v4 =	vld [tilespmem:s18+$0x14030]  }
0x471: {  	[tilespmem:s18+$0x70] =	vst.add.f32.msk $0xffff, v0  }
0x472: {  	v5 =	vld [tilespmem:s18+$0x14040]  }
0x473: {  	v6 =	vld [tilespmem:s18+$0x14050]  }
0x474: {  	v0 =	vld [tilespmem:s18+$0x14060]  }
0x475: {  	[tilespmem:s18+$0x0] =	vst.add.f32.msk $0xffff, v1  }
.Ltmp32:
0x476: {  	[tilespmem:s18+$0x10] =	vst.add.f32.msk $0xffff, v2;
	(pc) =	sbr.rel @p1 .LBB2_67-.Ltmp32, $4  }
0x477: {  	[tilespmem:s18+$0x20] =	vst.add.f32.msk $0xffff, v3  }
0x478: {  	[tilespmem:s18+$0x30] =	vst.add.f32.msk $0xffff, v4  }
0x479: {  	[tilespmem:s18+$0x40] =	vst.add.f32.msk $0xffff, v5  }
0x47a: {  	s22 =	sadd.s32 $0x1000, s22;
	[tilespmem:s18+$0x50] =	vst.add.f32.msk $0xffff, v6  }
0x47b: {  	[tilespmem:s18+$0x60] =	vst.add.f32.msk $0xffff, v0;
	s18 =	simm.s32 $0x0  }
0x47c: {  	v0 =	vld [tilespmem:s18+$0x140F0]  }
0x47d: {  	v1 =	vld [tilespmem:s18+$0x14080]  }
0x47e: {  	v2 =	vld [tilespmem:s18+$0x14090]  }
0x47f: {  	v3 =	vld [tilespmem:s18+$0x140A0]  }
0x480: {  	v4 =	vld [tilespmem:s18+$0x140B0]  }
0x481: {  	v5 =	vld [tilespmem:s18+$0x140C0]  }
0x482: {  	v6 =	vld [tilespmem:s18+$0x140D0]  }
0x483: {  	[tilespmem:s18+$0xF0] =	vst.add.f32.msk $0xffff, v0  }
0x484: {  	v0 =	vld [tilespmem:s18+$0x140E0]  }
0x485: {  	[tilespmem:s18+$0x80] =	vst.add.f32.msk $0xffff, v1  }
0x486: {  	[tilespmem:s18+$0x90] =	vst.add.f32.msk $0xffff, v2  }
0x487: {  	[tilespmem:s18+$0xA0] =	vst.add.f32.msk $0xffff, v3  }
0x488: {  	[tilespmem:s18+$0xB0] =	vst.add.f32.msk $0xffff, v4  }
0x489: {  	[tilespmem:s18+$0xC0] =	vst.add.f32.msk $0xffff, v5  }
0x48a: {  	s2 =	simm.s32 $0x0;
	s22 =	simm.s32 $0x1000;
	[tilespmem:s18+$0xD0] =	vst.add.f32.msk $0xffff, v6  }
.LBB2_69:
0x48b: {  	s2 =	sadd.s32 $0x80, s2;
	[tilespmem:s18+$0xE0] =	vst.add.f32.msk $0xffff, v0;
	s18 =	sshra.s32 s22, $0x2  }
0x48c: {  	v0 =	vld [tilespmem:s18+$0x140F0];
	p1 =	slt.u32 s2, $0x780  }
0x48d: {  	v1 =	vld [tilespmem:s18+$0x14080]  }
0x48e: {  	v2 =	vld [tilespmem:s18+$0x14090]  }
0x48f: {  	v3 =	vld [tilespmem:s18+$0x140A0]  }
0x490: {  	v4 =	vld [tilespmem:s18+$0x140B0]  }
0x491: {  	[tilespmem:s18+$0xF0] =	vst.add.f32.msk $0xffff, v0  }
0x492: {  	v5 =	vld [tilespmem:s18+$0x140C0]  }
0x493: {  	v6 =	vld [tilespmem:s18+$0x140D0]  }
0x494: {  	v0 =	vld [tilespmem:s18+$0x140E0]  }
0x495: {  	[tilespmem:s18+$0x80] =	vst.add.f32.msk $0xffff, v1  }
.Ltmp33:
0x496: {  	[tilespmem:s18+$0x90] =	vst.add.f32.msk $0xffff, v2;
	(pc) =	sbr.rel @p1 .LBB2_69-.Ltmp33, $4  }
0x497: {  	[tilespmem:s18+$0xA0] =	vst.add.f32.msk $0xffff, v3  }
0x498: {  	[tilespmem:s18+$0xB0] =	vst.add.f32.msk $0xffff, v4  }
0x499: {  	[tilespmem:s18+$0xC0] =	vst.add.f32.msk $0xffff, v5  }
0x49a: {  	s22 =	sadd.s32 $0x1000, s22;
	[tilespmem:s18+$0xD0] =	vst.add.f32.msk $0xffff, v6  }
0x49b: {  	[tilespmem:s18+$0xE0] =	vst.add.f32.msk $0xffff, v0;
	s18 =	simm.s32 $0x0  }
0x49c: {  	v0 =	vld [tilespmem:s18+$0x14170]  }
0x49d: {  	v1 =	vld [tilespmem:s18+$0x14100]  }
0x49e: {  	v2 =	vld [tilespmem:s18+$0x14110]  }
0x49f: {  	v3 =	vld [tilespmem:s18+$0x14120]  }
0x4a0: {  	v4 =	vld [tilespmem:s18+$0x14130]  }
0x4a1: {  	v5 =	vld [tilespmem:s18+$0x14140]  }
0x4a2: {  	v6 =	vld [tilespmem:s18+$0x14150]  }
0x4a3: {  	[tilespmem:s18+$0x170] =	vst.add.f32.msk $0xffff, v0  }
0x4a4: {  	v0 =	vld [tilespmem:s18+$0x14160]  }
0x4a5: {  	[tilespmem:s18+$0x100] =	vst.add.f32.msk $0xffff, v1  }
0x4a6: {  	[tilespmem:s18+$0x110] =	vst.add.f32.msk $0xffff, v2  }
0x4a7: {  	[tilespmem:s18+$0x120] =	vst.add.f32.msk $0xffff, v3  }
0x4a8: {  	[tilespmem:s18+$0x130] =	vst.add.f32.msk $0xffff, v4  }
0x4a9: {  	[tilespmem:s18+$0x140] =	vst.add.f32.msk $0xffff, v5  }
0x4aa: {  	s2 =	simm.s32 $0x0;
	s22 =	simm.s32 $0x1000;
	[tilespmem:s18+$0x150] =	vst.add.f32.msk $0xffff, v6  }
.LBB2_71:
0x4ab: {  	s2 =	sadd.s32 $0x80, s2;
	[tilespmem:s18+$0x160] =	vst.add.f32.msk $0xffff, v0;
	s18 =	sshra.s32 s22, $0x2  }
0x4ac: {  	v0 =	vld [tilespmem:s18+$0x14170];
	p1 =	slt.u32 s2, $0x780  }
0x4ad: {  	v1 =	vld [tilespmem:s18+$0x14100]  }
0x4ae: {  	v2 =	vld [tilespmem:s18+$0x14110]  }
0x4af: {  	v3 =	vld [tilespmem:s18+$0x14120]  }
0x4b0: {  	v4 =	vld [tilespmem:s18+$0x14130]  }
0x4b1: {  	[tilespmem:s18+$0x170] =	vst.add.f32.msk $0xffff, v0  }
0x4b2: {  	v5 =	vld [tilespmem:s18+$0x14140]  }
0x4b3: {  	v6 =	vld [tilespmem:s18+$0x14150]  }
0x4b4: {  	v0 =	vld [tilespmem:s18+$0x14160]  }
0x4b5: {  	[tilespmem:s18+$0x100] =	vst.add.f32.msk $0xffff, v1  }
.Ltmp34:
0x4b6: {  	[tilespmem:s18+$0x110] =	vst.add.f32.msk $0xffff, v2;
	(pc) =	sbr.rel @p1 .LBB2_71-.Ltmp34, $4  }
0x4b7: {  	[tilespmem:s18+$0x120] =	vst.add.f32.msk $0xffff, v3  }
0x4b8: {  	[tilespmem:s18+$0x130] =	vst.add.f32.msk $0xffff, v4  }
0x4b9: {  	[tilespmem:s18+$0x140] =	vst.add.f32.msk $0xffff, v5  }
0x4ba: {  	s22 =	sadd.s32 $0x1000, s22;
	[tilespmem:s18+$0x150] =	vst.add.f32.msk $0xffff, v6  }
0x4bb: {  	[tilespmem:s18+$0x160] =	vst.add.f32.msk $0xffff, v0;
	s18 =	simm.s32 $0x0  }
0x4bc: {  	v0 =	vld [tilespmem:s18+$0x141F0]  }
0x4bd: {  	v1 =	vld [tilespmem:s18+$0x14180]  }
0x4be: {  	v2 =	vld [tilespmem:s18+$0x14190]  }
0x4bf: {  	v3 =	vld [tilespmem:s18+$0x141A0]  }
0x4c0: {  	v4 =	vld [tilespmem:s18+$0x141B0]  }
0x4c1: {  	v5 =	vld [tilespmem:s18+$0x141C0]  }
0x4c2: {  	v6 =	vld [tilespmem:s18+$0x141D0]  }
0x4c3: {  	[tilespmem:s18+$0x1F0] =	vst.add.f32.msk $0xffff, v0  }
0x4c4: {  	v0 =	vld [tilespmem:s18+$0x141E0]  }
0x4c5: {  	[tilespmem:s18+$0x180] =	vst.add.f32.msk $0xffff, v1  }
0x4c6: {  	[tilespmem:s18+$0x190] =	vst.add.f32.msk $0xffff, v2  }
0x4c7: {  	[tilespmem:s18+$0x1A0] =	vst.add.f32.msk $0xffff, v3  }
0x4c8: {  	[tilespmem:s18+$0x1B0] =	vst.add.f32.msk $0xffff, v4  }
0x4c9: {  	[tilespmem:s18+$0x1C0] =	vst.add.f32.msk $0xffff, v5  }
0x4ca: {  	s2 =	simm.s32 $0x0;
	s22 =	simm.s32 $0x1000;
	[tilespmem:s18+$0x1D0] =	vst.add.f32.msk $0xffff, v6  }
.LBB2_73:
0x4cb: {  	s2 =	sadd.s32 $0x80, s2;
	[tilespmem:s18+$0x1E0] =	vst.add.f32.msk $0xffff, v0;
	s18 =	sshra.s32 s22, $0x2  }
0x4cc: {  	v0 =	vld [tilespmem:s18+$0x141F0];
	p1 =	slt.u32 s2, $0x780  }
0x4cd: {  	v1 =	vld [tilespmem:s18+$0x14180]  }
0x4ce: {  	v2 =	vld [tilespmem:s18+$0x14190]  }
0x4cf: {  	v3 =	vld [tilespmem:s18+$0x141A0]  }
0x4d0: {  	v4 =	vld [tilespmem:s18+$0x141B0]  }
0x4d1: {  	[tilespmem:s18+$0x1F0] =	vst.add.f32.msk $0xffff, v0  }
0x4d2: {  	v5 =	vld [tilespmem:s18+$0x141C0]  }
0x4d3: {  	v6 =	vld [tilespmem:s18+$0x141D0]  }
0x4d4: {  	v0 =	vld [tilespmem:s18+$0x141E0]  }
0x4d5: {  	[tilespmem:s18+$0x180] =	vst.add.f32.msk $0xffff, v1  }
.Ltmp35:
0x4d6: {  	[tilespmem:s18+$0x190] =	vst.add.f32.msk $0xffff, v2;
	(pc) =	sbr.rel @p1 .LBB2_73-.Ltmp35, $4  }
0x4d7: {  	[tilespmem:s18+$0x1A0] =	vst.add.f32.msk $0xffff, v3  }
0x4d8: {  	[tilespmem:s18+$0x1B0] =	vst.add.f32.msk $0xffff, v4  }
0x4d9: {  	[tilespmem:s18+$0x1C0] =	vst.add.f32.msk $0xffff, v5  }
0x4da: {  	s22 =	sadd.s32 $0x1000, s22;
	[tilespmem:s18+$0x1D0] =	vst.add.f32.msk $0xffff, v6  }
0x4db: {  	[tilespmem:s18+$0x1E0] =	vst.add.f32.msk $0xffff, v0;
	s18 =	simm.s32 $0x0  }
0x4dc: {  	v0 =	vld [tilespmem:s18+$0x14270]  }
0x4dd: {  	v1 =	vld [tilespmem:s18+$0x14200]  }
0x4de: {  	v2 =	vld [tilespmem:s18+$0x14210]  }
0x4df: {  	v3 =	vld [tilespmem:s18+$0x14220]  }
0x4e0: {  	v4 =	vld [tilespmem:s18+$0x14230]  }
0x4e1: {  	v5 =	vld [tilespmem:s18+$0x14240]  }
0x4e2: {  	v6 =	vld [tilespmem:s18+$0x14250]  }
0x4e3: {  	[tilespmem:s18+$0x270] =	vst.add.f32.msk $0xffff, v0  }
0x4e4: {  	v0 =	vld [tilespmem:s18+$0x14260]  }
0x4e5: {  	[tilespmem:s18+$0x200] =	vst.add.f32.msk $0xffff, v1  }
0x4e6: {  	[tilespmem:s18+$0x210] =	vst.add.f32.msk $0xffff, v2  }
0x4e7: {  	[tilespmem:s18+$0x220] =	vst.add.f32.msk $0xffff, v3  }
0x4e8: {  	[tilespmem:s18+$0x230] =	vst.add.f32.msk $0xffff, v4  }
0x4e9: {  	[tilespmem:s18+$0x240] =	vst.add.f32.msk $0xffff, v5  }
0x4ea: {  	s2 =	simm.s32 $0x0;
	s22 =	simm.s32 $0x1000;
	[tilespmem:s18+$0x250] =	vst.add.f32.msk $0xffff, v6  }
.LBB2_75:
0x4eb: {  	s2 =	sadd.s32 $0x80, s2;
	[tilespmem:s18+$0x260] =	vst.add.f32.msk $0xffff, v0;
	s18 =	sshra.s32 s22, $0x2  }
0x4ec: {  	v0 =	vld [tilespmem:s18+$0x14270];
	p1 =	slt.u32 s2, $0x780  }
0x4ed: {  	v1 =	vld [tilespmem:s18+$0x14200]  }
0x4ee: {  	v2 =	vld [tilespmem:s18+$0x14210]  }
0x4ef: {  	v3 =	vld [tilespmem:s18+$0x14220]  }
0x4f0: {  	v4 =	vld [tilespmem:s18+$0x14230]  }
0x4f1: {  	[tilespmem:s18+$0x270] =	vst.add.f32.msk $0xffff, v0  }
0x4f2: {  	v5 =	vld [tilespmem:s18+$0x14240]  }
0x4f3: {  	v6 =	vld [tilespmem:s18+$0x14250]  }
0x4f4: {  	v0 =	vld [tilespmem:s18+$0x14260]  }
0x4f5: {  	[tilespmem:s18+$0x200] =	vst.add.f32.msk $0xffff, v1  }
.Ltmp36:
0x4f6: {  	[tilespmem:s18+$0x210] =	vst.add.f32.msk $0xffff, v2;
	(pc) =	sbr.rel @p1 .LBB2_75-.Ltmp36, $4  }
0x4f7: {  	[tilespmem:s18+$0x220] =	vst.add.f32.msk $0xffff, v3  }
0x4f8: {  	[tilespmem:s18+$0x230] =	vst.add.f32.msk $0xffff, v4  }
0x4f9: {  	[tilespmem:s18+$0x240] =	vst.add.f32.msk $0xffff, v5  }
0x4fa: {  	s22 =	sadd.s32 $0x1000, s22;
	[tilespmem:s18+$0x250] =	vst.add.f32.msk $0xffff, v6  }
0x4fb: {  	[tilespmem:s18+$0x260] =	vst.add.f32.msk $0xffff, v0;
	s18 =	simm.s32 $0x0  }
0x4fc: {  	v0 =	vld [tilespmem:s18+$0x142F0]  }
0x4fd: {  	v1 =	vld [tilespmem:s18+$0x14280]  }
0x4fe: {  	v2 =	vld [tilespmem:s18+$0x14290]  }
0x4ff: {  	v3 =	vld [tilespmem:s18+$0x142A0]  }
0x500: {  	v4 =	vld [tilespmem:s18+$0x142B0]  }
0x501: {  	v5 =	vld [tilespmem:s18+$0x142C0]  }
0x502: {  	v6 =	vld [tilespmem:s18+$0x142D0]  }
0x503: {  	[tilespmem:s18+$0x2F0] =	vst.add.f32.msk $0xffff, v0  }
0x504: {  	v0 =	vld [tilespmem:s18+$0x142E0]  }
0x505: {  	[tilespmem:s18+$0x280] =	vst.add.f32.msk $0xffff, v1  }
0x506: {  	[tilespmem:s18+$0x290] =	vst.add.f32.msk $0xffff, v2  }
0x507: {  	[tilespmem:s18+$0x2A0] =	vst.add.f32.msk $0xffff, v3  }
0x508: {  	[tilespmem:s18+$0x2B0] =	vst.add.f32.msk $0xffff, v4  }
0x509: {  	[tilespmem:s18+$0x2C0] =	vst.add.f32.msk $0xffff, v5  }
0x50a: {  	s2 =	simm.s32 $0x0;
	s22 =	simm.s32 $0x1000;
	[tilespmem:s18+$0x2D0] =	vst.add.f32.msk $0xffff, v6  }
.LBB2_77:
0x50b: {  	s2 =	sadd.s32 $0x80, s2;
	[tilespmem:s18+$0x2E0] =	vst.add.f32.msk $0xffff, v0;
	s18 =	sshra.s32 s22, $0x2  }
0x50c: {  	v0 =	vld [tilespmem:s18+$0x142F0];
	p1 =	slt.u32 s2, $0x780  }
0x50d: {  	v1 =	vld [tilespmem:s18+$0x14280]  }
0x50e: {  	v2 =	vld [tilespmem:s18+$0x14290]  }
0x50f: {  	v3 =	vld [tilespmem:s18+$0x142A0]  }
0x510: {  	v4 =	vld [tilespmem:s18+$0x142B0]  }
0x511: {  	[tilespmem:s18+$0x2F0] =	vst.add.f32.msk $0xffff, v0  }
0x512: {  	v5 =	vld [tilespmem:s18+$0x142C0]  }
0x513: {  	v6 =	vld [tilespmem:s18+$0x142D0]  }
0x514: {  	v0 =	vld [tilespmem:s18+$0x142E0]  }
0x515: {  	[tilespmem:s18+$0x280] =	vst.add.f32.msk $0xffff, v1  }
.Ltmp37:
0x516: {  	[tilespmem:s18+$0x290] =	vst.add.f32.msk $0xffff, v2;
	(pc) =	sbr.rel @p1 .LBB2_77-.Ltmp37, $4  }
0x517: {  	[tilespmem:s18+$0x2A0] =	vst.add.f32.msk $0xffff, v3  }
0x518: {  	[tilespmem:s18+$0x2B0] =	vst.add.f32.msk $0xffff, v4  }
0x519: {  	[tilespmem:s18+$0x2C0] =	vst.add.f32.msk $0xffff, v5  }
0x51a: {  	s22 =	sadd.s32 $0x1000, s22;
	[tilespmem:s18+$0x2D0] =	vst.add.f32.msk $0xffff, v6  }
0x51b: {  	[tilespmem:s18+$0x2E0] =	vst.add.f32.msk $0xffff, v0;
	s18 =	simm.s32 $0x0  }
0x51c: {  	v0 =	vld [tilespmem:s18+$0x14370]  }
0x51d: {  	v1 =	vld [tilespmem:s18+$0x14300]  }
0x51e: {  	v2 =	vld [tilespmem:s18+$0x14310]  }
0x51f: {  	v3 =	vld [tilespmem:s18+$0x14320]  }
0x520: {  	v4 =	vld [tilespmem:s18+$0x14330]  }
0x521: {  	v5 =	vld [tilespmem:s18+$0x14340]  }
0x522: {  	v6 =	vld [tilespmem:s18+$0x14350]  }
0x523: {  	[tilespmem:s18+$0x370] =	vst.add.f32.msk $0xffff, v0  }
0x524: {  	v0 =	vld [tilespmem:s18+$0x14360]  }
0x525: {  	[tilespmem:s18+$0x300] =	vst.add.f32.msk $0xffff, v1  }
0x526: {  	[tilespmem:s18+$0x310] =	vst.add.f32.msk $0xffff, v2  }
0x527: {  	[tilespmem:s18+$0x320] =	vst.add.f32.msk $0xffff, v3  }
0x528: {  	[tilespmem:s18+$0x330] =	vst.add.f32.msk $0xffff, v4  }
0x529: {  	[tilespmem:s18+$0x340] =	vst.add.f32.msk $0xffff, v5  }
0x52a: {  	s2 =	simm.s32 $0x0;
	s22 =	simm.s32 $0x1000;
	[tilespmem:s18+$0x350] =	vst.add.f32.msk $0xffff, v6  }
.LBB2_79:
0x52b: {  	s2 =	sadd.s32 $0x80, s2;
	[tilespmem:s18+$0x360] =	vst.add.f32.msk $0xffff, v0;
	s18 =	sshra.s32 s22, $0x2  }
0x52c: {  	v0 =	vld [tilespmem:s18+$0x14370];
	p1 =	slt.u32 s2, $0x780  }
0x52d: {  	v1 =	vld [tilespmem:s18+$0x14300]  }
0x52e: {  	v2 =	vld [tilespmem:s18+$0x14310]  }
0x52f: {  	v3 =	vld [tilespmem:s18+$0x14320]  }
0x530: {  	v4 =	vld [tilespmem:s18+$0x14330]  }
0x531: {  	[tilespmem:s18+$0x370] =	vst.add.f32.msk $0xffff, v0  }
0x532: {  	v5 =	vld [tilespmem:s18+$0x14340]  }
0x533: {  	v6 =	vld [tilespmem:s18+$0x14350]  }
0x534: {  	v0 =	vld [tilespmem:s18+$0x14360]  }
0x535: {  	[tilespmem:s18+$0x300] =	vst.add.f32.msk $0xffff, v1  }
.Ltmp38:
0x536: {  	[tilespmem:s18+$0x310] =	vst.add.f32.msk $0xffff, v2;
	(pc) =	sbr.rel @p1 .LBB2_79-.Ltmp38, $4  }
0x537: {  	[tilespmem:s18+$0x320] =	vst.add.f32.msk $0xffff, v3  }
0x538: {  	[tilespmem:s18+$0x330] =	vst.add.f32.msk $0xffff, v4  }
0x539: {  	[tilespmem:s18+$0x340] =	vst.add.f32.msk $0xffff, v5  }
0x53a: {  	s22 =	sadd.s32 $0x1000, s22;
	[tilespmem:s18+$0x350] =	vst.add.f32.msk $0xffff, v6  }
0x53b: {  	[tilespmem:s18+$0x360] =	vst.add.f32.msk $0xffff, v0;
	s18 =	simm.s32 $0x0  }
0x53c: {  	v0 =	vld [tilespmem:s18+$0x143F0]  }
0x53d: {  	v1 =	vld [tilespmem:s18+$0x14380]  }
0x53e: {  	v2 =	vld [tilespmem:s18+$0x14390]  }
0x53f: {  	v3 =	vld [tilespmem:s18+$0x143A0]  }
0x540: {  	v4 =	vld [tilespmem:s18+$0x143B0]  }
0x541: {  	v5 =	vld [tilespmem:s18+$0x143C0]  }
0x542: {  	v6 =	vld [tilespmem:s18+$0x143D0]  }
0x543: {  	[tilespmem:s18+$0x3F0] =	vst.add.f32.msk $0xffff, v0  }
0x544: {  	v0 =	vld [tilespmem:s18+$0x143E0]  }
0x545: {  	[tilespmem:s18+$0x380] =	vst.add.f32.msk $0xffff, v1  }
0x546: {  	[tilespmem:s18+$0x390] =	vst.add.f32.msk $0xffff, v2  }
0x547: {  	[tilespmem:s18+$0x3A0] =	vst.add.f32.msk $0xffff, v3  }
0x548: {  	[tilespmem:s18+$0x3B0] =	vst.add.f32.msk $0xffff, v4  }
0x549: {  	[tilespmem:s18+$0x3C0] =	vst.add.f32.msk $0xffff, v5  }
0x54a: {  	s2 =	simm.s32 $0x0;
	s22 =	simm.s32 $0x1000;
	[tilespmem:s18+$0x3D0] =	vst.add.f32.msk $0xffff, v6  }
.LBB2_81:
0x54b: {  	s2 =	sadd.s32 $0x80, s2;
	[tilespmem:s18+$0x3E0] =	vst.add.f32.msk $0xffff, v0;
	s18 =	sshra.s32 s22, $0x2  }
0x54c: {  	v0 =	vld [tilespmem:s18+$0x143F0];
	p1 =	slt.u32 s2, $0x780  }
0x54d: {  	v1 =	vld [tilespmem:s18+$0x14380]  }
0x54e: {  	v2 =	vld [tilespmem:s18+$0x14390]  }
0x54f: {  	v3 =	vld [tilespmem:s18+$0x143A0]  }
0x550: {  	v4 =	vld [tilespmem:s18+$0x143B0]  }
0x551: {  	[tilespmem:s18+$0x3F0] =	vst.add.f32.msk $0xffff, v0  }
0x552: {  	v5 =	vld [tilespmem:s18+$0x143C0]  }
0x553: {  	v6 =	vld [tilespmem:s18+$0x143D0]  }
0x554: {  	v0 =	vld [tilespmem:s18+$0x143E0]  }
0x555: {  	[tilespmem:s18+$0x380] =	vst.add.f32.msk $0xffff, v1  }
.Ltmp39:
0x556: {  	[tilespmem:s18+$0x390] =	vst.add.f32.msk $0xffff, v2;
	(pc) =	sbr.rel @p1 .LBB2_81-.Ltmp39, $4  }
0x557: {  	[tilespmem:s18+$0x3A0] =	vst.add.f32.msk $0xffff, v3  }
0x558: {  	[tilespmem:s18+$0x3B0] =	vst.add.f32.msk $0xffff, v4  }
0x559: {  	[tilespmem:s18+$0x3C0] =	vst.add.f32.msk $0xffff, v5  }
0x55a: {  	s22 =	sadd.s32 $0x1000, s22;
	[tilespmem:s18+$0x3D0] =	vst.add.f32.msk $0xffff, v6  }
0x55b: {  	s2 =	sadd.s32 s6, s12  }
0x55c: {  	s2 =	sshll.u32 s2, $0x8  }
0x55d: {  	[tilespmem:s18+$0x3E0] =	vst.add.f32.msk $0xffff, v0;
	s2 =	sadd.s32 s3, s2  }
0x55e: {  	[hbm4b:s2+s5] =	stream.linear.scatter [tilespmem:s5], [sflag:$0x5], $0x4000, $0x38;
	[tilespmem:$0x18000] =	vst v63  }
0x55f: {  	_ =	swait.ge [sflag:s25], $0x4000  }
0x560: {  	[sflag:s25] =	ssyncset.done $0x0  }
0x561: {  	s2 =	sadd.s32 @!p0 s1, s17;
	s17 =	simm.s32 @!p0 $0x0;
	[sflag:s25] =	ssyncadd.s32 $0xFFFFC000  }
0x562: {  	[tilespmem:s17], [sflag:$0x1] =	stream.linear.gather @!p0 [hbm4b:s2+s17], $0x4000, $0x38;
	[tilespmem:$0x18000] =	vst v63  }
0x563: {  	_ =	swait.ge [sflag:s26], $0x4000  }
0x564: {  	[sflag:s26] =	ssyncset.done $0x0  }
0x565: {  	s17 =	simm.s32 $0x0;
	[sflag:s26] =	ssyncadd.s32 $0xFFFFC000  }
0x566: {  	v0 =	vld [tilespmem:s17+$0x14070]  }
0x567: {  	v1 =	vld [tilespmem:s17+$0x14000]  }
0x568: {  	v2 =	vld [tilespmem:s17+$0x14010]  }
0x569: {  	v3 =	vld [tilespmem:s17+$0x14020]  }
0x56a: {  	v4 =	vld [tilespmem:s17+$0x14030]  }
0x56b: {  	v5 =	vld [tilespmem:s17+$0x14040]  }
0x56c: {  	v6 =	vld [tilespmem:s17+$0x14050]  }
0x56d: {  	[tilespmem:s17+$0x4070] =	vst.add.f32.msk $0xffff, v0  }
0x56e: {  	v0 =	vld [tilespmem:s17+$0x14060]  }
0x56f: {  	[tilespmem:s17+$0x4000] =	vst.add.f32.msk $0xffff, v1  }
0x570: {  	[tilespmem:s17+$0x4010] =	vst.add.f32.msk $0xffff, v2  }
0x571: {  	[tilespmem:s17+$0x4020] =	vst.add.f32.msk $0xffff, v3  }
0x572: {  	[tilespmem:s17+$0x4030] =	vst.add.f32.msk $0xffff, v4  }
0x573: {  	[tilespmem:s17+$0x4040] =	vst.add.f32.msk $0xffff, v5  }
0x574: {  	s18 =	simm.s32 $0x1000;
	s2 =	simm.s32 $0x0;
	[tilespmem:s17+$0x4050] =	vst.add.f32.msk $0xffff, v6  }
.LBB2_83:
0x575: {  	s2 =	sadd.s32 $0x80, s2;
	[tilespmem:s17+$0x4060] =	vst.add.f32.msk $0xffff, v0;
	s17 =	sshra.s32 s18, $0x2  }
0x576: {  	v0 =	vld [tilespmem:s17+$0x14070];
	p1 =	slt.u32 s2, $0x780  }
0x577: {  	v1 =	vld [tilespmem:s17+$0x14000]  }
0x578: {  	v2 =	vld [tilespmem:s17+$0x14010]  }
0x579: {  	v3 =	vld [tilespmem:s17+$0x14020]  }
0x57a: {  	v4 =	vld [tilespmem:s17+$0x14030]  }
0x57b: {  	[tilespmem:s17+$0x4070] =	vst.add.f32.msk $0xffff, v0  }
0x57c: {  	v5 =	vld [tilespmem:s17+$0x14040]  }
0x57d: {  	v6 =	vld [tilespmem:s17+$0x14050]  }
0x57e: {  	v0 =	vld [tilespmem:s17+$0x14060]  }
0x57f: {  	[tilespmem:s17+$0x4000] =	vst.add.f32.msk $0xffff, v1  }
.Ltmp40:
0x580: {  	[tilespmem:s17+$0x4010] =	vst.add.f32.msk $0xffff, v2;
	(pc) =	sbr.rel @p1 .LBB2_83-.Ltmp40, $4  }
0x581: {  	[tilespmem:s17+$0x4020] =	vst.add.f32.msk $0xffff, v3  }
0x582: {  	[tilespmem:s17+$0x4030] =	vst.add.f32.msk $0xffff, v4  }
0x583: {  	[tilespmem:s17+$0x4040] =	vst.add.f32.msk $0xffff, v5  }
0x584: {  	s18 =	sadd.s32 $0x1000, s18;
	[tilespmem:s17+$0x4050] =	vst.add.f32.msk $0xffff, v6  }
0x585: {  	[tilespmem:s17+$0x4060] =	vst.add.f32.msk $0xffff, v0;
	s17 =	simm.s32 $0x0  }
0x586: {  	v0 =	vld [tilespmem:s17+$0x140F0]  }
0x587: {  	v1 =	vld [tilespmem:s17+$0x14080]  }
0x588: {  	v2 =	vld [tilespmem:s17+$0x14090]  }
0x589: {  	v3 =	vld [tilespmem:s17+$0x140A0]  }
0x58a: {  	v4 =	vld [tilespmem:s17+$0x140B0]  }
0x58b: {  	v5 =	vld [tilespmem:s17+$0x140C0]  }
0x58c: {  	v6 =	vld [tilespmem:s17+$0x140D0]  }
0x58d: {  	[tilespmem:s17+$0x40F0] =	vst.add.f32.msk $0xffff, v0  }
0x58e: {  	v0 =	vld [tilespmem:s17+$0x140E0]  }
0x58f: {  	[tilespmem:s17+$0x4080] =	vst.add.f32.msk $0xffff, v1  }
0x590: {  	[tilespmem:s17+$0x4090] =	vst.add.f32.msk $0xffff, v2  }
0x591: {  	[tilespmem:s17+$0x40A0] =	vst.add.f32.msk $0xffff, v3  }
0x592: {  	[tilespmem:s17+$0x40B0] =	vst.add.f32.msk $0xffff, v4  }
0x593: {  	[tilespmem:s17+$0x40C0] =	vst.add.f32.msk $0xffff, v5  }
0x594: {  	s2 =	simm.s32 $0x0;
	s18 =	simm.s32 $0x1000;
	[tilespmem:s17+$0x40D0] =	vst.add.f32.msk $0xffff, v6  }
.LBB2_85:
0x595: {  	s2 =	sadd.s32 $0x80, s2;
	[tilespmem:s17+$0x40E0] =	vst.add.f32.msk $0xffff, v0;
	s17 =	sshra.s32 s18, $0x2  }
0x596: {  	v0 =	vld [tilespmem:s17+$0x140F0];
	p1 =	slt.u32 s2, $0x780  }
0x597: {  	v1 =	vld [tilespmem:s17+$0x14080]  }
0x598: {  	v2 =	vld [tilespmem:s17+$0x14090]  }
0x599: {  	v3 =	vld [tilespmem:s17+$0x140A0]  }
0x59a: {  	v4 =	vld [tilespmem:s17+$0x140B0]  }
0x59b: {  	[tilespmem:s17+$0x40F0] =	vst.add.f32.msk $0xffff, v0  }
0x59c: {  	v5 =	vld [tilespmem:s17+$0x140C0]  }
0x59d: {  	v6 =	vld [tilespmem:s17+$0x140D0]  }
0x59e: {  	v0 =	vld [tilespmem:s17+$0x140E0]  }
0x59f: {  	[tilespmem:s17+$0x4080] =	vst.add.f32.msk $0xffff, v1  }
.Ltmp41:
0x5a0: {  	[tilespmem:s17+$0x4090] =	vst.add.f32.msk $0xffff, v2;
	(pc) =	sbr.rel @p1 .LBB2_85-.Ltmp41, $4  }
0x5a1: {  	[tilespmem:s17+$0x40A0] =	vst.add.f32.msk $0xffff, v3  }
0x5a2: {  	[tilespmem:s17+$0x40B0] =	vst.add.f32.msk $0xffff, v4  }
0x5a3: {  	[tilespmem:s17+$0x40C0] =	vst.add.f32.msk $0xffff, v5  }
0x5a4: {  	s18 =	sadd.s32 $0x1000, s18;
	[tilespmem:s17+$0x40D0] =	vst.add.f32.msk $0xffff, v6  }
0x5a5: {  	[tilespmem:s17+$0x40E0] =	vst.add.f32.msk $0xffff, v0;
	s17 =	simm.s32 $0x0  }
0x5a6: {  	v0 =	vld [tilespmem:s17+$0x14170]  }
0x5a7: {  	v1 =	vld [tilespmem:s17+$0x14100]  }
0x5a8: {  	v2 =	vld [tilespmem:s17+$0x14110]  }
0x5a9: {  	v3 =	vld [tilespmem:s17+$0x14120]  }
0x5aa: {  	v4 =	vld [tilespmem:s17+$0x14130]  }
0x5ab: {  	v5 =	vld [tilespmem:s17+$0x14140]  }
0x5ac: {  	v6 =	vld [tilespmem:s17+$0x14150]  }
0x5ad: {  	[tilespmem:s17+$0x4170] =	vst.add.f32.msk $0xffff, v0  }
0x5ae: {  	v0 =	vld [tilespmem:s17+$0x14160]  }
0x5af: {  	[tilespmem:s17+$0x4100] =	vst.add.f32.msk $0xffff, v1  }
0x5b0: {  	[tilespmem:s17+$0x4110] =	vst.add.f32.msk $0xffff, v2  }
0x5b1: {  	[tilespmem:s17+$0x4120] =	vst.add.f32.msk $0xffff, v3  }
0x5b2: {  	[tilespmem:s17+$0x4130] =	vst.add.f32.msk $0xffff, v4  }
0x5b3: {  	[tilespmem:s17+$0x4140] =	vst.add.f32.msk $0xffff, v5  }
0x5b4: {  	s2 =	simm.s32 $0x0;
	s18 =	simm.s32 $0x1000;
	[tilespmem:s17+$0x4150] =	vst.add.f32.msk $0xffff, v6  }
.LBB2_87:
0x5b5: {  	s2 =	sadd.s32 $0x80, s2;
	[tilespmem:s17+$0x4160] =	vst.add.f32.msk $0xffff, v0;
	s17 =	sshra.s32 s18, $0x2  }
0x5b6: {  	v0 =	vld [tilespmem:s17+$0x14170];
	p1 =	slt.u32 s2, $0x780  }
0x5b7: {  	v1 =	vld [tilespmem:s17+$0x14100]  }
0x5b8: {  	v2 =	vld [tilespmem:s17+$0x14110]  }
0x5b9: {  	v3 =	vld [tilespmem:s17+$0x14120]  }
0x5ba: {  	v4 =	vld [tilespmem:s17+$0x14130]  }
0x5bb: {  	[tilespmem:s17+$0x4170] =	vst.add.f32.msk $0xffff, v0  }
0x5bc: {  	v5 =	vld [tilespmem:s17+$0x14140]  }
0x5bd: {  	v6 =	vld [tilespmem:s17+$0x14150]  }
0x5be: {  	v0 =	vld [tilespmem:s17+$0x14160]  }
0x5bf: {  	[tilespmem:s17+$0x4100] =	vst.add.f32.msk $0xffff, v1  }
.Ltmp42:
0x5c0: {  	[tilespmem:s17+$0x4110] =	vst.add.f32.msk $0xffff, v2;
	(pc) =	sbr.rel @p1 .LBB2_87-.Ltmp42, $4  }
0x5c1: {  	[tilespmem:s17+$0x4120] =	vst.add.f32.msk $0xffff, v3  }
0x5c2: {  	[tilespmem:s17+$0x4130] =	vst.add.f32.msk $0xffff, v4  }
0x5c3: {  	[tilespmem:s17+$0x4140] =	vst.add.f32.msk $0xffff, v5  }
0x5c4: {  	s18 =	sadd.s32 $0x1000, s18;
	[tilespmem:s17+$0x4150] =	vst.add.f32.msk $0xffff, v6  }
0x5c5: {  	[tilespmem:s17+$0x4160] =	vst.add.f32.msk $0xffff, v0;
	s17 =	simm.s32 $0x0  }
0x5c6: {  	v0 =	vld [tilespmem:s17+$0x141F0]  }
0x5c7: {  	v1 =	vld [tilespmem:s17+$0x14180]  }
0x5c8: {  	v2 =	vld [tilespmem:s17+$0x14190]  }
0x5c9: {  	v3 =	vld [tilespmem:s17+$0x141A0]  }
0x5ca: {  	v4 =	vld [tilespmem:s17+$0x141B0]  }
0x5cb: {  	v5 =	vld [tilespmem:s17+$0x141C0]  }
0x5cc: {  	v6 =	vld [tilespmem:s17+$0x141D0]  }
0x5cd: {  	[tilespmem:s17+$0x41F0] =	vst.add.f32.msk $0xffff, v0  }
0x5ce: {  	v0 =	vld [tilespmem:s17+$0x141E0]  }
0x5cf: {  	[tilespmem:s17+$0x4180] =	vst.add.f32.msk $0xffff, v1  }
0x5d0: {  	[tilespmem:s17+$0x4190] =	vst.add.f32.msk $0xffff, v2  }
0x5d1: {  	[tilespmem:s17+$0x41A0] =	vst.add.f32.msk $0xffff, v3  }
0x5d2: {  	[tilespmem:s17+$0x41B0] =	vst.add.f32.msk $0xffff, v4  }
0x5d3: {  	[tilespmem:s17+$0x41C0] =	vst.add.f32.msk $0xffff, v5  }
0x5d4: {  	s2 =	simm.s32 $0x0;
	s18 =	simm.s32 $0x1000;
	[tilespmem:s17+$0x41D0] =	vst.add.f32.msk $0xffff, v6  }
.LBB2_89:
0x5d5: {  	s2 =	sadd.s32 $0x80, s2;
	[tilespmem:s17+$0x41E0] =	vst.add.f32.msk $0xffff, v0;
	s17 =	sshra.s32 s18, $0x2  }
0x5d6: {  	v0 =	vld [tilespmem:s17+$0x141F0];
	p1 =	slt.u32 s2, $0x780  }
0x5d7: {  	v1 =	vld [tilespmem:s17+$0x14180]  }
0x5d8: {  	v2 =	vld [tilespmem:s17+$0x14190]  }
0x5d9: {  	v3 =	vld [tilespmem:s17+$0x141A0]  }
0x5da: {  	v4 =	vld [tilespmem:s17+$0x141B0]  }
0x5db: {  	[tilespmem:s17+$0x41F0] =	vst.add.f32.msk $0xffff, v0  }
0x5dc: {  	v5 =	vld [tilespmem:s17+$0x141C0]  }
0x5dd: {  	v6 =	vld [tilespmem:s17+$0x141D0]  }
0x5de: {  	v0 =	vld [tilespmem:s17+$0x141E0]  }
0x5df: {  	[tilespmem:s17+$0x4180] =	vst.add.f32.msk $0xffff, v1  }
.Ltmp43:
0x5e0: {  	[tilespmem:s17+$0x4190] =	vst.add.f32.msk $0xffff, v2;
	(pc) =	sbr.rel @p1 .LBB2_89-.Ltmp43, $4  }
0x5e1: {  	[tilespmem:s17+$0x41A0] =	vst.add.f32.msk $0xffff, v3  }
0x5e2: {  	[tilespmem:s17+$0x41B0] =	vst.add.f32.msk $0xffff, v4  }
0x5e3: {  	[tilespmem:s17+$0x41C0] =	vst.add.f32.msk $0xffff, v5  }
0x5e4: {  	s18 =	sadd.s32 $0x1000, s18;
	[tilespmem:s17+$0x41D0] =	vst.add.f32.msk $0xffff, v6  }
0x5e5: {  	[tilespmem:s17+$0x41E0] =	vst.add.f32.msk $0xffff, v0;
	s17 =	simm.s32 $0x0  }
0x5e6: {  	v0 =	vld [tilespmem:s17+$0x14270]  }
0x5e7: {  	v1 =	vld [tilespmem:s17+$0x14200]  }
0x5e8: {  	v2 =	vld [tilespmem:s17+$0x14210]  }
0x5e9: {  	v3 =	vld [tilespmem:s17+$0x14220]  }
0x5ea: {  	v4 =	vld [tilespmem:s17+$0x14230]  }
0x5eb: {  	v5 =	vld [tilespmem:s17+$0x14240]  }
0x5ec: {  	v6 =	vld [tilespmem:s17+$0x14250]  }
0x5ed: {  	[tilespmem:s17+$0x4270] =	vst.add.f32.msk $0xffff, v0  }
0x5ee: {  	v0 =	vld [tilespmem:s17+$0x14260]  }
0x5ef: {  	[tilespmem:s17+$0x4200] =	vst.add.f32.msk $0xffff, v1  }
0x5f0: {  	[tilespmem:s17+$0x4210] =	vst.add.f32.msk $0xffff, v2  }
0x5f1: {  	[tilespmem:s17+$0x4220] =	vst.add.f32.msk $0xffff, v3  }
0x5f2: {  	[tilespmem:s17+$0x4230] =	vst.add.f32.msk $0xffff, v4  }
0x5f3: {  	[tilespmem:s17+$0x4240] =	vst.add.f32.msk $0xffff, v5  }
0x5f4: {  	s2 =	simm.s32 $0x0;
	s18 =	simm.s32 $0x1000;
	[tilespmem:s17+$0x4250] =	vst.add.f32.msk $0xffff, v6  }
.LBB2_91:
0x5f5: {  	s2 =	sadd.s32 $0x80, s2;
	[tilespmem:s17+$0x4260] =	vst.add.f32.msk $0xffff, v0;
	s17 =	sshra.s32 s18, $0x2  }
0x5f6: {  	v0 =	vld [tilespmem:s17+$0x14270];
	p1 =	slt.u32 s2, $0x780  }
0x5f7: {  	v1 =	vld [tilespmem:s17+$0x14200]  }
0x5f8: {  	v2 =	vld [tilespmem:s17+$0x14210]  }
0x5f9: {  	v3 =	vld [tilespmem:s17+$0x14220]  }
0x5fa: {  	v4 =	vld [tilespmem:s17+$0x14230]  }
0x5fb: {  	[tilespmem:s17+$0x4270] =	vst.add.f32.msk $0xffff, v0  }
0x5fc: {  	v5 =	vld [tilespmem:s17+$0x14240]  }
0x5fd: {  	v6 =	vld [tilespmem:s17+$0x14250]  }
0x5fe: {  	v0 =	vld [tilespmem:s17+$0x14260]  }
0x5ff: {  	[tilespmem:s17+$0x4200] =	vst.add.f32.msk $0xffff, v1  }
.Ltmp44:
0x600: {  	[tilespmem:s17+$0x4210] =	vst.add.f32.msk $0xffff, v2;
	(pc) =	sbr.rel @p1 .LBB2_91-.Ltmp44, $4  }
0x601: {  	[tilespmem:s17+$0x4220] =	vst.add.f32.msk $0xffff, v3  }
0x602: {  	[tilespmem:s17+$0x4230] =	vst.add.f32.msk $0xffff, v4  }
0x603: {  	[tilespmem:s17+$0x4240] =	vst.add.f32.msk $0xffff, v5  }
0x604: {  	s18 =	sadd.s32 $0x1000, s18;
	[tilespmem:s17+$0x4250] =	vst.add.f32.msk $0xffff, v6  }
0x605: {  	[tilespmem:s17+$0x4260] =	vst.add.f32.msk $0xffff, v0;
	s17 =	simm.s32 $0x0  }
0x606: {  	v0 =	vld [tilespmem:s17+$0x142F0]  }
0x607: {  	v1 =	vld [tilespmem:s17+$0x14280]  }
0x608: {  	v2 =	vld [tilespmem:s17+$0x14290]  }
0x609: {  	v3 =	vld [tilespmem:s17+$0x142A0]  }
0x60a: {  	v4 =	vld [tilespmem:s17+$0x142B0]  }
0x60b: {  	v5 =	vld [tilespmem:s17+$0x142C0]  }
0x60c: {  	v6 =	vld [tilespmem:s17+$0x142D0]  }
0x60d: {  	[tilespmem:s17+$0x42F0] =	vst.add.f32.msk $0xffff, v0  }
0x60e: {  	v0 =	vld [tilespmem:s17+$0x142E0]  }
0x60f: {  	[tilespmem:s17+$0x4280] =	vst.add.f32.msk $0xffff, v1  }
0x610: {  	[tilespmem:s17+$0x4290] =	vst.add.f32.msk $0xffff, v2  }
0x611: {  	[tilespmem:s17+$0x42A0] =	vst.add.f32.msk $0xffff, v3  }
0x612: {  	[tilespmem:s17+$0x42B0] =	vst.add.f32.msk $0xffff, v4  }
0x613: {  	[tilespmem:s17+$0x42C0] =	vst.add.f32.msk $0xffff, v5  }
0x614: {  	s2 =	simm.s32 $0x0;
	s18 =	simm.s32 $0x1000;
	[tilespmem:s17+$0x42D0] =	vst.add.f32.msk $0xffff, v6  }
.LBB2_93:
0x615: {  	s2 =	sadd.s32 $0x80, s2;
	[tilespmem:s17+$0x42E0] =	vst.add.f32.msk $0xffff, v0;
	s17 =	sshra.s32 s18, $0x2  }
0x616: {  	v0 =	vld [tilespmem:s17+$0x142F0];
	p1 =	slt.u32 s2, $0x780  }
0x617: {  	v1 =	vld [tilespmem:s17+$0x14280]  }
0x618: {  	v2 =	vld [tilespmem:s17+$0x14290]  }
0x619: {  	v3 =	vld [tilespmem:s17+$0x142A0]  }
0x61a: {  	v4 =	vld [tilespmem:s17+$0x142B0]  }
0x61b: {  	[tilespmem:s17+$0x42F0] =	vst.add.f32.msk $0xffff, v0  }
0x61c: {  	v5 =	vld [tilespmem:s17+$0x142C0]  }
0x61d: {  	v6 =	vld [tilespmem:s17+$0x142D0]  }
0x61e: {  	v0 =	vld [tilespmem:s17+$0x142E0]  }
0x61f: {  	[tilespmem:s17+$0x4280] =	vst.add.f32.msk $0xffff, v1  }
.Ltmp45:
0x620: {  	[tilespmem:s17+$0x4290] =	vst.add.f32.msk $0xffff, v2;
	(pc) =	sbr.rel @p1 .LBB2_93-.Ltmp45, $4  }
0x621: {  	[tilespmem:s17+$0x42A0] =	vst.add.f32.msk $0xffff, v3  }
0x622: {  	[tilespmem:s17+$0x42B0] =	vst.add.f32.msk $0xffff, v4  }
0x623: {  	[tilespmem:s17+$0x42C0] =	vst.add.f32.msk $0xffff, v5  }
0x624: {  	s18 =	sadd.s32 $0x1000, s18;
	[tilespmem:s17+$0x42D0] =	vst.add.f32.msk $0xffff, v6  }
0x625: {  	[tilespmem:s17+$0x42E0] =	vst.add.f32.msk $0xffff, v0;
	s17 =	simm.s32 $0x0  }
0x626: {  	v0 =	vld [tilespmem:s17+$0x14370]  }
0x627: {  	v1 =	vld [tilespmem:s17+$0x14300]  }
0x628: {  	v2 =	vld [tilespmem:s17+$0x14310]  }
0x629: {  	v3 =	vld [tilespmem:s17+$0x14320]  }
0x62a: {  	v4 =	vld [tilespmem:s17+$0x14330]  }
0x62b: {  	v5 =	vld [tilespmem:s17+$0x14340]  }
0x62c: {  	v6 =	vld [tilespmem:s17+$0x14350]  }
0x62d: {  	[tilespmem:s17+$0x4370] =	vst.add.f32.msk $0xffff, v0  }
0x62e: {  	v0 =	vld [tilespmem:s17+$0x14360]  }
0x62f: {  	[tilespmem:s17+$0x4300] =	vst.add.f32.msk $0xffff, v1  }
0x630: {  	[tilespmem:s17+$0x4310] =	vst.add.f32.msk $0xffff, v2  }
0x631: {  	[tilespmem:s17+$0x4320] =	vst.add.f32.msk $0xffff, v3  }
0x632: {  	[tilespmem:s17+$0x4330] =	vst.add.f32.msk $0xffff, v4  }
0x633: {  	[tilespmem:s17+$0x4340] =	vst.add.f32.msk $0xffff, v5  }
0x634: {  	s2 =	simm.s32 $0x0;
	s18 =	simm.s32 $0x1000;
	[tilespmem:s17+$0x4350] =	vst.add.f32.msk $0xffff, v6  }
.LBB2_95:
0x635: {  	s2 =	sadd.s32 $0x80, s2;
	[tilespmem:s17+$0x4360] =	vst.add.f32.msk $0xffff, v0;
	s17 =	sshra.s32 s18, $0x2  }
0x636: {  	v0 =	vld [tilespmem:s17+$0x14370];
	p1 =	slt.u32 s2, $0x780  }
0x637: {  	v1 =	vld [tilespmem:s17+$0x14300]  }
0x638: {  	v2 =	vld [tilespmem:s17+$0x14310]  }
0x639: {  	v3 =	vld [tilespmem:s17+$0x14320]  }
0x63a: {  	v4 =	vld [tilespmem:s17+$0x14330]  }
0x63b: {  	[tilespmem:s17+$0x4370] =	vst.add.f32.msk $0xffff, v0  }
0x63c: {  	v5 =	vld [tilespmem:s17+$0x14340]  }
0x63d: {  	v6 =	vld [tilespmem:s17+$0x14350]  }
0x63e: {  	v0 =	vld [tilespmem:s17+$0x14360]  }
0x63f: {  	[tilespmem:s17+$0x4300] =	vst.add.f32.msk $0xffff, v1  }
.Ltmp46:
0x640: {  	[tilespmem:s17+$0x4310] =	vst.add.f32.msk $0xffff, v2;
	(pc) =	sbr.rel @p1 .LBB2_95-.Ltmp46, $4  }
0x641: {  	[tilespmem:s17+$0x4320] =	vst.add.f32.msk $0xffff, v3  }
0x642: {  	[tilespmem:s17+$0x4330] =	vst.add.f32.msk $0xffff, v4  }
0x643: {  	[tilespmem:s17+$0x4340] =	vst.add.f32.msk $0xffff, v5  }
0x644: {  	s18 =	sadd.s32 $0x1000, s18;
	[tilespmem:s17+$0x4350] =	vst.add.f32.msk $0xffff, v6  }
0x645: {  	[tilespmem:s17+$0x4360] =	vst.add.f32.msk $0xffff, v0;
	s17 =	simm.s32 $0x0  }
0x646: {  	v0 =	vld [tilespmem:s17+$0x143F0]  }
0x647: {  	v1 =	vld [tilespmem:s17+$0x14380]  }
0x648: {  	v2 =	vld [tilespmem:s17+$0x14390]  }
0x649: {  	v3 =	vld [tilespmem:s17+$0x143A0]  }
0x64a: {  	v4 =	vld [tilespmem:s17+$0x143B0]  }
0x64b: {  	v5 =	vld [tilespmem:s17+$0x143C0]  }
0x64c: {  	v6 =	vld [tilespmem:s17+$0x143D0]  }
0x64d: {  	[tilespmem:s17+$0x43F0] =	vst.add.f32.msk $0xffff, v0  }
0x64e: {  	v0 =	vld [tilespmem:s17+$0x143E0]  }
0x64f: {  	[tilespmem:s17+$0x4380] =	vst.add.f32.msk $0xffff, v1  }
0x650: {  	[tilespmem:s17+$0x4390] =	vst.add.f32.msk $0xffff, v2  }
0x651: {  	[tilespmem:s17+$0x43A0] =	vst.add.f32.msk $0xffff, v3  }
0x652: {  	[tilespmem:s17+$0x43B0] =	vst.add.f32.msk $0xffff, v4  }
0x653: {  	[tilespmem:s17+$0x43C0] =	vst.add.f32.msk $0xffff, v5  }
0x654: {  	s2 =	simm.s32 $0x0;
	s18 =	simm.s32 $0x1000;
	[tilespmem:s17+$0x43D0] =	vst.add.f32.msk $0xffff, v6  }
.LBB2_97:
0x655: {  	s2 =	sadd.s32 $0x80, s2;
	[tilespmem:s17+$0x43E0] =	vst.add.f32.msk $0xffff, v0;
	s17 =	sshra.s32 s18, $0x2  }
0x656: {  	v0 =	vld [tilespmem:s17+$0x143F0];
	p1 =	slt.u32 s2, $0x780  }
0x657: {  	v1 =	vld [tilespmem:s17+$0x14380]  }
0x658: {  	v2 =	vld [tilespmem:s17+$0x14390]  }
0x659: {  	v3 =	vld [tilespmem:s17+$0x143A0]  }
0x65a: {  	v4 =	vld [tilespmem:s17+$0x143B0]  }
0x65b: {  	[tilespmem:s17+$0x43F0] =	vst.add.f32.msk $0xffff, v0  }
0x65c: {  	v5 =	vld [tilespmem:s17+$0x143C0]  }
0x65d: {  	v6 =	vld [tilespmem:s17+$0x143D0]  }
0x65e: {  	v0 =	vld [tilespmem:s17+$0x143E0]  }
0x65f: {  	[tilespmem:s17+$0x4380] =	vst.add.f32.msk $0xffff, v1  }
.Ltmp47:
0x660: {  	[tilespmem:s17+$0x4390] =	vst.add.f32.msk $0xffff, v2;
	(pc) =	sbr.rel @p1 .LBB2_97-.Ltmp47, $4  }
0x661: {  	[tilespmem:s17+$0x43A0] =	vst.add.f32.msk $0xffff, v3  }
0x662: {  	[tilespmem:s17+$0x43B0] =	vst.add.f32.msk $0xffff, v4  }
0x663: {  	[tilespmem:s17+$0x43C0] =	vst.add.f32.msk $0xffff, v5  }
0x664: {  	s18 =	sadd.s32 $0x1000, s18;
	[tilespmem:s17+$0x43D0] =	vst.add.f32.msk $0xffff, v6  }
0x665: {  	s2 =	sadd.s32 s7, s12  }
0x666: {  	s2 =	sshll.u32 s2, $0x8  }
0x667: {  	[tilespmem:s17+$0x43E0] =	vst.add.f32.msk $0xffff, v0;
	s2 =	sadd.s32 s3, s2  }
0x668: {  	[hbm4b:s2+s5] =	stream.linear.scatter [tilespmem:s19], [sflag:$0x6], $0x4000, $0x38;
	[tilespmem:$0x18000] =	vst v63  }
0x669: {  	s2 =	sadd.s32 @!p0 s15, s10  }
0x66a: {  	_ =	swait.ge [sflag:s28], $0x4000;
	s2 =	sshll.u32 @!p0 s2, $0xB  }
0x66b: {  	s17 =	simm.s32 @!p0 $0x0;
	[sflag:s28] =	ssyncset.done $0x0;
	s2 =	sand.u32 @!p0 $0x1FFFF000, s2  }
0x66c: {  	s18 =	simm.s32 @!p0 $0x4000;
	[sflag:s28] =	ssyncadd.s32 $0xFFFFC000;
	s2 =	sadd.s32 @!p0 s1, s2  }
0x66d: {  	[tilespmem:s18], [sflag:$0x2] =	stream.linear.gather @!p0 [hbm4b:s2+s17], $0x4000, $0x38;
	[tilespmem:$0x18000] =	vst v63  }
0x66e: {  	_ =	swait.ge [sflag:s29], $0x4000  }
0x66f: {  	[sflag:s29] =	ssyncset.done $0x0  }
0x670: {  	s17 =	simm.s32 $0x0;
	[sflag:s29] =	ssyncadd.s32 $0xFFFFC000  }
0x671: {  	v0 =	vld [tilespmem:s17+$0x14070]  }
0x672: {  	v1 =	vld [tilespmem:s17+$0x14000]  }
0x673: {  	v2 =	vld [tilespmem:s17+$0x14010]  }
0x674: {  	v3 =	vld [tilespmem:s17+$0x14020]  }
0x675: {  	v4 =	vld [tilespmem:s17+$0x14030]  }
0x676: {  	v5 =	vld [tilespmem:s17+$0x14040]  }
0x677: {  	v6 =	vld [tilespmem:s17+$0x14050]  }
0x678: {  	[tilespmem:s17+$0x8070] =	vst.add.f32.msk $0xffff, v0  }
0x679: {  	v0 =	vld [tilespmem:s17+$0x14060]  }
0x67a: {  	[tilespmem:s17+$0x8000] =	vst.add.f32.msk $0xffff, v1  }
0x67b: {  	[tilespmem:s17+$0x8010] =	vst.add.f32.msk $0xffff, v2  }
0x67c: {  	[tilespmem:s17+$0x8020] =	vst.add.f32.msk $0xffff, v3  }
0x67d: {  	[tilespmem:s17+$0x8030] =	vst.add.f32.msk $0xffff, v4  }
0x67e: {  	[tilespmem:s17+$0x8040] =	vst.add.f32.msk $0xffff, v5  }
0x67f: {  	s2 =	simm.s32 $0x0;
	s18 =	simm.s32 $0x1000;
	[tilespmem:s17+$0x8050] =	vst.add.f32.msk $0xffff, v6  }
.LBB2_99:
0x680: {  	s2 =	sadd.s32 $0x80, s2;
	[tilespmem:s17+$0x8060] =	vst.add.f32.msk $0xffff, v0;
	s17 =	sshra.s32 s18, $0x2  }
0x681: {  	v0 =	vld [tilespmem:s17+$0x14070];
	p1 =	slt.u32 s2, $0x780  }
0x682: {  	v1 =	vld [tilespmem:s17+$0x14000]  }
0x683: {  	v2 =	vld [tilespmem:s17+$0x14010]  }
0x684: {  	v3 =	vld [tilespmem:s17+$0x14020]  }
0x685: {  	v4 =	vld [tilespmem:s17+$0x14030]  }
0x686: {  	[tilespmem:s17+$0x8070] =	vst.add.f32.msk $0xffff, v0  }
0x687: {  	v5 =	vld [tilespmem:s17+$0x14040]  }
0x688: {  	v6 =	vld [tilespmem:s17+$0x14050]  }
0x689: {  	v0 =	vld [tilespmem:s17+$0x14060]  }
0x68a: {  	[tilespmem:s17+$0x8000] =	vst.add.f32.msk $0xffff, v1  }
.Ltmp48:
0x68b: {  	[tilespmem:s17+$0x8010] =	vst.add.f32.msk $0xffff, v2;
	(pc) =	sbr.rel @p1 .LBB2_99-.Ltmp48, $4  }
0x68c: {  	[tilespmem:s17+$0x8020] =	vst.add.f32.msk $0xffff, v3  }
0x68d: {  	[tilespmem:s17+$0x8030] =	vst.add.f32.msk $0xffff, v4  }
0x68e: {  	[tilespmem:s17+$0x8040] =	vst.add.f32.msk $0xffff, v5  }
0x68f: {  	s18 =	sadd.s32 $0x1000, s18;
	[tilespmem:s17+$0x8050] =	vst.add.f32.msk $0xffff, v6  }
0x690: {  	[tilespmem:s17+$0x8060] =	vst.add.f32.msk $0xffff, v0;
	s17 =	simm.s32 $0x0  }
0x691: {  	v0 =	vld [tilespmem:s17+$0x140F0]  }
0x692: {  	v1 =	vld [tilespmem:s17+$0x14080]  }
0x693: {  	v2 =	vld [tilespmem:s17+$0x14090]  }
0x694: {  	v3 =	vld [tilespmem:s17+$0x140A0]  }
0x695: {  	v4 =	vld [tilespmem:s17+$0x140B0]  }
0x696: {  	v5 =	vld [tilespmem:s17+$0x140C0]  }
0x697: {  	v6 =	vld [tilespmem:s17+$0x140D0]  }
0x698: {  	[tilespmem:s17+$0x80F0] =	vst.add.f32.msk $0xffff, v0  }
0x699: {  	v0 =	vld [tilespmem:s17+$0x140E0]  }
0x69a: {  	[tilespmem:s17+$0x8080] =	vst.add.f32.msk $0xffff, v1  }
0x69b: {  	[tilespmem:s17+$0x8090] =	vst.add.f32.msk $0xffff, v2  }
0x69c: {  	[tilespmem:s17+$0x80A0] =	vst.add.f32.msk $0xffff, v3  }
0x69d: {  	[tilespmem:s17+$0x80B0] =	vst.add.f32.msk $0xffff, v4  }
0x69e: {  	[tilespmem:s17+$0x80C0] =	vst.add.f32.msk $0xffff, v5  }
0x69f: {  	s2 =	simm.s32 $0x0;
	s18 =	simm.s32 $0x1000;
	[tilespmem:s17+$0x80D0] =	vst.add.f32.msk $0xffff, v6  }
.LBB2_101:
0x6a0: {  	s2 =	sadd.s32 $0x80, s2;
	[tilespmem:s17+$0x80E0] =	vst.add.f32.msk $0xffff, v0;
	s17 =	sshra.s32 s18, $0x2  }
0x6a1: {  	v0 =	vld [tilespmem:s17+$0x140F0];
	p1 =	slt.u32 s2, $0x780  }
0x6a2: {  	v1 =	vld [tilespmem:s17+$0x14080]  }
0x6a3: {  	v2 =	vld [tilespmem:s17+$0x14090]  }
0x6a4: {  	v3 =	vld [tilespmem:s17+$0x140A0]  }
0x6a5: {  	v4 =	vld [tilespmem:s17+$0x140B0]  }
0x6a6: {  	[tilespmem:s17+$0x80F0] =	vst.add.f32.msk $0xffff, v0  }
0x6a7: {  	v5 =	vld [tilespmem:s17+$0x140C0]  }
0x6a8: {  	v6 =	vld [tilespmem:s17+$0x140D0]  }
0x6a9: {  	v0 =	vld [tilespmem:s17+$0x140E0]  }
0x6aa: {  	[tilespmem:s17+$0x8080] =	vst.add.f32.msk $0xffff, v1  }
.Ltmp49:
0x6ab: {  	[tilespmem:s17+$0x8090] =	vst.add.f32.msk $0xffff, v2;
	(pc) =	sbr.rel @p1 .LBB2_101-.Ltmp49, $4  }
0x6ac: {  	[tilespmem:s17+$0x80A0] =	vst.add.f32.msk $0xffff, v3  }
0x6ad: {  	[tilespmem:s17+$0x80B0] =	vst.add.f32.msk $0xffff, v4  }
0x6ae: {  	[tilespmem:s17+$0x80C0] =	vst.add.f32.msk $0xffff, v5  }
0x6af: {  	s18 =	sadd.s32 $0x1000, s18;
	[tilespmem:s17+$0x80D0] =	vst.add.f32.msk $0xffff, v6  }
0x6b0: {  	[tilespmem:s17+$0x80E0] =	vst.add.f32.msk $0xffff, v0;
	s17 =	simm.s32 $0x0  }
0x6b1: {  	v0 =	vld [tilespmem:s17+$0x14170]  }
0x6b2: {  	v1 =	vld [tilespmem:s17+$0x14100]  }
0x6b3: {  	v2 =	vld [tilespmem:s17+$0x14110]  }
0x6b4: {  	v3 =	vld [tilespmem:s17+$0x14120]  }
0x6b5: {  	v4 =	vld [tilespmem:s17+$0x14130]  }
0x6b6: {  	v5 =	vld [tilespmem:s17+$0x14140]  }
0x6b7: {  	v6 =	vld [tilespmem:s17+$0x14150]  }
0x6b8: {  	[tilespmem:s17+$0x8170] =	vst.add.f32.msk $0xffff, v0  }
0x6b9: {  	v0 =	vld [tilespmem:s17+$0x14160]  }
0x6ba: {  	[tilespmem:s17+$0x8100] =	vst.add.f32.msk $0xffff, v1  }
0x6bb: {  	[tilespmem:s17+$0x8110] =	vst.add.f32.msk $0xffff, v2  }
0x6bc: {  	[tilespmem:s17+$0x8120] =	vst.add.f32.msk $0xffff, v3  }
0x6bd: {  	[tilespmem:s17+$0x8130] =	vst.add.f32.msk $0xffff, v4  }
0x6be: {  	[tilespmem:s17+$0x8140] =	vst.add.f32.msk $0xffff, v5  }
0x6bf: {  	s2 =	simm.s32 $0x0;
	s18 =	simm.s32 $0x1000;
	[tilespmem:s17+$0x8150] =	vst.add.f32.msk $0xffff, v6  }
.LBB2_103:
0x6c0: {  	s2 =	sadd.s32 $0x80, s2;
	[tilespmem:s17+$0x8160] =	vst.add.f32.msk $0xffff, v0;
	s17 =	sshra.s32 s18, $0x2  }
0x6c1: {  	v0 =	vld [tilespmem:s17+$0x14170];
	p1 =	slt.u32 s2, $0x780  }
0x6c2: {  	v1 =	vld [tilespmem:s17+$0x14100]  }
0x6c3: {  	v2 =	vld [tilespmem:s17+$0x14110]  }
0x6c4: {  	v3 =	vld [tilespmem:s17+$0x14120]  }
0x6c5: {  	v4 =	vld [tilespmem:s17+$0x14130]  }
0x6c6: {  	[tilespmem:s17+$0x8170] =	vst.add.f32.msk $0xffff, v0  }
0x6c7: {  	v5 =	vld [tilespmem:s17+$0x14140]  }
0x6c8: {  	v6 =	vld [tilespmem:s17+$0x14150]  }
0x6c9: {  	v0 =	vld [tilespmem:s17+$0x14160]  }
0x6ca: {  	[tilespmem:s17+$0x8100] =	vst.add.f32.msk $0xffff, v1  }
.Ltmp50:
0x6cb: {  	[tilespmem:s17+$0x8110] =	vst.add.f32.msk $0xffff, v2;
	(pc) =	sbr.rel @p1 .LBB2_103-.Ltmp50, $4  }
0x6cc: {  	[tilespmem:s17+$0x8120] =	vst.add.f32.msk $0xffff, v3  }
0x6cd: {  	[tilespmem:s17+$0x8130] =	vst.add.f32.msk $0xffff, v4  }
0x6ce: {  	[tilespmem:s17+$0x8140] =	vst.add.f32.msk $0xffff, v5  }
0x6cf: {  	s18 =	sadd.s32 $0x1000, s18;
	[tilespmem:s17+$0x8150] =	vst.add.f32.msk $0xffff, v6  }
0x6d0: {  	[tilespmem:s17+$0x8160] =	vst.add.f32.msk $0xffff, v0;
	s17 =	simm.s32 $0x0  }
0x6d1: {  	v0 =	vld [tilespmem:s17+$0x141F0]  }
0x6d2: {  	v1 =	vld [tilespmem:s17+$0x14180]  }
0x6d3: {  	v2 =	vld [tilespmem:s17+$0x14190]  }
0x6d4: {  	v3 =	vld [tilespmem:s17+$0x141A0]  }
0x6d5: {  	v4 =	vld [tilespmem:s17+$0x141B0]  }
0x6d6: {  	v5 =	vld [tilespmem:s17+$0x141C0]  }
0x6d7: {  	v6 =	vld [tilespmem:s17+$0x141D0]  }
0x6d8: {  	[tilespmem:s17+$0x81F0] =	vst.add.f32.msk $0xffff, v0  }
0x6d9: {  	v0 =	vld [tilespmem:s17+$0x141E0]  }
0x6da: {  	[tilespmem:s17+$0x8180] =	vst.add.f32.msk $0xffff, v1  }
0x6db: {  	[tilespmem:s17+$0x8190] =	vst.add.f32.msk $0xffff, v2  }
0x6dc: {  	[tilespmem:s17+$0x81A0] =	vst.add.f32.msk $0xffff, v3  }
0x6dd: {  	[tilespmem:s17+$0x81B0] =	vst.add.f32.msk $0xffff, v4  }
0x6de: {  	[tilespmem:s17+$0x81C0] =	vst.add.f32.msk $0xffff, v5  }
0x6df: {  	s2 =	simm.s32 $0x0;
	s18 =	simm.s32 $0x1000;
	[tilespmem:s17+$0x81D0] =	vst.add.f32.msk $0xffff, v6  }
.LBB2_105:
0x6e0: {  	s2 =	sadd.s32 $0x80, s2;
	[tilespmem:s17+$0x81E0] =	vst.add.f32.msk $0xffff, v0;
	s17 =	sshra.s32 s18, $0x2  }
0x6e1: {  	v0 =	vld [tilespmem:s17+$0x141F0];
	p1 =	slt.u32 s2, $0x780  }
0x6e2: {  	v1 =	vld [tilespmem:s17+$0x14180]  }
0x6e3: {  	v2 =	vld [tilespmem:s17+$0x14190]  }
0x6e4: {  	v3 =	vld [tilespmem:s17+$0x141A0]  }
0x6e5: {  	v4 =	vld [tilespmem:s17+$0x141B0]  }
0x6e6: {  	[tilespmem:s17+$0x81F0] =	vst.add.f32.msk $0xffff, v0  }
0x6e7: {  	v5 =	vld [tilespmem:s17+$0x141C0]  }
0x6e8: {  	v6 =	vld [tilespmem:s17+$0x141D0]  }
0x6e9: {  	v0 =	vld [tilespmem:s17+$0x141E0]  }
0x6ea: {  	[tilespmem:s17+$0x8180] =	vst.add.f32.msk $0xffff, v1  }
.Ltmp51:
0x6eb: {  	[tilespmem:s17+$0x8190] =	vst.add.f32.msk $0xffff, v2;
	(pc) =	sbr.rel @p1 .LBB2_105-.Ltmp51, $4  }
0x6ec: {  	[tilespmem:s17+$0x81A0] =	vst.add.f32.msk $0xffff, v3  }
0x6ed: {  	[tilespmem:s17+$0x81B0] =	vst.add.f32.msk $0xffff, v4  }
0x6ee: {  	[tilespmem:s17+$0x81C0] =	vst.add.f32.msk $0xffff, v5  }
0x6ef: {  	s18 =	sadd.s32 $0x1000, s18;
	[tilespmem:s17+$0x81D0] =	vst.add.f32.msk $0xffff, v6  }
0x6f0: {  	[tilespmem:s17+$0x81E0] =	vst.add.f32.msk $0xffff, v0;
	s17 =	simm.s32 $0x0  }
0x6f1: {  	v0 =	vld [tilespmem:s17+$0x14270]  }
0x6f2: {  	v1 =	vld [tilespmem:s17+$0x14200]  }
0x6f3: {  	v2 =	vld [tilespmem:s17+$0x14210]  }
0x6f4: {  	v3 =	vld [tilespmem:s17+$0x14220]  }
0x6f5: {  	v4 =	vld [tilespmem:s17+$0x14230]  }
0x6f6: {  	v5 =	vld [tilespmem:s17+$0x14240]  }
0x6f7: {  	v6 =	vld [tilespmem:s17+$0x14250]  }
0x6f8: {  	[tilespmem:s17+$0x8270] =	vst.add.f32.msk $0xffff, v0  }
0x6f9: {  	v0 =	vld [tilespmem:s17+$0x14260]  }
0x6fa: {  	[tilespmem:s17+$0x8200] =	vst.add.f32.msk $0xffff, v1  }
0x6fb: {  	[tilespmem:s17+$0x8210] =	vst.add.f32.msk $0xffff, v2  }
0x6fc: {  	[tilespmem:s17+$0x8220] =	vst.add.f32.msk $0xffff, v3  }
0x6fd: {  	[tilespmem:s17+$0x8230] =	vst.add.f32.msk $0xffff, v4  }
0x6fe: {  	[tilespmem:s17+$0x8240] =	vst.add.f32.msk $0xffff, v5  }
0x6ff: {  	s2 =	simm.s32 $0x0;
	s18 =	simm.s32 $0x1000;
	[tilespmem:s17+$0x8250] =	vst.add.f32.msk $0xffff, v6  }
.LBB2_107:
0x700: {  	s2 =	sadd.s32 $0x80, s2;
	[tilespmem:s17+$0x8260] =	vst.add.f32.msk $0xffff, v0;
	s17 =	sshra.s32 s18, $0x2  }
0x701: {  	v0 =	vld [tilespmem:s17+$0x14270];
	p1 =	slt.u32 s2, $0x780  }
0x702: {  	v1 =	vld [tilespmem:s17+$0x14200]  }
0x703: {  	v2 =	vld [tilespmem:s17+$0x14210]  }
0x704: {  	v3 =	vld [tilespmem:s17+$0x14220]  }
0x705: {  	v4 =	vld [tilespmem:s17+$0x14230]  }
0x706: {  	[tilespmem:s17+$0x8270] =	vst.add.f32.msk $0xffff, v0  }
0x707: {  	v5 =	vld [tilespmem:s17+$0x14240]  }
0x708: {  	v6 =	vld [tilespmem:s17+$0x14250]  }
0x709: {  	v0 =	vld [tilespmem:s17+$0x14260]  }
0x70a: {  	[tilespmem:s17+$0x8200] =	vst.add.f32.msk $0xffff, v1  }
.Ltmp52:
0x70b: {  	[tilespmem:s17+$0x8210] =	vst.add.f32.msk $0xffff, v2;
	(pc) =	sbr.rel @p1 .LBB2_107-.Ltmp52, $4  }
0x70c: {  	[tilespmem:s17+$0x8220] =	vst.add.f32.msk $0xffff, v3  }
0x70d: {  	[tilespmem:s17+$0x8230] =	vst.add.f32.msk $0xffff, v4  }
0x70e: {  	[tilespmem:s17+$0x8240] =	vst.add.f32.msk $0xffff, v5  }
0x70f: {  	s18 =	sadd.s32 $0x1000, s18;
	[tilespmem:s17+$0x8250] =	vst.add.f32.msk $0xffff, v6  }
0x710: {  	[tilespmem:s17+$0x8260] =	vst.add.f32.msk $0xffff, v0;
	s17 =	simm.s32 $0x0  }
0x711: {  	v0 =	vld [tilespmem:s17+$0x142F0]  }
0x712: {  	v1 =	vld [tilespmem:s17+$0x14280]  }
0x713: {  	v2 =	vld [tilespmem:s17+$0x14290]  }
0x714: {  	v3 =	vld [tilespmem:s17+$0x142A0]  }
0x715: {  	v4 =	vld [tilespmem:s17+$0x142B0]  }
0x716: {  	v5 =	vld [tilespmem:s17+$0x142C0]  }
0x717: {  	v6 =	vld [tilespmem:s17+$0x142D0]  }
0x718: {  	[tilespmem:s17+$0x82F0] =	vst.add.f32.msk $0xffff, v0  }
0x719: {  	v0 =	vld [tilespmem:s17+$0x142E0]  }
0x71a: {  	[tilespmem:s17+$0x8280] =	vst.add.f32.msk $0xffff, v1  }
0x71b: {  	[tilespmem:s17+$0x8290] =	vst.add.f32.msk $0xffff, v2  }
0x71c: {  	[tilespmem:s17+$0x82A0] =	vst.add.f32.msk $0xffff, v3  }
0x71d: {  	[tilespmem:s17+$0x82B0] =	vst.add.f32.msk $0xffff, v4  }
0x71e: {  	[tilespmem:s17+$0x82C0] =	vst.add.f32.msk $0xffff, v5  }
0x71f: {  	s2 =	simm.s32 $0x0;
	s18 =	simm.s32 $0x1000;
	[tilespmem:s17+$0x82D0] =	vst.add.f32.msk $0xffff, v6  }
.LBB2_109:
0x720: {  	s2 =	sadd.s32 $0x80, s2;
	[tilespmem:s17+$0x82E0] =	vst.add.f32.msk $0xffff, v0;
	s17 =	sshra.s32 s18, $0x2  }
0x721: {  	v0 =	vld [tilespmem:s17+$0x142F0];
	p1 =	slt.u32 s2, $0x780  }
0x722: {  	v1 =	vld [tilespmem:s17+$0x14280]  }
0x723: {  	v2 =	vld [tilespmem:s17+$0x14290]  }
0x724: {  	v3 =	vld [tilespmem:s17+$0x142A0]  }
0x725: {  	v4 =	vld [tilespmem:s17+$0x142B0]  }
0x726: {  	[tilespmem:s17+$0x82F0] =	vst.add.f32.msk $0xffff, v0  }
0x727: {  	v5 =	vld [tilespmem:s17+$0x142C0]  }
0x728: {  	v6 =	vld [tilespmem:s17+$0x142D0]  }
0x729: {  	v0 =	vld [tilespmem:s17+$0x142E0]  }
0x72a: {  	[tilespmem:s17+$0x8280] =	vst.add.f32.msk $0xffff, v1  }
.Ltmp53:
0x72b: {  	[tilespmem:s17+$0x8290] =	vst.add.f32.msk $0xffff, v2;
	(pc) =	sbr.rel @p1 .LBB2_109-.Ltmp53, $4  }
0x72c: {  	[tilespmem:s17+$0x82A0] =	vst.add.f32.msk $0xffff, v3  }
0x72d: {  	[tilespmem:s17+$0x82B0] =	vst.add.f32.msk $0xffff, v4  }
0x72e: {  	[tilespmem:s17+$0x82C0] =	vst.add.f32.msk $0xffff, v5  }
0x72f: {  	s18 =	sadd.s32 $0x1000, s18;
	[tilespmem:s17+$0x82D0] =	vst.add.f32.msk $0xffff, v6  }
0x730: {  	[tilespmem:s17+$0x82E0] =	vst.add.f32.msk $0xffff, v0;
	s17 =	simm.s32 $0x0  }
0x731: {  	v0 =	vld [tilespmem:s17+$0x14370]  }
0x732: {  	v1 =	vld [tilespmem:s17+$0x14300]  }
0x733: {  	v2 =	vld [tilespmem:s17+$0x14310]  }
0x734: {  	v3 =	vld [tilespmem:s17+$0x14320]  }
0x735: {  	v4 =	vld [tilespmem:s17+$0x14330]  }
0x736: {  	v5 =	vld [tilespmem:s17+$0x14340]  }
0x737: {  	v6 =	vld [tilespmem:s17+$0x14350]  }
0x738: {  	[tilespmem:s17+$0x8370] =	vst.add.f32.msk $0xffff, v0  }
0x739: {  	v0 =	vld [tilespmem:s17+$0x14360]  }
0x73a: {  	[tilespmem:s17+$0x8300] =	vst.add.f32.msk $0xffff, v1  }
0x73b: {  	[tilespmem:s17+$0x8310] =	vst.add.f32.msk $0xffff, v2  }
0x73c: {  	[tilespmem:s17+$0x8320] =	vst.add.f32.msk $0xffff, v3  }
0x73d: {  	[tilespmem:s17+$0x8330] =	vst.add.f32.msk $0xffff, v4  }
0x73e: {  	[tilespmem:s17+$0x8340] =	vst.add.f32.msk $0xffff, v5  }
0x73f: {  	s2 =	simm.s32 $0x0;
	s18 =	simm.s32 $0x1000;
	[tilespmem:s17+$0x8350] =	vst.add.f32.msk $0xffff, v6  }
.LBB2_111:
0x740: {  	s2 =	sadd.s32 $0x80, s2;
	[tilespmem:s17+$0x8360] =	vst.add.f32.msk $0xffff, v0;
	s17 =	sshra.s32 s18, $0x2  }
0x741: {  	v0 =	vld [tilespmem:s17+$0x14370];
	p1 =	slt.u32 s2, $0x780  }
0x742: {  	v1 =	vld [tilespmem:s17+$0x14300]  }
0x743: {  	v2 =	vld [tilespmem:s17+$0x14310]  }
0x744: {  	v3 =	vld [tilespmem:s17+$0x14320]  }
0x745: {  	v4 =	vld [tilespmem:s17+$0x14330]  }
0x746: {  	[tilespmem:s17+$0x8370] =	vst.add.f32.msk $0xffff, v0  }
0x747: {  	v5 =	vld [tilespmem:s17+$0x14340]  }
0x748: {  	v6 =	vld [tilespmem:s17+$0x14350]  }
0x749: {  	v0 =	vld [tilespmem:s17+$0x14360]  }
0x74a: {  	[tilespmem:s17+$0x8300] =	vst.add.f32.msk $0xffff, v1  }
.Ltmp54:
0x74b: {  	[tilespmem:s17+$0x8310] =	vst.add.f32.msk $0xffff, v2;
	(pc) =	sbr.rel @p1 .LBB2_111-.Ltmp54, $4  }
0x74c: {  	[tilespmem:s17+$0x8320] =	vst.add.f32.msk $0xffff, v3  }
0x74d: {  	[tilespmem:s17+$0x8330] =	vst.add.f32.msk $0xffff, v4  }
0x74e: {  	[tilespmem:s17+$0x8340] =	vst.add.f32.msk $0xffff, v5  }
0x74f: {  	s18 =	sadd.s32 $0x1000, s18;
	[tilespmem:s17+$0x8350] =	vst.add.f32.msk $0xffff, v6  }
0x750: {  	[tilespmem:s17+$0x8360] =	vst.add.f32.msk $0xffff, v0;
	s17 =	simm.s32 $0x0  }
0x751: {  	v0 =	vld [tilespmem:s17+$0x143F0]  }
0x752: {  	v1 =	vld [tilespmem:s17+$0x14380]  }
0x753: {  	v2 =	vld [tilespmem:s17+$0x14390]  }
0x754: {  	v3 =	vld [tilespmem:s17+$0x143A0]  }
0x755: {  	v4 =	vld [tilespmem:s17+$0x143B0]  }
0x756: {  	v5 =	vld [tilespmem:s17+$0x143C0]  }
0x757: {  	v6 =	vld [tilespmem:s17+$0x143D0]  }
0x758: {  	[tilespmem:s17+$0x83F0] =	vst.add.f32.msk $0xffff, v0  }
0x759: {  	v0 =	vld [tilespmem:s17+$0x143E0]  }
0x75a: {  	[tilespmem:s17+$0x8380] =	vst.add.f32.msk $0xffff, v1  }
0x75b: {  	[tilespmem:s17+$0x8390] =	vst.add.f32.msk $0xffff, v2  }
0x75c: {  	[tilespmem:s17+$0x83A0] =	vst.add.f32.msk $0xffff, v3  }
0x75d: {  	[tilespmem:s17+$0x83B0] =	vst.add.f32.msk $0xffff, v4  }
0x75e: {  	[tilespmem:s17+$0x83C0] =	vst.add.f32.msk $0xffff, v5  }
0x75f: {  	s2 =	simm.s32 $0x0;
	s18 =	simm.s32 $0x1000;
	[tilespmem:s17+$0x83D0] =	vst.add.f32.msk $0xffff, v6  }
.LBB2_113:
0x760: {  	s2 =	sadd.s32 $0x80, s2;
	[tilespmem:s17+$0x83E0] =	vst.add.f32.msk $0xffff, v0;
	s17 =	sshra.s32 s18, $0x2  }
0x761: {  	v0 =	vld [tilespmem:s17+$0x143F0];
	p1 =	slt.u32 s2, $0x780  }
0x762: {  	v1 =	vld [tilespmem:s17+$0x14380]  }
0x763: {  	v2 =	vld [tilespmem:s17+$0x14390]  }
0x764: {  	v3 =	vld [tilespmem:s17+$0x143A0]  }
0x765: {  	v4 =	vld [tilespmem:s17+$0x143B0]  }
0x766: {  	[tilespmem:s17+$0x83F0] =	vst.add.f32.msk $0xffff, v0  }
0x767: {  	v5 =	vld [tilespmem:s17+$0x143C0]  }
0x768: {  	v6 =	vld [tilespmem:s17+$0x143D0]  }
0x769: {  	v0 =	vld [tilespmem:s17+$0x143E0]  }
0x76a: {  	[tilespmem:s17+$0x8380] =	vst.add.f32.msk $0xffff, v1  }
.Ltmp55:
0x76b: {  	[tilespmem:s17+$0x8390] =	vst.add.f32.msk $0xffff, v2;
	(pc) =	sbr.rel @p1 .LBB2_113-.Ltmp55, $4  }
0x76c: {  	[tilespmem:s17+$0x83A0] =	vst.add.f32.msk $0xffff, v3  }
0x76d: {  	[tilespmem:s17+$0x83B0] =	vst.add.f32.msk $0xffff, v4  }
0x76e: {  	[tilespmem:s17+$0x83C0] =	vst.add.f32.msk $0xffff, v5  }
0x76f: {  	s18 =	sadd.s32 $0x1000, s18;
	[tilespmem:s17+$0x83D0] =	vst.add.f32.msk $0xffff, v6  }
0x770: {  	s2 =	sadd.s32 s8, s12  }
0x771: {  	s2 =	sshll.u32 s2, $0x8  }
0x772: {  	[tilespmem:s17+$0x83E0] =	vst.add.f32.msk $0xffff, v0;
	s2 =	sadd.s32 s3, s2  }
0x773: {  	[hbm4b:s2+s5] =	stream.linear.scatter [tilespmem:s20], [sflag:$0x7], $0x4000, $0x38;
	[tilespmem:$0x18000] =	vst v63  }
0x774: {  	s2 =	sadd.s32 @!p0 s16, s10  }
0x775: {  	_ =	swait.ge [sflag:s30], $0x4000;
	s2 =	sshll.u32 @!p0 s2, $0xB  }
0x776: {  	s12 =	simm.s32 @!p0 $0x8000;
	[sflag:s30] =	ssyncset.done $0x0;
	s2 =	sand.u32 @!p0 $0x1FFFF000, s2  }
0x777: {  	s10 =	simm.s32 @!p0 $0x0;
	[sflag:s30] =	ssyncadd.s32 $0xFFFFC000;
	s2 =	sadd.s32 @!p0 s1, s2  }
0x778: {  	[tilespmem:s12], [sflag:$0x3] =	stream.linear.gather @!p0 [hbm4b:s2+s10], $0x4000, $0x38;
	[tilespmem:$0x18000] =	vst v63  }
0x779: {  	_ =	swait.ge [sflag:s31], $0x4000  }
0x77a: {  	[sflag:s31] =	ssyncset.done $0x0  }
0x77b: {  	s10 =	simm.s32 $0x0;
	[sflag:s31] =	ssyncadd.s32 $0xFFFFC000  }
0x77c: {  	v0 =	vld [tilespmem:s10+$0x14070]  }
0x77d: {  	v1 =	vld [tilespmem:s10+$0x14000]  }
0x77e: {  	v2 =	vld [tilespmem:s10+$0x14010]  }
0x77f: {  	v3 =	vld [tilespmem:s10+$0x14020]  }
0x780: {  	v4 =	vld [tilespmem:s10+$0x14030]  }
0x781: {  	v5 =	vld [tilespmem:s10+$0x14040]  }
0x782: {  	v6 =	vld [tilespmem:s10+$0x14050]  }
0x783: {  	[tilespmem:s10+$0xC070] =	vst.add.f32.msk $0xffff, v0  }
0x784: {  	v0 =	vld [tilespmem:s10+$0x14060]  }
0x785: {  	[tilespmem:s10+$0xC000] =	vst.add.f32.msk $0xffff, v1  }
0x786: {  	[tilespmem:s10+$0xC010] =	vst.add.f32.msk $0xffff, v2  }
0x787: {  	[tilespmem:s10+$0xC020] =	vst.add.f32.msk $0xffff, v3  }
0x788: {  	[tilespmem:s10+$0xC030] =	vst.add.f32.msk $0xffff, v4  }
0x789: {  	[tilespmem:s10+$0xC040] =	vst.add.f32.msk $0xffff, v5  }
0x78a: {  	s2 =	simm.s32 $0x0;
	s12 =	simm.s32 $0x1000;
	[tilespmem:s10+$0xC050] =	vst.add.f32.msk $0xffff, v6  }
.LBB2_115:
0x78b: {  	s2 =	sadd.s32 $0x80, s2;
	[tilespmem:s10+$0xC060] =	vst.add.f32.msk $0xffff, v0;
	s10 =	sshra.s32 s12, $0x2  }
0x78c: {  	v0 =	vld [tilespmem:s10+$0x14070];
	p0 =	slt.u32 s2, $0x780  }
0x78d: {  	v1 =	vld [tilespmem:s10+$0x14000]  }
0x78e: {  	v2 =	vld [tilespmem:s10+$0x14010]  }
0x78f: {  	v3 =	vld [tilespmem:s10+$0x14020]  }
0x790: {  	v4 =	vld [tilespmem:s10+$0x14030]  }
0x791: {  	[tilespmem:s10+$0xC070] =	vst.add.f32.msk $0xffff, v0  }
0x792: {  	v5 =	vld [tilespmem:s10+$0x14040]  }
0x793: {  	v6 =	vld [tilespmem:s10+$0x14050]  }
0x794: {  	v0 =	vld [tilespmem:s10+$0x14060]  }
0x795: {  	[tilespmem:s10+$0xC000] =	vst.add.f32.msk $0xffff, v1  }
.Ltmp56:
0x796: {  	[tilespmem:s10+$0xC010] =	vst.add.f32.msk $0xffff, v2;
	(pc) =	sbr.rel @p0 .LBB2_115-.Ltmp56, $4  }
0x797: {  	[tilespmem:s10+$0xC020] =	vst.add.f32.msk $0xffff, v3  }
0x798: {  	[tilespmem:s10+$0xC030] =	vst.add.f32.msk $0xffff, v4  }
0x799: {  	[tilespmem:s10+$0xC040] =	vst.add.f32.msk $0xffff, v5  }
0x79a: {  	s12 =	sadd.s32 $0x1000, s12;
	[tilespmem:s10+$0xC050] =	vst.add.f32.msk $0xffff, v6  }
0x79b: {  	[tilespmem:s10+$0xC060] =	vst.add.f32.msk $0xffff, v0;
	s10 =	simm.s32 $0x0  }
0x79c: {  	v0 =	vld [tilespmem:s10+$0x140F0]  }
0x79d: {  	v1 =	vld [tilespmem:s10+$0x14080]  }
0x79e: {  	v2 =	vld [tilespmem:s10+$0x14090]  }
0x79f: {  	v3 =	vld [tilespmem:s10+$0x140A0]  }
0x7a0: {  	v4 =	vld [tilespmem:s10+$0x140B0]  }
0x7a1: {  	v5 =	vld [tilespmem:s10+$0x140C0]  }
0x7a2: {  	v6 =	vld [tilespmem:s10+$0x140D0]  }
0x7a3: {  	[tilespmem:s10+$0xC0F0] =	vst.add.f32.msk $0xffff, v0  }
0x7a4: {  	v0 =	vld [tilespmem:s10+$0x140E0]  }
0x7a5: {  	[tilespmem:s10+$0xC080] =	vst.add.f32.msk $0xffff, v1  }
0x7a6: {  	[tilespmem:s10+$0xC090] =	vst.add.f32.msk $0xffff, v2  }
0x7a7: {  	[tilespmem:s10+$0xC0A0] =	vst.add.f32.msk $0xffff, v3  }
0x7a8: {  	[tilespmem:s10+$0xC0B0] =	vst.add.f32.msk $0xffff, v4  }
0x7a9: {  	[tilespmem:s10+$0xC0C0] =	vst.add.f32.msk $0xffff, v5  }
0x7aa: {  	s2 =	simm.s32 $0x0;
	s12 =	simm.s32 $0x1000;
	[tilespmem:s10+$0xC0D0] =	vst.add.f32.msk $0xffff, v6  }
.LBB2_117:
0x7ab: {  	s2 =	sadd.s32 $0x80, s2;
	[tilespmem:s10+$0xC0E0] =	vst.add.f32.msk $0xffff, v0;
	s10 =	sshra.s32 s12, $0x2  }
0x7ac: {  	v0 =	vld [tilespmem:s10+$0x140F0];
	p0 =	slt.u32 s2, $0x780  }
0x7ad: {  	v1 =	vld [tilespmem:s10+$0x14080]  }
0x7ae: {  	v2 =	vld [tilespmem:s10+$0x14090]  }
0x7af: {  	v3 =	vld [tilespmem:s10+$0x140A0]  }
0x7b0: {  	v4 =	vld [tilespmem:s10+$0x140B0]  }
0x7b1: {  	[tilespmem:s10+$0xC0F0] =	vst.add.f32.msk $0xffff, v0  }
0x7b2: {  	v5 =	vld [tilespmem:s10+$0x140C0]  }
0x7b3: {  	v6 =	vld [tilespmem:s10+$0x140D0]  }
0x7b4: {  	v0 =	vld [tilespmem:s10+$0x140E0]  }
0x7b5: {  	[tilespmem:s10+$0xC080] =	vst.add.f32.msk $0xffff, v1  }
.Ltmp57:
0x7b6: {  	[tilespmem:s10+$0xC090] =	vst.add.f32.msk $0xffff, v2;
	(pc) =	sbr.rel @p0 .LBB2_117-.Ltmp57, $4  }
0x7b7: {  	[tilespmem:s10+$0xC0A0] =	vst.add.f32.msk $0xffff, v3  }
0x7b8: {  	[tilespmem:s10+$0xC0B0] =	vst.add.f32.msk $0xffff, v4  }
0x7b9: {  	[tilespmem:s10+$0xC0C0] =	vst.add.f32.msk $0xffff, v5  }
0x7ba: {  	s12 =	sadd.s32 $0x1000, s12;
	[tilespmem:s10+$0xC0D0] =	vst.add.f32.msk $0xffff, v6  }
0x7bb: {  	[tilespmem:s10+$0xC0E0] =	vst.add.f32.msk $0xffff, v0;
	s10 =	simm.s32 $0x0  }
0x7bc: {  	v0 =	vld [tilespmem:s10+$0x14170]  }
0x7bd: {  	v1 =	vld [tilespmem:s10+$0x14100]  }
0x7be: {  	v2 =	vld [tilespmem:s10+$0x14110]  }
0x7bf: {  	v3 =	vld [tilespmem:s10+$0x14120]  }
0x7c0: {  	v4 =	vld [tilespmem:s10+$0x14130]  }
0x7c1: {  	v5 =	vld [tilespmem:s10+$0x14140]  }
0x7c2: {  	v6 =	vld [tilespmem:s10+$0x14150]  }
0x7c3: {  	[tilespmem:s10+$0xC170] =	vst.add.f32.msk $0xffff, v0  }
0x7c4: {  	v0 =	vld [tilespmem:s10+$0x14160]  }
0x7c5: {  	[tilespmem:s10+$0xC100] =	vst.add.f32.msk $0xffff, v1  }
0x7c6: {  	[tilespmem:s10+$0xC110] =	vst.add.f32.msk $0xffff, v2  }
0x7c7: {  	[tilespmem:s10+$0xC120] =	vst.add.f32.msk $0xffff, v3  }
0x7c8: {  	[tilespmem:s10+$0xC130] =	vst.add.f32.msk $0xffff, v4  }
0x7c9: {  	[tilespmem:s10+$0xC140] =	vst.add.f32.msk $0xffff, v5  }
0x7ca: {  	s2 =	simm.s32 $0x0;
	s12 =	simm.s32 $0x1000;
	[tilespmem:s10+$0xC150] =	vst.add.f32.msk $0xffff, v6  }
.LBB2_119:
0x7cb: {  	s2 =	sadd.s32 $0x80, s2;
	[tilespmem:s10+$0xC160] =	vst.add.f32.msk $0xffff, v0;
	s10 =	sshra.s32 s12, $0x2  }
0x7cc: {  	v0 =	vld [tilespmem:s10+$0x14170];
	p0 =	slt.u32 s2, $0x780  }
0x7cd: {  	v1 =	vld [tilespmem:s10+$0x14100]  }
0x7ce: {  	v2 =	vld [tilespmem:s10+$0x14110]  }
0x7cf: {  	v3 =	vld [tilespmem:s10+$0x14120]  }
0x7d0: {  	v4 =	vld [tilespmem:s10+$0x14130]  }
0x7d1: {  	[tilespmem:s10+$0xC170] =	vst.add.f32.msk $0xffff, v0  }
0x7d2: {  	v5 =	vld [tilespmem:s10+$0x14140]  }
0x7d3: {  	v6 =	vld [tilespmem:s10+$0x14150]  }
0x7d4: {  	v0 =	vld [tilespmem:s10+$0x14160]  }
0x7d5: {  	[tilespmem:s10+$0xC100] =	vst.add.f32.msk $0xffff, v1  }
.Ltmp58:
0x7d6: {  	[tilespmem:s10+$0xC110] =	vst.add.f32.msk $0xffff, v2;
	(pc) =	sbr.rel @p0 .LBB2_119-.Ltmp58, $4  }
0x7d7: {  	[tilespmem:s10+$0xC120] =	vst.add.f32.msk $0xffff, v3  }
0x7d8: {  	[tilespmem:s10+$0xC130] =	vst.add.f32.msk $0xffff, v4  }
0x7d9: {  	[tilespmem:s10+$0xC140] =	vst.add.f32.msk $0xffff, v5  }
0x7da: {  	s12 =	sadd.s32 $0x1000, s12;
	[tilespmem:s10+$0xC150] =	vst.add.f32.msk $0xffff, v6  }
0x7db: {  	[tilespmem:s10+$0xC160] =	vst.add.f32.msk $0xffff, v0;
	s10 =	simm.s32 $0x0  }
0x7dc: {  	v0 =	vld [tilespmem:s10+$0x141F0]  }
0x7dd: {  	v1 =	vld [tilespmem:s10+$0x14180]  }
0x7de: {  	v2 =	vld [tilespmem:s10+$0x14190]  }
0x7df: {  	v3 =	vld [tilespmem:s10+$0x141A0]  }
0x7e0: {  	v4 =	vld [tilespmem:s10+$0x141B0]  }
0x7e1: {  	v5 =	vld [tilespmem:s10+$0x141C0]  }
0x7e2: {  	v6 =	vld [tilespmem:s10+$0x141D0]  }
0x7e3: {  	[tilespmem:s10+$0xC1F0] =	vst.add.f32.msk $0xffff, v0  }
0x7e4: {  	v0 =	vld [tilespmem:s10+$0x141E0]  }
0x7e5: {  	[tilespmem:s10+$0xC180] =	vst.add.f32.msk $0xffff, v1  }
0x7e6: {  	[tilespmem:s10+$0xC190] =	vst.add.f32.msk $0xffff, v2  }
0x7e7: {  	[tilespmem:s10+$0xC1A0] =	vst.add.f32.msk $0xffff, v3  }
0x7e8: {  	[tilespmem:s10+$0xC1B0] =	vst.add.f32.msk $0xffff, v4  }
0x7e9: {  	[tilespmem:s10+$0xC1C0] =	vst.add.f32.msk $0xffff, v5  }
0x7ea: {  	s2 =	simm.s32 $0x0;
	s12 =	simm.s32 $0x1000;
	[tilespmem:s10+$0xC1D0] =	vst.add.f32.msk $0xffff, v6  }
.LBB2_121:
0x7eb: {  	s2 =	sadd.s32 $0x80, s2;
	[tilespmem:s10+$0xC1E0] =	vst.add.f32.msk $0xffff, v0;
	s10 =	sshra.s32 s12, $0x2  }
0x7ec: {  	v0 =	vld [tilespmem:s10+$0x141F0];
	p0 =	slt.u32 s2, $0x780  }
0x7ed: {  	v1 =	vld [tilespmem:s10+$0x14180]  }
0x7ee: {  	v2 =	vld [tilespmem:s10+$0x14190]  }
0x7ef: {  	v3 =	vld [tilespmem:s10+$0x141A0]  }
0x7f0: {  	v4 =	vld [tilespmem:s10+$0x141B0]  }
0x7f1: {  	[tilespmem:s10+$0xC1F0] =	vst.add.f32.msk $0xffff, v0  }
0x7f2: {  	v5 =	vld [tilespmem:s10+$0x141C0]  }
0x7f3: {  	v6 =	vld [tilespmem:s10+$0x141D0]  }
0x7f4: {  	v0 =	vld [tilespmem:s10+$0x141E0]  }
0x7f5: {  	[tilespmem:s10+$0xC180] =	vst.add.f32.msk $0xffff, v1  }
.Ltmp59:
0x7f6: {  	[tilespmem:s10+$0xC190] =	vst.add.f32.msk $0xffff, v2;
	(pc) =	sbr.rel @p0 .LBB2_121-.Ltmp59, $4  }
0x7f7: {  	[tilespmem:s10+$0xC1A0] =	vst.add.f32.msk $0xffff, v3  }
0x7f8: {  	[tilespmem:s10+$0xC1B0] =	vst.add.f32.msk $0xffff, v4  }
0x7f9: {  	[tilespmem:s10+$0xC1C0] =	vst.add.f32.msk $0xffff, v5  }
0x7fa: {  	s12 =	sadd.s32 $0x1000, s12;
	[tilespmem:s10+$0xC1D0] =	vst.add.f32.msk $0xffff, v6  }
0x7fb: {  	[tilespmem:s10+$0xC1E0] =	vst.add.f32.msk $0xffff, v0;
	s10 =	simm.s32 $0x0  }
0x7fc: {  	v0 =	vld [tilespmem:s10+$0x14270]  }
0x7fd: {  	v1 =	vld [tilespmem:s10+$0x14200]  }
0x7fe: {  	v2 =	vld [tilespmem:s10+$0x14210]  }
0x7ff: {  	v3 =	vld [tilespmem:s10+$0x14220]  }
0x800: {  	v4 =	vld [tilespmem:s10+$0x14230]  }
0x801: {  	v5 =	vld [tilespmem:s10+$0x14240]  }
0x802: {  	v6 =	vld [tilespmem:s10+$0x14250]  }
0x803: {  	[tilespmem:s10+$0xC270] =	vst.add.f32.msk $0xffff, v0  }
0x804: {  	v0 =	vld [tilespmem:s10+$0x14260]  }
0x805: {  	[tilespmem:s10+$0xC200] =	vst.add.f32.msk $0xffff, v1  }
0x806: {  	[tilespmem:s10+$0xC210] =	vst.add.f32.msk $0xffff, v2  }
0x807: {  	[tilespmem:s10+$0xC220] =	vst.add.f32.msk $0xffff, v3  }
0x808: {  	[tilespmem:s10+$0xC230] =	vst.add.f32.msk $0xffff, v4  }
0x809: {  	[tilespmem:s10+$0xC240] =	vst.add.f32.msk $0xffff, v5  }
0x80a: {  	s2 =	simm.s32 $0x0;
	s12 =	simm.s32 $0x1000;
	[tilespmem:s10+$0xC250] =	vst.add.f32.msk $0xffff, v6  }
.LBB2_123:
0x80b: {  	s2 =	sadd.s32 $0x80, s2;
	[tilespmem:s10+$0xC260] =	vst.add.f32.msk $0xffff, v0;
	s10 =	sshra.s32 s12, $0x2  }
0x80c: {  	v0 =	vld [tilespmem:s10+$0x14270];
	p0 =	slt.u32 s2, $0x780  }
0x80d: {  	v1 =	vld [tilespmem:s10+$0x14200]  }
0x80e: {  	v2 =	vld [tilespmem:s10+$0x14210]  }
0x80f: {  	v3 =	vld [tilespmem:s10+$0x14220]  }
0x810: {  	v4 =	vld [tilespmem:s10+$0x14230]  }
0x811: {  	[tilespmem:s10+$0xC270] =	vst.add.f32.msk $0xffff, v0  }
0x812: {  	v5 =	vld [tilespmem:s10+$0x14240]  }
0x813: {  	v6 =	vld [tilespmem:s10+$0x14250]  }
0x814: {  	v0 =	vld [tilespmem:s10+$0x14260]  }
0x815: {  	[tilespmem:s10+$0xC200] =	vst.add.f32.msk $0xffff, v1  }
.Ltmp60:
0x816: {  	[tilespmem:s10+$0xC210] =	vst.add.f32.msk $0xffff, v2;
	(pc) =	sbr.rel @p0 .LBB2_123-.Ltmp60, $4  }
0x817: {  	[tilespmem:s10+$0xC220] =	vst.add.f32.msk $0xffff, v3  }
0x818: {  	[tilespmem:s10+$0xC230] =	vst.add.f32.msk $0xffff, v4  }
0x819: {  	[tilespmem:s10+$0xC240] =	vst.add.f32.msk $0xffff, v5  }
0x81a: {  	s12 =	sadd.s32 $0x1000, s12;
	[tilespmem:s10+$0xC250] =	vst.add.f32.msk $0xffff, v6  }
0x81b: {  	[tilespmem:s10+$0xC260] =	vst.add.f32.msk $0xffff, v0;
	s10 =	simm.s32 $0x0  }
0x81c: {  	v0 =	vld [tilespmem:s10+$0x142F0]  }
0x81d: {  	v1 =	vld [tilespmem:s10+$0x14280]  }
0x81e: {  	v2 =	vld [tilespmem:s10+$0x14290]  }
0x81f: {  	v3 =	vld [tilespmem:s10+$0x142A0]  }
0x820: {  	v4 =	vld [tilespmem:s10+$0x142B0]  }
0x821: {  	v5 =	vld [tilespmem:s10+$0x142C0]  }
0x822: {  	v6 =	vld [tilespmem:s10+$0x142D0]  }
0x823: {  	[tilespmem:s10+$0xC2F0] =	vst.add.f32.msk $0xffff, v0  }
0x824: {  	v0 =	vld [tilespmem:s10+$0x142E0]  }
0x825: {  	[tilespmem:s10+$0xC280] =	vst.add.f32.msk $0xffff, v1  }
0x826: {  	[tilespmem:s10+$0xC290] =	vst.add.f32.msk $0xffff, v2  }
0x827: {  	[tilespmem:s10+$0xC2A0] =	vst.add.f32.msk $0xffff, v3  }
0x828: {  	[tilespmem:s10+$0xC2B0] =	vst.add.f32.msk $0xffff, v4  }
0x829: {  	[tilespmem:s10+$0xC2C0] =	vst.add.f32.msk $0xffff, v5  }
0x82a: {  	s2 =	simm.s32 $0x0;
	s12 =	simm.s32 $0x1000;
	[tilespmem:s10+$0xC2D0] =	vst.add.f32.msk $0xffff, v6  }
.LBB2_125:
0x82b: {  	s2 =	sadd.s32 $0x80, s2;
	[tilespmem:s10+$0xC2E0] =	vst.add.f32.msk $0xffff, v0;
	s10 =	sshra.s32 s12, $0x2  }
0x82c: {  	v0 =	vld [tilespmem:s10+$0x142F0];
	p0 =	slt.u32 s2, $0x780  }
0x82d: {  	v1 =	vld [tilespmem:s10+$0x14280]  }
0x82e: {  	v2 =	vld [tilespmem:s10+$0x14290]  }
0x82f: {  	v3 =	vld [tilespmem:s10+$0x142A0]  }
0x830: {  	v4 =	vld [tilespmem:s10+$0x142B0]  }
0x831: {  	[tilespmem:s10+$0xC2F0] =	vst.add.f32.msk $0xffff, v0  }
0x832: {  	v5 =	vld [tilespmem:s10+$0x142C0]  }
0x833: {  	v6 =	vld [tilespmem:s10+$0x142D0]  }
0x834: {  	v0 =	vld [tilespmem:s10+$0x142E0]  }
0x835: {  	[tilespmem:s10+$0xC280] =	vst.add.f32.msk $0xffff, v1  }
.Ltmp61:
0x836: {  	[tilespmem:s10+$0xC290] =	vst.add.f32.msk $0xffff, v2;
	(pc) =	sbr.rel @p0 .LBB2_125-.Ltmp61, $4  }
0x837: {  	[tilespmem:s10+$0xC2A0] =	vst.add.f32.msk $0xffff, v3  }
0x838: {  	[tilespmem:s10+$0xC2B0] =	vst.add.f32.msk $0xffff, v4  }
0x839: {  	[tilespmem:s10+$0xC2C0] =	vst.add.f32.msk $0xffff, v5  }
0x83a: {  	s12 =	sadd.s32 $0x1000, s12;
	[tilespmem:s10+$0xC2D0] =	vst.add.f32.msk $0xffff, v6  }
0x83b: {  	[tilespmem:s10+$0xC2E0] =	vst.add.f32.msk $0xffff, v0;
	s10 =	simm.s32 $0x0  }
0x83c: {  	v0 =	vld [tilespmem:s10+$0x14370]  }
0x83d: {  	v1 =	vld [tilespmem:s10+$0x14300]  }
0x83e: {  	v2 =	vld [tilespmem:s10+$0x14310]  }
0x83f: {  	v3 =	vld [tilespmem:s10+$0x14320]  }
0x840: {  	v4 =	vld [tilespmem:s10+$0x14330]  }
0x841: {  	v5 =	vld [tilespmem:s10+$0x14340]  }
0x842: {  	v6 =	vld [tilespmem:s10+$0x14350]  }
0x843: {  	[tilespmem:s10+$0xC370] =	vst.add.f32.msk $0xffff, v0  }
0x844: {  	v0 =	vld [tilespmem:s10+$0x14360]  }
0x845: {  	[tilespmem:s10+$0xC300] =	vst.add.f32.msk $0xffff, v1  }
0x846: {  	[tilespmem:s10+$0xC310] =	vst.add.f32.msk $0xffff, v2  }
0x847: {  	[tilespmem:s10+$0xC320] =	vst.add.f32.msk $0xffff, v3  }
0x848: {  	[tilespmem:s10+$0xC330] =	vst.add.f32.msk $0xffff, v4  }
0x849: {  	[tilespmem:s10+$0xC340] =	vst.add.f32.msk $0xffff, v5  }
0x84a: {  	s2 =	simm.s32 $0x0;
	s12 =	simm.s32 $0x1000;
	[tilespmem:s10+$0xC350] =	vst.add.f32.msk $0xffff, v6  }
.LBB2_127:
0x84b: {  	s2 =	sadd.s32 $0x80, s2;
	[tilespmem:s10+$0xC360] =	vst.add.f32.msk $0xffff, v0;
	s10 =	sshra.s32 s12, $0x2  }
0x84c: {  	v0 =	vld [tilespmem:s10+$0x14370];
	p0 =	slt.u32 s2, $0x780  }
0x84d: {  	v1 =	vld [tilespmem:s10+$0x14300]  }
0x84e: {  	v2 =	vld [tilespmem:s10+$0x14310]  }
0x84f: {  	v3 =	vld [tilespmem:s10+$0x14320]  }
0x850: {  	v4 =	vld [tilespmem:s10+$0x14330]  }
0x851: {  	[tilespmem:s10+$0xC370] =	vst.add.f32.msk $0xffff, v0  }
0x852: {  	v5 =	vld [tilespmem:s10+$0x14340]  }
0x853: {  	v6 =	vld [tilespmem:s10+$0x14350]  }
0x854: {  	v0 =	vld [tilespmem:s10+$0x14360]  }
0x855: {  	[tilespmem:s10+$0xC300] =	vst.add.f32.msk $0xffff, v1  }
.Ltmp62:
0x856: {  	[tilespmem:s10+$0xC310] =	vst.add.f32.msk $0xffff, v2;
	(pc) =	sbr.rel @p0 .LBB2_127-.Ltmp62, $4  }
0x857: {  	[tilespmem:s10+$0xC320] =	vst.add.f32.msk $0xffff, v3  }
0x858: {  	[tilespmem:s10+$0xC330] =	vst.add.f32.msk $0xffff, v4  }
0x859: {  	[tilespmem:s10+$0xC340] =	vst.add.f32.msk $0xffff, v5  }
0x85a: {  	s12 =	sadd.s32 $0x1000, s12;
	[tilespmem:s10+$0xC350] =	vst.add.f32.msk $0xffff, v6  }
0x85b: {  	[tilespmem:s10+$0xC360] =	vst.add.f32.msk $0xffff, v0;
	s10 =	simm.s32 $0x0  }
0x85c: {  	v0 =	vld [tilespmem:s10+$0x143F0]  }
0x85d: {  	v1 =	vld [tilespmem:s10+$0x14380]  }
0x85e: {  	v2 =	vld [tilespmem:s10+$0x14390]  }
0x85f: {  	v3 =	vld [tilespmem:s10+$0x143A0]  }
0x860: {  	v4 =	vld [tilespmem:s10+$0x143B0]  }
0x861: {  	v5 =	vld [tilespmem:s10+$0x143C0]  }
0x862: {  	v6 =	vld [tilespmem:s10+$0x143D0]  }
0x863: {  	[tilespmem:s10+$0xC3F0] =	vst.add.f32.msk $0xffff, v0  }
0x864: {  	v0 =	vld [tilespmem:s10+$0x143E0]  }
0x865: {  	[tilespmem:s10+$0xC380] =	vst.add.f32.msk $0xffff, v1  }
0x866: {  	[tilespmem:s10+$0xC390] =	vst.add.f32.msk $0xffff, v2  }
0x867: {  	[tilespmem:s10+$0xC3A0] =	vst.add.f32.msk $0xffff, v3  }
0x868: {  	[tilespmem:s10+$0xC3B0] =	vst.add.f32.msk $0xffff, v4  }
0x869: {  	[tilespmem:s10+$0xC3C0] =	vst.add.f32.msk $0xffff, v5  }
0x86a: {  	s2 =	simm.s32 $0x0;
	s12 =	simm.s32 $0x1000;
	[tilespmem:s10+$0xC3D0] =	vst.add.f32.msk $0xffff, v6  }
.LBB2_129:
0x86b: {  	s2 =	sadd.s32 $0x80, s2;
	[tilespmem:s10+$0xC3E0] =	vst.add.f32.msk $0xffff, v0;
	s10 =	sshra.s32 s12, $0x2  }
0x86c: {  	v0 =	vld [tilespmem:s10+$0x143F0];
	p0 =	slt.u32 s2, $0x780  }
0x86d: {  	v1 =	vld [tilespmem:s10+$0x14380]  }
0x86e: {  	v2 =	vld [tilespmem:s10+$0x14390]  }
0x86f: {  	v3 =	vld [tilespmem:s10+$0x143A0]  }
0x870: {  	v4 =	vld [tilespmem:s10+$0x143B0]  }
0x871: {  	[tilespmem:s10+$0xC3F0] =	vst.add.f32.msk $0xffff, v0  }
0x872: {  	v5 =	vld [tilespmem:s10+$0x143C0]  }
0x873: {  	v6 =	vld [tilespmem:s10+$0x143D0]  }
0x874: {  	v0 =	vld [tilespmem:s10+$0x143E0]  }
0x875: {  	[tilespmem:s10+$0xC380] =	vst.add.f32.msk $0xffff, v1  }
.Ltmp63:
0x876: {  	[tilespmem:s10+$0xC390] =	vst.add.f32.msk $0xffff, v2;
	(pc) =	sbr.rel @p0 .LBB2_129-.Ltmp63, $4  }
0x877: {  	[tilespmem:s10+$0xC3A0] =	vst.add.f32.msk $0xffff, v3  }
0x878: {  	[tilespmem:s10+$0xC3B0] =	vst.add.f32.msk $0xffff, v4  }
0x879: {  	[tilespmem:s10+$0xC3C0] =	vst.add.f32.msk $0xffff, v5  }
0x87a: {  	s12 =	sadd.s32 $0x1000, s12;
	[tilespmem:s10+$0xC3D0] =	vst.add.f32.msk $0xffff, v6  }
0x87b: {  	s9 =	sadd.s32 $0x1, s9  }
0x87c: {  	p0 =	sne.s32 s9, $0x10  }
.Ltmp64:
0x87d: {  	_ = 	snop;
	(pc) =	sbr.rel @p0 .LBB2_2-.Ltmp64, $3  }
0x87e: {  	_ =	sdelay $0x1  }
0x87f: {  	[tilespmem:s10+$0xC3E0] =	vst.add.f32.msk $0xffff, v0;
	s2 =	sadd.s32 s3, s11  }
0x880: {  	[hbm4b:s2+s5] =	stream.linear.scatter [tilespmem:s21], [sflag:$0x8], $0x4000, $0x38;
	[tilespmem:$0x18000] =	vst v63  }
0x881: {  	_ =	swait.ge [sflag:s0], $0x4000  }
0x882: {  	s4 =	rddreg [dreg:$0x9]  }
0x883: {  	s2 =	rddreg [dreg:$0x8];
	s4 =	sadd.s32 $0x1, s4  }
0x884: {  	p0 =	sne.s32 s4, s2  }
.Ltmp65:
0x885: {  	_ = 	snop;
	(pc) =	sbr.rel @p0 .LBB2_1-.Ltmp65, $3  }
0x886: {  	_ =	sdelay $0x1  }
0x887: {  	[sflag:s0] =	ssyncset.done $0x0  }
0x888: {  	[sflag:s0] =	ssyncadd.s32 $0xFFFFC000  }
0x889: {  	_ =	sfence.sel $0x180000  }
0x88a: {  	[bflag:$0x0] =	sbarrier.arrive $0xFFFF  }
0x88b: {  	_ =	strace $0x90000047  }
0x88c: {  	s0 =	stileid.u32;
	[bflag:$0x2] =	sbarrier.arrive $0xFFFF  }
0x88d: {  	p0 =	sne.s32 s0, $0x0;
	s0 =	rddreg [dreg:$0x3]  }
0x88e: {  	s0 =	sadd.s32 @!p0 $0x100000, s0  }
0x88f: {  	[sflag:s0] =	ssyncadd.tile.s32 @!p0 $0x1;
	_ =	shalt  }
.Lfunc_end2:
_tile_overlayer_lowered:
.L_overlay_start_2:
0x890: {  	(tag) =	ssettag $0x2  }
0x891: {  	s0 =	rddreg [dreg:$0x0];
	s2 =	stileid.u32  }
0x892: {  	s1 =	rddreg [dreg:$0x1];
	p0 =	sne.s32 s2, $0x0  }
0x893: {  	s3 =	rddreg [dreg:$0x2];
	[bflag:$0x3] =	sbarrier.arrive $0xFFFF;
	s2 =	simm.s32 @!p0 $0x1C0B  }
0x894: {  	[timem:s3], [sflag:s2] =	dma.local @!p0 [hbm:s0], s1  }
0x895: {  	s0 =	simm.s32 @!p0 $0xB  }
0x896: {  	_ =	swait.ge @!p0 [sflag:s0], s1  }
0x897: {  	s1 =	ssub.s32 @!p0 $0x0, s1;
	[sflag:s0] =	ssyncset.done @!p0 $0x0  }
0x898: {  	[sflag:s0] =	ssyncadd.s32 @!p0 s1  }
0x899: {  	[bflag:$0x3] =	sbarrier.arrive $0xFFFF  }
0x89a: {  	_ =	shalt  }

</sc_bundles>
